<compile_context>
chip_gen: v7x
topology: tpu7x:2x2x1
jax: 0.10.2.dev20260603
libtpu: 0.0.44.dev20260713+nightly
codegen_flags: <defaults>
</compile_context>

<pallas_src>
import jax
import jax.numpy as jnp
from jax import lax
from jax.experimental import pallas as pl
from jax.experimental.pallas import tpu as pltpu
from jax.experimental.pallas import tpu_sc as plsc

N = 4096
D = 256
H = 256
KNN = 16
BQ = 256
TW = 2 * H + 128
NBLK = N // BQ

_SC_CORES = 2
_SC_SUBCORES = 16
_NW = _SC_CORES * _SC_SUBCORES
_BPW = (N * KNN) // _NW
_CH = 64


_IMAX = 0x7FFFFFFF
_NG = 32
_NL = 128
_SDEPTH = 4


def _table_body(feat_b, cp16_b, Wq, Wk, Wv, table_b, q_b):
    f = feat_b[...]
    q_b[...] = jnp.dot(f, Wq[...], preferred_element_type=jnp.float32)
    table_b[:, 0:H] = jnp.dot(f, Wk[...], preferred_element_type=jnp.float32)
    table_b[:, H:2 * H] = jnp.dot(f, Wv[...], preferred_element_type=jnp.float32)
    table_b[:, 2 * H:2 * H + 16] = cp16_b[...]


def _topk_body(cp_b, cpT, idx_b):
    c = cp_b[...]
    ct = cpT[...]
    g = jnp.dot(c, ct, preferred_element_type=jnp.float32)
    sqb = jnp.sum(c * c, axis=1, keepdims=True)
    sqr = jnp.sum(ct * ct, axis=0, keepdims=True)
    d = sqb + sqr - 2.0 * g
    bits = lax.bitcast_convert_type(jnp.maximum(d, 0.0), jnp.int32)
    liota = lax.broadcasted_iota(jnp.int32, (BQ, _NL), 1)
    sv = [jnp.full((BQ, _NL), _IMAX, jnp.int32) for _ in range(_SDEPTH)]
    sg = [jnp.zeros((BQ, _NL), jnp.int32) for _ in range(_SDEPTH)]
    m5 = jnp.full((BQ, _NL), _IMAX, jnp.int32)
    for grp in range(_NG):
        xv = bits[:, grp * _NL:(grp + 1) * _NL]
        xg = liota + grp * _NL
        for lvl in range(_SDEPTH):
            cc = xv < sv[lvl]
            sg[lvl], xg_new = (jnp.where(cc, xg, sg[lvl]),
                               jnp.where(cc, sg[lvl], xg))
            sv[lvl], xv = (jnp.where(cc, xv, sv[lvl]),
                           jnp.where(cc, sv[lvl], xv))
            if lvl < _SDEPTH - 1:
                xg = xg_new
        m5 = jnp.minimum(m5, xv)
    s0, s1, s2, s3 = sv
    g0, g1, g2, g3 = sg
    cols = []
    mn = None
    for _ in range(KNN):
        mn = jnp.min(s0, axis=1, keepdims=True)
        gi = jnp.min(jnp.where(s0 == mn, g0, N), axis=1, keepdims=True)
        win = liota == (gi & (_NL - 1))
        cols.append(gi)
        s0 = jnp.where(win, s1, s0)
        g0 = jnp.where(win, g1, g0)
        s1 = jnp.where(win, s2, s1)
        g1 = jnp.where(win, g2, g1)
        s2 = jnp.where(win, s3, s2)
        g2 = jnp.where(win, g3, g2)
        s3 = jnp.where(win, _IMAX, s3)
    idx_b[...] = jnp.concatenate(cols, axis=1)
    bad = jnp.any((s0 == _IMAX) & (m5 <= mn))

    @pl.when(bad)
    def _fallback():
        dd = bits
        iota = lax.broadcasted_iota(jnp.int32, (BQ, N), 1)
        fcols = []
        for _ in range(KNN):
            fmn = jnp.min(dd, axis=1, keepdims=True)
            am = jnp.min(jnp.where(dd == fmn, iota, N), axis=1, keepdims=True)
            fcols.append(am)
            dd = jnp.where(iota == am, _IMAX, dd)
        idx_b[...] = jnp.concatenate(fcols, axis=1)


def _stage_c_body(G_b, q_b, cp_b, feat_b, Wp1p, bp1, Wp2, bp2,
                  Wg1, bg1, Wg2, bg2, out_b):
    Gv = G_b[...]
    kj = Gv[:, 0:H]
    vj = Gv[:, H:2 * H]
    cj = Gv[:, 2 * H:2 * H + 8]
    cq = cp_b[...]
    rel = (cq[:, None, :] - cj.reshape(BQ, KNN, 8)).reshape(BQ * KNN, 8)
    t = jnp.maximum(
        jnp.dot(rel, Wp1p[...], preferred_element_type=jnp.float32) + bp1[...],
        0.0)
    delta = jnp.dot(t, Wp2[...], preferred_element_type=jnp.float32) + bp2[...]
    qv = q_b[...]
    gg = (qv[:, None, :] - kj.reshape(BQ, KNN, H)
          + delta.reshape(BQ, KNN, H)).reshape(BQ * KNN, H)
    h = jnp.maximum(
        jnp.dot(gg, Wg1[...], preferred_element_type=jnp.float32) + bg1[...],
        0.0)
    logits = (jnp.dot(h, Wg2[...], preferred_element_type=jnp.float32)
              + bg2[...]).reshape(BQ, KNN, H)
    m = jnp.max(logits, axis=1, keepdims=True)
    e = jnp.exp(logits - m)
    s = jnp.sum(e, axis=1, keepdims=True)
    attn = e / s
    wv = vj.reshape(BQ, KNN, H) + delta.reshape(BQ, KNN, H)
    out_b[...] = feat_b[...] + jnp.sum(attn * wv, axis=1)


_NSPLIT = 2
_HB = NBLK // _NSPLIT
_HROWS = (N // _NSPLIT) * KNN
_BPW = _HROWS // _NW


def _sc_gather_body(table_hbm, idx_hbm, out_hbm, idx_v, buf, sem):
    wid = lax.axis_index("s") * _SC_CORES + lax.axis_index("c")
    base = wid * _BPW
    pltpu.sync_copy(idx_hbm.at[pl.ds(base, _BPW)], idx_v)

    def chunk(c, carry):
        off = c * _CH
        pltpu.async_copy(table_hbm.at[idx_v.at[pl.ds(off, _CH)]],
                         buf, sem).wait()
        pltpu.sync_copy(buf, out_hbm.at[pl.ds(base + off, _CH)])
        return carry

    lax.fori_loop(0, _BPW // _CH, chunk, 0)


def _sc_gather(table, idx_flat):
    mesh = plsc.VectorSubcoreMesh(core_axis_name="c", subcore_axis_name="s")
    f = pl.kernel(
        _sc_gather_body,
        mesh=mesh,
        out_type=jax.ShapeDtypeStruct((_HROWS, TW), jnp.float32),
        scratch_types=[
            pltpu.VMEM((_BPW,), jnp.int32),
            pltpu.VMEM((_CH, TW), jnp.float32),
            pltpu.SemaphoreType.DMA,
        ],
    )
    return f(table, idx_flat)


def _topk_half(cp8, cpT, half):
    return pl.pallas_call(
        _topk_body,
        grid=(_HB,),
        in_specs=[
            pl.BlockSpec((BQ, 8), lambda i: (i + half * _HB, 0)),
            pl.BlockSpec((8, N), lambda i: (0, 0)),
        ],
        out_specs=pl.BlockSpec((BQ, KNN), lambda i: (i, 0)),
        out_shape=jax.ShapeDtypeStruct((N // _NSPLIT, KNN), jnp.int32),
    )(cp8, cpT)


def _attn_half(gathered, q, cp8, feat, Wp1p, bp1, bp2, Wp2, Wg1, bg1,
               Wg2, bg2, half):
    return pl.pallas_call(
        _stage_c_body,
        grid=(_HB,),
        in_specs=[
            pl.BlockSpec((BQ * KNN, TW), lambda i: (i, 0)),
            pl.BlockSpec((BQ, H), lambda i: (i + half * _HB, 0)),
            pl.BlockSpec((BQ, 8), lambda i: (i + half * _HB, 0)),
            pl.BlockSpec((BQ, D), lambda i: (i + half * _HB, 0)),
            pl.BlockSpec((8, H), lambda i: (0, 0)),
            pl.BlockSpec((1, H), lambda i: (0, 0)),
            pl.BlockSpec((H, H), lambda i: (0, 0)),
            pl.BlockSpec((1, H), lambda i: (0, 0)),
            pl.BlockSpec((H, H), lambda i: (0, 0)),
            pl.BlockSpec((1, H), lambda i: (0, 0)),
            pl.BlockSpec((H, H), lambda i: (0, 0)),
            pl.BlockSpec((1, H), lambda i: (0, 0)),
        ],
        out_specs=pl.BlockSpec((BQ, H), lambda i: (i, 0)),
        out_shape=jax.ShapeDtypeStruct((N // _NSPLIT, H), jnp.float32),
    )(gathered, q, cp8, feat,
      Wp1p, bp1, Wp2, bp2, Wg1, bg1, Wg2, bg2)


def kernel(coord, feat, Wq, Wk, Wv, Wp1, bp1, Wp2, bp2, Wg1, bg1, Wg2, bg2):
    cp8 = jnp.zeros((N, 8), jnp.float32).at[:, :3].set(coord)
    cp16 = jnp.zeros((N, 16), jnp.float32).at[:, :3].set(coord)
    cpT = cp8.T
    Wp1p = jnp.zeros((8, H), jnp.float32).at[:3, :].set(Wp1)
    bp1r, bp2r = bp1.reshape(1, H), bp2.reshape(1, H)
    bg1r, bg2r = bg1.reshape(1, H), bg2.reshape(1, H)

    table, q = pl.pallas_call(
        _table_body,
        grid=(NBLK,),
        in_specs=[
            pl.BlockSpec((BQ, D), lambda i: (i, 0)),
            pl.BlockSpec((BQ, 16), lambda i: (i, 0)),
            pl.BlockSpec((D, H), lambda i: (0, 0)),
            pl.BlockSpec((D, H), lambda i: (0, 0)),
            pl.BlockSpec((D, H), lambda i: (0, 0)),
        ],
        out_specs=[
            pl.BlockSpec((BQ, TW), lambda i: (i, 0)),
            pl.BlockSpec((BQ, H), lambda i: (i, 0)),
        ],
        out_shape=[
            jax.ShapeDtypeStruct((N, TW), jnp.float32),
            jax.ShapeDtypeStruct((N, H), jnp.float32),
        ],
    )(feat, cp16, Wq, Wk, Wv)

    gath = []
    for h in range(_NSPLIT):
        idx = _topk_half(cp8, cpT, h)
        gath.append(_sc_gather(table, idx.reshape(_HROWS)))
    outs = [_attn_half(g, q, cp8, feat, Wp1p, bp1r, bp2r, Wp2,
                       Wg1, bg1r, Wg2, bg2r, h)
            for h, g in enumerate(gath)]
    return jnp.concatenate(outs, axis=0)

# --- scband reference (transcript-rebuilt; emitter-appended) ---
"""Pipeline reference for scband-ptblock-49486613184911 (READ-ONLY COPY).

The authoritative reference and input builder live on the scoring server;
editing this copy changes nothing except your own understanding.
"""

import jax, jax.numpy as jnp
import numpy as np

N, D, H, KNN = 4096, 256, 256, 16

def setup_inputs(seed: int = 0) -> dict:
    key = jax.random.key(seed)
    ks = jax.random.split(key, 14)
    s = 0.05
    coord = jax.random.uniform(ks[0], (N, 3), dtype=jnp.float32) * 50.0
    feat = jax.random.normal(ks[1], (N, D), dtype=jnp.float32)
    Wq = jax.random.normal(ks[2], (D, H), dtype=jnp.float32) * s
    Wk = jax.random.normal(ks[3], (D, H), dtype=jnp.float32) * s
    Wv = jax.random.normal(ks[4], (D, H), dtype=jnp.float32) * s
    Wp1 = jax.random.normal(ks[5], (3, H), dtype=jnp.float32) * s
    bp1 = jnp.zeros((H,), dtype=jnp.float32)
    Wp2 = jax.random.normal(ks[6], (H, H), dtype=jnp.float32) * s
    bp2 = jnp.zeros((H,), dtype=jnp.float32)
    Wg1 = jax.random.normal(ks[7], (H, H), dtype=jnp.float32) * s
    bg1 = jnp.zeros((H,), dtype=jnp.float32)
    Wg2 = jax.random.normal(ks[8], (H, H), dtype=jnp.float32) * s
    bg2 = jnp.zeros((H,), dtype=jnp.float32)
    return {"coord": coord, "feat": feat, "Wq": Wq, "Wk": Wk, "Wv": Wv,
            "Wp1": Wp1, "bp1": bp1, "Wp2": Wp2, "bp2": bp2,
            "Wg1": Wg1, "bg1": bg1, "Wg2": Wg2, "bg2": bg2}

def reference(coord, feat, Wq, Wk, Wv, Wp1, bp1, Wp2, bp2, Wg1, bg1, Wg2, bg2):
    # cube_query / QueryAndGroup equivalent: k-NN over coordinates (knn retrieval)
    sq = jnp.sum(coord * coord, axis=1)
    d2 = sq[:, None] + sq[None, :] - 2.0 * (coord @ coord.T)
    _, idx = jax.lax.top_k(-d2, KNN)            # [N, k] neighbor indices
    # linear projections (Point Transformer q/k/v)
    q = feat @ Wq
    kf = feat @ Wk
    v = feat @ Wv
    # gather neighbor features / coords (get_neighbor_feature equivalent)
    kj = jnp.take(kf, idx, axis=0)              # [N, k, H]
    vj = jnp.take(v, idx, axis=0)               # [N, k, H]
    cj = jnp.take(coord, idx, axis=0)           # [N, k, 3]
    # relative positional encoding MLP (delta)
    rel = coord[:, None, :] - cj                # [N, k, 3]
    delta = jax.nn.relu(rel @ Wp1 + bp1) @ Wp2 + bp2   # [N, k, H]
    # vector attention: gamma(q_i - k_j + delta)
    g = q[:, None, :] - kj + delta
    logits = jax.nn.relu(g @ Wg1 + bg1) @ Wg2 + bg2    # [N, k, H]
    attn = jax.nn.softmax(logits, axis=1)
    out = jnp.sum(attn * (vj + delta), axis=1)  # [N, H]
    return feat + out

if __name__ == "__main__":
    import jax
    _d = setup_inputs()
    print(jax.jit(kernel)(*tuple(_d.values())))

</pallas_src>

<mosaic_0001>
#map = affine_map<(d0, d1) -> (0, 0)>
#map1 = affine_map<(d0, d1) -> (0)>
module attributes {stable_mosaic.version = 14 : i64} {
  func.func @_sc_gather_body(%arg0: i32, %arg1: i32, %arg2: memref<4096x640xf32, #tpu.memory_space<hbm>>, %arg3: memref<32768xi32, #tpu.memory_space<hbm>>, %arg4: memref<32768x640xf32, #tpu.memory_space<hbm>>, %arg5: memref<1024xi32, #tpu.memory_space<vmem>>, %arg6: memref<64x640xf32, #tpu.memory_space<vmem>>, %arg7: memref<!tpu.dma_semaphore, #tpu.memory_space<semaphore_mem>>) attributes {dimension_semantics = [#tpu.dimension_semantics<core_parallel>, #tpu.dimension_semantics<subcore_parallel>], iteration_bounds = array<i64: 2, 16>, scalar_prefetch = 0 : i64, scratch_operands = 3 : i64, tpu.core_type = #tpu.core_type<sc_vector_subcore>, window_params = [{transform_indices = #map}, {transform_indices = #map1}, {transform_indices = #map}]} {
    %mul3A = arith.constant 2 : i32
    %mul3A_0 = arith.muli %arg1, %mul3A : i32
    %add3A = arith.addi %mul3A_0, %arg0 : i32
    %mul3A_1 = arith.constant 1024 : i32
    %mul3A_2 = arith.muli %add3A, %mul3A_1 : i32
    "tpu.region"() ({
      %run_scoped3A = tpu.sem_alloc : memref<!tpu.dma_semaphore, #tpu.memory_space<semaphore_mem>>
      %dma_start3A = tpu.memref_slice %arg3[%mul3A_2] : memref<32768xi32, #tpu.memory_space<hbm>> -> memref<1024xi32, #tpu.memory_space<hbm>>
      %dma_start3A_8 = tpu.memref_slice %arg3[%mul3A_2] : memref<32768xi32, #tpu.memory_space<hbm>> -> memref<1024xi32, #tpu.memory_space<hbm>>
      tpu.enqueue_dma source(%dma_start3A_8 : memref<1024xi32, #tpu.memory_space<hbm>>) target(%arg5 : memref<1024xi32, #tpu.memory_space<vmem>>) target_semaphore(%run_scoped3A : memref<!tpu.dma_semaphore, #tpu.memory_space<semaphore_mem>>)
      %dma_wait3A = tpu.memref_slice %arg3[%mul3A_2] : memref<32768xi32, #tpu.memory_space<hbm>> -> memref<1024xi32, #tpu.memory_space<hbm>>
      %dma_wait3A_9 = tpu.memref_slice %arg3[%mul3A_2] : memref<32768xi32, #tpu.memory_space<hbm>> -> memref<1024xi32, #tpu.memory_space<hbm>>
      tpu.wait_dma2 semaphore(%run_scoped3A : memref<!tpu.dma_semaphore, #tpu.memory_space<semaphore_mem>>) src(%dma_wait3A_9 : memref<1024xi32, #tpu.memory_space<hbm>>) dst(%arg5 : memref<1024xi32, #tpu.memory_space<vmem>>)
      tpu.yield
    }) : () -> ()
    %scan3A = arith.constant 0 : i32
    %scan3A_3 = arith.constant 0 : i32
    %scan3A_4 = arith.constant 16 : i32
    %scan3A_5 = arith.addi %scan3A_3, %scan3A_4 : i32
    %scan3A_6 = arith.constant 1 : i32
    scf.for %scan3A_8 = %scan3A_3 to %scan3A_5 step %scan3A_6  : i32 {
      %mul3A_9 = arith.constant 64 : i32
      %mul3A_10 = arith.muli %scan3A_8, %mul3A_9 : i32
      %dma_start3A = tpu.memref_slice %arg5[%mul3A_10] : memref<1024xi32, #tpu.memory_space<vmem>> -> memref<64xi32, #tpu.memory_space<vmem>>
      %dma_start3A_11 = arith.constant 0 : i32
      %dma_start3A_12 = arith.constant 0 : i32
      %dma_start3A_13 = tpu.memref_slice %arg2[%dma_start3A_11, %dma_start3A_12] : memref<4096x640xf32, #tpu.memory_space<hbm>> -> memref<4096x640xf32, #tpu.memory_space<hbm>>
      tpu.enqueue_indirect_dma source(%dma_start3A_13 : memref<4096x640xf32, #tpu.memory_space<hbm>>) target(%arg6 : memref<64x640xf32, #tpu.memory_space<vmem>>) offsets(%dma_start3A : memref<64xi32, #tpu.memory_space<vmem>>) semaphore(%arg7 : memref<!tpu.dma_semaphore, #tpu.memory_space<semaphore_mem>>)
      %dma_wait3A = tpu.memref_slice %arg5[%mul3A_10] : memref<1024xi32, #tpu.memory_space<vmem>> -> memref<64xi32, #tpu.memory_space<vmem>>
      %dma_wait3A_14 = arith.constant 0 : i32
      %dma_wait3A_15 = arith.constant 0 : i32
      %dma_wait3A_16 = tpu.memref_slice %arg2[%dma_wait3A_14, %dma_wait3A_15] : memref<4096x640xf32, #tpu.memory_space<hbm>> -> memref<4096x640xf32, #tpu.memory_space<hbm>>
      tpu.wait_indirect_dma semaphore(%arg7 : memref<!tpu.dma_semaphore, #tpu.memory_space<semaphore_mem>>) src(%dma_wait3A_16 : memref<4096x640xf32, #tpu.memory_space<hbm>>) dst(%arg6 : memref<64x640xf32, #tpu.memory_space<vmem>>)
      %add3A_17 = arith.addi %mul3A_2, %mul3A_10 : i32
      "tpu.region"() ({
        %run_scoped3A = tpu.sem_alloc : memref<!tpu.dma_semaphore, #tpu.memory_space<semaphore_mem>>
        %dma_start3A_18 = arith.constant 0 : i32
        %dma_start3A_19 = tpu.memref_slice %arg4[%add3A_17, %dma_start3A_18] : memref<32768x640xf32, #tpu.memory_space<hbm>> -> memref<64x640xf32, #tpu.memory_space<hbm>>
        %dma_start3A_20 = arith.constant 0 : i32
        %dma_start3A_21 = tpu.memref_slice %arg4[%add3A_17, %dma_start3A_20] : memref<32768x640xf32, #tpu.memory_space<hbm>> -> memref<64x640xf32, #tpu.memory_space<hbm>>
        tpu.enqueue_dma source(%arg6 : memref<64x640xf32, #tpu.memory_space<vmem>>) target(%dma_start3A_21 : memref<64x640xf32, #tpu.memory_space<hbm>>) target_semaphore(%run_scoped3A : memref<!tpu.dma_semaphore, #tpu.memory_space<semaphore_mem>>)
        %dma_wait3A_22 = arith.constant 0 : i32
        %dma_wait3A_23 = tpu.memref_slice %arg4[%add3A_17, %dma_wait3A_22] : memref<32768x640xf32, #tpu.memory_space<hbm>> -> memref<64x640xf32, #tpu.memory_space<hbm>>
        %dma_wait3A_24 = arith.constant 0 : i32
        %dma_wait3A_25 = tpu.memref_slice %arg4[%add3A_17, %dma_wait3A_24] : memref<32768x640xf32, #tpu.memory_space<hbm>> -> memref<64x640xf32, #tpu.memory_space<hbm>>
        tpu.wait_dma2 semaphore(%run_scoped3A : memref<!tpu.dma_semaphore, #tpu.memory_space<semaphore_mem>>) src(%arg6 : memref<64x640xf32, #tpu.memory_space<vmem>>) dst(%dma_wait3A_25 : memref<64x640xf32, #tpu.memory_space<hbm>>)
        tpu.yield
      }) : () -> ()
    }
    %scan3A_7 = arith.constant 16 : i32
    return
  }
}

#map = affine_map<(d0, d1) -> (0, 0)>
#map1 = affine_map<(d0, d1) -> (0)>
module attributes {stable_mosaic.version = 14 : i64} {
  func.func @_sc_gather_body(%arg0: i32, %arg1: i32, %arg2: memref<4096x640xf32, #tpu.memory_space<hbm>>, %arg3: memref<32768xi32, #tpu.memory_space<hbm>>, %arg4: memref<32768x640xf32, #tpu.memory_space<hbm>>, %arg5: memref<1024xi32, #tpu.memory_space<vmem>>, %arg6: memref<64x640xf32, #tpu.memory_space<vmem>>, %arg7: memref<!tpu.dma_semaphore, #tpu.memory_space<semaphore_mem>>) attributes {dimension_semantics = [#tpu.dimension_semantics<core_parallel>, #tpu.dimension_semantics<subcore_parallel>], iteration_bounds = array<i64: 2, 16>, scalar_prefetch = 0 : i64, scratch_operands = 3 : i64, tpu.core_type = #tpu.core_type<sc_vector_subcore>, window_params = [{transform_indices = #map}, {transform_indices = #map1}, {transform_indices = #map}]} {
    %mul3A = arith.constant 2 : i32
    %mul3A_0 = arith.muli %arg1, %mul3A : i32
    %add3A = arith.addi %mul3A_0, %arg0 : i32
    %mul3A_1 = arith.constant 1024 : i32
    %mul3A_2 = arith.muli %add3A, %mul3A_1 : i32
    "tpu.region"() ({
      %run_scoped3A = tpu.sem_alloc : memref<!tpu.dma_semaphore, #tpu.memory_space<semaphore_mem>>
      %dma_start3A = tpu.memref_slice %arg3[%mul3A_2] : memref<32768xi32, #tpu.memory_space<hbm>> -> memref<1024xi32, #tpu.memory_space<hbm>>
      %dma_start3A_8 = tpu.memref_slice %arg3[%mul3A_2] : memref<32768xi32, #tpu.memory_space<hbm>> -> memref<1024xi32, #tpu.memory_space<hbm>>
      tpu.enqueue_dma source(%dma_start3A_8 : memref<1024xi32, #tpu.memory_space<hbm>>) target(%arg5 : memref<1024xi32, #tpu.memory_space<vmem>>) target_semaphore(%run_scoped3A : memref<!tpu.dma_semaphore, #tpu.memory_space<semaphore_mem>>)
      %dma_wait3A = tpu.memref_slice %arg3[%mul3A_2] : memref<32768xi32, #tpu.memory_space<hbm>> -> memref<1024xi32, #tpu.memory_space<hbm>>
      %dma_wait3A_9 = tpu.memref_slice %arg3[%mul3A_2] : memref<32768xi32, #tpu.memory_space<hbm>> -> memref<1024xi32, #tpu.memory_space<hbm>>
      tpu.wait_dma2 semaphore(%run_scoped3A : memref<!tpu.dma_semaphore, #tpu.memory_space<semaphore_mem>>) src(%dma_wait3A_9 : memref<1024xi32, #tpu.memory_space<hbm>>) dst(%arg5 : memref<1024xi32, #tpu.memory_space<vmem>>)
      tpu.yield
    }) : () -> ()
    %scan3A = arith.constant 0 : i32
    %scan3A_3 = arith.constant 0 : i32
    %scan3A_4 = arith.constant 16 : i32
    %scan3A_5 = arith.addi %scan3A_3, %scan3A_4 : i32
    %scan3A_6 = arith.constant 1 : i32
    scf.for %scan3A_8 = %scan3A_3 to %scan3A_5 step %scan3A_6  : i32 {
      %mul3A_9 = arith.constant 64 : i32
      %mul3A_10 = arith.muli %scan3A_8, %mul3A_9 : i32
      %dma_start3A = tpu.memref_slice %arg5[%mul3A_10] : memref<1024xi32, #tpu.memory_space<vmem>> -> memref<64xi32, #tpu.memory_space<vmem>>
      %dma_start3A_11 = arith.constant 0 : i32
      %dma_start3A_12 = arith.constant 0 : i32
      %dma_start3A_13 = tpu.memref_slice %arg2[%dma_start3A_11, %dma_start3A_12] : memref<4096x640xf32, #tpu.memory_space<hbm>> -> memref<4096x640xf32, #tpu.memory_space<hbm>>
      tpu.enqueue_indirect_dma source(%dma_start3A_13 : memref<4096x640xf32, #tpu.memory_space<hbm>>) target(%arg6 : memref<64x640xf32, #tpu.memory_space<vmem>>) offsets(%dma_start3A : memref<64xi32, #tpu.memory_space<vmem>>) semaphore(%arg7 : memref<!tpu.dma_semaphore, #tpu.memory_space<semaphore_mem>>)
      %dma_wait3A = tpu.memref_slice %arg5[%mul3A_10] : memref<1024xi32, #tpu.memory_space<vmem>> -> memref<64xi32, #tpu.memory_space<vmem>>
      %dma_wait3A_14 = arith.constant 0 : i32
      %dma_wait3A_15 = arith.constant 0 : i32
      %dma_wait3A_16 = tpu.memref_slice %arg2[%dma_wait3A_14, %dma_wait3A_15] : memref<4096x640xf32, #tpu.memory_space<hbm>> -> memref<4096x640xf32, #tpu.memory_space<hbm>>
      tpu.wait_indirect_dma semaphore(%arg7 : memref<!tpu.dma_semaphore, #tpu.memory_space<semaphore_mem>>) src(%dma_wait3A_16 : memref<4096x640xf32, #tpu.memory_space<hbm>>) dst(%arg6 : memref<64x640xf32, #tpu.memory_space<vmem>>)
      %add3A_17 = arith.addi %mul3A_2, %mul3A_10 : i32
      "tpu.region"() ({
        %run_scoped3A = tpu.sem_alloc : memref<!tpu.dma_semaphore, #tpu.memory_space<semaphore_mem>>
        %dma_start3A_18 = arith.constant 0 : i32
        %dma_start3A_19 = tpu.memref_slice %arg4[%add3A_17, %dma_start3A_18] : memref<32768x640xf32, #tpu.memory_space<hbm>> -> memref<64x640xf32, #tpu.memory_space<hbm>>
        %dma_start3A_20 = arith.constant 0 : i32
        %dma_start3A_21 = tpu.memref_slice %arg4[%add3A_17, %dma_start3A_20] : memref<32768x640xf32, #tpu.memory_space<hbm>> -> memref<64x640xf32, #tpu.memory_space<hbm>>
        tpu.enqueue_dma source(%arg6 : memref<64x640xf32, #tpu.memory_space<vmem>>) target(%dma_start3A_21 : memref<64x640xf32, #tpu.memory_space<hbm>>) target_semaphore(%run_scoped3A : memref<!tpu.dma_semaphore, #tpu.memory_space<semaphore_mem>>)
        %dma_wait3A_22 = arith.constant 0 : i32
        %dma_wait3A_23 = tpu.memref_slice %arg4[%add3A_17, %dma_wait3A_22] : memref<32768x640xf32, #tpu.memory_space<hbm>> -> memref<64x640xf32, #tpu.memory_space<hbm>>
        %dma_wait3A_24 = arith.constant 0 : i32
        %dma_wait3A_25 = tpu.memref_slice %arg4[%add3A_17, %dma_wait3A_24] : memref<32768x640xf32, #tpu.memory_space<hbm>> -> memref<64x640xf32, #tpu.memory_space<hbm>>
        tpu.wait_dma2 semaphore(%run_scoped3A : memref<!tpu.dma_semaphore, #tpu.memory_space<semaphore_mem>>) src(%arg6 : memref<64x640xf32, #tpu.memory_space<vmem>>) dst(%dma_wait3A_25 : memref<64x640xf32, #tpu.memory_space<hbm>>)
        tpu.yield
      }) : () -> ()
    }
    %scan3A_7 = arith.constant 16 : i32
    return
  }
}

module attributes {stable_mosaic.version = 14 : i64} {
  func.func @_topk_body(%arg0: i32, %arg1: memref<256x8xf32, #tpu.memory_space<vmem>>, %arg2: memref<8x4096xf32, #tpu.memory_space<vmem>>, %arg3: memref<256x16xi32, #tpu.memory_space<vmem>>) attributes {dimension_semantics = [#tpu.dimension_semantics<arbitrary>], iteration_bounds = array<i64: 8>, scalar_prefetch = 0 : i64, scratch_operands = 0 : i64, tpu.core_type = #tpu.core_type<tc>, window_params = [{transform_indices = @transform_0, window_bounds = array<i64: 256, 8>}, {pipeline_mode = #tpu.pipeline_mode<synchronous>, transform_indices = @transform_1, window_bounds = array<i64: 8, 4096>}, {transform_indices = @transform_2, window_bounds = array<i64: 256, 16>}]} {
    %get3A = arith.constant 0 : index
    %get3A_0 = arith.constant 0 : index
    %get3A_1 = vector.load %arg1[%get3A, %get3A_0] : memref<256x8xf32, #tpu.memory_space<vmem>>, vector<256x8xf32>
    %get3A_2 = arith.constant 0 : index
    %get3A_3 = arith.constant 0 : index
    %get3A_4 = vector.load %arg2[%get3A_2, %get3A_3] : memref<8x4096xf32, #tpu.memory_space<vmem>>, vector<8x4096xf32>
    %dot_general3A = arith.constant dense<0.000000e+00> : vector<256x4096xf32>
    %dot_general3A_5 = tpu.matmul %get3A_1, %get3A_4, %dot_general3A {dimension_numbers = #tpu.dot_dimension_numbers<[1], [0], [0], [1], [0, 0, 1, 1], [], []>, transpose_lhs_hint = false} : vector<256x8xf32>, vector<8x4096xf32>, vector<256x4096xf32> -> vector<256x4096xf32>
    %mul3A = arith.mulf %get3A_1, %get3A_1 : vector<256x8xf32>
    %reduce_sum3A = arith.constant dense<0.000000e+00> : vector<256xf32>
    %reduce_sum3A_6 = vector.multi_reduction <add>, %mul3A, %reduce_sum3A [1] : vector<256x8xf32> to vector<256xf32>
    %broadcast_in_dim3A = vector.shape_cast %reduce_sum3A_6 : vector<256xf32> to vector<256x1xf32>
    %mul3A_7 = arith.mulf %get3A_4, %get3A_4 : vector<8x4096xf32>
    %reduce_sum3A_8 = arith.constant dense<0.000000e+00> : vector<4096xf32>
    %reduce_sum3A_9 = vector.multi_reduction <add>, %mul3A_7, %reduce_sum3A_8 [0] : vector<8x4096xf32> to vector<4096xf32>
    %broadcast_in_dim3A_10 = vector.shape_cast %reduce_sum3A_9 : vector<4096xf32> to vector<1x4096xf32>
    %add3A = vector.broadcast %broadcast_in_dim3A : vector<256x1xf32> to vector<256x4096xf32>
    %add3A_11 = vector.broadcast %broadcast_in_dim3A_10 : vector<1x4096xf32> to vector<256x4096xf32>
    %add3A_12 = arith.addf %add3A, %add3A_11 : vector<256x4096xf32>
    %mul3A_13 = arith.constant 2.000000e+00 : f32
    %mul3A_14 = vector.broadcast %mul3A_13 : f32 to vector<256x4096xf32>
    %mul3A_15 = arith.mulf %mul3A_14, %dot_general3A_5 : vector<256x4096xf32>
    %sub3A = arith.subf %add3A_12, %mul3A_15 : vector<256x4096xf32>
    %max3A = arith.constant 0.000000e+00 : f32
    %max3A_16 = vector.broadcast %max3A : f32 to vector<256x4096xf32>
    %max3A_17 = arith.maximumf %sub3A, %max3A_16 : vector<256x4096xf32>
    %bitcast_convert_type3A = tpu.bitcast %max3A_17 : vector<256x4096xf32> -> vector<256x4096xi32>
    %iota3A = tpu.iota {dimensions = array<i32: 1>} : vector<256x128xi32>
    %broadcast_in_dim3A_18 = arith.constant 2147483647 : i32
    %broadcast_in_dim3A_19 = vector.broadcast %broadcast_in_dim3A_18 : i32 to vector<256x128xi32>
    %broadcast_in_dim3A_20 = arith.constant 2147483647 : i32
    %broadcast_in_dim3A_21 = vector.broadcast %broadcast_in_dim3A_20 : i32 to vector<256x128xi32>
    %broadcast_in_dim3A_22 = arith.constant 2147483647 : i32
    %broadcast_in_dim3A_23 = vector.broadcast %broadcast_in_dim3A_22 : i32 to vector<256x128xi32>
    %broadcast_in_dim3A_24 = arith.constant 2147483647 : i32
    %broadcast_in_dim3A_25 = vector.broadcast %broadcast_in_dim3A_24 : i32 to vector<256x128xi32>
    %broadcast_in_dim3A_26 = arith.constant 0 : i32
    %broadcast_in_dim3A_27 = vector.broadcast %broadcast_in_dim3A_26 : i32 to vector<256x128xi32>
    %broadcast_in_dim3A_28 = arith.constant 0 : i32
    %broadcast_in_dim3A_29 = vector.broadcast %broadcast_in_dim3A_28 : i32 to vector<256x128xi32>
    %broadcast_in_dim3A_30 = arith.constant 0 : i32
    %broadcast_in_dim3A_31 = vector.broadcast %broadcast_in_dim3A_30 : i32 to vector<256x128xi32>
    %broadcast_in_dim3A_32 = arith.constant 0 : i32
    %broadcast_in_dim3A_33 = vector.broadcast %broadcast_in_dim3A_32 : i32 to vector<256x128xi32>
    %broadcast_in_dim3A_34 = arith.constant 2147483647 : i32
    %broadcast_in_dim3A_35 = vector.broadcast %broadcast_in_dim3A_34 : i32 to vector<256x128xi32>
    %slice3A = vector.extract_strided_slice %bitcast_convert_type3A {offsets = [0, 0], sizes = [256, 128], strides = [1, 1]} : vector<256x4096xi32> to vector<256x128xi32>
    %add3A_36 = arith.constant 0 : i32
    %add3A_37 = vector.broadcast %add3A_36 : i32 to vector<256x128xi32>
    %add3A_38 = arith.addi %iota3A, %add3A_37 : vector<256x128xi32>
    %lt3A = arith.cmpi slt, %slice3A, %broadcast_in_dim3A_19 : vector<256x128xi32>
    %select_n3A = arith.select %lt3A, %add3A_38, %broadcast_in_dim3A_27 : vector<256x128xi1>, vector<256x128xi32>
    %select_n3A_39 = arith.select %lt3A, %broadcast_in_dim3A_27, %add3A_38 : vector<256x128xi1>, vector<256x128xi32>
    %select_n3A_40 = arith.select %lt3A, %slice3A, %broadcast_in_dim3A_19 : vector<256x128xi1>, vector<256x128xi32>
    %select_n3A_41 = arith.select %lt3A, %broadcast_in_dim3A_19, %slice3A : vector<256x128xi1>, vector<256x128xi32>
    %lt3A_42 = arith.cmpi slt, %select_n3A_41, %broadcast_in_dim3A_21 : vector<256x128xi32>
    %select_n3A_43 = arith.select %lt3A_42, %select_n3A_39, %broadcast_in_dim3A_29 : vector<256x128xi1>, vector<256x128xi32>
    %select_n3A_44 = arith.select %lt3A_42, %broadcast_in_dim3A_29, %select_n3A_39 : vector<256x128xi1>, vector<256x128xi32>
    %select_n3A_45 = arith.select %lt3A_42, %select_n3A_41, %broadcast_in_dim3A_21 : vector<256x128xi1>, vector<256x128xi32>
    %select_n3A_46 = arith.select %lt3A_42, %broadcast_in_dim3A_21, %select_n3A_41 : vector<256x128xi1>, vector<256x128xi32>
    %lt3A_47 = arith.cmpi slt, %select_n3A_46, %broadcast_in_dim3A_23 : vector<256x128xi32>
    %select_n3A_48 = arith.select %lt3A_47, %select_n3A_44, %broadcast_in_dim3A_31 : vector<256x128xi1>, vector<256x128xi32>
    %select_n3A_49 = arith.select %lt3A_47, %broadcast_in_dim3A_31, %select_n3A_44 : vector<256x128xi1>, vector<256x128xi32>
    %select_n3A_50 = arith.select %lt3A_47, %select_n3A_46, %broadcast_in_dim3A_23 : vector<256x128xi1>, vector<256x128xi32>
    %select_n3A_51 = arith.select %lt3A_47, %broadcast_in_dim3A_23, %select_n3A_46 : vector<256x128xi1>, vector<256x128xi32>
    %lt3A_52 = arith.cmpi slt, %select_n3A_51, %broadcast_in_dim3A_25 : vector<256x128xi32>
    %select_n3A_53 = arith.select %lt3A_52, %select_n3A_49, %broadcast_in_dim3A_33 : vector<256x128xi1>, vector<256x128xi32>
    %select_n3A_54 = arith.select %lt3A_52, %select_n3A_51, %broadcast_in_dim3A_25 : vector<256x128xi1>, vector<256x128xi32>
    %select_n3A_55 = arith.select %lt3A_52, %broadcast_in_dim3A_25, %select_n3A_51 : vector<256x128xi1>, vector<256x128xi32>
    %min3A = arith.minsi %broadcast_in_dim3A_35, %select_n3A_55 : vector<256x128xi32>
    %slice3A_56 = vector.extract_strided_slice %bitcast_convert_type3A {offsets = [0, 128], sizes = [256, 128], strides = [1, 1]} : vector<256x4096xi32> to vector<256x128xi32>
    %add3A_57 = arith.constant 128 : i32
    %add3A_58 = vector.broadcast %add3A_57 : i32 to vector<256x128xi32>
    %add3A_59 = arith.addi %iota3A, %add3A_58 : vector<256x128xi32>
    %lt3A_60 = arith.cmpi slt, %slice3A_56, %select_n3A_40 : vector<256x128xi32>
    %select_n3A_61 = arith.select %lt3A_60, %add3A_59, %select_n3A : vector<256x128xi1>, vector<256x128xi32>
    %select_n3A_62 = arith.select %lt3A_60, %select_n3A, %add3A_59 : vector<256x128xi1>, vector<256x128xi32>
    %select_n3A_63 = arith.select %lt3A_60, %slice3A_56, %select_n3A_40 : vector<256x128xi1>, vector<256x128xi32>
    %select_n3A_64 = arith.select %lt3A_60, %select_n3A_40, %slice3A_56 : vector<256x128xi1>, vector<256x128xi32>
    %lt3A_65 = arith.cmpi slt, %select_n3A_64, %select_n3A_45 : vector<256x128xi32>
    %select_n3A_66 = arith.select %lt3A_65, %select_n3A_62, %select_n3A_43 : vector<256x128xi1>, vector<256x128xi32>
    %select_n3A_67 = arith.select %lt3A_65, %select_n3A_43, %select_n3A_62 : vector<256x128xi1>, vector<256x128xi32>
    %select_n3A_68 = arith.select %lt3A_65, %select_n3A_64, %select_n3A_45 : vector<256x128xi1>, vector<256x128xi32>
    %select_n3A_69 = arith.select %lt3A_65, %select_n3A_45, %select_n3A_64 : vector<256x128xi1>, vector<256x128xi32>
    %lt3A_70 = arith.cmpi slt, %select_n3A_69, %select_n3A_50 : vector<256x128xi32>
    %select_n3A_71 = arith.select %lt3A_70, %select_n3A_67, %select_n3A_48 : vector<256x128xi1>, vector<256x128xi32>
    %select_n3A_72 = arith.select %lt3A_70, %select_n3A_48, %select_n3A_67 : vector<256x128xi1>, vector<256x128xi32>
    %select_n3A_73 = arith.select %lt3A_70, %select_n3A_69, %select_n3A_50 : vector<256x128xi1>, vector<256x128xi32>
    %select_n3A_74 = arith.select %lt3A_70, %select_n3A_50, %select_n3A_69 : vector<256x128xi1>, vector<256x128xi32>
    %lt3A_75 = arith.cmpi slt, %select_n3A_74, %select_n3A_54 : vector<256x128xi32>
    %select_n3A_76 = arith.select %lt3A_75, %select_n3A_72, %select_n3A_53 : vector<256x128xi1>, vector<256x128xi32>
    %select_n3A_77 = arith.select %lt3A_75, %select_n3A_74, %select_n3A_54 : vector<256x128xi1>, vector<256x128xi32>
    %select_n3A_78 = arith.select %lt3A_75, %select_n3A_54, %select_n3A_74 : vector<256x128xi1>, vector<256x128xi32>
    %min3A_79 = arith.minsi %min3A, %select_n3A_78 : vector<256x128xi32>
    %slice3A_80 = vector.extract_strided_slice %bitcast_convert_type3A {offsets = [0, 256], sizes = [256, 128], strides = [1, 1]} : vector<256x4096xi32> to vector<256x128xi32>
    %add3A_81 = arith.constant 256 : i32
    %add3A_82 = vector.broadcast %add3A_81 : i32 to vector<256x128xi32>
    %add3A_83 = arith.addi %iota3A, %add3A_82 : vector<256x128xi32>
    %lt3A_84 = arith.cmpi slt, %slice3A_80, %select_n3A_63 : vector<256x128xi32>
    %select_n3A_85 = arith.select %lt3A_84, %add3A_83, %select_n3A_61 : vector<256x128xi1>, vector<256x128xi32>
    %select_n3A_86 = arith.select %lt3A_84, %select_n3A_61, %add3A_83 : vector<256x128xi1>, vector<256x128xi32>
    %select_n3A_87 = arith.select %lt3A_84, %slice3A_80, %select_n3A_63 : vector<256x128xi1>, vector<256x128xi32>
    %select_n3A_88 = arith.select %lt3A_84, %select_n3A_63, %slice3A_80 : vector<256x128xi1>, vector<256x128xi32>
    %lt3A_89 = arith.cmpi slt, %select_n3A_88, %select_n3A_68 : vector<256x128xi32>
    %select_n3A_90 = arith.select %lt3A_89, %select_n3A_86, %select_n3A_66 : vector<256x128xi1>, vector<256x128xi32>
    %select_n3A_91 = arith.select %lt3A_89, %select_n3A_66, %select_n3A_86 : vector<256x128xi1>, vector<256x128xi32>
    %select_n3A_92 = arith.select %lt3A_89, %select_n3A_88, %select_n3A_68 : vector<256x128xi1>, vector<256x128xi32>
    %select_n3A_93 = arith.select %lt3A_89, %select_n3A_68, %select_n3A_88 : vector<256x128xi1>, vector<256x128xi32>
    %lt3A_94 = arith.cmpi slt, %select_n3A_93, %select_n3A_73 : vector<256x128xi32>
    %select_n3A_95 = arith.select %lt3A_94, %select_n3A_91, %select_n3A_71 : vector<256x128xi1>, vector<256x128xi32>
    %select_n3A_96 = arith.select %lt3A_94, %select_n3A_71, %select_n3A_91 : vector<256x128xi1>, vector<256x128xi32>
    %select_n3A_97 = arith.select %lt3A_94, %select_n3A_93, %select_n3A_73 : vector<256x128xi1>, vector<256x128xi32>
    %select_n3A_98 = arith.select %lt3A_94, %select_n3A_73, %select_n3A_93 : vector<256x128xi1>, vector<256x128xi32>
    %lt3A_99 = arith.cmpi slt, %select_n3A_98, %select_n3A_77 : vector<256x128xi32>
    %select_n3A_100 = arith.select %lt3A_99, %select_n3A_96, %select_n3A_76 : vector<256x128xi1>, vector<256x128xi32>
    %select_n3A_101 = arith.select %lt3A_99, %select_n3A_98, %select_n3A_77 : vector<256x128xi1>, vector<256x128xi32>
    %select_n3A_102 = arith.select %lt3A_99, %select_n3A_77, %select_n3A_98 : vector<256x128xi1>, vector<256x128xi32>
    %min3A_103 = arith.minsi %min3A_79, %select_n3A_102 : vector<256x128xi32>
    %slice3A_104 = vector.extract_strided_slice %bitcast_convert_type3A {offsets = [0, 384], sizes = [256, 128], strides = [1, 1]} : vector<256x4096xi32> to vector<256x128xi32>
    %add3A_105 = arith.constant 384 : i32
    %add3A_106 = vector.broadcast %add3A_105 : i32 to vector<256x128xi32>
    %add3A_107 = arith.addi %iota3A, %add3A_106 : vector<256x128xi32>
    %lt3A_108 = arith.cmpi slt, %slice3A_104, %select_n3A_87 : vector<256x128xi32>
    %select_n3A_109 = arith.select %lt3A_108, %add3A_107, %select_n3A_85 : vector<256x128xi1>, vector<256x128xi32>
    %select_n3A_110 = arith.select %lt3A_108, %select_n3A_85, %add3A_107 : vector<256x128xi1>, vector<256x128xi32>
    %select_n3A_111 = arith.select %lt3A_108, %slice3A_104, %select_n3A_87 : vector<256x128xi1>, vector<256x128xi32>
    %select_n3A_112 = arith.select %lt3A_108, %select_n3A_87, %slice3A_104 : vector<256x128xi1>, vector<256x128xi32>
    %lt3A_113 = arith.cmpi slt, %select_n3A_112, %select_n3A_92 : vector<256x128xi32>
    %select_n3A_114 = arith.select %lt3A_113, %select_n3A_110, %select_n3A_90 : vector<256x128xi1>, vector<256x128xi32>
    %select_n3A_115 = arith.select %lt3A_113, %select_n3A_90, %select_n3A_110 : vector<256x128xi1>, vector<256x128xi32>
    %select_n3A_116 = arith.select %lt3A_113, %select_n3A_112, %select_n3A_92 : vector<256x128xi1>, vector<256x128xi32>
    %select_n3A_117 = arith.select %lt3A_113, %select_n3A_92, %select_n3A_112 : vector<256x128xi1>, vector<256x128xi32>
    %lt3A_118 = arith.cmpi slt, %select_n3A_117, %select_n3A_97 : vector<256x128xi32>
    %select_n3A_119 = arith.select %lt3A_118, %select_n3A_115, %select_n3A_95 : vector<256x128xi1>, vector<256x128xi32>
    %select_n3A_120 = arith.select %lt3A_118, %select_n3A_95, %select_n3A_115 : vector<256x128xi1>, vector<256x128xi32>
    %select_n3A_121 = arith.select %lt3A_118, %select_n3A_117, %select_n3A_97 : vector<256x128xi1>, vector<256x128xi32>
    %select_n3A_122 = arith.select %lt3A_118, %select_n3A_97, %select_n3A_117 : vector<256x128xi1>, vector<256x128xi32>
    %lt3A_123 = arith.cmpi slt, %select_n3A_122, %select_n3A_101 : vector<256x128xi32>
    %select_n3A_124 = arith.select %lt3A_123, %select_n3A_120, %select_n3A_100 : vector<256x128xi1>, vector<256x128xi32>
    %select_n3A_125 = arith.select %lt3A_123, %select_n3A_122, %select_n3A_101 : vector<256x128xi1>, vector<256x128xi32>
    %select_n3A_126 = arith.select %lt3A_123, %select_n3A_101, %select_n3A_122 : vector<256x128xi1>, vector<256x128xi32>
    %min3A_127 = arith.minsi %min3A_103, %select_n3A_126 : vector<256x128xi32>
    %slice3A_128 = vector.extract_strided_slice %bitcast_convert_type3A {offsets = [0, 512], sizes = [256, 128], strides = [1, 1]} : vector<256x4096xi32> to vector<256x128xi32>
    %add3A_129 = arith.constant 512 : i32
    %add3A_130 = vector.broadcast %add3A_129 : i32 to vector<256x128xi32>
    %add3A_131 = arith.addi %iota3A, %add3A_130 : vector<256x128xi32>
    %lt3A_132 = arith.cmpi slt, %slice3A_128, %select_n3A_111 : vector<256x128xi32>
    %select_n3A_133 = arith.select %lt3A_132, %add3A_131, %select_n3A_109 : vector<256x128xi1>, vector<256x128xi32>
    %select_n3A_134 = arith.select %lt3A_132, %select_n3A_109, %add3A_131 : vector<256x128xi1>, vector<256x128xi32>
    %select_n3A_135 = arith.select %lt3A_132, %slice3A_128, %select_n3A_111 : vector<256x128xi1>, vector<256x128xi32>
    %select_n3A_136 = arith.select %lt3A_132, %select_n3A_111, %slice3A_128 : vector<256x128xi1>, vector<256x128xi32>
    %lt3A_137 = arith.cmpi slt, %select_n3A_136, %select_n3A_116 : vector<256x128xi32>
    %select_n3A_138 = arith.select %lt3A_137, %select_n3A_134, %select_n3A_114 : vector<256x128xi1>, vector<256x128xi32>
    %select_n3A_139 = arith.select %lt3A_137, %select_n3A_114, %select_n3A_134 : vector<256x128xi1>, vector<256x128xi32>
    %select_n3A_140 = arith.select %lt3A_137, %select_n3A_136, %select_n3A_116 : vector<256x128xi1>, vector<256x128xi32>
    %select_n3A_141 = arith.select %lt3A_137, %select_n3A_116, %select_n3A_136 : vector<256x128xi1>, vector<256x128xi32>
    %lt3A_142 = arith.cmpi slt, %select_n3A_141, %select_n3A_121 : vector<256x128xi32>
    %select_n3A_143 = arith.select %lt3A_142, %select_n3A_139, %select_n3A_119 : vector<256x128xi1>, vector<256x128xi32>
    %select_n3A_144 = arith.select %lt3A_142, %select_n3A_119, %select_n3A_139 : vector<256x128xi1>, vector<256x128xi32>
    %select_n3A_145 = arith.select %lt3A_142, %select_n3A_141, %select_n3A_121 : vector<256x128xi1>, vector<256x128xi32>
    %select_n3A_146 = arith.select %lt3A_142, %select_n3A_121, %select_n3A_141 : vector<256x128xi1>, vector<256x128xi32>
    %lt3A_147 = arith.cmpi slt, %select_n3A_146, %select_n3A_125 : vector<256x128xi32>
    %select_n3A_148 = arith.select %lt3A_147, %select_n3A_144, %select_n3A_124 : vector<256x128xi1>, vector<256x128xi32>
    %select_n3A_149 = arith.select %lt3A_147, %select_n3A_146, %select_n3A_125 : vector<256x128xi1>, vector<256x128xi32>
    %select_n3A_150 = arith.select %lt3A_147, %select_n3A_125, %select_n3A_146 : vector<256x128xi1>, vector<256x128xi32>
    %min3A_151 = arith.minsi %min3A_127, %select_n3A_150 : vector<256x128xi32>
    %slice3A_152 = vector.extract_strided_slice %bitcast_convert_type3A {offsets = [0, 640], sizes = [256, 128], strides = [1, 1]} : vector<256x4096xi32> to vector<256x128xi32>
    %add3A_153 = arith.constant 640 : i32
    %add3A_154 = vector.broadcast %add3A_153 : i32 to vector<256x128xi32>
    %add3A_155 = arith.addi %iota3A, %add3A_154 : vector<256x128xi32>
    %lt3A_156 = arith.cmpi slt, %slice3A_152, %select_n3A_135 : vector<256x128xi32>
    %select_n3A_157 = arith.select %lt3A_156, %add3A_155, %select_n3A_133 : vector<256x128xi1>, vector<256x128xi32>
    %select_n3A_158 = arith.select %lt3A_156, %select_n3A_133, %add3A_155 : vector<256x128xi1>, vector<256x128xi32>
    %select_n3A_159 = arith.select %lt3A_156, %slice3A_152, %select_n3A_135 : vector<256x128xi1>, vector<256x128xi32>
    %select_n3A_160 = arith.select %lt3A_156, %select_n3A_135, %slice3A_152 : vector<256x128xi1>, vector<256x128xi32>
    %lt3A_161 = arith.cmpi slt, %select_n3A_160, %select_n3A_140 : vector<256x128xi32>
    %select_n3A_162 = arith.select %lt3A_161, %select_n3A_158, %select_n3A_138 : vector<256x128xi1>, vector<256x128xi32>
    %select_n3A_163 = arith.select %lt3A_161, %select_n3A_138, %select_n3A_158 : vector<256x128xi1>, vector<256x128xi32>
    %select_n3A_164 = arith.select %lt3A_161, %select_n3A_160, %select_n3A_140 : vector<256x128xi1>, vector<256x128xi32>
    %select_n3A_165 = arith.select %lt3A_161, %select_n3A_140, %select_n3A_160 : vector<256x128xi1>, vector<256x128xi32>
    %lt3A_166 = arith.cmpi slt, %select_n3A_165, %select_n3A_145 : vector<256x128xi32>
    %select_n3A_167 = arith.select %lt3A_166, %select_n3A_163, %select_n3A_143 : vector<256x128xi1>, vector<256x128xi32>
    %select_n3A_168 = arith.select %lt3A_166, %select_n3A_143, %select_n3A_163 : vector<256x128xi1>, vector<256x128xi32>
    %select_n3A_169 = arith.select %lt3A_166, %select_n3A_165, %select_n3A_145 : vector<256x128xi1>, vector<256x128xi32>
    %select_n3A_170 = arith.select %lt3A_166, %select_n3A_145, %select_n3A_165 : vector<256x128xi1>, vector<256x128xi32>
    %lt3A_171 = arith.cmpi slt, %select_n3A_170, %select_n3A_149 : vector<256x128xi32>
    %select_n3A_172 = arith.select %lt3A_171, %select_n3A_168, %select_n3A_148 : vector<256x128xi1>, vector<256x128xi32>
    %select_n3A_173 = arith.select %lt3A_171, %select_n3A_170, %select_n3A_149 : vector<256x128xi1>, vector<256x128xi32>
    %select_n3A_174 = arith.select %lt3A_171, %select_n3A_149, %select_n3A_170 : vector<256x128xi1>, vector<256x128xi32>
    %min3A_175 = arith.minsi %min3A_151, %select_n3A_174 : vector<256x128xi32>
    %slice3A_176 = vector.extract_strided_slice %bitcast_convert_type3A {offsets = [0, 768], sizes = [256, 128], strides = [1, 1]} : vector<256x4096xi32> to vector<256x128xi32>
    %add3A_177 = arith.constant 768 : i32
    %add3A_178 = vector.broadcast %add3A_177 : i32 to vector<256x128xi32>
    %add3A_179 = arith.addi %iota3A, %add3A_178 : vector<256x128xi32>
    %lt3A_180 = arith.cmpi slt, %slice3A_176, %select_n3A_159 : vector<256x128xi32>
    %select_n3A_181 = arith.select %lt3A_180, %add3A_179, %select_n3A_157 : vector<256x128xi1>, vector<256x128xi32>
    %select_n3A_182 = arith.select %lt3A_180, %select_n3A_157, %add3A_179 : vector<256x128xi1>, vector<256x128xi32>
    %select_n3A_183 = arith.select %lt3A_180, %slice3A_176, %select_n3A_159 : vector<256x128xi1>, vector<256x128xi32>
    %select_n3A_184 = arith.select %lt3A_180, %select_n3A_159, %slice3A_176 : vector<256x128xi1>, vector<256x128xi32>
    %lt3A_185 = arith.cmpi slt, %select_n3A_184, %select_n3A_164 : vector<256x128xi32>
    %select_n3A_186 = arith.select %lt3A_185, %select_n3A_182, %select_n3A_162 : vector<256x128xi1>, vector<256x128xi32>
    %select_n3A_187 = arith.select %lt3A_185, %select_n3A_162, %select_n3A_182 : vector<256x128xi1>, vector<256x128xi32>
    %select_n3A_188 = arith.select %lt3A_185, %select_n3A_184, %select_n3A_164 : vector<256x128xi1>, vector<256x128xi32>
    %select_n3A_189 = arith.select %lt3A_185, %select_n3A_164, %select_n3A_184 : vector<256x128xi1>, vector<256x128xi32>
    %lt3A_190 = arith.cmpi slt, %select_n3A_189, %select_n3A_169 : vector<256x128xi32>
    %select_n3A_191 = arith.select %lt3A_190, %select_n3A_187, %select_n3A_167 : vector<256x128xi1>, vector<256x128xi32>
    %select_n3A_192 = arith.select %lt3A_190, %select_n3A_167, %select_n3A_187 : vector<256x128xi1>, vector<256x128xi32>
    %select_n3A_193 = arith.select %lt3A_190, %select_n3A_189, %select_n3A_169 : vector<256x128xi1>, vector<256x128xi32>
    %select_n3A_194 = arith.select %lt3A_190, %select_n3A_169, %select_n3A_189 : vector<256x128xi1>, vector<256x128xi32>
    %lt3A_195 = arith.cmpi slt, %select_n3A_194, %select_n3A_173 : vector<256x128xi32>
    %select_n3A_196 = arith.select %lt3A_195, %select_n3A_192, %select_n3A_172 : vector<256x128xi1>, vector<256x128xi32>
    %select_n3A_197 = arith.select %lt3A_195, %select_n3A_194, %select_n3A_173 : vector<256x128xi1>, vector<256x128xi32>
    %select_n3A_198 = arith.select %lt3A_195, %select_n3A_173, %select_n3A_194 : vector<256x128xi1>, vector<256x128xi32>
    %min3A_199 = arith.minsi %min3A_175, %select_n3A_198 : vector<256x128xi32>
    %slice3A_200 = vector.extract_strided_slice %bitcast_convert_type3A {offsets = [0, 896], sizes = [256, 128], strides = [1, 1]} : vector<256x4096xi32> to vector<256x128xi32>
    %add3A_201 = arith.constant 896 : i32
    %add3A_202 = vector.broadcast %add3A_201 : i32 to vector<256x128xi32>
    %add3A_203 = arith.addi %iota3A, %add3A_202 : vector<256x128xi32>
    %lt3A_204 = arith.cmpi slt, %slice3A_200, %select_n3A_183 : vector<256x128xi32>
    %select_n3A_205 = arith.select %lt3A_204, %add3A_203, %select_n3A_181 : vector<256x128xi1>, vector<256x128xi32>
    %select_n3A_206 = arith.select %lt3A_204, %select_n3A_181, %add3A_203 : vector<256x128xi1>, vector<256x128xi32>
    %select_n3A_207 = arith.select %lt3A_204, %slice3A_200, %select_n3A_183 : vector<256x128xi1>, vector<256x128xi32>
    %select_n3A_208 = arith.select %lt3A_204, %select_n3A_183, %slice3A_200 : vector<256x128xi1>, vector<256x128xi32>
    %lt3A_209 = arith.cmpi slt, %select_n3A_208, %select_n3A_188 : vector<256x128xi32>
    %select_n3A_210 = arith.select %lt3A_209, %select_n3A_206, %select_n3A_186 : vector<256x128xi1>, vector<256x128xi32>
    %select_n3A_211 = arith.select %lt3A_209, %select_n3A_186, %select_n3A_206 : vector<256x128xi1>, vector<256x128xi32>
    %select_n3A_212 = arith.select %lt3A_209, %select_n3A_208, %select_n3A_188 : vector<256x128xi1>, vector<256x128xi32>
    %select_n3A_213 = arith.select %lt3A_209, %select_n3A_188, %select_n3A_208 : vector<256x128xi1>, vector<256x128xi32>
    %lt3A_214 = arith.cmpi slt, %select_n3A_213, %select_n3A_193 : vector<256x128xi32>
    %select_n3A_215 = arith.select %lt3A_214, %select_n3A_211, %select_n3A_191 : vector<256x128xi1>, vector<256x128xi32>
    %select_n3A_216 = arith.select %lt3A_214, %select_n3A_191, %select_n3A_211 : vector<256x128xi1>, vector<256x128xi32>
    %select_n3A_217 = arith.select %lt3A_214, %select_n3A_213, %select_n3A_193 : vector<256x128xi1>, vector<256x128xi32>
    %select_n3A_218 = arith.select %lt3A_214, %select_n3A_193, %select_n3A_213 : vector<256x128xi1>, vector<256x128xi32>
    %lt3A_219 = arith.cmpi slt, %select_n3A_218, %select_n3A_197 : vector<256x128xi32>
    %select_n3A_220 = arith.select %lt3A_219, %select_n3A_216, %select_n3A_196 : vector<256x128xi1>, vector<256x128xi32>
    %select_n3A_221 = arith.select %lt3A_219, %select_n3A_218, %select_n3A_197 : vector<256x128xi1>, vector<256x128xi32>
    %select_n3A_222 = arith.select %lt3A_219, %select_n3A_197, %select_n3A_218 : vector<256x128xi1>, vector<256x128xi32>
    %min3A_223 = arith.minsi %min3A_199, %select_n3A_222 : vector<256x128xi32>
    %slice3A_224 = vector.extract_strided_slice %bitcast_convert_type3A {offsets = [0, 1024], sizes = [256, 128], strides = [1, 1]} : vector<256x4096xi32> to vector<256x128xi32>
    %add3A_225 = arith.constant 1024 : i32
    %add3A_226 = vector.broadcast %add3A_225 : i32 to vector<256x128xi32>
    %add3A_227 = arith.addi %iota3A, %add3A_226 : vector<256x128xi32>
    %lt3A_228 = arith.cmpi slt, %slice3A_224, %select_n3A_207 : vector<256x128xi32>
    %select_n3A_229 = arith.select %lt3A_228, %add3A_227, %select_n3A_205 : vector<256x128xi1>, vector<256x128xi32>
    %select_n3A_230 = arith.select %lt3A_228, %select_n3A_205, %add3A_227 : vector<256x128xi1>, vector<256x128xi32>
    %select_n3A_231 = arith.select %lt3A_228, %slice3A_224, %select_n3A_207 : vector<256x128xi1>, vector<256x128xi32>
    %select_n3A_232 = arith.select %lt3A_228, %select_n3A_207, %slice3A_224 : vector<256x128xi1>, vector<256x128xi32>
    %lt3A_233 = arith.cmpi slt, %select_n3A_232, %select_n3A_212 : vector<256x128xi32>
    %select_n3A_234 = arith.select %lt3A_233, %select_n3A_230, %select_n3A_210 : vector<256x128xi1>, vector<256x128xi32>
    %select_n3A_235 = arith.select %lt3A_233, %select_n3A_210, %select_n3A_230 : vector<256x128xi1>, vector<256x128xi32>
    %select_n3A_236 = arith.select %lt3A_233, %select_n3A_232, %select_n3A_212 : vector<256x128xi1>, vector<256x128xi32>
    %select_n3A_237 = arith.select %lt3A_233, %select_n3A_212, %select_n3A_232 : vector<256x128xi1>, vector<256x128xi32>
    %lt3A_238 = arith.cmpi slt, %select_n3A_237, %select_n3A_217 : vector<256x128xi32>
    %select_n3A_239 = arith.select %lt3A_238, %select_n3A_235, %select_n3A_215 : vector<256x128xi1>, vector<256x128xi32>
    %select_n3A_240 = arith.select %lt3A_238, %select_n3A_215, %select_n3A_235 : vector<256x128xi1>, vector<256x128xi32>
    %select_n3A_241 = arith.select %lt3A_238, %select_n3A_237, %select_n3A_217 : vector<256x128xi1>, vector<256x128xi32>
    %select_n3A_242 = arith.select %lt3A_238, %select_n3A_217, %select_n3A_237 : vector<256x128xi1>, vector<256x128xi32>
    %lt3A_243 = arith.cmpi slt, %select_n3A_242, %select_n3A_221 : vector<256x128xi32>
    %select_n3A_244 = arith.select %lt3A_243, %select_n3A_240, %select_n3A_220 : vector<256x128xi1>, vector<256x128xi32>
    %select_n3A_245 = arith.select %lt3A_243, %select_n3A_242, %select_n3A_221 : vector<256x128xi1>, vector<256x128xi32>
    %select_n3A_246 = arith.select %lt3A_243, %select_n3A_221, %select_n3A_242 : vector<256x128xi1>, vector<256x128xi32>
    %min3A_247 = arith.minsi %min3A_223, %select_n3A_246 : vector<256x128xi32>
    %slice3A_248 = vector.extract_strided_slice %bitcast_convert_type3A {offsets = [0, 1152], sizes = [256, 128], strides = [1, 1]} : vector<256x4096xi32> to vector<256x128xi32>
    %add3A_249 = arith.constant 1152 : i32
    %add3A_250 = vector.broadcast %add3A_249 : i32 to vector<256x128xi32>
    %add3A_251 = arith.addi %iota3A, %add3A_250 : vector<256x128xi32>
    %lt3A_252 = arith.cmpi slt, %slice3A_248, %select_n3A_231 : vector<256x128xi32>
    %select_n3A_253 = arith.select %lt3A_252, %add3A_251, %select_n3A_229 : vector<256x128xi1>, vector<256x128xi32>
    %select_n3A_254 = arith.select %lt3A_252, %select_n3A_229, %add3A_251 : vector<256x128xi1>, vector<256x128xi32>
    %select_n3A_255 = arith.select %lt3A_252, %slice3A_248, %select_n3A_231 : vector<256x128xi1>, vector<256x128xi32>
    %select_n3A_256 = arith.select %lt3A_252, %select_n3A_231, %slice3A_248 : vector<256x128xi1>, vector<256x128xi32>
    %lt3A_257 = arith.cmpi slt, %select_n3A_256, %select_n3A_236 : vector<256x128xi32>
    %select_n3A_258 = arith.select %lt3A_257, %select_n3A_254, %select_n3A_234 : vector<256x128xi1>, vector<256x128xi32>
    %select_n3A_259 = arith.select %lt3A_257, %select_n3A_234, %select_n3A_254 : vector<256x128xi1>, vector<256x128xi32>
    %select_n3A_260 = arith.select %lt3A_257, %select_n3A_256, %select_n3A_236 : vector<256x128xi1>, vector<256x128xi32>
    %select_n3A_261 = arith.select %lt3A_257, %select_n3A_236, %select_n3A_256 : vector<256x128xi1>, vector<256x128xi32>
    %lt3A_262 = arith.cmpi slt, %select_n3A_261, %select_n3A_241 : vector<256x128xi32>
    %select_n3A_263 = arith.select %lt3A_262, %select_n3A_259, %select_n3A_239 : vector<256x128xi1>, vector<256x128xi32>
    %select_n3A_264 = arith.select %lt3A_262, %select_n3A_239, %select_n3A_259 : vector<256x128xi1>, vector<256x128xi32>
    %select_n3A_265 = arith.select %lt3A_262, %select_n3A_261, %select_n3A_241 : vector<256x128xi1>, vector<256x128xi32>
    %select_n3A_266 = arith.select %lt3A_262, %select_n3A_241, %select_n3A_261 : vector<256x128xi1>, vector<256x128xi32>
    %lt3A_267 = arith.cmpi slt, %select_n3A_266, %select_n3A_245 : vector<256x128xi32>
    %select_n3A_268 = arith.select %lt3A_267, %select_n3A_264, %select_n3A_244 : vector<256x128xi1>, vector<256x128xi32>
    %select_n3A_269 = arith.select %lt3A_267, %select_n3A_266, %select_n3A_245 : vector<256x128xi1>, vector<256x128xi32>
    %select_n3A_270 = arith.select %lt3A_267, %select_n3A_245, %select_n3A_266 : vector<256x128xi1>, vector<256x128xi32>
    %min3A_271 = arith.minsi %min3A_247, %select_n3A_270 : vector<256x128xi32>
    %slice3A_272 = vector.extract_strided_slice %bitcast_convert_type3A {offsets = [0, 1280], sizes = [256, 128], strides = [1, 1]} : vector<256x4096xi32> to vector<256x128xi32>
    %add3A_273 = arith.constant 1280 : i32
    %add3A_274 = vector.broadcast %add3A_273 : i32 to vector<256x128xi32>
    %add3A_275 = arith.addi %iota3A, %add3A_274 : vector<256x128xi32>
    %lt3A_276 = arith.cmpi slt, %slice3A_272, %select_n3A_255 : vector<256x128xi32>
    %select_n3A_277 = arith.select %lt3A_276, %add3A_275, %select_n3A_253 : vector<256x128xi1>, vector<256x128xi32>
    %select_n3A_278 = arith.select %lt3A_276, %select_n3A_253, %add3A_275 : vector<256x128xi1>, vector<256x128xi32>
    %select_n3A_279 = arith.select %lt3A_276, %slice3A_272, %select_n3A_255 : vector<256x128xi1>, vector<256x128xi32>
    %select_n3A_280 = arith.select %lt3A_276, %select_n3A_255, %slice3A_272 : vector<256x128xi1>, vector<256x128xi32>
    %lt3A_281 = arith.cmpi slt, %select_n3A_280, %select_n3A_260 : vector<256x128xi32>
    %select_n3A_282 = arith.select %lt3A_281, %select_n3A_278, %select_n3A_258 : vector<256x128xi1>, vector<256x128xi32>
    %select_n3A_283 = arith.select %lt3A_281, %select_n3A_258, %select_n3A_278 : vector<256x128xi1>, vector<256x128xi32>
    %select_n3A_284 = arith.select %lt3A_281, %select_n3A_280, %select_n3A_260 : vector<256x128xi1>, vector<256x128xi32>
    %select_n3A_285 = arith.select %lt3A_281, %select_n3A_260, %select_n3A_280 : vector<256x128xi1>, vector<256x128xi32>
    %lt3A_286 = arith.cmpi slt, %select_n3A_285, %select_n3A_265 : vector<256x128xi32>
    %select_n3A_287 = arith.select %lt3A_286, %select_n3A_283, %select_n3A_263 : vector<256x128xi1>, vector<256x128xi32>
    %select_n3A_288 = arith.select %lt3A_286, %select_n3A_263, %select_n3A_283 : vector<256x128xi1>, vector<256x128xi32>
    %select_n3A_289 = arith.select %lt3A_286, %select_n3A_285, %select_n3A_265 : vector<256x128xi1>, vector<256x128xi32>
    %select_n3A_290 = arith.select %lt3A_286, %select_n3A_265, %select_n3A_285 : vector<256x128xi1>, vector<256x128xi32>
    %lt3A_291 = arith.cmpi slt, %select_n3A_290, %select_n3A_269 : vector<256x128xi32>
    %select_n3A_292 = arith.select %lt3A_291, %select_n3A_288, %select_n3A_268 : vector<256x128xi1>, vector<256x128xi32>
    %select_n3A_293 = arith.select %lt3A_291, %select_n3A_290, %select_n3A_269 : vector<256x128xi1>, vector<256x128xi32>
    %select_n3A_294 = arith.select %lt3A_291, %select_n3A_269, %select_n3A_290 : vector<256x128xi1>, vector<256x128xi32>
    %min3A_295 = arith.minsi %min3A_271, %select_n3A_294 : vector<256x128xi32>
    %slice3A_296 = vector.extract_strided_slice %bitcast_convert_type3A {offsets = [0, 1408], sizes = [256, 128], strides = [1, 1]} : vector<256x4096xi32> to vector<256x128xi32>
    %add3A_297 = arith.constant 1408 : i32
    %add3A_298 = vector.broadcast %add3A_297 : i32 to vector<256x128xi32>
    %add3A_299 = arith.addi %iota3A, %add3A_298 : vector<256x128xi32>
    %lt3A_300 = arith.cmpi slt, %slice3A_296, %select_n3A_279 : vector<256x128xi32>
    %select_n3A_301 = arith.select %lt3A_300, %add3A_299, %select_n3A_277 : vector<256x128xi1>, vector<256x128xi32>
    %select_n3A_302 = arith.select %lt3A_300, %select_n3A_277, %add3A_299 : vector<256x128xi1>, vector<256x128xi32>
    %select_n3A_303 = arith.select %lt3A_300, %slice3A_296, %select_n3A_279 : vector<256x128xi1>, vector<256x128xi32>
    %select_n3A_304 = arith.select %lt3A_300, %select_n3A_279, %slice3A_296 : vector<256x128xi1>, vector<256x128xi32>
    %lt3A_305 = arith.cmpi slt, %select_n3A_304, %select_n3A_284 : vector<256x128xi32>
    %select_n3A_306 = arith.select %lt3A_305, %select_n3A_302, %select_n3A_282 : vector<256x128xi1>, vector<256x128xi32>
    %select_n3A_307 = arith.select %lt3A_305, %select_n3A_282, %select_n3A_302 : vector<256x128xi1>, vector<256x128xi32>
    %select_n3A_308 = arith.select %lt3A_305, %select_n3A_304, %select_n3A_284 : vector<256x128xi1>, vector<256x128xi32>
    %select_n3A_309 = arith.select %lt3A_305, %select_n3A_284, %select_n3A_304 : vector<256x128xi1>, vector<256x128xi32>
    %lt3A_310 = arith.cmpi slt, %select_n3A_309, %select_n3A_289 : vector<256x128xi32>
    %select_n3A_311 = arith.select %lt3A_310, %select_n3A_307, %select_n3A_287 : vector<256x128xi1>, vector<256x128xi32>
    %select_n3A_312 = arith.select %lt3A_310, %select_n3A_287, %select_n3A_307 : vector<256x128xi1>, vector<256x128xi32>
    %select_n3A_313 = arith.select %lt3A_310, %select_n3A_309, %select_n3A_289 : vector<256x128xi1>, vector<256x128xi32>
    %select_n3A_314 = arith.select %lt3A_310, %select_n3A_289, %select_n3A_309 : vector<256x128xi1>, vector<256x128xi32>
    %lt3A_315 = arith.cmpi slt, %select_n3A_314, %select_n3A_293 : vector<256x128xi32>
    %select_n3A_316 = arith.select %lt3A_315, %select_n3A_312, %select_n3A_292 : vector<256x128xi1>, vector<256x128xi32>
    %select_n3A_317 = arith.select %lt3A_315, %select_n3A_314, %select_n3A_293 : vector<256x128xi1>, vector<256x128xi32>
    %select_n3A_318 = arith.select %lt3A_315, %select_n3A_293, %select_n3A_314 : vector<256x128xi1>, vector<256x128xi32>
    %min3A_319 = arith.minsi %min3A_295, %select_n3A_318 : vector<256x128xi32>
    %slice3A_320 = vector.extract_strided_slice %bitcast_convert_type3A {offsets = [0, 1536], sizes = [256, 128], strides = [1, 1]} : vector<256x4096xi32> to vector<256x128xi32>
    %add3A_321 = arith.constant 1536 : i32
    %add3A_322 = vector.broadcast %add3A_321 : i32 to vector<256x128xi32>
    %add3A_323 = arith.addi %iota3A, %add3A_322 : vector<256x128xi32>
    %lt3A_324 = arith.cmpi slt, %slice3A_320, %select_n3A_303 : vector<256x128xi32>
    %select_n3A_325 = arith.select %lt3A_324, %add3A_323, %select_n3A_301 : vector<256x128xi1>, vector<256x128xi32>
    %select_n3A_326 = arith.select %lt3A_324, %select_n3A_301, %add3A_323 : vector<256x128xi1>, vector<256x128xi32>
    %select_n3A_327 = arith.select %lt3A_324, %slice3A_320, %select_n3A_303 : vector<256x128xi1>, vector<256x128xi32>
    %select_n3A_328 = arith.select %lt3A_324, %select_n3A_303, %slice3A_320 : vector<256x128xi1>, vector<256x128xi32>
    %lt3A_329 = arith.cmpi slt, %select_n3A_328, %select_n3A_308 : vector<256x128xi32>
    %select_n3A_330 = arith.select %lt3A_329, %select_n3A_326, %select_n3A_306 : vector<256x128xi1>, vector<256x128xi32>
    %select_n3A_331 = arith.select %lt3A_329, %select_n3A_306, %select_n3A_326 : vector<256x128xi1>, vector<256x128xi32>
    %select_n3A_332 = arith.select %lt3A_329, %select_n3A_328, %select_n3A_308 : vector<256x128xi1>, vector<256x128xi32>
    %select_n3A_333 = arith.select %lt3A_329, %select_n3A_308, %select_n3A_328 : vector<256x128xi1>, vector<256x128xi32>
    %lt3A_334 = arith.cmpi slt, %select_n3A_333, %select_n3A_313 : vector<256x128xi32>
    %select_n3A_335 = arith.select %lt3A_334, %select_n3A_331, %select_n3A_311 : vector<256x128xi1>, vector<256x128xi32>
    %select_n3A_336 = arith.select %lt3A_334, %select_n3A_311, %select_n3A_331 : vector<256x128xi1>, vector<256x128xi32>
    %select_n3A_337 = arith.select %lt3A_334, %select_n3A_333, %select_n3A_313 : vector<256x128xi1>, vector<256x128xi32>
    %select_n3A_338 = arith.select %lt3A_334, %select_n3A_313, %select_n3A_333 : vector<256x128xi1>, vector<256x128xi32>
    %lt3A_339 = arith.cmpi slt, %select_n3A_338, %select_n3A_317 : vector<256x128xi32>
    %select_n3A_340 = arith.select %lt3A_339, %select_n3A_336, %select_n3A_316 : vector<256x128xi1>, vector<256x128xi32>
    %select_n3A_341 = arith.select %lt3A_339, %select_n3A_338, %select_n3A_317 : vector<256x128xi1>, vector<256x128xi32>
    %select_n3A_342 = arith.select %lt3A_339, %select_n3A_317, %select_n3A_338 : vector<256x128xi1>, vector<256x128xi32>
    %min3A_343 = arith.minsi %min3A_319, %select_n3A_342 : vector<256x128xi32>
    %slice3A_344 = vector.extract_strided_slice %bitcast_convert_type3A {offsets = [0, 1664], sizes = [256, 128], strides = [1, 1]} : vector<256x4096xi32> to vector<256x128xi32>
    %add3A_345 = arith.constant 1664 : i32
    %add3A_346 = vector.broadcast %add3A_345 : i32 to vector<256x128xi32>
    %add3A_347 = arith.addi %iota3A, %add3A_346 : vector<256x128xi32>
    %lt3A_348 = arith.cmpi slt, %slice3A_344, %select_n3A_327 : vector<256x128xi32>
    %select_n3A_349 = arith.select %lt3A_348, %add3A_347, %select_n3A_325 : vector<256x128xi1>, vector<256x128xi32>
    %select_n3A_350 = arith.select %lt3A_348, %select_n3A_325, %add3A_347 : vector<256x128xi1>, vector<256x128xi32>
    %select_n3A_351 = arith.select %lt3A_348, %slice3A_344, %select_n3A_327 : vector<256x128xi1>, vector<256x128xi32>
    %select_n3A_352 = arith.select %lt3A_348, %select_n3A_327, %slice3A_344 : vector<256x128xi1>, vector<256x128xi32>
    %lt3A_353 = arith.cmpi slt, %select_n3A_352, %select_n3A_332 : vector<256x128xi32>
    %select_n3A_354 = arith.select %lt3A_353, %select_n3A_350, %select_n3A_330 : vector<256x128xi1>, vector<256x128xi32>
    %select_n3A_355 = arith.select %lt3A_353, %select_n3A_330, %select_n3A_350 : vector<256x128xi1>, vector<256x128xi32>
    %select_n3A_356 = arith.select %lt3A_353, %select_n3A_352, %select_n3A_332 : vector<256x128xi1>, vector<256x128xi32>
    %select_n3A_357 = arith.select %lt3A_353, %select_n3A_332, %select_n3A_352 : vector<256x128xi1>, vector<256x128xi32>
    %lt3A_358 = arith.cmpi slt, %select_n3A_357, %select_n3A_337 : vector<256x128xi32>
    %select_n3A_359 = arith.select %lt3A_358, %select_n3A_355, %select_n3A_335 : vector<256x128xi1>, vector<256x128xi32>
    %select_n3A_360 = arith.select %lt3A_358, %select_n3A_335, %select_n3A_355 : vector<256x128xi1>, vector<256x128xi32>
    %select_n3A_361 = arith.select %lt3A_358, %select_n3A_357, %select_n3A_337 : vector<256x128xi1>, vector<256x128xi32>
    %select_n3A_362 = arith.select %lt3A_358, %select_n3A_337, %select_n3A_357 : vector<256x128xi1>, vector<256x128xi32>
    %lt3A_363 = arith.cmpi slt, %select_n3A_362, %select_n3A_341 : vector<256x128xi32>
    %select_n3A_364 = arith.select %lt3A_363, %select_n3A_360, %select_n3A_340 : vector<256x128xi1>, vector<256x128xi32>
    %select_n3A_365 = arith.select %lt3A_363, %select_n3A_362, %select_n3A_341 : vector<256x128xi1>, vector<256x128xi32>
    %select_n3A_366 = arith.select %lt3A_363, %select_n3A_341, %select_n3A_362 : vector<256x128xi1>, vector<256x128xi32>
    %min3A_367 = arith.minsi %min3A_343, %select_n3A_366 : vector<256x128xi32>
    %slice3A_368 = vector.extract_strided_slice %bitcast_convert_type3A {offsets = [0, 1792], sizes = [256, 128], strides = [1, 1]} : vector<256x4096xi32> to vector<256x128xi32>
    %add3A_369 = arith.constant 1792 : i32
    %add3A_370 = vector.broadcast %add3A_369 : i32 to vector<256x128xi32>
    %add3A_371 = arith.addi %iota3A, %add3A_370 : vector<256x128xi32>
    %lt3A_372 = arith.cmpi slt, %slice3A_368, %select_n3A_351 : vector<256x128xi32>
    %select_n3A_373 = arith.select %lt3A_372, %add3A_371, %select_n3A_349 : vector<256x128xi1>, vector<256x128xi32>
    %select_n3A_374 = arith.select %lt3A_372, %select_n3A_349, %add3A_371 : vector<256x128xi1>, vector<256x128xi32>
    %select_n3A_375 = arith.select %lt3A_372, %slice3A_368, %select_n3A_351 : vector<256x128xi1>, vector<256x128xi32>
    %select_n3A_376 = arith.select %lt3A_372, %select_n3A_351, %slice3A_368 : vector<256x128xi1>, vector<256x128xi32>
    %lt3A_377 = arith.cmpi slt, %select_n3A_376, %select_n3A_356 : vector<256x128xi32>
    %select_n3A_378 = arith.select %lt3A_377, %select_n3A_374, %select_n3A_354 : vector<256x128xi1>, vector<256x128xi32>
    %select_n3A_379 = arith.select %lt3A_377, %select_n3A_354, %select_n3A_374 : vector<256x128xi1>, vector<256x128xi32>
    %select_n3A_380 = arith.select %lt3A_377, %select_n3A_376, %select_n3A_356 : vector<256x128xi1>, vector<256x128xi32>
    %select_n3A_381 = arith.select %lt3A_377, %select_n3A_356, %select_n3A_376 : vector<256x128xi1>, vector<256x128xi32>
    %lt3A_382 = arith.cmpi slt, %select_n3A_381, %select_n3A_361 : vector<256x128xi32>
    %select_n3A_383 = arith.select %lt3A_382, %select_n3A_379, %select_n3A_359 : vector<256x128xi1>, vector<256x128xi32>
    %select_n3A_384 = arith.select %lt3A_382, %select_n3A_359, %select_n3A_379 : vector<256x128xi1>, vector<256x128xi32>
    %select_n3A_385 = arith.select %lt3A_382, %select_n3A_381, %select_n3A_361 : vector<256x128xi1>, vector<256x128xi32>
    %select_n3A_386 = arith.select %lt3A_382, %select_n3A_361, %select_n3A_381 : vector<256x128xi1>, vector<256x128xi32>
    %lt3A_387 = arith.cmpi slt, %select_n3A_386, %select_n3A_365 : vector<256x128xi32>
    %select_n3A_388 = arith.select %lt3A_387, %select_n3A_384, %select_n3A_364 : vector<256x128xi1>, vector<256x128xi32>
    %select_n3A_389 = arith.select %lt3A_387, %select_n3A_386, %select_n3A_365 : vector<256x128xi1>, vector<256x128xi32>
    %select_n3A_390 = arith.select %lt3A_387, %select_n3A_365, %select_n3A_386 : vector<256x128xi1>, vector<256x128xi32>
    %min3A_391 = arith.minsi %min3A_367, %select_n3A_390 : vector<256x128xi32>
    %slice3A_392 = vector.extract_strided_slice %bitcast_convert_type3A {offsets = [0, 1920], sizes = [256, 128], strides = [1, 1]} : vector<256x4096xi32> to vector<256x128xi32>
    %add3A_393 = arith.constant 1920 : i32
    %add3A_394 = vector.broadcast %add3A_393 : i32 to vector<256x128xi32>
    %add3A_395 = arith.addi %iota3A, %add3A_394 : vector<256x128xi32>
    %lt3A_396 = arith.cmpi slt, %slice3A_392, %select_n3A_375 : vector<256x128xi32>
    %select_n3A_397 = arith.select %lt3A_396, %add3A_395, %select_n3A_373 : vector<256x128xi1>, vector<256x128xi32>
    %select_n3A_398 = arith.select %lt3A_396, %select_n3A_373, %add3A_395 : vector<256x128xi1>, vector<256x128xi32>
    %select_n3A_399 = arith.select %lt3A_396, %slice3A_392, %select_n3A_375 : vector<256x128xi1>, vector<256x128xi32>
    %select_n3A_400 = arith.select %lt3A_396, %select_n3A_375, %slice3A_392 : vector<256x128xi1>, vector<256x128xi32>
    %lt3A_401 = arith.cmpi slt, %select_n3A_400, %select_n3A_380 : vector<256x128xi32>
    %select_n3A_402 = arith.select %lt3A_401, %select_n3A_398, %select_n3A_378 : vector<256x128xi1>, vector<256x128xi32>
    %select_n3A_403 = arith.select %lt3A_401, %select_n3A_378, %select_n3A_398 : vector<256x128xi1>, vector<256x128xi32>
    %select_n3A_404 = arith.select %lt3A_401, %select_n3A_400, %select_n3A_380 : vector<256x128xi1>, vector<256x128xi32>
    %select_n3A_405 = arith.select %lt3A_401, %select_n3A_380, %select_n3A_400 : vector<256x128xi1>, vector<256x128xi32>
    %lt3A_406 = arith.cmpi slt, %select_n3A_405, %select_n3A_385 : vector<256x128xi32>
    %select_n3A_407 = arith.select %lt3A_406, %select_n3A_403, %select_n3A_383 : vector<256x128xi1>, vector<256x128xi32>
    %select_n3A_408 = arith.select %lt3A_406, %select_n3A_383, %select_n3A_403 : vector<256x128xi1>, vector<256x128xi32>
    %select_n3A_409 = arith.select %lt3A_406, %select_n3A_405, %select_n3A_385 : vector<256x128xi1>, vector<256x128xi32>
    %select_n3A_410 = arith.select %lt3A_406, %select_n3A_385, %select_n3A_405 : vector<256x128xi1>, vector<256x128xi32>
    %lt3A_411 = arith.cmpi slt, %select_n3A_410, %select_n3A_389 : vector<256x128xi32>
    %select_n3A_412 = arith.select %lt3A_411, %select_n3A_408, %select_n3A_388 : vector<256x128xi1>, vector<256x128xi32>
    %select_n3A_413 = arith.select %lt3A_411, %select_n3A_410, %select_n3A_389 : vector<256x128xi1>, vector<256x128xi32>
    %select_n3A_414 = arith.select %lt3A_411, %select_n3A_389, %select_n3A_410 : vector<256x128xi1>, vector<256x128xi32>
    %min3A_415 = arith.minsi %min3A_391, %select_n3A_414 : vector<256x128xi32>
    %slice3A_416 = vector.extract_strided_slice %bitcast_convert_type3A {offsets = [0, 2048], sizes = [256, 128], strides = [1, 1]} : vector<256x4096xi32> to vector<256x128xi32>
    %add3A_417 = arith.constant 2048 : i32
    %add3A_418 = vector.broadcast %add3A_417 : i32 to vector<256x128xi32>
    %add3A_419 = arith.addi %iota3A, %add3A_418 : vector<256x128xi32>
    %lt3A_420 = arith.cmpi slt, %slice3A_416, %select_n3A_399 : vector<256x128xi32>
    %select_n3A_421 = arith.select %lt3A_420, %add3A_419, %select_n3A_397 : vector<256x128xi1>, vector<256x128xi32>
    %select_n3A_422 = arith.select %lt3A_420, %select_n3A_397, %add3A_419 : vector<256x128xi1>, vector<256x128xi32>
    %select_n3A_423 = arith.select %lt3A_420, %slice3A_416, %select_n3A_399 : vector<256x128xi1>, vector<256x128xi32>
    %select_n3A_424 = arith.select %lt3A_420, %select_n3A_399, %slice3A_416 : vector<256x128xi1>, vector<256x128xi32>
    %lt3A_425 = arith.cmpi slt, %select_n3A_424, %select_n3A_404 : vector<256x128xi32>
    %select_n3A_426 = arith.select %lt3A_425, %select_n3A_422, %select_n3A_402 : vector<256x128xi1>, vector<256x128xi32>
    %select_n3A_427 = arith.select %lt3A_425, %select_n3A_402, %select_n3A_422 : vector<256x128xi1>, vector<256x128xi32>
    %select_n3A_428 = arith.select %lt3A_425, %select_n3A_424, %select_n3A_404 : vector<256x128xi1>, vector<256x128xi32>
    %select_n3A_429 = arith.select %lt3A_425, %select_n3A_404, %select_n3A_424 : vector<256x128xi1>, vector<256x128xi32>
    %lt3A_430 = arith.cmpi slt, %select_n3A_429, %select_n3A_409 : vector<256x128xi32>
    %select_n3A_431 = arith.select %lt3A_430, %select_n3A_427, %select_n3A_407 : vector<256x128xi1>, vector<256x128xi32>
    %select_n3A_432 = arith.select %lt3A_430, %select_n3A_407, %select_n3A_427 : vector<256x128xi1>, vector<256x128xi32>
    %select_n3A_433 = arith.select %lt3A_430, %select_n3A_429, %select_n3A_409 : vector<256x128xi1>, vector<256x128xi32>
    %select_n3A_434 = arith.select %lt3A_430, %select_n3A_409, %select_n3A_429 : vector<256x128xi1>, vector<256x128xi32>
    %lt3A_435 = arith.cmpi slt, %select_n3A_434, %select_n3A_413 : vector<256x128xi32>
    %select_n3A_436 = arith.select %lt3A_435, %select_n3A_432, %select_n3A_412 : vector<256x128xi1>, vector<256x128xi32>
    %select_n3A_437 = arith.select %lt3A_435, %select_n3A_434, %select_n3A_413 : vector<256x128xi1>, vector<256x128xi32>
    %select_n3A_438 = arith.select %lt3A_435, %select_n3A_413, %select_n3A_434 : vector<256x128xi1>, vector<256x128xi32>
    %min3A_439 = arith.minsi %min3A_415, %select_n3A_438 : vector<256x128xi32>
    %slice3A_440 = vector.extract_strided_slice %bitcast_convert_type3A {offsets = [0, 2176], sizes = [256, 128], strides = [1, 1]} : vector<256x4096xi32> to vector<256x128xi32>
    %add3A_441 = arith.constant 2176 : i32
    %add3A_442 = vector.broadcast %add3A_441 : i32 to vector<256x128xi32>
    %add3A_443 = arith.addi %iota3A, %add3A_442 : vector<256x128xi32>
    %lt3A_444 = arith.cmpi slt, %slice3A_440, %select_n3A_423 : vector<256x128xi32>
    %select_n3A_445 = arith.select %lt3A_444, %add3A_443, %select_n3A_421 : vector<256x128xi1>, vector<256x128xi32>
    %select_n3A_446 = arith.select %lt3A_444, %select_n3A_421, %add3A_443 : vector<256x128xi1>, vector<256x128xi32>
    %select_n3A_447 = arith.select %lt3A_444, %slice3A_440, %select_n3A_423 : vector<256x128xi1>, vector<256x128xi32>
    %select_n3A_448 = arith.select %lt3A_444, %select_n3A_423, %slice3A_440 : vector<256x128xi1>, vector<256x128xi32>
    %lt3A_449 = arith.cmpi slt, %select_n3A_448, %select_n3A_428 : vector<256x128xi32>
    %select_n3A_450 = arith.select %lt3A_449, %select_n3A_446, %select_n3A_426 : vector<256x128xi1>, vector<256x128xi32>
    %select_n3A_451 = arith.select %lt3A_449, %select_n3A_426, %select_n3A_446 : vector<256x128xi1>, vector<256x128xi32>
    %select_n3A_452 = arith.select %lt3A_449, %select_n3A_448, %select_n3A_428 : vector<256x128xi1>, vector<256x128xi32>
    %select_n3A_453 = arith.select %lt3A_449, %select_n3A_428, %select_n3A_448 : vector<256x128xi1>, vector<256x128xi32>
    %lt3A_454 = arith.cmpi slt, %select_n3A_453, %select_n3A_433 : vector<256x128xi32>
    %select_n3A_455 = arith.select %lt3A_454, %select_n3A_451, %select_n3A_431 : vector<256x128xi1>, vector<256x128xi32>
    %select_n3A_456 = arith.select %lt3A_454, %select_n3A_431, %select_n3A_451 : vector<256x128xi1>, vector<256x128xi32>
    %select_n3A_457 = arith.select %lt3A_454, %select_n3A_453, %select_n3A_433 : vector<256x128xi1>, vector<256x128xi32>
    %select_n3A_458 = arith.select %lt3A_454, %select_n3A_433, %select_n3A_453 : vector<256x128xi1>, vector<256x128xi32>
    %lt3A_459 = arith.cmpi slt, %select_n3A_458, %select_n3A_437 : vector<256x128xi32>
    %select_n3A_460 = arith.select %lt3A_459, %select_n3A_456, %select_n3A_436 : vector<256x128xi1>, vector<256x128xi32>
    %select_n3A_461 = arith.select %lt3A_459, %select_n3A_458, %select_n3A_437 : vector<256x128xi1>, vector<256x128xi32>
    %select_n3A_462 = arith.select %lt3A_459, %select_n3A_437, %select_n3A_458 : vector<256x128xi1>, vector<256x128xi32>
    %min3A_463 = arith.minsi %min3A_439, %select_n3A_462 : vector<256x128xi32>
    %slice3A_464 = vector.extract_strided_slice %bitcast_convert_type3A {offsets = [0, 2304], sizes = [256, 128], strides = [1, 1]} : vector<256x4096xi32> to vector<256x128xi32>
    %add3A_465 = arith.constant 2304 : i32
    %add3A_466 = vector.broadcast %add3A_465 : i32 to vector<256x128xi32>
    %add3A_467 = arith.addi %iota3A, %add3A_466 : vector<256x128xi32>
    %lt3A_468 = arith.cmpi slt, %slice3A_464, %select_n3A_447 : vector<256x128xi32>
    %select_n3A_469 = arith.select %lt3A_468, %add3A_467, %select_n3A_445 : vector<256x128xi1>, vector<256x128xi32>
    %select_n3A_470 = arith.select %lt3A_468, %select_n3A_445, %add3A_467 : vector<256x128xi1>, vector<256x128xi32>
    %select_n3A_471 = arith.select %lt3A_468, %slice3A_464, %select_n3A_447 : vector<256x128xi1>, vector<256x128xi32>
    %select_n3A_472 = arith.select %lt3A_468, %select_n3A_447, %slice3A_464 : vector<256x128xi1>, vector<256x128xi32>
    %lt3A_473 = arith.cmpi slt, %select_n3A_472, %select_n3A_452 : vector<256x128xi32>
    %select_n3A_474 = arith.select %lt3A_473, %select_n3A_470, %select_n3A_450 : vector<256x128xi1>, vector<256x128xi32>
    %select_n3A_475 = arith.select %lt3A_473, %select_n3A_450, %select_n3A_470 : vector<256x128xi1>, vector<256x128xi32>
    %select_n3A_476 = arith.select %lt3A_473, %select_n3A_472, %select_n3A_452 : vector<256x128xi1>, vector<256x128xi32>
    %select_n3A_477 = arith.select %lt3A_473, %select_n3A_452, %select_n3A_472 : vector<256x128xi1>, vector<256x128xi32>
    %lt3A_478 = arith.cmpi slt, %select_n3A_477, %select_n3A_457 : vector<256x128xi32>
    %select_n3A_479 = arith.select %lt3A_478, %select_n3A_475, %select_n3A_455 : vector<256x128xi1>, vector<256x128xi32>
    %select_n3A_480 = arith.select %lt3A_478, %select_n3A_455, %select_n3A_475 : vector<256x128xi1>, vector<256x128xi32>
    %select_n3A_481 = arith.select %lt3A_478, %select_n3A_477, %select_n3A_457 : vector<256x128xi1>, vector<256x128xi32>
    %select_n3A_482 = arith.select %lt3A_478, %select_n3A_457, %select_n3A_477 : vector<256x128xi1>, vector<256x128xi32>
    %lt3A_483 = arith.cmpi slt, %select_n3A_482, %select_n3A_461 : vector<256x128xi32>
    %select_n3A_484 = arith.select %lt3A_483, %select_n3A_480, %select_n3A_460 : vector<256x128xi1>, vector<256x128xi32>
    %select_n3A_485 = arith.select %lt3A_483, %select_n3A_482, %select_n3A_461 : vector<256x128xi1>, vector<256x128xi32>
    %select_n3A_486 = arith.select %lt3A_483, %select_n3A_461, %select_n3A_482 : vector<256x128xi1>, vector<256x128xi32>
    %min3A_487 = arith.minsi %min3A_463, %select_n3A_486 : vector<256x128xi32>
    %slice3A_488 = vector.extract_strided_slice %bitcast_convert_type3A {offsets = [0, 2432], sizes = [256, 128], strides = [1, 1]} : vector<256x4096xi32> to vector<256x128xi32>
    %add3A_489 = arith.constant 2432 : i32
    %add3A_490 = vector.broadcast %add3A_489 : i32 to vector<256x128xi32>
    %add3A_491 = arith.addi %iota3A, %add3A_490 : vector<256x128xi32>
    %lt3A_492 = arith.cmpi slt, %slice3A_488, %select_n3A_471 : vector<256x128xi32>
    %select_n3A_493 = arith.select %lt3A_492, %add3A_491, %select_n3A_469 : vector<256x128xi1>, vector<256x128xi32>
    %select_n3A_494 = arith.select %lt3A_492, %select_n3A_469, %add3A_491 : vector<256x128xi1>, vector<256x128xi32>
    %select_n3A_495 = arith.select %lt3A_492, %slice3A_488, %select_n3A_471 : vector<256x128xi1>, vector<256x128xi32>
    %select_n3A_496 = arith.select %lt3A_492, %select_n3A_471, %slice3A_488 : vector<256x128xi1>, vector<256x128xi32>
    %lt3A_497 = arith.cmpi slt, %select_n3A_496, %select_n3A_476 : vector<256x128xi32>
    %select_n3A_498 = arith.select %lt3A_497, %select_n3A_494, %select_n3A_474 : vector<256x128xi1>, vector<256x128xi32>
    %select_n3A_499 = arith.select %lt3A_497, %select_n3A_474, %select_n3A_494 : vector<256x128xi1>, vector<256x128xi32>
    %select_n3A_500 = arith.select %lt3A_497, %select_n3A_496, %select_n3A_476 : vector<256x128xi1>, vector<256x128xi32>
    %select_n3A_501 = arith.select %lt3A_497, %select_n3A_476, %select_n3A_496 : vector<256x128xi1>, vector<256x128xi32>
    %lt3A_502 = arith.cmpi slt, %select_n3A_501, %select_n3A_481 : vector<256x128xi32>
    %select_n3A_503 = arith.select %lt3A_502, %select_n3A_499, %select_n3A_479 : vector<256x128xi1>, vector<256x128xi32>
    %select_n3A_504 = arith.select %lt3A_502, %select_n3A_479, %select_n3A_499 : vector<256x128xi1>, vector<256x128xi32>
    %select_n3A_505 = arith.select %lt3A_502, %select_n3A_501, %select_n3A_481 : vector<256x128xi1>, vector<256x128xi32>
    %select_n3A_506 = arith.select %lt3A_502, %select_n3A_481, %select_n3A_501 : vector<256x128xi1>, vector<256x128xi32>
    %lt3A_507 = arith.cmpi slt, %select_n3A_506, %select_n3A_485 : vector<256x128xi32>
    %select_n3A_508 = arith.select %lt3A_507, %select_n3A_504, %select_n3A_484 : vector<256x128xi1>, vector<256x128xi32>
    %select_n3A_509 = arith.select %lt3A_507, %select_n3A_506, %select_n3A_485 : vector<256x128xi1>, vector<256x128xi32>
    %select_n3A_510 = arith.select %lt3A_507, %select_n3A_485, %select_n3A_506 : vector<256x128xi1>, vector<256x128xi32>
    %min3A_511 = arith.minsi %min3A_487, %select_n3A_510 : vector<256x128xi32>
    %slice3A_512 = vector.extract_strided_slice %bitcast_convert_type3A {offsets = [0, 2560], sizes = [256, 128], strides = [1, 1]} : vector<256x4096xi32> to vector<256x128xi32>
    %add3A_513 = arith.constant 2560 : i32
    %add3A_514 = vector.broadcast %add3A_513 : i32 to vector<256x128xi32>
    %add3A_515 = arith.addi %iota3A, %add3A_514 : vector<256x128xi32>
    %lt3A_516 = arith.cmpi slt, %slice3A_512, %select_n3A_495 : vector<256x128xi32>
    %select_n3A_517 = arith.select %lt3A_516, %add3A_515, %select_n3A_493 : vector<256x128xi1>, vector<256x128xi32>
    %select_n3A_518 = arith.select %lt3A_516, %select_n3A_493, %add3A_515 : vector<256x128xi1>, vector<256x128xi32>
    %select_n3A_519 = arith.select %lt3A_516, %slice3A_512, %select_n3A_495 : vector<256x128xi1>, vector<256x128xi32>
    %select_n3A_520 = arith.select %lt3A_516, %select_n3A_495, %slice3A_512 : vector<256x128xi1>, vector<256x128xi32>
    %lt3A_521 = arith.cmpi slt, %select_n3A_520, %select_n3A_500 : vector<256x128xi32>
    %select_n3A_522 = arith.select %lt3A_521, %select_n3A_518, %select_n3A_498 : vector<256x128xi1>, vector<256x128xi32>
    %select_n3A_523 = arith.select %lt3A_521, %select_n3A_498, %select_n3A_518 : vector<256x128xi1>, vector<256x128xi32>
    %select_n3A_524 = arith.select %lt3A_521, %select_n3A_520, %select_n3A_500 : vector<256x128xi1>, vector<256x128xi32>
    %select_n3A_525 = arith.select %lt3A_521, %select_n3A_500, %select_n3A_520 : vector<256x128xi1>, vector<256x128xi32>
    %lt3A_526 = arith.cmpi slt, %select_n3A_525, %select_n3A_505 : vector<256x128xi32>
    %select_n3A_527 = arith.select %lt3A_526, %select_n3A_523, %select_n3A_503 : vector<256x128xi1>, vector<256x128xi32>
    %select_n3A_528 = arith.select %lt3A_526, %select_n3A_503, %select_n3A_523 : vector<256x128xi1>, vector<256x128xi32>
    %select_n3A_529 = arith.select %lt3A_526, %select_n3A_525, %select_n3A_505 : vector<256x128xi1>, vector<256x128xi32>
    %select_n3A_530 = arith.select %lt3A_526, %select_n3A_505, %select_n3A_525 : vector<256x128xi1>, vector<256x128xi32>
    %lt3A_531 = arith.cmpi slt, %select_n3A_530, %select_n3A_509 : vector<256x128xi32>
    %select_n3A_532 = arith.select %lt3A_531, %select_n3A_528, %select_n3A_508 : vector<256x128xi1>, vector<256x128xi32>
    %select_n3A_533 = arith.select %lt3A_531, %select_n3A_530, %select_n3A_509 : vector<256x128xi1>, vector<256x128xi32>
    %select_n3A_534 = arith.select %lt3A_531, %select_n3A_509, %select_n3A_530 : vector<256x128xi1>, vector<256x128xi32>
    %min3A_535 = arith.minsi %min3A_511, %select_n3A_534 : vector<256x128xi32>
    %slice3A_536 = vector.extract_strided_slice %bitcast_convert_type3A {offsets = [0, 2688], sizes = [256, 128], strides = [1, 1]} : vector<256x4096xi32> to vector<256x128xi32>
    %add3A_537 = arith.constant 2688 : i32
    %add3A_538 = vector.broadcast %add3A_537 : i32 to vector<256x128xi32>
    %add3A_539 = arith.addi %iota3A, %add3A_538 : vector<256x128xi32>
    %lt3A_540 = arith.cmpi slt, %slice3A_536, %select_n3A_519 : vector<256x128xi32>
    %select_n3A_541 = arith.select %lt3A_540, %add3A_539, %select_n3A_517 : vector<256x128xi1>, vector<256x128xi32>
    %select_n3A_542 = arith.select %lt3A_540, %select_n3A_517, %add3A_539 : vector<256x128xi1>, vector<256x128xi32>
    %select_n3A_543 = arith.select %lt3A_540, %slice3A_536, %select_n3A_519 : vector<256x128xi1>, vector<256x128xi32>
    %select_n3A_544 = arith.select %lt3A_540, %select_n3A_519, %slice3A_536 : vector<256x128xi1>, vector<256x128xi32>
    %lt3A_545 = arith.cmpi slt, %select_n3A_544, %select_n3A_524 : vector<256x128xi32>
    %select_n3A_546 = arith.select %lt3A_545, %select_n3A_542, %select_n3A_522 : vector<256x128xi1>, vector<256x128xi32>
    %select_n3A_547 = arith.select %lt3A_545, %select_n3A_522, %select_n3A_542 : vector<256x128xi1>, vector<256x128xi32>
    %select_n3A_548 = arith.select %lt3A_545, %select_n3A_544, %select_n3A_524 : vector<256x128xi1>, vector<256x128xi32>
    %select_n3A_549 = arith.select %lt3A_545, %select_n3A_524, %select_n3A_544 : vector<256x128xi1>, vector<256x128xi32>
    %lt3A_550 = arith.cmpi slt, %select_n3A_549, %select_n3A_529 : vector<256x128xi32>
    %select_n3A_551 = arith.select %lt3A_550, %select_n3A_547, %select_n3A_527 : vector<256x128xi1>, vector<256x128xi32>
    %select_n3A_552 = arith.select %lt3A_550, %select_n3A_527, %select_n3A_547 : vector<256x128xi1>, vector<256x128xi32>
    %select_n3A_553 = arith.select %lt3A_550, %select_n3A_549, %select_n3A_529 : vector<256x128xi1>, vector<256x128xi32>
    %select_n3A_554 = arith.select %lt3A_550, %select_n3A_529, %select_n3A_549 : vector<256x128xi1>, vector<256x128xi32>
    %lt3A_555 = arith.cmpi slt, %select_n3A_554, %select_n3A_533 : vector<256x128xi32>
    %select_n3A_556 = arith.select %lt3A_555, %select_n3A_552, %select_n3A_532 : vector<256x128xi1>, vector<256x128xi32>
    %select_n3A_557 = arith.select %lt3A_555, %select_n3A_554, %select_n3A_533 : vector<256x128xi1>, vector<256x128xi32>
    %select_n3A_558 = arith.select %lt3A_555, %select_n3A_533, %select_n3A_554 : vector<256x128xi1>, vector<256x128xi32>
    %min3A_559 = arith.minsi %min3A_535, %select_n3A_558 : vector<256x128xi32>
    %slice3A_560 = vector.extract_strided_slice %bitcast_convert_type3A {offsets = [0, 2816], sizes = [256, 128], strides = [1, 1]} : vector<256x4096xi32> to vector<256x128xi32>
    %add3A_561 = arith.constant 2816 : i32
    %add3A_562 = vector.broadcast %add3A_561 : i32 to vector<256x128xi32>
    %add3A_563 = arith.addi %iota3A, %add3A_562 : vector<256x128xi32>
    %lt3A_564 = arith.cmpi slt, %slice3A_560, %select_n3A_543 : vector<256x128xi32>
    %select_n3A_565 = arith.select %lt3A_564, %add3A_563, %select_n3A_541 : vector<256x128xi1>, vector<256x128xi32>
    %select_n3A_566 = arith.select %lt3A_564, %select_n3A_541, %add3A_563 : vector<256x128xi1>, vector<256x128xi32>
    %select_n3A_567 = arith.select %lt3A_564, %slice3A_560, %select_n3A_543 : vector<256x128xi1>, vector<256x128xi32>
    %select_n3A_568 = arith.select %lt3A_564, %select_n3A_543, %slice3A_560 : vector<256x128xi1>, vector<256x128xi32>
    %lt3A_569 = arith.cmpi slt, %select_n3A_568, %select_n3A_548 : vector<256x128xi32>
    %select_n3A_570 = arith.select %lt3A_569, %select_n3A_566, %select_n3A_546 : vector<256x128xi1>, vector<256x128xi32>
    %select_n3A_571 = arith.select %lt3A_569, %select_n3A_546, %select_n3A_566 : vector<256x128xi1>, vector<256x128xi32>
    %select_n3A_572 = arith.select %lt3A_569, %select_n3A_568, %select_n3A_548 : vector<256x128xi1>, vector<256x128xi32>
    %select_n3A_573 = arith.select %lt3A_569, %select_n3A_548, %select_n3A_568 : vector<256x128xi1>, vector<256x128xi32>
    %lt3A_574 = arith.cmpi slt, %select_n3A_573, %select_n3A_553 : vector<256x128xi32>
    %select_n3A_575 = arith.select %lt3A_574, %select_n3A_571, %select_n3A_551 : vector<256x128xi1>, vector<256x128xi32>
    %select_n3A_576 = arith.select %lt3A_574, %select_n3A_551, %select_n3A_571 : vector<256x128xi1>, vector<256x128xi32>
    %select_n3A_577 = arith.select %lt3A_574, %select_n3A_573, %select_n3A_553 : vector<256x128xi1>, vector<256x128xi32>
    %select_n3A_578 = arith.select %lt3A_574, %select_n3A_553, %select_n3A_573 : vector<256x128xi1>, vector<256x128xi32>
    %lt3A_579 = arith.cmpi slt, %select_n3A_578, %select_n3A_557 : vector<256x128xi32>
    %select_n3A_580 = arith.select %lt3A_579, %select_n3A_576, %select_n3A_556 : vector<256x128xi1>, vector<256x128xi32>
    %select_n3A_581 = arith.select %lt3A_579, %select_n3A_578, %select_n3A_557 : vector<256x128xi1>, vector<256x128xi32>
    %select_n3A_582 = arith.select %lt3A_579, %select_n3A_557, %select_n3A_578 : vector<256x128xi1>, vector<256x128xi32>
    %min3A_583 = arith.minsi %min3A_559, %select_n3A_582 : vector<256x128xi32>
    %slice3A_584 = vector.extract_strided_slice %bitcast_convert_type3A {offsets = [0, 2944], sizes = [256, 128], strides = [1, 1]} : vector<256x4096xi32> to vector<256x128xi32>
    %add3A_585 = arith.constant 2944 : i32
    %add3A_586 = vector.broadcast %add3A_585 : i32 to vector<256x128xi32>
    %add3A_587 = arith.addi %iota3A, %add3A_586 : vector<256x128xi32>
    %lt3A_588 = arith.cmpi slt, %slice3A_584, %select_n3A_567 : vector<256x128xi32>
    %select_n3A_589 = arith.select %lt3A_588, %add3A_587, %select_n3A_565 : vector<256x128xi1>, vector<256x128xi32>
    %select_n3A_590 = arith.select %lt3A_588, %select_n3A_565, %add3A_587 : vector<256x128xi1>, vector<256x128xi32>
    %select_n3A_591 = arith.select %lt3A_588, %slice3A_584, %select_n3A_567 : vector<256x128xi1>, vector<256x128xi32>
    %select_n3A_592 = arith.select %lt3A_588, %select_n3A_567, %slice3A_584 : vector<256x128xi1>, vector<256x128xi32>
    %lt3A_593 = arith.cmpi slt, %select_n3A_592, %select_n3A_572 : vector<256x128xi32>
    %select_n3A_594 = arith.select %lt3A_593, %select_n3A_590, %select_n3A_570 : vector<256x128xi1>, vector<256x128xi32>
    %select_n3A_595 = arith.select %lt3A_593, %select_n3A_570, %select_n3A_590 : vector<256x128xi1>, vector<256x128xi32>
    %select_n3A_596 = arith.select %lt3A_593, %select_n3A_592, %select_n3A_572 : vector<256x128xi1>, vector<256x128xi32>
    %select_n3A_597 = arith.select %lt3A_593, %select_n3A_572, %select_n3A_592 : vector<256x128xi1>, vector<256x128xi32>
    %lt3A_598 = arith.cmpi slt, %select_n3A_597, %select_n3A_577 : vector<256x128xi32>
    %select_n3A_599 = arith.select %lt3A_598, %select_n3A_595, %select_n3A_575 : vector<256x128xi1>, vector<256x128xi32>
    %select_n3A_600 = arith.select %lt3A_598, %select_n3A_575, %select_n3A_595 : vector<256x128xi1>, vector<256x128xi32>
    %select_n3A_601 = arith.select %lt3A_598, %select_n3A_597, %select_n3A_577 : vector<256x128xi1>, vector<256x128xi32>
    %select_n3A_602 = arith.select %lt3A_598, %select_n3A_577, %select_n3A_597 : vector<256x128xi1>, vector<256x128xi32>
    %lt3A_603 = arith.cmpi slt, %select_n3A_602, %select_n3A_581 : vector<256x128xi32>
    %select_n3A_604 = arith.select %lt3A_603, %select_n3A_600, %select_n3A_580 : vector<256x128xi1>, vector<256x128xi32>
    %select_n3A_605 = arith.select %lt3A_603, %select_n3A_602, %select_n3A_581 : vector<256x128xi1>, vector<256x128xi32>
    %select_n3A_606 = arith.select %lt3A_603, %select_n3A_581, %select_n3A_602 : vector<256x128xi1>, vector<256x128xi32>
    %min3A_607 = arith.minsi %min3A_583, %select_n3A_606 : vector<256x128xi32>
    %slice3A_608 = vector.extract_strided_slice %bitcast_convert_type3A {offsets = [0, 3072], sizes = [256, 128], strides = [1, 1]} : vector<256x4096xi32> to vector<256x128xi32>
    %add3A_609 = arith.constant 3072 : i32
    %add3A_610 = vector.broadcast %add3A_609 : i32 to vector<256x128xi32>
    %add3A_611 = arith.addi %iota3A, %add3A_610 : vector<256x128xi32>
    %lt3A_612 = arith.cmpi slt, %slice3A_608, %select_n3A_591 : vector<256x128xi32>
    %select_n3A_613 = arith.select %lt3A_612, %add3A_611, %select_n3A_589 : vector<256x128xi1>, vector<256x128xi32>
    %select_n3A_614 = arith.select %lt3A_612, %select_n3A_589, %add3A_611 : vector<256x128xi1>, vector<256x128xi32>
    %select_n3A_615 = arith.select %lt3A_612, %slice3A_608, %select_n3A_591 : vector<256x128xi1>, vector<256x128xi32>
    %select_n3A_616 = arith.select %lt3A_612, %select_n3A_591, %slice3A_608 : vector<256x128xi1>, vector<256x128xi32>
    %lt3A_617 = arith.cmpi slt, %select_n3A_616, %select_n3A_596 : vector<256x128xi32>
    %select_n3A_618 = arith.select %lt3A_617, %select_n3A_614, %select_n3A_594 : vector<256x128xi1>, vector<256x128xi32>
    %select_n3A_619 = arith.select %lt3A_617, %select_n3A_594, %select_n3A_614 : vector<256x128xi1>, vector<256x128xi32>
    %select_n3A_620 = arith.select %lt3A_617, %select_n3A_616, %select_n3A_596 : vector<256x128xi1>, vector<256x128xi32>
    %select_n3A_621 = arith.select %lt3A_617, %select_n3A_596, %select_n3A_616 : vector<256x128xi1>, vector<256x128xi32>
    %lt3A_622 = arith.cmpi slt, %select_n3A_621, %select_n3A_601 : vector<256x128xi32>
    %select_n3A_623 = arith.select %lt3A_622, %select_n3A_619, %select_n3A_599 : vector<256x128xi1>, vector<256x128xi32>
    %select_n3A_624 = arith.select %lt3A_622, %select_n3A_599, %select_n3A_619 : vector<256x128xi1>, vector<256x128xi32>
    %select_n3A_625 = arith.select %lt3A_622, %select_n3A_621, %select_n3A_601 : vector<256x128xi1>, vector<256x128xi32>
    %select_n3A_626 = arith.select %lt3A_622, %select_n3A_601, %select_n3A_621 : vector<256x128xi1>, vector<256x128xi32>
    %lt3A_627 = arith.cmpi slt, %select_n3A_626, %select_n3A_605 : vector<256x128xi32>
    %select_n3A_628 = arith.select %lt3A_627, %select_n3A_624, %select_n3A_604 : vector<256x128xi1>, vector<256x128xi32>
    %select_n3A_629 = arith.select %lt3A_627, %select_n3A_626, %select_n3A_605 : vector<256x128xi1>, vector<256x128xi32>
    %select_n3A_630 = arith.select %lt3A_627, %select_n3A_605, %select_n3A_626 : vector<256x128xi1>, vector<256x128xi32>
    %min3A_631 = arith.minsi %min3A_607, %select_n3A_630 : vector<256x128xi32>
    %slice3A_632 = vector.extract_strided_slice %bitcast_convert_type3A {offsets = [0, 3200], sizes = [256, 128], strides = [1, 1]} : vector<256x4096xi32> to vector<256x128xi32>
    %add3A_633 = arith.constant 3200 : i32
    %add3A_634 = vector.broadcast %add3A_633 : i32 to vector<256x128xi32>
    %add3A_635 = arith.addi %iota3A, %add3A_634 : vector<256x128xi32>
    %lt3A_636 = arith.cmpi slt, %slice3A_632, %select_n3A_615 : vector<256x128xi32>
    %select_n3A_637 = arith.select %lt3A_636, %add3A_635, %select_n3A_613 : vector<256x128xi1>, vector<256x128xi32>
    %select_n3A_638 = arith.select %lt3A_636, %select_n3A_613, %add3A_635 : vector<256x128xi1>, vector<256x128xi32>
    %select_n3A_639 = arith.select %lt3A_636, %slice3A_632, %select_n3A_615 : vector<256x128xi1>, vector<256x128xi32>
    %select_n3A_640 = arith.select %lt3A_636, %select_n3A_615, %slice3A_632 : vector<256x128xi1>, vector<256x128xi32>
    %lt3A_641 = arith.cmpi slt, %select_n3A_640, %select_n3A_620 : vector<256x128xi32>
    %select_n3A_642 = arith.select %lt3A_641, %select_n3A_638, %select_n3A_618 : vector<256x128xi1>, vector<256x128xi32>
    %select_n3A_643 = arith.select %lt3A_641, %select_n3A_618, %select_n3A_638 : vector<256x128xi1>, vector<256x128xi32>
    %select_n3A_644 = arith.select %lt3A_641, %select_n3A_640, %select_n3A_620 : vector<256x128xi1>, vector<256x128xi32>
    %select_n3A_645 = arith.select %lt3A_641, %select_n3A_620, %select_n3A_640 : vector<256x128xi1>, vector<256x128xi32>
    %lt3A_646 = arith.cmpi slt, %select_n3A_645, %select_n3A_625 : vector<256x128xi32>
    %select_n3A_647 = arith.select %lt3A_646, %select_n3A_643, %select_n3A_623 : vector<256x128xi1>, vector<256x128xi32>
    %select_n3A_648 = arith.select %lt3A_646, %select_n3A_623, %select_n3A_643 : vector<256x128xi1>, vector<256x128xi32>
    %select_n3A_649 = arith.select %lt3A_646, %select_n3A_645, %select_n3A_625 : vector<256x128xi1>, vector<256x128xi32>
    %select_n3A_650 = arith.select %lt3A_646, %select_n3A_625, %select_n3A_645 : vector<256x128xi1>, vector<256x128xi32>
    %lt3A_651 = arith.cmpi slt, %select_n3A_650, %select_n3A_629 : vector<256x128xi32>
    %select_n3A_652 = arith.select %lt3A_651, %select_n3A_648, %select_n3A_628 : vector<256x128xi1>, vector<256x128xi32>
    %select_n3A_653 = arith.select %lt3A_651, %select_n3A_650, %select_n3A_629 : vector<256x128xi1>, vector<256x128xi32>
    %select_n3A_654 = arith.select %lt3A_651, %select_n3A_629, %select_n3A_650 : vector<256x128xi1>, vector<256x128xi32>
    %min3A_655 = arith.minsi %min3A_631, %select_n3A_654 : vector<256x128xi32>
    %slice3A_656 = vector.extract_strided_slice %bitcast_convert_type3A {offsets = [0, 3328], sizes = [256, 128], strides = [1, 1]} : vector<256x4096xi32> to vector<256x128xi32>
    %add3A_657 = arith.constant 3328 : i32
    %add3A_658 = vector.broadcast %add3A_657 : i32 to vector<256x128xi32>
    %add3A_659 = arith.addi %iota3A, %add3A_658 : vector<256x128xi32>
    %lt3A_660 = arith.cmpi slt, %slice3A_656, %select_n3A_639 : vector<256x128xi32>
    %select_n3A_661 = arith.select %lt3A_660, %add3A_659, %select_n3A_637 : vector<256x128xi1>, vector<256x128xi32>
    %select_n3A_662 = arith.select %lt3A_660, %select_n3A_637, %add3A_659 : vector<256x128xi1>, vector<256x128xi32>
    %select_n3A_663 = arith.select %lt3A_660, %slice3A_656, %select_n3A_639 : vector<256x128xi1>, vector<256x128xi32>
    %select_n3A_664 = arith.select %lt3A_660, %select_n3A_639, %slice3A_656 : vector<256x128xi1>, vector<256x128xi32>
    %lt3A_665 = arith.cmpi slt, %select_n3A_664, %select_n3A_644 : vector<256x128xi32>
    %select_n3A_666 = arith.select %lt3A_665, %select_n3A_662, %select_n3A_642 : vector<256x128xi1>, vector<256x128xi32>
    %select_n3A_667 = arith.select %lt3A_665, %select_n3A_642, %select_n3A_662 : vector<256x128xi1>, vector<256x128xi32>
    %select_n3A_668 = arith.select %lt3A_665, %select_n3A_664, %select_n3A_644 : vector<256x128xi1>, vector<256x128xi32>
    %select_n3A_669 = arith.select %lt3A_665, %select_n3A_644, %select_n3A_664 : vector<256x128xi1>, vector<256x128xi32>
    %lt3A_670 = arith.cmpi slt, %select_n3A_669, %select_n3A_649 : vector<256x128xi32>
    %select_n3A_671 = arith.select %lt3A_670, %select_n3A_667, %select_n3A_647 : vector<256x128xi1>, vector<256x128xi32>
    %select_n3A_672 = arith.select %lt3A_670, %select_n3A_647, %select_n3A_667 : vector<256x128xi1>, vector<256x128xi32>
    %select_n3A_673 = arith.select %lt3A_670, %select_n3A_669, %select_n3A_649 : vector<256x128xi1>, vector<256x128xi32>
    %select_n3A_674 = arith.select %lt3A_670, %select_n3A_649, %select_n3A_669 : vector<256x128xi1>, vector<256x128xi32>
    %lt3A_675 = arith.cmpi slt, %select_n3A_674, %select_n3A_653 : vector<256x128xi32>
    %select_n3A_676 = arith.select %lt3A_675, %select_n3A_672, %select_n3A_652 : vector<256x128xi1>, vector<256x128xi32>
    %select_n3A_677 = arith.select %lt3A_675, %select_n3A_674, %select_n3A_653 : vector<256x128xi1>, vector<256x128xi32>
    %select_n3A_678 = arith.select %lt3A_675, %select_n3A_653, %select_n3A_674 : vector<256x128xi1>, vector<256x128xi32>
    %min3A_679 = arith.minsi %min3A_655, %select_n3A_678 : vector<256x128xi32>
    %slice3A_680 = vector.extract_strided_slice %bitcast_convert_type3A {offsets = [0, 3456], sizes = [256, 128], strides = [1, 1]} : vector<256x4096xi32> to vector<256x128xi32>
    %add3A_681 = arith.constant 3456 : i32
    %add3A_682 = vector.broadcast %add3A_681 : i32 to vector<256x128xi32>
    %add3A_683 = arith.addi %iota3A, %add3A_682 : vector<256x128xi32>
    %lt3A_684 = arith.cmpi slt, %slice3A_680, %select_n3A_663 : vector<256x128xi32>
    %select_n3A_685 = arith.select %lt3A_684, %add3A_683, %select_n3A_661 : vector<256x128xi1>, vector<256x128xi32>
    %select_n3A_686 = arith.select %lt3A_684, %select_n3A_661, %add3A_683 : vector<256x128xi1>, vector<256x128xi32>
    %select_n3A_687 = arith.select %lt3A_684, %slice3A_680, %select_n3A_663 : vector<256x128xi1>, vector<256x128xi32>
    %select_n3A_688 = arith.select %lt3A_684, %select_n3A_663, %slice3A_680 : vector<256x128xi1>, vector<256x128xi32>
    %lt3A_689 = arith.cmpi slt, %select_n3A_688, %select_n3A_668 : vector<256x128xi32>
    %select_n3A_690 = arith.select %lt3A_689, %select_n3A_686, %select_n3A_666 : vector<256x128xi1>, vector<256x128xi32>
    %select_n3A_691 = arith.select %lt3A_689, %select_n3A_666, %select_n3A_686 : vector<256x128xi1>, vector<256x128xi32>
    %select_n3A_692 = arith.select %lt3A_689, %select_n3A_688, %select_n3A_668 : vector<256x128xi1>, vector<256x128xi32>
    %select_n3A_693 = arith.select %lt3A_689, %select_n3A_668, %select_n3A_688 : vector<256x128xi1>, vector<256x128xi32>
    %lt3A_694 = arith.cmpi slt, %select_n3A_693, %select_n3A_673 : vector<256x128xi32>
    %select_n3A_695 = arith.select %lt3A_694, %select_n3A_691, %select_n3A_671 : vector<256x128xi1>, vector<256x128xi32>
    %select_n3A_696 = arith.select %lt3A_694, %select_n3A_671, %select_n3A_691 : vector<256x128xi1>, vector<256x128xi32>
    %select_n3A_697 = arith.select %lt3A_694, %select_n3A_693, %select_n3A_673 : vector<256x128xi1>, vector<256x128xi32>
    %select_n3A_698 = arith.select %lt3A_694, %select_n3A_673, %select_n3A_693 : vector<256x128xi1>, vector<256x128xi32>
    %lt3A_699 = arith.cmpi slt, %select_n3A_698, %select_n3A_677 : vector<256x128xi32>
    %select_n3A_700 = arith.select %lt3A_699, %select_n3A_696, %select_n3A_676 : vector<256x128xi1>, vector<256x128xi32>
    %select_n3A_701 = arith.select %lt3A_699, %select_n3A_698, %select_n3A_677 : vector<256x128xi1>, vector<256x128xi32>
    %select_n3A_702 = arith.select %lt3A_699, %select_n3A_677, %select_n3A_698 : vector<256x128xi1>, vector<256x128xi32>
    %min3A_703 = arith.minsi %min3A_679, %select_n3A_702 : vector<256x128xi32>
    %slice3A_704 = vector.extract_strided_slice %bitcast_convert_type3A {offsets = [0, 3584], sizes = [256, 128], strides = [1, 1]} : vector<256x4096xi32> to vector<256x128xi32>
    %add3A_705 = arith.constant 3584 : i32
    %add3A_706 = vector.broadcast %add3A_705 : i32 to vector<256x128xi32>
    %add3A_707 = arith.addi %iota3A, %add3A_706 : vector<256x128xi32>
    %lt3A_708 = arith.cmpi slt, %slice3A_704, %select_n3A_687 : vector<256x128xi32>
    %select_n3A_709 = arith.select %lt3A_708, %add3A_707, %select_n3A_685 : vector<256x128xi1>, vector<256x128xi32>
    %select_n3A_710 = arith.select %lt3A_708, %select_n3A_685, %add3A_707 : vector<256x128xi1>, vector<256x128xi32>
    %select_n3A_711 = arith.select %lt3A_708, %slice3A_704, %select_n3A_687 : vector<256x128xi1>, vector<256x128xi32>
    %select_n3A_712 = arith.select %lt3A_708, %select_n3A_687, %slice3A_704 : vector<256x128xi1>, vector<256x128xi32>
    %lt3A_713 = arith.cmpi slt, %select_n3A_712, %select_n3A_692 : vector<256x128xi32>
    %select_n3A_714 = arith.select %lt3A_713, %select_n3A_710, %select_n3A_690 : vector<256x128xi1>, vector<256x128xi32>
    %select_n3A_715 = arith.select %lt3A_713, %select_n3A_690, %select_n3A_710 : vector<256x128xi1>, vector<256x128xi32>
    %select_n3A_716 = arith.select %lt3A_713, %select_n3A_712, %select_n3A_692 : vector<256x128xi1>, vector<256x128xi32>
    %select_n3A_717 = arith.select %lt3A_713, %select_n3A_692, %select_n3A_712 : vector<256x128xi1>, vector<256x128xi32>
    %lt3A_718 = arith.cmpi slt, %select_n3A_717, %select_n3A_697 : vector<256x128xi32>
    %select_n3A_719 = arith.select %lt3A_718, %select_n3A_715, %select_n3A_695 : vector<256x128xi1>, vector<256x128xi32>
    %select_n3A_720 = arith.select %lt3A_718, %select_n3A_695, %select_n3A_715 : vector<256x128xi1>, vector<256x128xi32>
    %select_n3A_721 = arith.select %lt3A_718, %select_n3A_717, %select_n3A_697 : vector<256x128xi1>, vector<256x128xi32>
    %select_n3A_722 = arith.select %lt3A_718, %select_n3A_697, %select_n3A_717 : vector<256x128xi1>, vector<256x128xi32>
    %lt3A_723 = arith.cmpi slt, %select_n3A_722, %select_n3A_701 : vector<256x128xi32>
    %select_n3A_724 = arith.select %lt3A_723, %select_n3A_720, %select_n3A_700 : vector<256x128xi1>, vector<256x128xi32>
    %select_n3A_725 = arith.select %lt3A_723, %select_n3A_722, %select_n3A_701 : vector<256x128xi1>, vector<256x128xi32>
    %select_n3A_726 = arith.select %lt3A_723, %select_n3A_701, %select_n3A_722 : vector<256x128xi1>, vector<256x128xi32>
    %min3A_727 = arith.minsi %min3A_703, %select_n3A_726 : vector<256x128xi32>
    %slice3A_728 = vector.extract_strided_slice %bitcast_convert_type3A {offsets = [0, 3712], sizes = [256, 128], strides = [1, 1]} : vector<256x4096xi32> to vector<256x128xi32>
    %add3A_729 = arith.constant 3712 : i32
    %add3A_730 = vector.broadcast %add3A_729 : i32 to vector<256x128xi32>
    %add3A_731 = arith.addi %iota3A, %add3A_730 : vector<256x128xi32>
    %lt3A_732 = arith.cmpi slt, %slice3A_728, %select_n3A_711 : vector<256x128xi32>
    %select_n3A_733 = arith.select %lt3A_732, %add3A_731, %select_n3A_709 : vector<256x128xi1>, vector<256x128xi32>
    %select_n3A_734 = arith.select %lt3A_732, %select_n3A_709, %add3A_731 : vector<256x128xi1>, vector<256x128xi32>
    %select_n3A_735 = arith.select %lt3A_732, %slice3A_728, %select_n3A_711 : vector<256x128xi1>, vector<256x128xi32>
    %select_n3A_736 = arith.select %lt3A_732, %select_n3A_711, %slice3A_728 : vector<256x128xi1>, vector<256x128xi32>
    %lt3A_737 = arith.cmpi slt, %select_n3A_736, %select_n3A_716 : vector<256x128xi32>
    %select_n3A_738 = arith.select %lt3A_737, %select_n3A_734, %select_n3A_714 : vector<256x128xi1>, vector<256x128xi32>
    %select_n3A_739 = arith.select %lt3A_737, %select_n3A_714, %select_n3A_734 : vector<256x128xi1>, vector<256x128xi32>
    %select_n3A_740 = arith.select %lt3A_737, %select_n3A_736, %select_n3A_716 : vector<256x128xi1>, vector<256x128xi32>
    %select_n3A_741 = arith.select %lt3A_737, %select_n3A_716, %select_n3A_736 : vector<256x128xi1>, vector<256x128xi32>
    %lt3A_742 = arith.cmpi slt, %select_n3A_741, %select_n3A_721 : vector<256x128xi32>
    %select_n3A_743 = arith.select %lt3A_742, %select_n3A_739, %select_n3A_719 : vector<256x128xi1>, vector<256x128xi32>
    %select_n3A_744 = arith.select %lt3A_742, %select_n3A_719, %select_n3A_739 : vector<256x128xi1>, vector<256x128xi32>
    %select_n3A_745 = arith.select %lt3A_742, %select_n3A_741, %select_n3A_721 : vector<256x128xi1>, vector<256x128xi32>
    %select_n3A_746 = arith.select %lt3A_742, %select_n3A_721, %select_n3A_741 : vector<256x128xi1>, vector<256x128xi32>
    %lt3A_747 = arith.cmpi slt, %select_n3A_746, %select_n3A_725 : vector<256x128xi32>
    %select_n3A_748 = arith.select %lt3A_747, %select_n3A_744, %select_n3A_724 : vector<256x128xi1>, vector<256x128xi32>
    %select_n3A_749 = arith.select %lt3A_747, %select_n3A_746, %select_n3A_725 : vector<256x128xi1>, vector<256x128xi32>
    %select_n3A_750 = arith.select %lt3A_747, %select_n3A_725, %select_n3A_746 : vector<256x128xi1>, vector<256x128xi32>
    %min3A_751 = arith.minsi %min3A_727, %select_n3A_750 : vector<256x128xi32>
    %slice3A_752 = vector.extract_strided_slice %bitcast_convert_type3A {offsets = [0, 3840], sizes = [256, 128], strides = [1, 1]} : vector<256x4096xi32> to vector<256x128xi32>
    %add3A_753 = arith.constant 3840 : i32
    %add3A_754 = vector.broadcast %add3A_753 : i32 to vector<256x128xi32>
    %add3A_755 = arith.addi %iota3A, %add3A_754 : vector<256x128xi32>
    %lt3A_756 = arith.cmpi slt, %slice3A_752, %select_n3A_735 : vector<256x128xi32>
    %select_n3A_757 = arith.select %lt3A_756, %add3A_755, %select_n3A_733 : vector<256x128xi1>, vector<256x128xi32>
    %select_n3A_758 = arith.select %lt3A_756, %select_n3A_733, %add3A_755 : vector<256x128xi1>, vector<256x128xi32>
    %select_n3A_759 = arith.select %lt3A_756, %slice3A_752, %select_n3A_735 : vector<256x128xi1>, vector<256x128xi32>
    %select_n3A_760 = arith.select %lt3A_756, %select_n3A_735, %slice3A_752 : vector<256x128xi1>, vector<256x128xi32>
    %lt3A_761 = arith.cmpi slt, %select_n3A_760, %select_n3A_740 : vector<256x128xi32>
    %select_n3A_762 = arith.select %lt3A_761, %select_n3A_758, %select_n3A_738 : vector<256x128xi1>, vector<256x128xi32>
    %select_n3A_763 = arith.select %lt3A_761, %select_n3A_738, %select_n3A_758 : vector<256x128xi1>, vector<256x128xi32>
    %select_n3A_764 = arith.select %lt3A_761, %select_n3A_760, %select_n3A_740 : vector<256x128xi1>, vector<256x128xi32>
    %select_n3A_765 = arith.select %lt3A_761, %select_n3A_740, %select_n3A_760 : vector<256x128xi1>, vector<256x128xi32>
    %lt3A_766 = arith.cmpi slt, %select_n3A_765, %select_n3A_745 : vector<256x128xi32>
    %select_n3A_767 = arith.select %lt3A_766, %select_n3A_763, %select_n3A_743 : vector<256x128xi1>, vector<256x128xi32>
    %select_n3A_768 = arith.select %lt3A_766, %select_n3A_743, %select_n3A_763 : vector<256x128xi1>, vector<256x128xi32>
    %select_n3A_769 = arith.select %lt3A_766, %select_n3A_765, %select_n3A_745 : vector<256x128xi1>, vector<256x128xi32>
    %select_n3A_770 = arith.select %lt3A_766, %select_n3A_745, %select_n3A_765 : vector<256x128xi1>, vector<256x128xi32>
    %lt3A_771 = arith.cmpi slt, %select_n3A_770, %select_n3A_749 : vector<256x128xi32>
    %select_n3A_772 = arith.select %lt3A_771, %select_n3A_768, %select_n3A_748 : vector<256x128xi1>, vector<256x128xi32>
    %select_n3A_773 = arith.select %lt3A_771, %select_n3A_770, %select_n3A_749 : vector<256x128xi1>, vector<256x128xi32>
    %select_n3A_774 = arith.select %lt3A_771, %select_n3A_749, %select_n3A_770 : vector<256x128xi1>, vector<256x128xi32>
    %min3A_775 = arith.minsi %min3A_751, %select_n3A_774 : vector<256x128xi32>
    %slice3A_776 = vector.extract_strided_slice %bitcast_convert_type3A {offsets = [0, 3968], sizes = [256, 128], strides = [1, 1]} : vector<256x4096xi32> to vector<256x128xi32>
    %add3A_777 = arith.constant 3968 : i32
    %add3A_778 = vector.broadcast %add3A_777 : i32 to vector<256x128xi32>
    %add3A_779 = arith.addi %iota3A, %add3A_778 : vector<256x128xi32>
    %lt3A_780 = arith.cmpi slt, %slice3A_776, %select_n3A_759 : vector<256x128xi32>
    %select_n3A_781 = arith.select %lt3A_780, %add3A_779, %select_n3A_757 : vector<256x128xi1>, vector<256x128xi32>
    %select_n3A_782 = arith.select %lt3A_780, %select_n3A_757, %add3A_779 : vector<256x128xi1>, vector<256x128xi32>
    %select_n3A_783 = arith.select %lt3A_780, %slice3A_776, %select_n3A_759 : vector<256x128xi1>, vector<256x128xi32>
    %select_n3A_784 = arith.select %lt3A_780, %select_n3A_759, %slice3A_776 : vector<256x128xi1>, vector<256x128xi32>
    %lt3A_785 = arith.cmpi slt, %select_n3A_784, %select_n3A_764 : vector<256x128xi32>
    %select_n3A_786 = arith.select %lt3A_785, %select_n3A_782, %select_n3A_762 : vector<256x128xi1>, vector<256x128xi32>
    %select_n3A_787 = arith.select %lt3A_785, %select_n3A_762, %select_n3A_782 : vector<256x128xi1>, vector<256x128xi32>
    %select_n3A_788 = arith.select %lt3A_785, %select_n3A_784, %select_n3A_764 : vector<256x128xi1>, vector<256x128xi32>
    %select_n3A_789 = arith.select %lt3A_785, %select_n3A_764, %select_n3A_784 : vector<256x128xi1>, vector<256x128xi32>
    %lt3A_790 = arith.cmpi slt, %select_n3A_789, %select_n3A_769 : vector<256x128xi32>
    %select_n3A_791 = arith.select %lt3A_790, %select_n3A_787, %select_n3A_767 : vector<256x128xi1>, vector<256x128xi32>
    %select_n3A_792 = arith.select %lt3A_790, %select_n3A_767, %select_n3A_787 : vector<256x128xi1>, vector<256x128xi32>
    %select_n3A_793 = arith.select %lt3A_790, %select_n3A_789, %select_n3A_769 : vector<256x128xi1>, vector<256x128xi32>
    %select_n3A_794 = arith.select %lt3A_790, %select_n3A_769, %select_n3A_789 : vector<256x128xi1>, vector<256x128xi32>
    %lt3A_795 = arith.cmpi slt, %select_n3A_794, %select_n3A_773 : vector<256x128xi32>
    %select_n3A_796 = arith.select %lt3A_795, %select_n3A_792, %select_n3A_772 : vector<256x128xi1>, vector<256x128xi32>
    %select_n3A_797 = arith.select %lt3A_795, %select_n3A_794, %select_n3A_773 : vector<256x128xi1>, vector<256x128xi32>
    %select_n3A_798 = arith.select %lt3A_795, %select_n3A_773, %select_n3A_794 : vector<256x128xi1>, vector<256x128xi32>
    %min3A_799 = arith.minsi %min3A_775, %select_n3A_798 : vector<256x128xi32>
    %reduce_min3A = arith.constant dense<2147483647> : vector<256xi32>
    %reduce_min3A_800 = vector.multi_reduction <minsi>, %select_n3A_783, %reduce_min3A [1] : vector<256x128xi32> to vector<256xi32>
    %broadcast_in_dim3A_801 = vector.shape_cast %reduce_min3A_800 : vector<256xi32> to vector<256x1xi32>
    %eq3A = vector.broadcast %broadcast_in_dim3A_801 : vector<256x1xi32> to vector<256x128xi32>
    %eq3A_802 = arith.cmpi eq, %select_n3A_783, %eq3A : vector<256x128xi32>
    %jit3A = arith.constant 4096 : i32
    %broadcast_in_dim3A_803 = vector.broadcast %jit3A : i32 to vector<256x128xi32>
    %select_n3A_804 = arith.select %eq3A_802, %select_n3A_781, %broadcast_in_dim3A_803 : vector<256x128xi1>, vector<256x128xi32>
    %reduce_min3A_805 = arith.constant dense<2147483647> : vector<256xi32>
    %reduce_min3A_806 = vector.multi_reduction <minsi>, %select_n3A_804, %reduce_min3A_805 [1] : vector<256x128xi32> to vector<256xi32>
    %broadcast_in_dim3A_807 = vector.shape_cast %reduce_min3A_806 : vector<256xi32> to vector<256x1xi32>
    %and3A = arith.constant 127 : i32
    %and3A_808 = vector.broadcast %and3A : i32 to vector<256x1xi32>
    %and3A_809 = arith.andi %broadcast_in_dim3A_807, %and3A_808 : vector<256x1xi32>
    %eq3A_810 = vector.broadcast %and3A_809 : vector<256x1xi32> to vector<256x128xi32>
    %eq3A_811 = arith.cmpi eq, %iota3A, %eq3A_810 : vector<256x128xi32>
    %select_n3A_812 = arith.select %eq3A_811, %select_n3A_788, %select_n3A_783 : vector<256x128xi1>, vector<256x128xi32>
    %select_n3A_813 = arith.select %eq3A_811, %select_n3A_786, %select_n3A_781 : vector<256x128xi1>, vector<256x128xi32>
    %select_n3A_814 = arith.select %eq3A_811, %select_n3A_793, %select_n3A_788 : vector<256x128xi1>, vector<256x128xi32>
    %select_n3A_815 = arith.select %eq3A_811, %select_n3A_791, %select_n3A_786 : vector<256x128xi1>, vector<256x128xi32>
    %select_n3A_816 = arith.select %eq3A_811, %select_n3A_797, %select_n3A_793 : vector<256x128xi1>, vector<256x128xi32>
    %select_n3A_817 = arith.select %eq3A_811, %select_n3A_796, %select_n3A_791 : vector<256x128xi1>, vector<256x128xi32>
    %jit3A_818 = arith.constant 2147483647 : i32
    %broadcast_in_dim3A_819 = vector.broadcast %jit3A_818 : i32 to vector<256x128xi32>
    %select_n3A_820 = arith.select %eq3A_811, %broadcast_in_dim3A_819, %select_n3A_797 : vector<256x128xi1>, vector<256x128xi32>
    %reduce_min3A_821 = arith.constant dense<2147483647> : vector<256xi32>
    %reduce_min3A_822 = vector.multi_reduction <minsi>, %select_n3A_812, %reduce_min3A_821 [1] : vector<256x128xi32> to vector<256xi32>
    %broadcast_in_dim3A_823 = vector.shape_cast %reduce_min3A_822 : vector<256xi32> to vector<256x1xi32>
    %eq3A_824 = vector.broadcast %broadcast_in_dim3A_823 : vector<256x1xi32> to vector<256x128xi32>
    %eq3A_825 = arith.cmpi eq, %select_n3A_812, %eq3A_824 : vector<256x128xi32>
    %jit3A_826 = arith.constant 4096 : i32
    %broadcast_in_dim3A_827 = vector.broadcast %jit3A_826 : i32 to vector<256x128xi32>
    %select_n3A_828 = arith.select %eq3A_825, %select_n3A_813, %broadcast_in_dim3A_827 : vector<256x128xi1>, vector<256x128xi32>
    %reduce_min3A_829 = arith.constant dense<2147483647> : vector<256xi32>
    %reduce_min3A_830 = vector.multi_reduction <minsi>, %select_n3A_828, %reduce_min3A_829 [1] : vector<256x128xi32> to vector<256xi32>
    %broadcast_in_dim3A_831 = vector.shape_cast %reduce_min3A_830 : vector<256xi32> to vector<256x1xi32>
    %and3A_832 = arith.constant 127 : i32
    %and3A_833 = vector.broadcast %and3A_832 : i32 to vector<256x1xi32>
    %and3A_834 = arith.andi %broadcast_in_dim3A_831, %and3A_833 : vector<256x1xi32>
    %eq3A_835 = vector.broadcast %and3A_834 : vector<256x1xi32> to vector<256x128xi32>
    %eq3A_836 = arith.cmpi eq, %iota3A, %eq3A_835 : vector<256x128xi32>
    %select_n3A_837 = arith.select %eq3A_836, %select_n3A_814, %select_n3A_812 : vector<256x128xi1>, vector<256x128xi32>
    %select_n3A_838 = arith.select %eq3A_836, %select_n3A_815, %select_n3A_813 : vector<256x128xi1>, vector<256x128xi32>
    %select_n3A_839 = arith.select %eq3A_836, %select_n3A_816, %select_n3A_814 : vector<256x128xi1>, vector<256x128xi32>
    %select_n3A_840 = arith.select %eq3A_836, %select_n3A_817, %select_n3A_815 : vector<256x128xi1>, vector<256x128xi32>
    %select_n3A_841 = arith.select %eq3A_836, %select_n3A_820, %select_n3A_816 : vector<256x128xi1>, vector<256x128xi32>
    %select_n3A_842 = arith.select %eq3A_836, %select_n3A_796, %select_n3A_817 : vector<256x128xi1>, vector<256x128xi32>
    %jit3A_843 = arith.constant 2147483647 : i32
    %broadcast_in_dim3A_844 = vector.broadcast %jit3A_843 : i32 to vector<256x128xi32>
    %select_n3A_845 = arith.select %eq3A_836, %broadcast_in_dim3A_844, %select_n3A_820 : vector<256x128xi1>, vector<256x128xi32>
    %reduce_min3A_846 = arith.constant dense<2147483647> : vector<256xi32>
    %reduce_min3A_847 = vector.multi_reduction <minsi>, %select_n3A_837, %reduce_min3A_846 [1] : vector<256x128xi32> to vector<256xi32>
    %broadcast_in_dim3A_848 = vector.shape_cast %reduce_min3A_847 : vector<256xi32> to vector<256x1xi32>
    %eq3A_849 = vector.broadcast %broadcast_in_dim3A_848 : vector<256x1xi32> to vector<256x128xi32>
    %eq3A_850 = arith.cmpi eq, %select_n3A_837, %eq3A_849 : vector<256x128xi32>
    %jit3A_851 = arith.constant 4096 : i32
    %broadcast_in_dim3A_852 = vector.broadcast %jit3A_851 : i32 to vector<256x128xi32>
    %select_n3A_853 = arith.select %eq3A_850, %select_n3A_838, %broadcast_in_dim3A_852 : vector<256x128xi1>, vector<256x128xi32>
    %reduce_min3A_854 = arith.constant dense<2147483647> : vector<256xi32>
    %reduce_min3A_855 = vector.multi_reduction <minsi>, %select_n3A_853, %reduce_min3A_854 [1] : vector<256x128xi32> to vector<256xi32>
    %broadcast_in_dim3A_856 = vector.shape_cast %reduce_min3A_855 : vector<256xi32> to vector<256x1xi32>
    %and3A_857 = arith.constant 127 : i32
    %and3A_858 = vector.broadcast %and3A_857 : i32 to vector<256x1xi32>
    %and3A_859 = arith.andi %broadcast_in_dim3A_856, %and3A_858 : vector<256x1xi32>
    %eq3A_860 = vector.broadcast %and3A_859 : vector<256x1xi32> to vector<256x128xi32>
    %eq3A_861 = arith.cmpi eq, %iota3A, %eq3A_860 : vector<256x128xi32>
    %select_n3A_862 = arith.select %eq3A_861, %select_n3A_839, %select_n3A_837 : vector<256x128xi1>, vector<256x128xi32>
    %select_n3A_863 = arith.select %eq3A_861, %select_n3A_840, %select_n3A_838 : vector<256x128xi1>, vector<256x128xi32>
    %select_n3A_864 = arith.select %eq3A_861, %select_n3A_841, %select_n3A_839 : vector<256x128xi1>, vector<256x128xi32>
    %select_n3A_865 = arith.select %eq3A_861, %select_n3A_842, %select_n3A_840 : vector<256x128xi1>, vector<256x128xi32>
    %select_n3A_866 = arith.select %eq3A_861, %select_n3A_845, %select_n3A_841 : vector<256x128xi1>, vector<256x128xi32>
    %select_n3A_867 = arith.select %eq3A_861, %select_n3A_796, %select_n3A_842 : vector<256x128xi1>, vector<256x128xi32>
    %jit3A_868 = arith.constant 2147483647 : i32
    %broadcast_in_dim3A_869 = vector.broadcast %jit3A_868 : i32 to vector<256x128xi32>
    %select_n3A_870 = arith.select %eq3A_861, %broadcast_in_dim3A_869, %select_n3A_845 : vector<256x128xi1>, vector<256x128xi32>
    %reduce_min3A_871 = arith.constant dense<2147483647> : vector<256xi32>
    %reduce_min3A_872 = vector.multi_reduction <minsi>, %select_n3A_862, %reduce_min3A_871 [1] : vector<256x128xi32> to vector<256xi32>
    %broadcast_in_dim3A_873 = vector.shape_cast %reduce_min3A_872 : vector<256xi32> to vector<256x1xi32>
    %eq3A_874 = vector.broadcast %broadcast_in_dim3A_873 : vector<256x1xi32> to vector<256x128xi32>
    %eq3A_875 = arith.cmpi eq, %select_n3A_862, %eq3A_874 : vector<256x128xi32>
    %jit3A_876 = arith.constant 4096 : i32
    %broadcast_in_dim3A_877 = vector.broadcast %jit3A_876 : i32 to vector<256x128xi32>
    %select_n3A_878 = arith.select %eq3A_875, %select_n3A_863, %broadcast_in_dim3A_877 : vector<256x128xi1>, vector<256x128xi32>
    %reduce_min3A_879 = arith.constant dense<2147483647> : vector<256xi32>
    %reduce_min3A_880 = vector.multi_reduction <minsi>, %select_n3A_878, %reduce_min3A_879 [1] : vector<256x128xi32> to vector<256xi32>
    %broadcast_in_dim3A_881 = vector.shape_cast %reduce_min3A_880 : vector<256xi32> to vector<256x1xi32>
    %and3A_882 = arith.constant 127 : i32
    %and3A_883 = vector.broadcast %and3A_882 : i32 to vector<256x1xi32>
    %and3A_884 = arith.andi %broadcast_in_dim3A_881, %and3A_883 : vector<256x1xi32>
    %eq3A_885 = vector.broadcast %and3A_884 : vector<256x1xi32> to vector<256x128xi32>
    %eq3A_886 = arith.cmpi eq, %iota3A, %eq3A_885 : vector<256x128xi32>
    %select_n3A_887 = arith.select %eq3A_886, %select_n3A_864, %select_n3A_862 : vector<256x128xi1>, vector<256x128xi32>
    %select_n3A_888 = arith.select %eq3A_886, %select_n3A_865, %select_n3A_863 : vector<256x128xi1>, vector<256x128xi32>
    %select_n3A_889 = arith.select %eq3A_886, %select_n3A_866, %select_n3A_864 : vector<256x128xi1>, vector<256x128xi32>
    %select_n3A_890 = arith.select %eq3A_886, %select_n3A_867, %select_n3A_865 : vector<256x128xi1>, vector<256x128xi32>
    %select_n3A_891 = arith.select %eq3A_886, %select_n3A_870, %select_n3A_866 : vector<256x128xi1>, vector<256x128xi32>
    %select_n3A_892 = arith.select %eq3A_886, %select_n3A_796, %select_n3A_867 : vector<256x128xi1>, vector<256x128xi32>
    %jit3A_893 = arith.constant 2147483647 : i32
    %broadcast_in_dim3A_894 = vector.broadcast %jit3A_893 : i32 to vector<256x128xi32>
    %select_n3A_895 = arith.select %eq3A_886, %broadcast_in_dim3A_894, %select_n3A_870 : vector<256x128xi1>, vector<256x128xi32>
    %reduce_min3A_896 = arith.constant dense<2147483647> : vector<256xi32>
    %reduce_min3A_897 = vector.multi_reduction <minsi>, %select_n3A_887, %reduce_min3A_896 [1] : vector<256x128xi32> to vector<256xi32>
    %broadcast_in_dim3A_898 = vector.shape_cast %reduce_min3A_897 : vector<256xi32> to vector<256x1xi32>
    %eq3A_899 = vector.broadcast %broadcast_in_dim3A_898 : vector<256x1xi32> to vector<256x128xi32>
    %eq3A_900 = arith.cmpi eq, %select_n3A_887, %eq3A_899 : vector<256x128xi32>
    %jit3A_901 = arith.constant 4096 : i32
    %broadcast_in_dim3A_902 = vector.broadcast %jit3A_901 : i32 to vector<256x128xi32>
    %select_n3A_903 = arith.select %eq3A_900, %select_n3A_888, %broadcast_in_dim3A_902 : vector<256x128xi1>, vector<256x128xi32>
    %reduce_min3A_904 = arith.constant dense<2147483647> : vector<256xi32>
    %reduce_min3A_905 = vector.multi_reduction <minsi>, %select_n3A_903, %reduce_min3A_904 [1] : vector<256x128xi32> to vector<256xi32>
    %broadcast_in_dim3A_906 = vector.shape_cast %reduce_min3A_905 : vector<256xi32> to vector<256x1xi32>
    %and3A_907 = arith.constant 127 : i32
    %and3A_908 = vector.broadcast %and3A_907 : i32 to vector<256x1xi32>
    %and3A_909 = arith.andi %broadcast_in_dim3A_906, %and3A_908 : vector<256x1xi32>
    %eq3A_910 = vector.broadcast %and3A_909 : vector<256x1xi32> to vector<256x128xi32>
    %eq3A_911 = arith.cmpi eq, %iota3A, %eq3A_910 : vector<256x128xi32>
    %select_n3A_912 = arith.select %eq3A_911, %select_n3A_889, %select_n3A_887 : vector<256x128xi1>, vector<256x128xi32>
    %select_n3A_913 = arith.select %eq3A_911, %select_n3A_890, %select_n3A_888 : vector<256x128xi1>, vector<256x128xi32>
    %select_n3A_914 = arith.select %eq3A_911, %select_n3A_891, %select_n3A_889 : vector<256x128xi1>, vector<256x128xi32>
    %select_n3A_915 = arith.select %eq3A_911, %select_n3A_892, %select_n3A_890 : vector<256x128xi1>, vector<256x128xi32>
    %select_n3A_916 = arith.select %eq3A_911, %select_n3A_895, %select_n3A_891 : vector<256x128xi1>, vector<256x128xi32>
    %select_n3A_917 = arith.select %eq3A_911, %select_n3A_796, %select_n3A_892 : vector<256x128xi1>, vector<256x128xi32>
    %jit3A_918 = arith.constant 2147483647 : i32
    %broadcast_in_dim3A_919 = vector.broadcast %jit3A_918 : i32 to vector<256x128xi32>
    %select_n3A_920 = arith.select %eq3A_911, %broadcast_in_dim3A_919, %select_n3A_895 : vector<256x128xi1>, vector<256x128xi32>
    %reduce_min3A_921 = arith.constant dense<2147483647> : vector<256xi32>
    %reduce_min3A_922 = vector.multi_reduction <minsi>, %select_n3A_912, %reduce_min3A_921 [1] : vector<256x128xi32> to vector<256xi32>
    %broadcast_in_dim3A_923 = vector.shape_cast %reduce_min3A_922 : vector<256xi32> to vector<256x1xi32>
    %eq3A_924 = vector.broadcast %broadcast_in_dim3A_923 : vector<256x1xi32> to vector<256x128xi32>
    %eq3A_925 = arith.cmpi eq, %select_n3A_912, %eq3A_924 : vector<256x128xi32>
    %jit3A_926 = arith.constant 4096 : i32
    %broadcast_in_dim3A_927 = vector.broadcast %jit3A_926 : i32 to vector<256x128xi32>
    %select_n3A_928 = arith.select %eq3A_925, %select_n3A_913, %broadcast_in_dim3A_927 : vector<256x128xi1>, vector<256x128xi32>
    %reduce_min3A_929 = arith.constant dense<2147483647> : vector<256xi32>
    %reduce_min3A_930 = vector.multi_reduction <minsi>, %select_n3A_928, %reduce_min3A_929 [1] : vector<256x128xi32> to vector<256xi32>
    %broadcast_in_dim3A_931 = vector.shape_cast %reduce_min3A_930 : vector<256xi32> to vector<256x1xi32>
    %and3A_932 = arith.constant 127 : i32
    %and3A_933 = vector.broadcast %and3A_932 : i32 to vector<256x1xi32>
    %and3A_934 = arith.andi %broadcast_in_dim3A_931, %and3A_933 : vector<256x1xi32>
    %eq3A_935 = vector.broadcast %and3A_934 : vector<256x1xi32> to vector<256x128xi32>
    %eq3A_936 = arith.cmpi eq, %iota3A, %eq3A_935 : vector<256x128xi32>
    %select_n3A_937 = arith.select %eq3A_936, %select_n3A_914, %select_n3A_912 : vector<256x128xi1>, vector<256x128xi32>
    %select_n3A_938 = arith.select %eq3A_936, %select_n3A_915, %select_n3A_913 : vector<256x128xi1>, vector<256x128xi32>
    %select_n3A_939 = arith.select %eq3A_936, %select_n3A_916, %select_n3A_914 : vector<256x128xi1>, vector<256x128xi32>
    %select_n3A_940 = arith.select %eq3A_936, %select_n3A_917, %select_n3A_915 : vector<256x128xi1>, vector<256x128xi32>
    %select_n3A_941 = arith.select %eq3A_936, %select_n3A_920, %select_n3A_916 : vector<256x128xi1>, vector<256x128xi32>
    %select_n3A_942 = arith.select %eq3A_936, %select_n3A_796, %select_n3A_917 : vector<256x128xi1>, vector<256x128xi32>
    %jit3A_943 = arith.constant 2147483647 : i32
    %broadcast_in_dim3A_944 = vector.broadcast %jit3A_943 : i32 to vector<256x128xi32>
    %select_n3A_945 = arith.select %eq3A_936, %broadcast_in_dim3A_944, %select_n3A_920 : vector<256x128xi1>, vector<256x128xi32>
    %reduce_min3A_946 = arith.constant dense<2147483647> : vector<256xi32>
    %reduce_min3A_947 = vector.multi_reduction <minsi>, %select_n3A_937, %reduce_min3A_946 [1] : vector<256x128xi32> to vector<256xi32>
    %broadcast_in_dim3A_948 = vector.shape_cast %reduce_min3A_947 : vector<256xi32> to vector<256x1xi32>
    %eq3A_949 = vector.broadcast %broadcast_in_dim3A_948 : vector<256x1xi32> to vector<256x128xi32>
    %eq3A_950 = arith.cmpi eq, %select_n3A_937, %eq3A_949 : vector<256x128xi32>
    %jit3A_951 = arith.constant 4096 : i32
    %broadcast_in_dim3A_952 = vector.broadcast %jit3A_951 : i32 to vector<256x128xi32>
    %select_n3A_953 = arith.select %eq3A_950, %select_n3A_938, %broadcast_in_dim3A_952 : vector<256x128xi1>, vector<256x128xi32>
    %reduce_min3A_954 = arith.constant dense<2147483647> : vector<256xi32>
    %reduce_min3A_955 = vector.multi_reduction <minsi>, %select_n3A_953, %reduce_min3A_954 [1] : vector<256x128xi32> to vector<256xi32>
    %broadcast_in_dim3A_956 = vector.shape_cast %reduce_min3A_955 : vector<256xi32> to vector<256x1xi32>
    %and3A_957 = arith.constant 127 : i32
    %and3A_958 = vector.broadcast %and3A_957 : i32 to vector<256x1xi32>
    %and3A_959 = arith.andi %broadcast_in_dim3A_956, %and3A_958 : vector<256x1xi32>
    %eq3A_960 = vector.broadcast %and3A_959 : vector<256x1xi32> to vector<256x128xi32>
    %eq3A_961 = arith.cmpi eq, %iota3A, %eq3A_960 : vector<256x128xi32>
    %select_n3A_962 = arith.select %eq3A_961, %select_n3A_939, %select_n3A_937 : vector<256x128xi1>, vector<256x128xi32>
    %select_n3A_963 = arith.select %eq3A_961, %select_n3A_940, %select_n3A_938 : vector<256x128xi1>, vector<256x128xi32>
    %select_n3A_964 = arith.select %eq3A_961, %select_n3A_941, %select_n3A_939 : vector<256x128xi1>, vector<256x128xi32>
    %select_n3A_965 = arith.select %eq3A_961, %select_n3A_942, %select_n3A_940 : vector<256x128xi1>, vector<256x128xi32>
    %select_n3A_966 = arith.select %eq3A_961, %select_n3A_945, %select_n3A_941 : vector<256x128xi1>, vector<256x128xi32>
    %select_n3A_967 = arith.select %eq3A_961, %select_n3A_796, %select_n3A_942 : vector<256x128xi1>, vector<256x128xi32>
    %jit3A_968 = arith.constant 2147483647 : i32
    %broadcast_in_dim3A_969 = vector.broadcast %jit3A_968 : i32 to vector<256x128xi32>
    %select_n3A_970 = arith.select %eq3A_961, %broadcast_in_dim3A_969, %select_n3A_945 : vector<256x128xi1>, vector<256x128xi32>
    %reduce_min3A_971 = arith.constant dense<2147483647> : vector<256xi32>
    %reduce_min3A_972 = vector.multi_reduction <minsi>, %select_n3A_962, %reduce_min3A_971 [1] : vector<256x128xi32> to vector<256xi32>
    %broadcast_in_dim3A_973 = vector.shape_cast %reduce_min3A_972 : vector<256xi32> to vector<256x1xi32>
    %eq3A_974 = vector.broadcast %broadcast_in_dim3A_973 : vector<256x1xi32> to vector<256x128xi32>
    %eq3A_975 = arith.cmpi eq, %select_n3A_962, %eq3A_974 : vector<256x128xi32>
    %jit3A_976 = arith.constant 4096 : i32
    %broadcast_in_dim3A_977 = vector.broadcast %jit3A_976 : i32 to vector<256x128xi32>
    %select_n3A_978 = arith.select %eq3A_975, %select_n3A_963, %broadcast_in_dim3A_977 : vector<256x128xi1>, vector<256x128xi32>
    %reduce_min3A_979 = arith.constant dense<2147483647> : vector<256xi32>
    %reduce_min3A_980 = vector.multi_reduction <minsi>, %select_n3A_978, %reduce_min3A_979 [1] : vector<256x128xi32> to vector<256xi32>
    %broadcast_in_dim3A_981 = vector.shape_cast %reduce_min3A_980 : vector<256xi32> to vector<256x1xi32>
    %and3A_982 = arith.constant 127 : i32
    %and3A_983 = vector.broadcast %and3A_982 : i32 to vector<256x1xi32>
    %and3A_984 = arith.andi %broadcast_in_dim3A_981, %and3A_983 : vector<256x1xi32>
    %eq3A_985 = vector.broadcast %and3A_984 : vector<256x1xi32> to vector<256x128xi32>
    %eq3A_986 = arith.cmpi eq, %iota3A, %eq3A_985 : vector<256x128xi32>
    %select_n3A_987 = arith.select %eq3A_986, %select_n3A_964, %select_n3A_962 : vector<256x128xi1>, vector<256x128xi32>
    %select_n3A_988 = arith.select %eq3A_986, %select_n3A_965, %select_n3A_963 : vector<256x128xi1>, vector<256x128xi32>
    %select_n3A_989 = arith.select %eq3A_986, %select_n3A_966, %select_n3A_964 : vector<256x128xi1>, vector<256x128xi32>
    %select_n3A_990 = arith.select %eq3A_986, %select_n3A_967, %select_n3A_965 : vector<256x128xi1>, vector<256x128xi32>
    %select_n3A_991 = arith.select %eq3A_986, %select_n3A_970, %select_n3A_966 : vector<256x128xi1>, vector<256x128xi32>
    %select_n3A_992 = arith.select %eq3A_986, %select_n3A_796, %select_n3A_967 : vector<256x128xi1>, vector<256x128xi32>
    %jit3A_993 = arith.constant 2147483647 : i32
    %broadcast_in_dim3A_994 = vector.broadcast %jit3A_993 : i32 to vector<256x128xi32>
    %select_n3A_995 = arith.select %eq3A_986, %broadcast_in_dim3A_994, %select_n3A_970 : vector<256x128xi1>, vector<256x128xi32>
    %reduce_min3A_996 = arith.constant dense<2147483647> : vector<256xi32>
    %reduce_min3A_997 = vector.multi_reduction <minsi>, %select_n3A_987, %reduce_min3A_996 [1] : vector<256x128xi32> to vector<256xi32>
    %broadcast_in_dim3A_998 = vector.shape_cast %reduce_min3A_997 : vector<256xi32> to vector<256x1xi32>
    %eq3A_999 = vector.broadcast %broadcast_in_dim3A_998 : vector<256x1xi32> to vector<256x128xi32>
    %eq3A_1000 = arith.cmpi eq, %select_n3A_987, %eq3A_999 : vector<256x128xi32>
    %jit3A_1001 = arith.constant 4096 : i32
    %broadcast_in_dim3A_1002 = vector.broadcast %jit3A_1001 : i32 to vector<256x128xi32>
    %select_n3A_1003 = arith.select %eq3A_1000, %select_n3A_988, %broadcast_in_dim3A_1002 : vector<256x128xi1>, vector<256x128xi32>
    %reduce_min3A_1004 = arith.constant dense<2147483647> : vector<256xi32>
    %reduce_min3A_1005 = vector.multi_reduction <minsi>, %select_n3A_1003, %reduce_min3A_1004 [1] : vector<256x128xi32> to vector<256xi32>
    %broadcast_in_dim3A_1006 = vector.shape_cast %reduce_min3A_1005 : vector<256xi32> to vector<256x1xi32>
    %and3A_1007 = arith.constant 127 : i32
    %and3A_1008 = vector.broadcast %and3A_1007 : i32 to vector<256x1xi32>
    %and3A_1009 = arith.andi %broadcast_in_dim3A_1006, %and3A_1008 : vector<256x1xi32>
    %eq3A_1010 = vector.broadcast %and3A_1009 : vector<256x1xi32> to vector<256x128xi32>
    %eq3A_1011 = arith.cmpi eq, %iota3A, %eq3A_1010 : vector<256x128xi32>
    %select_n3A_1012 = arith.select %eq3A_1011, %select_n3A_989, %select_n3A_987 : vector<256x128xi1>, vector<256x128xi32>
    %select_n3A_1013 = arith.select %eq3A_1011, %select_n3A_990, %select_n3A_988 : vector<256x128xi1>, vector<256x128xi32>
    %select_n3A_1014 = arith.select %eq3A_1011, %select_n3A_991, %select_n3A_989 : vector<256x128xi1>, vector<256x128xi32>
    %select_n3A_1015 = arith.select %eq3A_1011, %select_n3A_992, %select_n3A_990 : vector<256x128xi1>, vector<256x128xi32>
    %select_n3A_1016 = arith.select %eq3A_1011, %select_n3A_995, %select_n3A_991 : vector<256x128xi1>, vector<256x128xi32>
    %select_n3A_1017 = arith.select %eq3A_1011, %select_n3A_796, %select_n3A_992 : vector<256x128xi1>, vector<256x128xi32>
    %jit3A_1018 = arith.constant 2147483647 : i32
    %broadcast_in_dim3A_1019 = vector.broadcast %jit3A_1018 : i32 to vector<256x128xi32>
    %select_n3A_1020 = arith.select %eq3A_1011, %broadcast_in_dim3A_1019, %select_n3A_995 : vector<256x128xi1>, vector<256x128xi32>
    %reduce_min3A_1021 = arith.constant dense<2147483647> : vector<256xi32>
    %reduce_min3A_1022 = vector.multi_reduction <minsi>, %select_n3A_1012, %reduce_min3A_1021 [1] : vector<256x128xi32> to vector<256xi32>
    %broadcast_in_dim3A_1023 = vector.shape_cast %reduce_min3A_1022 : vector<256xi32> to vector<256x1xi32>
    %eq3A_1024 = vector.broadcast %broadcast_in_dim3A_1023 : vector<256x1xi32> to vector<256x128xi32>
    %eq3A_1025 = arith.cmpi eq, %select_n3A_1012, %eq3A_1024 : vector<256x128xi32>
    %jit3A_1026 = arith.constant 4096 : i32
    %broadcast_in_dim3A_1027 = vector.broadcast %jit3A_1026 : i32 to vector<256x128xi32>
    %select_n3A_1028 = arith.select %eq3A_1025, %select_n3A_1013, %broadcast_in_dim3A_1027 : vector<256x128xi1>, vector<256x128xi32>
    %reduce_min3A_1029 = arith.constant dense<2147483647> : vector<256xi32>
    %reduce_min3A_1030 = vector.multi_reduction <minsi>, %select_n3A_1028, %reduce_min3A_1029 [1] : vector<256x128xi32> to vector<256xi32>
    %broadcast_in_dim3A_1031 = vector.shape_cast %reduce_min3A_1030 : vector<256xi32> to vector<256x1xi32>
    %and3A_1032 = arith.constant 127 : i32
    %and3A_1033 = vector.broadcast %and3A_1032 : i32 to vector<256x1xi32>
    %and3A_1034 = arith.andi %broadcast_in_dim3A_1031, %and3A_1033 : vector<256x1xi32>
    %eq3A_1035 = vector.broadcast %and3A_1034 : vector<256x1xi32> to vector<256x128xi32>
    %eq3A_1036 = arith.cmpi eq, %iota3A, %eq3A_1035 : vector<256x128xi32>
    %select_n3A_1037 = arith.select %eq3A_1036, %select_n3A_1014, %select_n3A_1012 : vector<256x128xi1>, vector<256x128xi32>
    %select_n3A_1038 = arith.select %eq3A_1036, %select_n3A_1015, %select_n3A_1013 : vector<256x128xi1>, vector<256x128xi32>
    %select_n3A_1039 = arith.select %eq3A_1036, %select_n3A_1016, %select_n3A_1014 : vector<256x128xi1>, vector<256x128xi32>
    %select_n3A_1040 = arith.select %eq3A_1036, %select_n3A_1017, %select_n3A_1015 : vector<256x128xi1>, vector<256x128xi32>
    %select_n3A_1041 = arith.select %eq3A_1036, %select_n3A_1020, %select_n3A_1016 : vector<256x128xi1>, vector<256x128xi32>
    %select_n3A_1042 = arith.select %eq3A_1036, %select_n3A_796, %select_n3A_1017 : vector<256x128xi1>, vector<256x128xi32>
    %jit3A_1043 = arith.constant 2147483647 : i32
    %broadcast_in_dim3A_1044 = vector.broadcast %jit3A_1043 : i32 to vector<256x128xi32>
    %select_n3A_1045 = arith.select %eq3A_1036, %broadcast_in_dim3A_1044, %select_n3A_1020 : vector<256x128xi1>, vector<256x128xi32>
    %reduce_min3A_1046 = arith.constant dense<2147483647> : vector<256xi32>
    %reduce_min3A_1047 = vector.multi_reduction <minsi>, %select_n3A_1037, %reduce_min3A_1046 [1] : vector<256x128xi32> to vector<256xi32>
    %broadcast_in_dim3A_1048 = vector.shape_cast %reduce_min3A_1047 : vector<256xi32> to vector<256x1xi32>
    %eq3A_1049 = vector.broadcast %broadcast_in_dim3A_1048 : vector<256x1xi32> to vector<256x128xi32>
    %eq3A_1050 = arith.cmpi eq, %select_n3A_1037, %eq3A_1049 : vector<256x128xi32>
    %jit3A_1051 = arith.constant 4096 : i32
    %broadcast_in_dim3A_1052 = vector.broadcast %jit3A_1051 : i32 to vector<256x128xi32>
    %select_n3A_1053 = arith.select %eq3A_1050, %select_n3A_1038, %broadcast_in_dim3A_1052 : vector<256x128xi1>, vector<256x128xi32>
    %reduce_min3A_1054 = arith.constant dense<2147483647> : vector<256xi32>
    %reduce_min3A_1055 = vector.multi_reduction <minsi>, %select_n3A_1053, %reduce_min3A_1054 [1] : vector<256x128xi32> to vector<256xi32>
    %broadcast_in_dim3A_1056 = vector.shape_cast %reduce_min3A_1055 : vector<256xi32> to vector<256x1xi32>
    %and3A_1057 = arith.constant 127 : i32
    %and3A_1058 = vector.broadcast %and3A_1057 : i32 to vector<256x1xi32>
    %and3A_1059 = arith.andi %broadcast_in_dim3A_1056, %and3A_1058 : vector<256x1xi32>
    %eq3A_1060 = vector.broadcast %and3A_1059 : vector<256x1xi32> to vector<256x128xi32>
    %eq3A_1061 = arith.cmpi eq, %iota3A, %eq3A_1060 : vector<256x128xi32>
    %select_n3A_1062 = arith.select %eq3A_1061, %select_n3A_1039, %select_n3A_1037 : vector<256x128xi1>, vector<256x128xi32>
    %select_n3A_1063 = arith.select %eq3A_1061, %select_n3A_1040, %select_n3A_1038 : vector<256x128xi1>, vector<256x128xi32>
    %select_n3A_1064 = arith.select %eq3A_1061, %select_n3A_1041, %select_n3A_1039 : vector<256x128xi1>, vector<256x128xi32>
    %select_n3A_1065 = arith.select %eq3A_1061, %select_n3A_1042, %select_n3A_1040 : vector<256x128xi1>, vector<256x128xi32>
    %select_n3A_1066 = arith.select %eq3A_1061, %select_n3A_1045, %select_n3A_1041 : vector<256x128xi1>, vector<256x128xi32>
    %select_n3A_1067 = arith.select %eq3A_1061, %select_n3A_796, %select_n3A_1042 : vector<256x128xi1>, vector<256x128xi32>
    %jit3A_1068 = arith.constant 2147483647 : i32
    %broadcast_in_dim3A_1069 = vector.broadcast %jit3A_1068 : i32 to vector<256x128xi32>
    %select_n3A_1070 = arith.select %eq3A_1061, %broadcast_in_dim3A_1069, %select_n3A_1045 : vector<256x128xi1>, vector<256x128xi32>
    %reduce_min3A_1071 = arith.constant dense<2147483647> : vector<256xi32>
    %reduce_min3A_1072 = vector.multi_reduction <minsi>, %select_n3A_1062, %reduce_min3A_1071 [1] : vector<256x128xi32> to vector<256xi32>
    %broadcast_in_dim3A_1073 = vector.shape_cast %reduce_min3A_1072 : vector<256xi32> to vector<256x1xi32>
    %eq3A_1074 = vector.broadcast %broadcast_in_dim3A_1073 : vector<256x1xi32> to vector<256x128xi32>
    %eq3A_1075 = arith.cmpi eq, %select_n3A_1062, %eq3A_1074 : vector<256x128xi32>
    %jit3A_1076 = arith.constant 4096 : i32
    %broadcast_in_dim3A_1077 = vector.broadcast %jit3A_1076 : i32 to vector<256x128xi32>
    %select_n3A_1078 = arith.select %eq3A_1075, %select_n3A_1063, %broadcast_in_dim3A_1077 : vector<256x128xi1>, vector<256x128xi32>
    %reduce_min3A_1079 = arith.constant dense<2147483647> : vector<256xi32>
    %reduce_min3A_1080 = vector.multi_reduction <minsi>, %select_n3A_1078, %reduce_min3A_1079 [1] : vector<256x128xi32> to vector<256xi32>
    %broadcast_in_dim3A_1081 = vector.shape_cast %reduce_min3A_1080 : vector<256xi32> to vector<256x1xi32>
    %and3A_1082 = arith.constant 127 : i32
    %and3A_1083 = vector.broadcast %and3A_1082 : i32 to vector<256x1xi32>
    %and3A_1084 = arith.andi %broadcast_in_dim3A_1081, %and3A_1083 : vector<256x1xi32>
    %eq3A_1085 = vector.broadcast %and3A_1084 : vector<256x1xi32> to vector<256x128xi32>
    %eq3A_1086 = arith.cmpi eq, %iota3A, %eq3A_1085 : vector<256x128xi32>
    %select_n3A_1087 = arith.select %eq3A_1086, %select_n3A_1064, %select_n3A_1062 : vector<256x128xi1>, vector<256x128xi32>
    %select_n3A_1088 = arith.select %eq3A_1086, %select_n3A_1065, %select_n3A_1063 : vector<256x128xi1>, vector<256x128xi32>
    %select_n3A_1089 = arith.select %eq3A_1086, %select_n3A_1066, %select_n3A_1064 : vector<256x128xi1>, vector<256x128xi32>
    %select_n3A_1090 = arith.select %eq3A_1086, %select_n3A_1067, %select_n3A_1065 : vector<256x128xi1>, vector<256x128xi32>
    %select_n3A_1091 = arith.select %eq3A_1086, %select_n3A_1070, %select_n3A_1066 : vector<256x128xi1>, vector<256x128xi32>
    %select_n3A_1092 = arith.select %eq3A_1086, %select_n3A_796, %select_n3A_1067 : vector<256x128xi1>, vector<256x128xi32>
    %jit3A_1093 = arith.constant 2147483647 : i32
    %broadcast_in_dim3A_1094 = vector.broadcast %jit3A_1093 : i32 to vector<256x128xi32>
    %select_n3A_1095 = arith.select %eq3A_1086, %broadcast_in_dim3A_1094, %select_n3A_1070 : vector<256x128xi1>, vector<256x128xi32>
    %reduce_min3A_1096 = arith.constant dense<2147483647> : vector<256xi32>
    %reduce_min3A_1097 = vector.multi_reduction <minsi>, %select_n3A_1087, %reduce_min3A_1096 [1] : vector<256x128xi32> to vector<256xi32>
    %broadcast_in_dim3A_1098 = vector.shape_cast %reduce_min3A_1097 : vector<256xi32> to vector<256x1xi32>
    %eq3A_1099 = vector.broadcast %broadcast_in_dim3A_1098 : vector<256x1xi32> to vector<256x128xi32>
    %eq3A_1100 = arith.cmpi eq, %select_n3A_1087, %eq3A_1099 : vector<256x128xi32>
    %jit3A_1101 = arith.constant 4096 : i32
    %broadcast_in_dim3A_1102 = vector.broadcast %jit3A_1101 : i32 to vector<256x128xi32>
    %select_n3A_1103 = arith.select %eq3A_1100, %select_n3A_1088, %broadcast_in_dim3A_1102 : vector<256x128xi1>, vector<256x128xi32>
    %reduce_min3A_1104 = arith.constant dense<2147483647> : vector<256xi32>
    %reduce_min3A_1105 = vector.multi_reduction <minsi>, %select_n3A_1103, %reduce_min3A_1104 [1] : vector<256x128xi32> to vector<256xi32>
    %broadcast_in_dim3A_1106 = vector.shape_cast %reduce_min3A_1105 : vector<256xi32> to vector<256x1xi32>
    %and3A_1107 = arith.constant 127 : i32
    %and3A_1108 = vector.broadcast %and3A_1107 : i32 to vector<256x1xi32>
    %and3A_1109 = arith.andi %broadcast_in_dim3A_1106, %and3A_1108 : vector<256x1xi32>
    %eq3A_1110 = vector.broadcast %and3A_1109 : vector<256x1xi32> to vector<256x128xi32>
    %eq3A_1111 = arith.cmpi eq, %iota3A, %eq3A_1110 : vector<256x128xi32>
    %select_n3A_1112 = arith.select %eq3A_1111, %select_n3A_1089, %select_n3A_1087 : vector<256x128xi1>, vector<256x128xi32>
    %select_n3A_1113 = arith.select %eq3A_1111, %select_n3A_1090, %select_n3A_1088 : vector<256x128xi1>, vector<256x128xi32>
    %select_n3A_1114 = arith.select %eq3A_1111, %select_n3A_1091, %select_n3A_1089 : vector<256x128xi1>, vector<256x128xi32>
    %select_n3A_1115 = arith.select %eq3A_1111, %select_n3A_1092, %select_n3A_1090 : vector<256x128xi1>, vector<256x128xi32>
    %select_n3A_1116 = arith.select %eq3A_1111, %select_n3A_1095, %select_n3A_1091 : vector<256x128xi1>, vector<256x128xi32>
    %select_n3A_1117 = arith.select %eq3A_1111, %select_n3A_796, %select_n3A_1092 : vector<256x128xi1>, vector<256x128xi32>
    %jit3A_1118 = arith.constant 2147483647 : i32
    %broadcast_in_dim3A_1119 = vector.broadcast %jit3A_1118 : i32 to vector<256x128xi32>
    %select_n3A_1120 = arith.select %eq3A_1111, %broadcast_in_dim3A_1119, %select_n3A_1095 : vector<256x128xi1>, vector<256x128xi32>
    %reduce_min3A_1121 = arith.constant dense<2147483647> : vector<256xi32>
    %reduce_min3A_1122 = vector.multi_reduction <minsi>, %select_n3A_1112, %reduce_min3A_1121 [1] : vector<256x128xi32> to vector<256xi32>
    %broadcast_in_dim3A_1123 = vector.shape_cast %reduce_min3A_1122 : vector<256xi32> to vector<256x1xi32>
    %eq3A_1124 = vector.broadcast %broadcast_in_dim3A_1123 : vector<256x1xi32> to vector<256x128xi32>
    %eq3A_1125 = arith.cmpi eq, %select_n3A_1112, %eq3A_1124 : vector<256x128xi32>
    %jit3A_1126 = arith.constant 4096 : i32
    %broadcast_in_dim3A_1127 = vector.broadcast %jit3A_1126 : i32 to vector<256x128xi32>
    %select_n3A_1128 = arith.select %eq3A_1125, %select_n3A_1113, %broadcast_in_dim3A_1127 : vector<256x128xi1>, vector<256x128xi32>
    %reduce_min3A_1129 = arith.constant dense<2147483647> : vector<256xi32>
    %reduce_min3A_1130 = vector.multi_reduction <minsi>, %select_n3A_1128, %reduce_min3A_1129 [1] : vector<256x128xi32> to vector<256xi32>
    %broadcast_in_dim3A_1131 = vector.shape_cast %reduce_min3A_1130 : vector<256xi32> to vector<256x1xi32>
    %and3A_1132 = arith.constant 127 : i32
    %and3A_1133 = vector.broadcast %and3A_1132 : i32 to vector<256x1xi32>
    %and3A_1134 = arith.andi %broadcast_in_dim3A_1131, %and3A_1133 : vector<256x1xi32>
    %eq3A_1135 = vector.broadcast %and3A_1134 : vector<256x1xi32> to vector<256x128xi32>
    %eq3A_1136 = arith.cmpi eq, %iota3A, %eq3A_1135 : vector<256x128xi32>
    %select_n3A_1137 = arith.select %eq3A_1136, %select_n3A_1114, %select_n3A_1112 : vector<256x128xi1>, vector<256x128xi32>
    %select_n3A_1138 = arith.select %eq3A_1136, %select_n3A_1115, %select_n3A_1113 : vector<256x128xi1>, vector<256x128xi32>
    %select_n3A_1139 = arith.select %eq3A_1136, %select_n3A_1116, %select_n3A_1114 : vector<256x128xi1>, vector<256x128xi32>
    %select_n3A_1140 = arith.select %eq3A_1136, %select_n3A_1117, %select_n3A_1115 : vector<256x128xi1>, vector<256x128xi32>
    %select_n3A_1141 = arith.select %eq3A_1136, %select_n3A_1120, %select_n3A_1116 : vector<256x128xi1>, vector<256x128xi32>
    %reduce_min3A_1142 = arith.constant dense<2147483647> : vector<256xi32>
    %reduce_min3A_1143 = vector.multi_reduction <minsi>, %select_n3A_1137, %reduce_min3A_1142 [1] : vector<256x128xi32> to vector<256xi32>
    %broadcast_in_dim3A_1144 = vector.shape_cast %reduce_min3A_1143 : vector<256xi32> to vector<256x1xi32>
    %eq3A_1145 = vector.broadcast %broadcast_in_dim3A_1144 : vector<256x1xi32> to vector<256x128xi32>
    %eq3A_1146 = arith.cmpi eq, %select_n3A_1137, %eq3A_1145 : vector<256x128xi32>
    %jit3A_1147 = arith.constant 4096 : i32
    %broadcast_in_dim3A_1148 = vector.broadcast %jit3A_1147 : i32 to vector<256x128xi32>
    %select_n3A_1149 = arith.select %eq3A_1146, %select_n3A_1138, %broadcast_in_dim3A_1148 : vector<256x128xi1>, vector<256x128xi32>
    %reduce_min3A_1150 = arith.constant dense<2147483647> : vector<256xi32>
    %reduce_min3A_1151 = vector.multi_reduction <minsi>, %select_n3A_1149, %reduce_min3A_1150 [1] : vector<256x128xi32> to vector<256xi32>
    %broadcast_in_dim3A_1152 = vector.shape_cast %reduce_min3A_1151 : vector<256xi32> to vector<256x1xi32>
    %and3A_1153 = arith.constant 127 : i32
    %and3A_1154 = vector.broadcast %and3A_1153 : i32 to vector<256x1xi32>
    %and3A_1155 = arith.andi %broadcast_in_dim3A_1152, %and3A_1154 : vector<256x1xi32>
    %eq3A_1156 = vector.broadcast %and3A_1155 : vector<256x1xi32> to vector<256x128xi32>
    %eq3A_1157 = arith.cmpi eq, %iota3A, %eq3A_1156 : vector<256x128xi32>
    %select_n3A_1158 = arith.select %eq3A_1157, %select_n3A_1139, %select_n3A_1137 : vector<256x128xi1>, vector<256x128xi32>
    %select_n3A_1159 = arith.select %eq3A_1157, %select_n3A_1140, %select_n3A_1138 : vector<256x128xi1>, vector<256x128xi32>
    %select_n3A_1160 = arith.select %eq3A_1157, %select_n3A_1141, %select_n3A_1139 : vector<256x128xi1>, vector<256x128xi32>
    %reduce_min3A_1161 = arith.constant dense<2147483647> : vector<256xi32>
    %reduce_min3A_1162 = vector.multi_reduction <minsi>, %select_n3A_1158, %reduce_min3A_1161 [1] : vector<256x128xi32> to vector<256xi32>
    %broadcast_in_dim3A_1163 = vector.shape_cast %reduce_min3A_1162 : vector<256xi32> to vector<256x1xi32>
    %eq3A_1164 = vector.broadcast %broadcast_in_dim3A_1163 : vector<256x1xi32> to vector<256x128xi32>
    %eq3A_1165 = arith.cmpi eq, %select_n3A_1158, %eq3A_1164 : vector<256x128xi32>
    %jit3A_1166 = arith.constant 4096 : i32
    %broadcast_in_dim3A_1167 = vector.broadcast %jit3A_1166 : i32 to vector<256x128xi32>
    %select_n3A_1168 = arith.select %eq3A_1165, %select_n3A_1159, %broadcast_in_dim3A_1167 : vector<256x128xi1>, vector<256x128xi32>
    %reduce_min3A_1169 = arith.constant dense<2147483647> : vector<256xi32>
    %reduce_min3A_1170 = vector.multi_reduction <minsi>, %select_n3A_1168, %reduce_min3A_1169 [1] : vector<256x128xi32> to vector<256xi32>
    %broadcast_in_dim3A_1171 = vector.shape_cast %reduce_min3A_1170 : vector<256xi32> to vector<256x1xi32>
    %and3A_1172 = arith.constant 127 : i32
    %and3A_1173 = vector.broadcast %and3A_1172 : i32 to vector<256x1xi32>
    %and3A_1174 = arith.andi %broadcast_in_dim3A_1171, %and3A_1173 : vector<256x1xi32>
    %eq3A_1175 = vector.broadcast %and3A_1174 : vector<256x1xi32> to vector<256x128xi32>
    %eq3A_1176 = arith.cmpi eq, %iota3A, %eq3A_1175 : vector<256x128xi32>
    %select_n3A_1177 = arith.select %eq3A_1176, %select_n3A_1160, %select_n3A_1158 : vector<256x128xi1>, vector<256x128xi32>
    %concatenate3A = tpu.concatenate %broadcast_in_dim3A_807, %broadcast_in_dim3A_831, %broadcast_in_dim3A_856, %broadcast_in_dim3A_881, %broadcast_in_dim3A_906, %broadcast_in_dim3A_931, %broadcast_in_dim3A_956, %broadcast_in_dim3A_981, %broadcast_in_dim3A_1006, %broadcast_in_dim3A_1031, %broadcast_in_dim3A_1056, %broadcast_in_dim3A_1081, %broadcast_in_dim3A_1106, %broadcast_in_dim3A_1131, %broadcast_in_dim3A_1152, %broadcast_in_dim3A_1171 in 1 : vector<256x1xi32>, vector<256x1xi32>, vector<256x1xi32>, vector<256x1xi32>, vector<256x1xi32>, vector<256x1xi32>, vector<256x1xi32>, vector<256x1xi32>, vector<256x1xi32>, vector<256x1xi32>, vector<256x1xi32>, vector<256x1xi32>, vector<256x1xi32>, vector<256x1xi32>, vector<256x1xi32>, vector<256x1xi32> -> vector<256x16xi32>
    %swap3A = arith.constant 0 : index
    %swap3A_1178 = arith.constant 0 : index
    %swap3A_1179 = vector.load %arg3[%swap3A, %swap3A_1178] : memref<256x16xi32, #tpu.memory_space<vmem>>, vector<256x16xi32>
    tpu.vector_store %arg3[%swap3A, %swap3A_1178], %concatenate3A {strides = array<i32>} : memref<256x16xi32, #tpu.memory_space<vmem>>, vector<256x16xi32>,
    %eq3A_1180 = arith.constant 2147483647 : i32
    %eq3A_1181 = vector.broadcast %eq3A_1180 : i32 to vector<256x128xi32>
    %eq3A_1182 = arith.cmpi eq, %select_n3A_1177, %eq3A_1181 : vector<256x128xi32>
    %le3A = vector.broadcast %broadcast_in_dim3A_1163 : vector<256x1xi32> to vector<256x128xi32>
    %le3A_1183 = arith.cmpi sle, %min3A_799, %le3A : vector<256x128xi32>
    %and3A_1184 = arith.andi %eq3A_1182, %le3A_1183 : vector<256x128xi1>
    %reduce_or3A = arith.constant 1.000000e+00 : f32
    %reduce_or3A_1185 = arith.constant 0.000000e+00 : f32
    %reduce_or3A_1186 = vector.broadcast %reduce_or3A : f32 to vector<256x128xf32>
    %reduce_or3A_1187 = vector.broadcast %reduce_or3A_1185 : f32 to vector<256x128xf32>
    %reduce_or3A_1188 = arith.select %and3A_1184, %reduce_or3A_1186, %reduce_or3A_1187 : vector<256x128xi1>, vector<256x128xf32>
    %reduce_or3A_1189 = vector.shape_cast %reduce_or3A_1188 : vector<256x128xf32> to vector<1x256x128xf32>
    %reduce_or3A_1190 = arith.constant dense<0xFF800000> : vector<1xf32>
    %reduce_or3A_1191 = vector.multi_reduction <maximumf>, %reduce_or3A_1189, %reduce_or3A_1190 [1, 2] : vector<1x256x128xf32> to vector<1xf32>
    %reduce_or3A_1192 = vector.shape_cast %reduce_or3A_1191 : vector<1xf32> to vector<1x1x1xf32>
    %reduce_or3A_1193 = vector.extract %reduce_or3A_1192[0, 0, 0] : f32 from vector<1x1x1xf32>
    %reduce_or3A_1194 = arith.constant 0.000000e+00 : f32
    %reduce_or3A_1195 = arith.cmpf ogt, %reduce_or3A_1193, %reduce_or3A_1194 : f32
    %convert_element_type3A = arith.extui %reduce_or3A_1195 : i1 to i32
    %cond3A = arith.constant 0 : i32
    %cond3A_1196 = arith.cmpi ne, %convert_element_type3A, %cond3A : i32
    scf.if %cond3A_1196 {
      %iota3A_1197 = tpu.iota {dimensions = array<i32: 1>} : vector<256x4096xi32>
      %reduce_min3A_1198 = arith.constant dense<2147483647> : vector<256xi32>
      %reduce_min3A_1199 = vector.multi_reduction <minsi>, %bitcast_convert_type3A, %reduce_min3A_1198 [1] : vector<256x4096xi32> to vector<256xi32>
      %broadcast_in_dim3A_1200 = vector.shape_cast %reduce_min3A_1199 : vector<256xi32> to vector<256x1xi32>
      %eq3A_1201 = vector.broadcast %broadcast_in_dim3A_1200 : vector<256x1xi32> to vector<256x4096xi32>
      %eq3A_1202 = arith.cmpi eq, %bitcast_convert_type3A, %eq3A_1201 : vector<256x4096xi32>
      %jit3A_1203 = arith.constant 4096 : i32
      %broadcast_in_dim3A_1204 = vector.broadcast %jit3A_1203 : i32 to vector<256x4096xi32>
      %select_n3A_1205 = arith.select %eq3A_1202, %iota3A_1197, %broadcast_in_dim3A_1204 : vector<256x4096xi1>, vector<256x4096xi32>
      %reduce_min3A_1206 = arith.constant dense<2147483647> : vector<256xi32>
      %reduce_min3A_1207 = vector.multi_reduction <minsi>, %select_n3A_1205, %reduce_min3A_1206 [1] : vector<256x4096xi32> to vector<256xi32>
      %broadcast_in_dim3A_1208 = vector.shape_cast %reduce_min3A_1207 : vector<256xi32> to vector<256x1xi32>
      %eq3A_1209 = vector.broadcast %broadcast_in_dim3A_1208 : vector<256x1xi32> to vector<256x4096xi32>
      %eq3A_1210 = arith.cmpi eq, %iota3A_1197, %eq3A_1209 : vector<256x4096xi32>
      %jit3A_1211 = arith.constant 2147483647 : i32
      %broadcast_in_dim3A_1212 = vector.broadcast %jit3A_1211 : i32 to vector<256x4096xi32>
      %select_n3A_1213 = arith.select %eq3A_1210, %broadcast_in_dim3A_1212, %bitcast_convert_type3A : vector<256x4096xi1>, vector<256x4096xi32>
      %reduce_min3A_1214 = arith.constant dense<2147483647> : vector<256xi32>
      %reduce_min3A_1215 = vector.multi_reduction <minsi>, %select_n3A_1213, %reduce_min3A_1214 [1] : vector<256x4096xi32> to vector<256xi32>
      %broadcast_in_dim3A_1216 = vector.shape_cast %reduce_min3A_1215 : vector<256xi32> to vector<256x1xi32>
      %eq3A_1217 = vector.broadcast %broadcast_in_dim3A_1216 : vector<256x1xi32> to vector<256x4096xi32>
      %eq3A_1218 = arith.cmpi eq, %select_n3A_1213, %eq3A_1217 : vector<256x4096xi32>
      %jit3A_1219 = arith.constant 4096 : i32
      %broadcast_in_dim3A_1220 = vector.broadcast %jit3A_1219 : i32 to vector<256x4096xi32>
      %select_n3A_1221 = arith.select %eq3A_1218, %iota3A_1197, %broadcast_in_dim3A_1220 : vector<256x4096xi1>, vector<256x4096xi32>
      %reduce_min3A_1222 = arith.constant dense<2147483647> : vector<256xi32>
      %reduce_min3A_1223 = vector.multi_reduction <minsi>, %select_n3A_1221, %reduce_min3A_1222 [1] : vector<256x4096xi32> to vector<256xi32>
      %broadcast_in_dim3A_1224 = vector.shape_cast %reduce_min3A_1223 : vector<256xi32> to vector<256x1xi32>
      %eq3A_1225 = vector.broadcast %broadcast_in_dim3A_1224 : vector<256x1xi32> to vector<256x4096xi32>
      %eq3A_1226 = arith.cmpi eq, %iota3A_1197, %eq3A_1225 : vector<256x4096xi32>
      %jit3A_1227 = arith.constant 2147483647 : i32
      %broadcast_in_dim3A_1228 = vector.broadcast %jit3A_1227 : i32 to vector<256x4096xi32>
      %select_n3A_1229 = arith.select %eq3A_1226, %broadcast_in_dim3A_1228, %select_n3A_1213 : vector<256x4096xi1>, vector<256x4096xi32>
      %reduce_min3A_1230 = arith.constant dense<2147483647> : vector<256xi32>
      %reduce_min3A_1231 = vector.multi_reduction <minsi>, %select_n3A_1229, %reduce_min3A_1230 [1] : vector<256x4096xi32> to vector<256xi32>
      %broadcast_in_dim3A_1232 = vector.shape_cast %reduce_min3A_1231 : vector<256xi32> to vector<256x1xi32>
      %eq3A_1233 = vector.broadcast %broadcast_in_dim3A_1232 : vector<256x1xi32> to vector<256x4096xi32>
      %eq3A_1234 = arith.cmpi eq, %select_n3A_1229, %eq3A_1233 : vector<256x4096xi32>
      %jit3A_1235 = arith.constant 4096 : i32
      %broadcast_in_dim3A_1236 = vector.broadcast %jit3A_1235 : i32 to vector<256x4096xi32>
      %select_n3A_1237 = arith.select %eq3A_1234, %iota3A_1197, %broadcast_in_dim3A_1236 : vector<256x4096xi1>, vector<256x4096xi32>
      %reduce_min3A_1238 = arith.constant dense<2147483647> : vector<256xi32>
      %reduce_min3A_1239 = vector.multi_reduction <minsi>, %select_n3A_1237, %reduce_min3A_1238 [1] : vector<256x4096xi32> to vector<256xi32>
      %broadcast_in_dim3A_1240 = vector.shape_cast %reduce_min3A_1239 : vector<256xi32> to vector<256x1xi32>
      %eq3A_1241 = vector.broadcast %broadcast_in_dim3A_1240 : vector<256x1xi32> to vector<256x4096xi32>
      %eq3A_1242 = arith.cmpi eq, %iota3A_1197, %eq3A_1241 : vector<256x4096xi32>
      %jit3A_1243 = arith.constant 2147483647 : i32
      %broadcast_in_dim3A_1244 = vector.broadcast %jit3A_1243 : i32 to vector<256x4096xi32>
      %select_n3A_1245 = arith.select %eq3A_1242, %broadcast_in_dim3A_1244, %select_n3A_1229 : vector<256x4096xi1>, vector<256x4096xi32>
      %reduce_min3A_1246 = arith.constant dense<2147483647> : vector<256xi32>
      %reduce_min3A_1247 = vector.multi_reduction <minsi>, %select_n3A_1245, %reduce_min3A_1246 [1] : vector<256x4096xi32> to vector<256xi32>
      %broadcast_in_dim3A_1248 = vector.shape_cast %reduce_min3A_1247 : vector<256xi32> to vector<256x1xi32>
      %eq3A_1249 = vector.broadcast %broadcast_in_dim3A_1248 : vector<256x1xi32> to vector<256x4096xi32>
      %eq3A_1250 = arith.cmpi eq, %select_n3A_1245, %eq3A_1249 : vector<256x4096xi32>
      %jit3A_1251 = arith.constant 4096 : i32
      %broadcast_in_dim3A_1252 = vector.broadcast %jit3A_1251 : i32 to vector<256x4096xi32>
      %select_n3A_1253 = arith.select %eq3A_1250, %iota3A_1197, %broadcast_in_dim3A_1252 : vector<256x4096xi1>, vector<256x4096xi32>
      %reduce_min3A_1254 = arith.constant dense<2147483647> : vector<256xi32>
      %reduce_min3A_1255 = vector.multi_reduction <minsi>, %select_n3A_1253, %reduce_min3A_1254 [1] : vector<256x4096xi32> to vector<256xi32>
      %broadcast_in_dim3A_1256 = vector.shape_cast %reduce_min3A_1255 : vector<256xi32> to vector<256x1xi32>
      %eq3A_1257 = vector.broadcast %broadcast_in_dim3A_1256 : vector<256x1xi32> to vector<256x4096xi32>
      %eq3A_1258 = arith.cmpi eq, %iota3A_1197, %eq3A_1257 : vector<256x4096xi32>
      %jit3A_1259 = arith.constant 2147483647 : i32
      %broadcast_in_dim3A_1260 = vector.broadcast %jit3A_1259 : i32 to vector<256x4096xi32>
      %select_n3A_1261 = arith.select %eq3A_1258, %broadcast_in_dim3A_1260, %select_n3A_1245 : vector<256x4096xi1>, vector<256x4096xi32>
      %reduce_min3A_1262 = arith.constant dense<2147483647> : vector<256xi32>
      %reduce_min3A_1263 = vector.multi_reduction <minsi>, %select_n3A_1261, %reduce_min3A_1262 [1] : vector<256x4096xi32> to vector<256xi32>
      %broadcast_in_dim3A_1264 = vector.shape_cast %reduce_min3A_1263 : vector<256xi32> to vector<256x1xi32>
      %eq3A_1265 = vector.broadcast %broadcast_in_dim3A_1264 : vector<256x1xi32> to vector<256x4096xi32>
      %eq3A_1266 = arith.cmpi eq, %select_n3A_1261, %eq3A_1265 : vector<256x4096xi32>
      %jit3A_1267 = arith.constant 4096 : i32
      %broadcast_in_dim3A_1268 = vector.broadcast %jit3A_1267 : i32 to vector<256x4096xi32>
      %select_n3A_1269 = arith.select %eq3A_1266, %iota3A_1197, %broadcast_in_dim3A_1268 : vector<256x4096xi1>, vector<256x4096xi32>
      %reduce_min3A_1270 = arith.constant dense<2147483647> : vector<256xi32>
      %reduce_min3A_1271 = vector.multi_reduction <minsi>, %select_n3A_1269, %reduce_min3A_1270 [1] : vector<256x4096xi32> to vector<256xi32>
      %broadcast_in_dim3A_1272 = vector.shape_cast %reduce_min3A_1271 : vector<256xi32> to vector<256x1xi32>
      %eq3A_1273 = vector.broadcast %broadcast_in_dim3A_1272 : vector<256x1xi32> to vector<256x4096xi32>
      %eq3A_1274 = arith.cmpi eq, %iota3A_1197, %eq3A_1273 : vector<256x4096xi32>
      %jit3A_1275 = arith.constant 2147483647 : i32
      %broadcast_in_dim3A_1276 = vector.broadcast %jit3A_1275 : i32 to vector<256x4096xi32>
      %select_n3A_1277 = arith.select %eq3A_1274, %broadcast_in_dim3A_1276, %select_n3A_1261 : vector<256x4096xi1>, vector<256x4096xi32>
      %reduce_min3A_1278 = arith.constant dense<2147483647> : vector<256xi32>
      %reduce_min3A_1279 = vector.multi_reduction <minsi>, %select_n3A_1277, %reduce_min3A_1278 [1] : vector<256x4096xi32> to vector<256xi32>
      %broadcast_in_dim3A_1280 = vector.shape_cast %reduce_min3A_1279 : vector<256xi32> to vector<256x1xi32>
      %eq3A_1281 = vector.broadcast %broadcast_in_dim3A_1280 : vector<256x1xi32> to vector<256x4096xi32>
      %eq3A_1282 = arith.cmpi eq, %select_n3A_1277, %eq3A_1281 : vector<256x4096xi32>
      %jit3A_1283 = arith.constant 4096 : i32
      %broadcast_in_dim3A_1284 = vector.broadcast %jit3A_1283 : i32 to vector<256x4096xi32>
      %select_n3A_1285 = arith.select %eq3A_1282, %iota3A_1197, %broadcast_in_dim3A_1284 : vector<256x4096xi1>, vector<256x4096xi32>
      %reduce_min3A_1286 = arith.constant dense<2147483647> : vector<256xi32>
      %reduce_min3A_1287 = vector.multi_reduction <minsi>, %select_n3A_1285, %reduce_min3A_1286 [1] : vector<256x4096xi32> to vector<256xi32>
      %broadcast_in_dim3A_1288 = vector.shape_cast %reduce_min3A_1287 : vector<256xi32> to vector<256x1xi32>
      %eq3A_1289 = vector.broadcast %broadcast_in_dim3A_1288 : vector<256x1xi32> to vector<256x4096xi32>
      %eq3A_1290 = arith.cmpi eq, %iota3A_1197, %eq3A_1289 : vector<256x4096xi32>
      %jit3A_1291 = arith.constant 2147483647 : i32
      %broadcast_in_dim3A_1292 = vector.broadcast %jit3A_1291 : i32 to vector<256x4096xi32>
      %select_n3A_1293 = arith.select %eq3A_1290, %broadcast_in_dim3A_1292, %select_n3A_1277 : vector<256x4096xi1>, vector<256x4096xi32>
      %reduce_min3A_1294 = arith.constant dense<2147483647> : vector<256xi32>
      %reduce_min3A_1295 = vector.multi_reduction <minsi>, %select_n3A_1293, %reduce_min3A_1294 [1] : vector<256x4096xi32> to vector<256xi32>
      %broadcast_in_dim3A_1296 = vector.shape_cast %reduce_min3A_1295 : vector<256xi32> to vector<256x1xi32>
      %eq3A_1297 = vector.broadcast %broadcast_in_dim3A_1296 : vector<256x1xi32> to vector<256x4096xi32>
      %eq3A_1298 = arith.cmpi eq, %select_n3A_1293, %eq3A_1297 : vector<256x4096xi32>
      %jit3A_1299 = arith.constant 4096 : i32
      %broadcast_in_dim3A_1300 = vector.broadcast %jit3A_1299 : i32 to vector<256x4096xi32>
      %select_n3A_1301 = arith.select %eq3A_1298, %iota3A_1197, %broadcast_in_dim3A_1300 : vector<256x4096xi1>, vector<256x4096xi32>
      %reduce_min3A_1302 = arith.constant dense<2147483647> : vector<256xi32>
      %reduce_min3A_1303 = vector.multi_reduction <minsi>, %select_n3A_1301, %reduce_min3A_1302 [1] : vector<256x4096xi32> to vector<256xi32>
      %broadcast_in_dim3A_1304 = vector.shape_cast %reduce_min3A_1303 : vector<256xi32> to vector<256x1xi32>
      %eq3A_1305 = vector.broadcast %broadcast_in_dim3A_1304 : vector<256x1xi32> to vector<256x4096xi32>
      %eq3A_1306 = arith.cmpi eq, %iota3A_1197, %eq3A_1305 : vector<256x4096xi32>
      %jit3A_1307 = arith.constant 2147483647 : i32
      %broadcast_in_dim3A_1308 = vector.broadcast %jit3A_1307 : i32 to vector<256x4096xi32>
      %select_n3A_1309 = arith.select %eq3A_1306, %broadcast_in_dim3A_1308, %select_n3A_1293 : vector<256x4096xi1>, vector<256x4096xi32>
      %reduce_min3A_1310 = arith.constant dense<2147483647> : vector<256xi32>
      %reduce_min3A_1311 = vector.multi_reduction <minsi>, %select_n3A_1309, %reduce_min3A_1310 [1] : vector<256x4096xi32> to vector<256xi32>
      %broadcast_in_dim3A_1312 = vector.shape_cast %reduce_min3A_1311 : vector<256xi32> to vector<256x1xi32>
      %eq3A_1313 = vector.broadcast %broadcast_in_dim3A_1312 : vector<256x1xi32> to vector<256x4096xi32>
      %eq3A_1314 = arith.cmpi eq, %select_n3A_1309, %eq3A_1313 : vector<256x4096xi32>
      %jit3A_1315 = arith.constant 4096 : i32
      %broadcast_in_dim3A_1316 = vector.broadcast %jit3A_1315 : i32 to vector<256x4096xi32>
      %select_n3A_1317 = arith.select %eq3A_1314, %iota3A_1197, %broadcast_in_dim3A_1316 : vector<256x4096xi1>, vector<256x4096xi32>
      %reduce_min3A_1318 = arith.constant dense<2147483647> : vector<256xi32>
      %reduce_min3A_1319 = vector.multi_reduction <minsi>, %select_n3A_1317, %reduce_min3A_1318 [1] : vector<256x4096xi32> to vector<256xi32>
      %broadcast_in_dim3A_1320 = vector.shape_cast %reduce_min3A_1319 : vector<256xi32> to vector<256x1xi32>
      %eq3A_1321 = vector.broadcast %broadcast_in_dim3A_1320 : vector<256x1xi32> to vector<256x4096xi32>
      %eq3A_1322 = arith.cmpi eq, %iota3A_1197, %eq3A_1321 : vector<256x4096xi32>
      %jit3A_1323 = arith.constant 2147483647 : i32
      %broadcast_in_dim3A_1324 = vector.broadcast %jit3A_1323 : i32 to vector<256x4096xi32>
      %select_n3A_1325 = arith.select %eq3A_1322, %broadcast_in_dim3A_1324, %select_n3A_1309 : vector<256x4096xi1>, vector<256x4096xi32>
      %reduce_min3A_1326 = arith.constant dense<2147483647> : vector<256xi32>
      %reduce_min3A_1327 = vector.multi_reduction <minsi>, %select_n3A_1325, %reduce_min3A_1326 [1] : vector<256x4096xi32> to vector<256xi32>
      %broadcast_in_dim3A_1328 = vector.shape_cast %reduce_min3A_1327 : vector<256xi32> to vector<256x1xi32>
      %eq3A_1329 = vector.broadcast %broadcast_in_dim3A_1328 : vector<256x1xi32> to vector<256x4096xi32>
      %eq3A_1330 = arith.cmpi eq, %select_n3A_1325, %eq3A_1329 : vector<256x4096xi32>
      %jit3A_1331 = arith.constant 4096 : i32
      %broadcast_in_dim3A_1332 = vector.broadcast %jit3A_1331 : i32 to vector<256x4096xi32>
      %select_n3A_1333 = arith.select %eq3A_1330, %iota3A_1197, %broadcast_in_dim3A_1332 : vector<256x4096xi1>, vector<256x4096xi32>
      %reduce_min3A_1334 = arith.constant dense<2147483647> : vector<256xi32>
      %reduce_min3A_1335 = vector.multi_reduction <minsi>, %select_n3A_1333, %reduce_min3A_1334 [1] : vector<256x4096xi32> to vector<256xi32>
      %broadcast_in_dim3A_1336 = vector.shape_cast %reduce_min3A_1335 : vector<256xi32> to vector<256x1xi32>
      %eq3A_1337 = vector.broadcast %broadcast_in_dim3A_1336 : vector<256x1xi32> to vector<256x4096xi32>
      %eq3A_1338 = arith.cmpi eq, %iota3A_1197, %eq3A_1337 : vector<256x4096xi32>
      %jit3A_1339 = arith.constant 2147483647 : i32
      %broadcast_in_dim3A_1340 = vector.broadcast %jit3A_1339 : i32 to vector<256x4096xi32>
      %select_n3A_1341 = arith.select %eq3A_1338, %broadcast_in_dim3A_1340, %select_n3A_1325 : vector<256x4096xi1>, vector<256x4096xi32>
      %reduce_min3A_1342 = arith.constant dense<2147483647> : vector<256xi32>
      %reduce_min3A_1343 = vector.multi_reduction <minsi>, %select_n3A_1341, %reduce_min3A_1342 [1] : vector<256x4096xi32> to vector<256xi32>
      %broadcast_in_dim3A_1344 = vector.shape_cast %reduce_min3A_1343 : vector<256xi32> to vector<256x1xi32>
      %eq3A_1345 = vector.broadcast %broadcast_in_dim3A_1344 : vector<256x1xi32> to vector<256x4096xi32>
      %eq3A_1346 = arith.cmpi eq, %select_n3A_1341, %eq3A_1345 : vector<256x4096xi32>
      %jit3A_1347 = arith.constant 4096 : i32
      %broadcast_in_dim3A_1348 = vector.broadcast %jit3A_1347 : i32 to vector<256x4096xi32>
      %select_n3A_1349 = arith.select %eq3A_1346, %iota3A_1197, %broadcast_in_dim3A_1348 : vector<256x4096xi1>, vector<256x4096xi32>
      %reduce_min3A_1350 = arith.constant dense<2147483647> : vector<256xi32>
      %reduce_min3A_1351 = vector.multi_reduction <minsi>, %select_n3A_1349, %reduce_min3A_1350 [1] : vector<256x4096xi32> to vector<256xi32>
      %broadcast_in_dim3A_1352 = vector.shape_cast %reduce_min3A_1351 : vector<256xi32> to vector<256x1xi32>
      %eq3A_1353 = vector.broadcast %broadcast_in_dim3A_1352 : vector<256x1xi32> to vector<256x4096xi32>
      %eq3A_1354 = arith.cmpi eq, %iota3A_1197, %eq3A_1353 : vector<256x4096xi32>
      %jit3A_1355 = arith.constant 2147483647 : i32
      %broadcast_in_dim3A_1356 = vector.broadcast %jit3A_1355 : i32 to vector<256x4096xi32>
      %select_n3A_1357 = arith.select %eq3A_1354, %broadcast_in_dim3A_1356, %select_n3A_1341 : vector<256x4096xi1>, vector<256x4096xi32>
      %reduce_min3A_1358 = arith.constant dense<2147483647> : vector<256xi32>
      %reduce_min3A_1359 = vector.multi_reduction <minsi>, %select_n3A_1357, %reduce_min3A_1358 [1] : vector<256x4096xi32> to vector<256xi32>
      %broadcast_in_dim3A_1360 = vector.shape_cast %reduce_min3A_1359 : vector<256xi32> to vector<256x1xi32>
      %eq3A_1361 = vector.broadcast %broadcast_in_dim3A_1360 : vector<256x1xi32> to vector<256x4096xi32>
      %eq3A_1362 = arith.cmpi eq, %select_n3A_1357, %eq3A_1361 : vector<256x4096xi32>
      %jit3A_1363 = arith.constant 4096 : i32
      %broadcast_in_dim3A_1364 = vector.broadcast %jit3A_1363 : i32 to vector<256x4096xi32>
      %select_n3A_1365 = arith.select %eq3A_1362, %iota3A_1197, %broadcast_in_dim3A_1364 : vector<256x4096xi1>, vector<256x4096xi32>
      %reduce_min3A_1366 = arith.constant dense<2147483647> : vector<256xi32>
      %reduce_min3A_1367 = vector.multi_reduction <minsi>, %select_n3A_1365, %reduce_min3A_1366 [1] : vector<256x4096xi32> to vector<256xi32>
      %broadcast_in_dim3A_1368 = vector.shape_cast %reduce_min3A_1367 : vector<256xi32> to vector<256x1xi32>
      %eq3A_1369 = vector.broadcast %broadcast_in_dim3A_1368 : vector<256x1xi32> to vector<256x4096xi32>
      %eq3A_1370 = arith.cmpi eq, %iota3A_1197, %eq3A_1369 : vector<256x4096xi32>
      %jit3A_1371 = arith.constant 2147483647 : i32
      %broadcast_in_dim3A_1372 = vector.broadcast %jit3A_1371 : i32 to vector<256x4096xi32>
      %select_n3A_1373 = arith.select %eq3A_1370, %broadcast_in_dim3A_1372, %select_n3A_1357 : vector<256x4096xi1>, vector<256x4096xi32>
      %reduce_min3A_1374 = arith.constant dense<2147483647> : vector<256xi32>
      %reduce_min3A_1375 = vector.multi_reduction <minsi>, %select_n3A_1373, %reduce_min3A_1374 [1] : vector<256x4096xi32> to vector<256xi32>
      %broadcast_in_dim3A_1376 = vector.shape_cast %reduce_min3A_1375 : vector<256xi32> to vector<256x1xi32>
      %eq3A_1377 = vector.broadcast %broadcast_in_dim3A_1376 : vector<256x1xi32> to vector<256x4096xi32>
      %eq3A_1378 = arith.cmpi eq, %select_n3A_1373, %eq3A_1377 : vector<256x4096xi32>
      %jit3A_1379 = arith.constant 4096 : i32
      %broadcast_in_dim3A_1380 = vector.broadcast %jit3A_1379 : i32 to vector<256x4096xi32>
      %select_n3A_1381 = arith.select %eq3A_1378, %iota3A_1197, %broadcast_in_dim3A_1380 : vector<256x4096xi1>, vector<256x4096xi32>
      %reduce_min3A_1382 = arith.constant dense<2147483647> : vector<256xi32>
      %reduce_min3A_1383 = vector.multi_reduction <minsi>, %select_n3A_1381, %reduce_min3A_1382 [1] : vector<256x4096xi32> to vector<256xi32>
      %broadcast_in_dim3A_1384 = vector.shape_cast %reduce_min3A_1383 : vector<256xi32> to vector<256x1xi32>
      %eq3A_1385 = vector.broadcast %broadcast_in_dim3A_1384 : vector<256x1xi32> to vector<256x4096xi32>
      %eq3A_1386 = arith.cmpi eq, %iota3A_1197, %eq3A_1385 : vector<256x4096xi32>
      %jit3A_1387 = arith.constant 2147483647 : i32
      %broadcast_in_dim3A_1388 = vector.broadcast %jit3A_1387 : i32 to vector<256x4096xi32>
      %select_n3A_1389 = arith.select %eq3A_1386, %broadcast_in_dim3A_1388, %select_n3A_1373 : vector<256x4096xi1>, vector<256x4096xi32>
      %reduce_min3A_1390 = arith.constant dense<2147483647> : vector<256xi32>
      %reduce_min3A_1391 = vector.multi_reduction <minsi>, %select_n3A_1389, %reduce_min3A_1390 [1] : vector<256x4096xi32> to vector<256xi32>
      %broadcast_in_dim3A_1392 = vector.shape_cast %reduce_min3A_1391 : vector<256xi32> to vector<256x1xi32>
      %eq3A_1393 = vector.broadcast %broadcast_in_dim3A_1392 : vector<256x1xi32> to vector<256x4096xi32>
      %eq3A_1394 = arith.cmpi eq, %select_n3A_1389, %eq3A_1393 : vector<256x4096xi32>
      %jit3A_1395 = arith.constant 4096 : i32
      %broadcast_in_dim3A_1396 = vector.broadcast %jit3A_1395 : i32 to vector<256x4096xi32>
      %select_n3A_1397 = arith.select %eq3A_1394, %iota3A_1197, %broadcast_in_dim3A_1396 : vector<256x4096xi1>, vector<256x4096xi32>
      %reduce_min3A_1398 = arith.constant dense<2147483647> : vector<256xi32>
      %reduce_min3A_1399 = vector.multi_reduction <minsi>, %select_n3A_1397, %reduce_min3A_1398 [1] : vector<256x4096xi32> to vector<256xi32>
      %broadcast_in_dim3A_1400 = vector.shape_cast %reduce_min3A_1399 : vector<256xi32> to vector<256x1xi32>
      %eq3A_1401 = vector.broadcast %broadcast_in_dim3A_1400 : vector<256x1xi32> to vector<256x4096xi32>
      %eq3A_1402 = arith.cmpi eq, %iota3A_1197, %eq3A_1401 : vector<256x4096xi32>
      %jit3A_1403 = arith.constant 2147483647 : i32
      %broadcast_in_dim3A_1404 = vector.broadcast %jit3A_1403 : i32 to vector<256x4096xi32>
      %select_n3A_1405 = arith.select %eq3A_1402, %broadcast_in_dim3A_1404, %select_n3A_1389 : vector<256x4096xi1>, vector<256x4096xi32>
      %reduce_min3A_1406 = arith.constant dense<2147483647> : vector<256xi32>
      %reduce_min3A_1407 = vector.multi_reduction <minsi>, %select_n3A_1405, %reduce_min3A_1406 [1] : vector<256x4096xi32> to vector<256xi32>
      %broadcast_in_dim3A_1408 = vector.shape_cast %reduce_min3A_1407 : vector<256xi32> to vector<256x1xi32>
      %eq3A_1409 = vector.broadcast %broadcast_in_dim3A_1408 : vector<256x1xi32> to vector<256x4096xi32>
      %eq3A_1410 = arith.cmpi eq, %select_n3A_1405, %eq3A_1409 : vector<256x4096xi32>
      %jit3A_1411 = arith.constant 4096 : i32
      %broadcast_in_dim3A_1412 = vector.broadcast %jit3A_1411 : i32 to vector<256x4096xi32>
      %select_n3A_1413 = arith.select %eq3A_1410, %iota3A_1197, %broadcast_in_dim3A_1412 : vector<256x4096xi1>, vector<256x4096xi32>
      %reduce_min3A_1414 = arith.constant dense<2147483647> : vector<256xi32>
      %reduce_min3A_1415 = vector.multi_reduction <minsi>, %select_n3A_1413, %reduce_min3A_1414 [1] : vector<256x4096xi32> to vector<256xi32>
      %broadcast_in_dim3A_1416 = vector.shape_cast %reduce_min3A_1415 : vector<256xi32> to vector<256x1xi32>
      %eq3A_1417 = vector.broadcast %broadcast_in_dim3A_1416 : vector<256x1xi32> to vector<256x4096xi32>
      %eq3A_1418 = arith.cmpi eq, %iota3A_1197, %eq3A_1417 : vector<256x4096xi32>
      %jit3A_1419 = arith.constant 2147483647 : i32
      %broadcast_in_dim3A_1420 = vector.broadcast %jit3A_1419 : i32 to vector<256x4096xi32>
      %select_n3A_1421 = arith.select %eq3A_1418, %broadcast_in_dim3A_1420, %select_n3A_1405 : vector<256x4096xi1>, vector<256x4096xi32>
      %reduce_min3A_1422 = arith.constant dense<2147483647> : vector<256xi32>
      %reduce_min3A_1423 = vector.multi_reduction <minsi>, %select_n3A_1421, %reduce_min3A_1422 [1] : vector<256x4096xi32> to vector<256xi32>
      %broadcast_in_dim3A_1424 = vector.shape_cast %reduce_min3A_1423 : vector<256xi32> to vector<256x1xi32>
      %eq3A_1425 = vector.broadcast %broadcast_in_dim3A_1424 : vector<256x1xi32> to vector<256x4096xi32>
      %eq3A_1426 = arith.cmpi eq, %select_n3A_1421, %eq3A_1425 : vector<256x4096xi32>
      %jit3A_1427 = arith.constant 4096 : i32
      %broadcast_in_dim3A_1428 = vector.broadcast %jit3A_1427 : i32 to vector<256x4096xi32>
      %select_n3A_1429 = arith.select %eq3A_1426, %iota3A_1197, %broadcast_in_dim3A_1428 : vector<256x4096xi1>, vector<256x4096xi32>
      %reduce_min3A_1430 = arith.constant dense<2147483647> : vector<256xi32>
      %reduce_min3A_1431 = vector.multi_reduction <minsi>, %select_n3A_1429, %reduce_min3A_1430 [1] : vector<256x4096xi32> to vector<256xi32>
      %broadcast_in_dim3A_1432 = vector.shape_cast %reduce_min3A_1431 : vector<256xi32> to vector<256x1xi32>
      %eq3A_1433 = vector.broadcast %broadcast_in_dim3A_1432 : vector<256x1xi32> to vector<256x4096xi32>
      %eq3A_1434 = arith.cmpi eq, %iota3A_1197, %eq3A_1433 : vector<256x4096xi32>
      %jit3A_1435 = arith.constant 2147483647 : i32
      %broadcast_in_dim3A_1436 = vector.broadcast %jit3A_1435 : i32 to vector<256x4096xi32>
      %select_n3A_1437 = arith.select %eq3A_1434, %broadcast_in_dim3A_1436, %select_n3A_1421 : vector<256x4096xi1>, vector<256x4096xi32>
      %reduce_min3A_1438 = arith.constant dense<2147483647> : vector<256xi32>
      %reduce_min3A_1439 = vector.multi_reduction <minsi>, %select_n3A_1437, %reduce_min3A_1438 [1] : vector<256x4096xi32> to vector<256xi32>
      %broadcast_in_dim3A_1440 = vector.shape_cast %reduce_min3A_1439 : vector<256xi32> to vector<256x1xi32>
      %eq3A_1441 = vector.broadcast %broadcast_in_dim3A_1440 : vector<256x1xi32> to vector<256x4096xi32>
      %eq3A_1442 = arith.cmpi eq, %select_n3A_1437, %eq3A_1441 : vector<256x4096xi32>
      %jit3A_1443 = arith.constant 4096 : i32
      %broadcast_in_dim3A_1444 = vector.broadcast %jit3A_1443 : i32 to vector<256x4096xi32>
      %select_n3A_1445 = arith.select %eq3A_1442, %iota3A_1197, %broadcast_in_dim3A_1444 : vector<256x4096xi1>, vector<256x4096xi32>
      %reduce_min3A_1446 = arith.constant dense<2147483647> : vector<256xi32>
      %reduce_min3A_1447 = vector.multi_reduction <minsi>, %select_n3A_1445, %reduce_min3A_1446 [1] : vector<256x4096xi32> to vector<256xi32>
      %broadcast_in_dim3A_1448 = vector.shape_cast %reduce_min3A_1447 : vector<256xi32> to vector<256x1xi32>
      %concatenate3A_1449 = tpu.concatenate %broadcast_in_dim3A_1208, %broadcast_in_dim3A_1224, %broadcast_in_dim3A_1240, %broadcast_in_dim3A_1256, %broadcast_in_dim3A_1272, %broadcast_in_dim3A_1288, %broadcast_in_dim3A_1304, %broadcast_in_dim3A_1320, %broadcast_in_dim3A_1336, %broadcast_in_dim3A_1352, %broadcast_in_dim3A_1368, %broadcast_in_dim3A_1384, %broadcast_in_dim3A_1400, %broadcast_in_dim3A_1416, %broadcast_in_dim3A_1432, %broadcast_in_dim3A_1448 in 1 : vector<256x1xi32>, vector<256x1xi32>, vector<256x1xi32>, vector<256x1xi32>, vector<256x1xi32>, vector<256x1xi32>, vector<256x1xi32>, vector<256x1xi32>, vector<256x1xi32>, vector<256x1xi32>, vector<256x1xi32>, vector<256x1xi32>, vector<256x1xi32>, vector<256x1xi32>, vector<256x1xi32>, vector<256x1xi32> -> vector<256x16xi32>
      %swap3A_1450 = arith.constant 0 : index
      %swap3A_1451 = arith.constant 0 : index
      %swap3A_1452 = vector.load %arg3[%swap3A_1450, %swap3A_1451] : memref<256x16xi32, #tpu.memory_space<vmem>>, vector<256x16xi32>
      tpu.vector_store %arg3[%swap3A_1450, %swap3A_1451], %concatenate3A_1449 {strides = array<i32>} : memref<256x16xi32, #tpu.memory_space<vmem>>, vector<256x16xi32>,
    } else {
    }
    return
  }
  func.func @transform_0(%arg0: i32) -> (i32, i32) {
    %add3A = arith.constant 8 : i32
    %add3A_0 = arith.addi %arg0, %add3A : i32
    %c0_i32 = arith.constant 0 : i32
    %c0_i32_1 = arith.constant 0 : i32
    return %add3A_0, %c0_i32 : i32, i32
  }
  func.func @transform_1(%arg0: i32) -> (i32, i32) {
    %c0_i32 = arith.constant 0 : i32
    %c0_i32_0 = arith.constant 0 : i32
    %c0_i32_1 = arith.constant 0 : i32
    return %c0_i32, %c0_i32_0 : i32, i32
  }
  func.func @transform_2(%arg0: i32) -> (i32, i32) {
    %c0_i32 = arith.constant 0 : i32
    %c0_i32_0 = arith.constant 0 : i32
    return %arg0, %c0_i32 : i32, i32
  }
}

module attributes {stable_mosaic.version = 14 : i64} {
  func.func @_table_body(%arg0: i32, %arg1: memref<256x256xf32, #tpu.memory_space<vmem>>, %arg2: memref<256x16xf32, #tpu.memory_space<vmem>>, %arg3: memref<256x256xf32, #tpu.memory_space<vmem>>, %arg4: memref<256x256xf32, #tpu.memory_space<vmem>>, %arg5: memref<256x256xf32, #tpu.memory_space<vmem>>, %arg6: memref<256x640xf32, #tpu.memory_space<vmem>>, %arg7: memref<256x256xf32, #tpu.memory_space<vmem>>) attributes {dimension_semantics = [#tpu.dimension_semantics<arbitrary>], iteration_bounds = array<i64: 16>, scalar_prefetch = 0 : i64, scratch_operands = 0 : i64, tpu.core_type = #tpu.core_type<tc>, window_params = [{transform_indices = @transform_0, window_bounds = array<i64: 256, 256>}, {transform_indices = @transform_1, window_bounds = array<i64: 256, 16>}, {pipeline_mode = #tpu.pipeline_mode<synchronous>, transform_indices = @transform_2, window_bounds = array<i64: 256, 256>}, {pipeline_mode = #tpu.pipeline_mode<synchronous>, transform_indices = @transform_3, window_bounds = array<i64: 256, 256>}, {pipeline_mode = #tpu.pipeline_mode<synchronous>, transform_indices = @transform_4, window_bounds = array<i64: 256, 256>}, {transform_indices = @transform_5, window_bounds = array<i64: 256, 640>}, {transform_indices = @transform_6, window_bounds = array<i64: 256, 256>}]} {
    %get3A = arith.constant 0 : index
    %get3A_0 = arith.constant 0 : index
    %get3A_1 = vector.load %arg1[%get3A, %get3A_0] : memref<256x256xf32, #tpu.memory_space<vmem>>, vector<256x256xf32>
    %get3A_2 = arith.constant 0 : index
    %get3A_3 = arith.constant 0 : index
    %get3A_4 = vector.load %arg3[%get3A_2, %get3A_3] : memref<256x256xf32, #tpu.memory_space<vmem>>, vector<256x256xf32>
    %dot_general3A = arith.constant dense<0.000000e+00> : vector<256x256xf32>
    %dot_general3A_5 = tpu.matmul %get3A_1, %get3A_4, %dot_general3A {dimension_numbers = #tpu.dot_dimension_numbers<[1], [0], [0], [1], [0, 0, 1, 1], [], []>, transpose_lhs_hint = false} : vector<256x256xf32>, vector<256x256xf32>, vector<256x256xf32> -> vector<256x256xf32>
    %swap3A = arith.constant 0 : index
    %swap3A_6 = arith.constant 0 : index
    %swap3A_7 = vector.load %arg7[%swap3A, %swap3A_6] : memref<256x256xf32, #tpu.memory_space<vmem>>, vector<256x256xf32>
    tpu.vector_store %arg7[%swap3A, %swap3A_6], %dot_general3A_5 {strides = array<i32>} : memref<256x256xf32, #tpu.memory_space<vmem>>, vector<256x256xf32>,
    %get3A_8 = arith.constant 0 : index
    %get3A_9 = arith.constant 0 : index
    %get3A_10 = vector.load %arg4[%get3A_8, %get3A_9] : memref<256x256xf32, #tpu.memory_space<vmem>>, vector<256x256xf32>
    %dot_general3A_11 = arith.constant dense<0.000000e+00> : vector<256x256xf32>
    %dot_general3A_12 = tpu.matmul %get3A_1, %get3A_10, %dot_general3A_11 {dimension_numbers = #tpu.dot_dimension_numbers<[1], [0], [0], [1], [0, 0, 1, 1], [], []>, transpose_lhs_hint = false} : vector<256x256xf32>, vector<256x256xf32>, vector<256x256xf32> -> vector<256x256xf32>
    %swap3A_13 = arith.constant 0 : index
    %swap3A_14 = arith.constant 0 : index
    %swap3A_15 = vector.load %arg6[%swap3A_13, %swap3A_14] : memref<256x640xf32, #tpu.memory_space<vmem>>, vector<256x256xf32>
    tpu.vector_store %arg6[%swap3A_13, %swap3A_14], %dot_general3A_12 {strides = array<i32>} : memref<256x640xf32, #tpu.memory_space<vmem>>, vector<256x256xf32>,
    %get3A_16 = arith.constant 0 : index
    %get3A_17 = arith.constant 0 : index
    %get3A_18 = vector.load %arg5[%get3A_16, %get3A_17] : memref<256x256xf32, #tpu.memory_space<vmem>>, vector<256x256xf32>
    %dot_general3A_19 = arith.constant dense<0.000000e+00> : vector<256x256xf32>
    %dot_general3A_20 = tpu.matmul %get3A_1, %get3A_18, %dot_general3A_19 {dimension_numbers = #tpu.dot_dimension_numbers<[1], [0], [0], [1], [0, 0, 1, 1], [], []>, transpose_lhs_hint = false} : vector<256x256xf32>, vector<256x256xf32>, vector<256x256xf32> -> vector<256x256xf32>
    %swap3A_21 = arith.constant 0 : index
    %swap3A_22 = arith.constant 256 : index
    %swap3A_23 = vector.load %arg6[%swap3A_21, %swap3A_22] : memref<256x640xf32, #tpu.memory_space<vmem>>, vector<256x256xf32>
    tpu.vector_store %arg6[%swap3A_21, %swap3A_22], %dot_general3A_20 {strides = array<i32>} : memref<256x640xf32, #tpu.memory_space<vmem>>, vector<256x256xf32>,
    %get3A_24 = arith.constant 0 : index
    %get3A_25 = arith.constant 0 : index
    %get3A_26 = vector.load %arg2[%get3A_24, %get3A_25] : memref<256x16xf32, #tpu.memory_space<vmem>>, vector<256x16xf32>
    %swap3A_27 = arith.constant 0 : index
    %swap3A_28 = arith.constant 512 : index
    %swap3A_29 = vector.load %arg6[%swap3A_27, %swap3A_28] : memref<256x640xf32, #tpu.memory_space<vmem>>, vector<256x16xf32>
    tpu.vector_store %arg6[%swap3A_27, %swap3A_28], %get3A_26 {strides = array<i32>} : memref<256x640xf32, #tpu.memory_space<vmem>>, vector<256x16xf32>,
    return
  }
  func.func @transform_0(%arg0: i32) -> (i32, i32) {
    %c0_i32 = arith.constant 0 : i32
    %c0_i32_0 = arith.constant 0 : i32
    return %arg0, %c0_i32 : i32, i32
  }
  func.func @transform_1(%arg0: i32) -> (i32, i32) {
    %c0_i32 = arith.constant 0 : i32
    %c0_i32_0 = arith.constant 0 : i32
    return %arg0, %c0_i32 : i32, i32
  }
  func.func @transform_2(%arg0: i32) -> (i32, i32) {
    %c0_i32 = arith.constant 0 : i32
    %c0_i32_0 = arith.constant 0 : i32
    %c0_i32_1 = arith.constant 0 : i32
    return %c0_i32, %c0_i32_0 : i32, i32
  }
  func.func @transform_3(%arg0: i32) -> (i32, i32) {
    %c0_i32 = arith.constant 0 : i32
    %c0_i32_0 = arith.constant 0 : i32
    %c0_i32_1 = arith.constant 0 : i32
    return %c0_i32, %c0_i32_0 : i32, i32
  }
  func.func @transform_4(%arg0: i32) -> (i32, i32) {
    %c0_i32 = arith.constant 0 : i32
    %c0_i32_0 = arith.constant 0 : i32
    %c0_i32_1 = arith.constant 0 : i32
    return %c0_i32, %c0_i32_0 : i32, i32
  }
  func.func @transform_5(%arg0: i32) -> (i32, i32) {
    %c0_i32 = arith.constant 0 : i32
    %c0_i32_0 = arith.constant 0 : i32
    return %arg0, %c0_i32 : i32, i32
  }
  func.func @transform_6(%arg0: i32) -> (i32, i32) {
    %c0_i32 = arith.constant 0 : i32
    %c0_i32_0 = arith.constant 0 : i32
    return %arg0, %c0_i32 : i32, i32
  }
}

module attributes {stable_mosaic.version = 14 : i64} {
  func.func @_stage_c_body(%arg0: i32, %arg1: memref<4096x640xf32, #tpu.memory_space<vmem>>, %arg2: memref<256x256xf32, #tpu.memory_space<vmem>>, %arg3: memref<256x8xf32, #tpu.memory_space<vmem>>, %arg4: memref<256x256xf32, #tpu.memory_space<vmem>>, %arg5: memref<8x256xf32, #tpu.memory_space<vmem>>, %arg6: memref<1x256xf32, #tpu.memory_space<vmem>>, %arg7: memref<256x256xf32, #tpu.memory_space<vmem>>, %arg8: memref<1x256xf32, #tpu.memory_space<vmem>>, %arg9: memref<256x256xf32, #tpu.memory_space<vmem>>, %arg10: memref<1x256xf32, #tpu.memory_space<vmem>>, %arg11: memref<256x256xf32, #tpu.memory_space<vmem>>, %arg12: memref<1x256xf32, #tpu.memory_space<vmem>>, %arg13: memref<256x256xf32, #tpu.memory_space<vmem>>) attributes {dimension_semantics = [#tpu.dimension_semantics<arbitrary>], iteration_bounds = array<i64: 8>, scalar_prefetch = 0 : i64, scratch_operands = 0 : i64, tpu.core_type = #tpu.core_type<tc>, window_params = [{transform_indices = @transform_0, window_bounds = array<i64: 4096, 640>}, {transform_indices = @transform_1, window_bounds = array<i64: 256, 256>}, {transform_indices = @transform_2, window_bounds = array<i64: 256, 8>}, {transform_indices = @transform_3, window_bounds = array<i64: 256, 256>}, {pipeline_mode = #tpu.pipeline_mode<synchronous>, transform_indices = @transform_4, window_bounds = array<i64: 8, 256>}, {pipeline_mode = #tpu.pipeline_mode<synchronous>, transform_indices = @transform_5, window_bounds = array<i64: 1, 256>}, {pipeline_mode = #tpu.pipeline_mode<synchronous>, transform_indices = @transform_6, window_bounds = array<i64: 256, 256>}, {pipeline_mode = #tpu.pipeline_mode<synchronous>, transform_indices = @transform_7, window_bounds = array<i64: 1, 256>}, {pipeline_mode = #tpu.pipeline_mode<synchronous>, transform_indices = @transform_8, window_bounds = array<i64: 256, 256>}, {pipeline_mode = #tpu.pipeline_mode<synchronous>, transform_indices = @transform_9, window_bounds = array<i64: 1, 256>}, {pipeline_mode = #tpu.pipeline_mode<synchronous>, transform_indices = @transform_10, window_bounds = array<i64: 256, 256>}, {pipeline_mode = #tpu.pipeline_mode<synchronous>, transform_indices = @transform_11, window_bounds = array<i64: 1, 256>}, {transform_indices = @transform_12, window_bounds = array<i64: 256, 256>}]} {
    %get3A = arith.constant 0 : index
    %get3A_0 = arith.constant 0 : index
    %get3A_1 = vector.load %arg1[%get3A, %get3A_0] : memref<4096x640xf32, #tpu.memory_space<vmem>>, vector<4096x640xf32>
    %slice3A = vector.extract_strided_slice %get3A_1 {offsets = [0, 0], sizes = [4096, 256], strides = [1, 1]} : vector<4096x640xf32> to vector<4096x256xf32>
    %slice3A_2 = vector.extract_strided_slice %get3A_1 {offsets = [0, 256], sizes = [4096, 256], strides = [1, 1]} : vector<4096x640xf32> to vector<4096x256xf32>
    %slice3A_3 = vector.extract_strided_slice %get3A_1 {offsets = [0, 512], sizes = [4096, 8], strides = [1, 1]} : vector<4096x640xf32> to vector<4096x8xf32>
    %get3A_4 = arith.constant 0 : index
    %get3A_5 = arith.constant 0 : index
    %get3A_6 = vector.load %arg3[%get3A_4, %get3A_5] : memref<256x8xf32, #tpu.memory_space<vmem>>, vector<256x8xf32>
    %broadcast_in_dim3A = vector.shape_cast %get3A_6 : vector<256x8xf32> to vector<256x1x8xf32>
    %reshape3A = vector.shape_cast %slice3A_3 : vector<4096x8xf32> to vector<256x16x8xf32>
    %sub3A = vector.broadcast %broadcast_in_dim3A : vector<256x1x8xf32> to vector<256x16x8xf32>
    %sub3A_7 = arith.subf %sub3A, %reshape3A : vector<256x16x8xf32>
    %reshape3A_8 = vector.shape_cast %sub3A_7 : vector<256x16x8xf32> to vector<4096x8xf32>
    %get3A_9 = arith.constant 0 : index
    %get3A_10 = arith.constant 0 : index
    %get3A_11 = vector.load %arg5[%get3A_9, %get3A_10] : memref<8x256xf32, #tpu.memory_space<vmem>>, vector<8x256xf32>
    %dot_general3A = arith.constant dense<0.000000e+00> : vector<4096x256xf32>
    %dot_general3A_12 = tpu.matmul %reshape3A_8, %get3A_11, %dot_general3A {dimension_numbers = #tpu.dot_dimension_numbers<[1], [0], [0], [1], [0, 0, 1, 1], [], []>, transpose_lhs_hint = false} : vector<4096x8xf32>, vector<8x256xf32>, vector<4096x256xf32> -> vector<4096x256xf32>
    %get3A_13 = arith.constant 0 : index
    %get3A_14 = arith.constant 0 : index
    %get3A_15 = vector.load %arg6[%get3A_13, %get3A_14] : memref<1x256xf32, #tpu.memory_space<vmem>>, vector<1x256xf32>
    %add3A = vector.broadcast %get3A_15 : vector<1x256xf32> to vector<4096x256xf32>
    %add3A_16 = arith.addf %dot_general3A_12, %add3A : vector<4096x256xf32>
    %max3A = arith.constant 0.000000e+00 : f32
    %max3A_17 = vector.broadcast %max3A : f32 to vector<4096x256xf32>
    %max3A_18 = arith.maximumf %add3A_16, %max3A_17 : vector<4096x256xf32>
    %get3A_19 = arith.constant 0 : index
    %get3A_20 = arith.constant 0 : index
    %get3A_21 = vector.load %arg7[%get3A_19, %get3A_20] : memref<256x256xf32, #tpu.memory_space<vmem>>, vector<256x256xf32>
    %dot_general3A_22 = arith.constant dense<0.000000e+00> : vector<4096x256xf32>
    %dot_general3A_23 = tpu.matmul %max3A_18, %get3A_21, %dot_general3A_22 {dimension_numbers = #tpu.dot_dimension_numbers<[1], [0], [0], [1], [0, 0, 1, 1], [], []>, transpose_lhs_hint = false} : vector<4096x256xf32>, vector<256x256xf32>, vector<4096x256xf32> -> vector<4096x256xf32>
    %get3A_24 = arith.constant 0 : index
    %get3A_25 = arith.constant 0 : index
    %get3A_26 = vector.load %arg8[%get3A_24, %get3A_25] : memref<1x256xf32, #tpu.memory_space<vmem>>, vector<1x256xf32>
    %add3A_27 = vector.broadcast %get3A_26 : vector<1x256xf32> to vector<4096x256xf32>
    %add3A_28 = arith.addf %dot_general3A_23, %add3A_27 : vector<4096x256xf32>
    %get3A_29 = arith.constant 0 : index
    %get3A_30 = arith.constant 0 : index
    %get3A_31 = vector.load %arg2[%get3A_29, %get3A_30] : memref<256x256xf32, #tpu.memory_space<vmem>>, vector<256x256xf32>
    %broadcast_in_dim3A_32 = vector.shape_cast %get3A_31 : vector<256x256xf32> to vector<256x1x256xf32>
    %reshape3A_33 = vector.shape_cast %slice3A : vector<4096x256xf32> to vector<256x16x256xf32>
    %sub3A_34 = vector.broadcast %broadcast_in_dim3A_32 : vector<256x1x256xf32> to vector<256x16x256xf32>
    %sub3A_35 = arith.subf %sub3A_34, %reshape3A_33 : vector<256x16x256xf32>
    %reshape3A_36 = vector.shape_cast %add3A_28 : vector<4096x256xf32> to vector<256x16x256xf32>
    %add3A_37 = arith.addf %sub3A_35, %reshape3A_36 : vector<256x16x256xf32>
    %reshape3A_38 = vector.shape_cast %add3A_37 : vector<256x16x256xf32> to vector<4096x256xf32>
    %get3A_39 = arith.constant 0 : index
    %get3A_40 = arith.constant 0 : index
    %get3A_41 = vector.load %arg9[%get3A_39, %get3A_40] : memref<256x256xf32, #tpu.memory_space<vmem>>, vector<256x256xf32>
    %dot_general3A_42 = arith.constant dense<0.000000e+00> : vector<4096x256xf32>
    %dot_general3A_43 = tpu.matmul %reshape3A_38, %get3A_41, %dot_general3A_42 {dimension_numbers = #tpu.dot_dimension_numbers<[1], [0], [0], [1], [0, 0, 1, 1], [], []>, transpose_lhs_hint = false} : vector<4096x256xf32>, vector<256x256xf32>, vector<4096x256xf32> -> vector<4096x256xf32>
    %get3A_44 = arith.constant 0 : index
    %get3A_45 = arith.constant 0 : index
    %get3A_46 = vector.load %arg10[%get3A_44, %get3A_45] : memref<1x256xf32, #tpu.memory_space<vmem>>, vector<1x256xf32>
    %add3A_47 = vector.broadcast %get3A_46 : vector<1x256xf32> to vector<4096x256xf32>
    %add3A_48 = arith.addf %dot_general3A_43, %add3A_47 : vector<4096x256xf32>
    %max3A_49 = arith.constant 0.000000e+00 : f32
    %max3A_50 = vector.broadcast %max3A_49 : f32 to vector<4096x256xf32>
    %max3A_51 = arith.maximumf %add3A_48, %max3A_50 : vector<4096x256xf32>
    %get3A_52 = arith.constant 0 : index
    %get3A_53 = arith.constant 0 : index
    %get3A_54 = vector.load %arg11[%get3A_52, %get3A_53] : memref<256x256xf32, #tpu.memory_space<vmem>>, vector<256x256xf32>
    %dot_general3A_55 = arith.constant dense<0.000000e+00> : vector<4096x256xf32>
    %dot_general3A_56 = tpu.matmul %max3A_51, %get3A_54, %dot_general3A_55 {dimension_numbers = #tpu.dot_dimension_numbers<[1], [0], [0], [1], [0, 0, 1, 1], [], []>, transpose_lhs_hint = false} : vector<4096x256xf32>, vector<256x256xf32>, vector<4096x256xf32> -> vector<4096x256xf32>
    %get3A_57 = arith.constant 0 : index
    %get3A_58 = arith.constant 0 : index
    %get3A_59 = vector.load %arg12[%get3A_57, %get3A_58] : memref<1x256xf32, #tpu.memory_space<vmem>>, vector<1x256xf32>
    %add3A_60 = vector.broadcast %get3A_59 : vector<1x256xf32> to vector<4096x256xf32>
    %add3A_61 = arith.addf %dot_general3A_56, %add3A_60 : vector<4096x256xf32>
    %reshape3A_62 = vector.shape_cast %add3A_61 : vector<4096x256xf32> to vector<256x16x256xf32>
    %reduce_max3A = arith.constant dense<0xFF800000> : vector<256x256xf32>
    %reduce_max3A_63 = vector.multi_reduction <maximumf>, %reshape3A_62, %reduce_max3A [1] : vector<256x16x256xf32> to vector<256x256xf32>
    %broadcast_in_dim3A_64 = vector.shape_cast %reduce_max3A_63 : vector<256x256xf32> to vector<256x1x256xf32>
    %sub3A_65 = vector.broadcast %broadcast_in_dim3A_64 : vector<256x1x256xf32> to vector<256x16x256xf32>
    %sub3A_66 = arith.subf %reshape3A_62, %sub3A_65 : vector<256x16x256xf32>
    %exp3A = math.exp %sub3A_66 : vector<256x16x256xf32>
    %reduce_sum3A = arith.constant dense<0.000000e+00> : vector<256x256xf32>
    %reduce_sum3A_67 = vector.multi_reduction <add>, %exp3A, %reduce_sum3A [1] : vector<256x16x256xf32> to vector<256x256xf32>
    %broadcast_in_dim3A_68 = vector.shape_cast %reduce_sum3A_67 : vector<256x256xf32> to vector<256x1x256xf32>
    %div3A = vector.broadcast %broadcast_in_dim3A_68 : vector<256x1x256xf32> to vector<256x16x256xf32>
    %div3A_69 = arith.divf %exp3A, %div3A : vector<256x16x256xf32>
    %reshape3A_70 = vector.shape_cast %slice3A_2 : vector<4096x256xf32> to vector<256x16x256xf32>
    %reshape3A_71 = vector.shape_cast %add3A_28 : vector<4096x256xf32> to vector<256x16x256xf32>
    %add3A_72 = arith.addf %reshape3A_70, %reshape3A_71 : vector<256x16x256xf32>
    %get3A_73 = arith.constant 0 : index
    %get3A_74 = arith.constant 0 : index
    %get3A_75 = vector.load %arg4[%get3A_73, %get3A_74] : memref<256x256xf32, #tpu.memory_space<vmem>>, vector<256x256xf32>
    %mul3A = arith.mulf %div3A_69, %add3A_72 : vector<256x16x256xf32>
    %reduce_sum3A_76 = arith.constant dense<0.000000e+00> : vector<256x256xf32>
    %reduce_sum3A_77 = vector.multi_reduction <add>, %mul3A, %reduce_sum3A_76 [1] : vector<256x16x256xf32> to vector<256x256xf32>
    %add3A_78 = arith.addf %get3A_75, %reduce_sum3A_77 : vector<256x256xf32>
    %swap3A = arith.constant 0 : index
    %swap3A_79 = arith.constant 0 : index
    %swap3A_80 = vector.load %arg13[%swap3A, %swap3A_79] : memref<256x256xf32, #tpu.memory_space<vmem>>, vector<256x256xf32>
    tpu.vector_store %arg13[%swap3A, %swap3A_79], %add3A_78 {strides = array<i32>} : memref<256x256xf32, #tpu.memory_space<vmem>>, vector<256x256xf32>,
    return
  }
  func.func @transform_0(%arg0: i32) -> (i32, i32) {
    %c0_i32 = arith.constant 0 : i32
    %c0_i32_0 = arith.constant 0 : i32
    return %arg0, %c0_i32 : i32, i32
  }
  func.func @transform_1(%arg0: i32) -> (i32, i32) {
    %add3A = arith.constant 8 : i32
    %add3A_0 = arith.addi %arg0, %add3A : i32
    %c0_i32 = arith.constant 0 : i32
    %c0_i32_1 = arith.constant 0 : i32
    return %add3A_0, %c0_i32 : i32, i32
  }
  func.func @transform_2(%arg0: i32) -> (i32, i32) {
    %add3A = arith.constant 8 : i32
    %add3A_0 = arith.addi %arg0, %add3A : i32
    %c0_i32 = arith.constant 0 : i32
    %c0_i32_1 = arith.constant 0 : i32
    return %add3A_0, %c0_i32 : i32, i32
  }
  func.func @transform_3(%arg0: i32) -> (i32, i32) {
    %add3A = arith.constant 8 : i32
    %add3A_0 = arith.addi %arg0, %add3A : i32
    %c0_i32 = arith.constant 0 : i32
    %c0_i32_1 = arith.constant 0 : i32
    return %add3A_0, %c0_i32 : i32, i32
  }
  func.func @transform_4(%arg0: i32) -> (i32, i32) {
    %c0_i32 = arith.constant 0 : i32
    %c0_i32_0 = arith.constant 0 : i32
    %c0_i32_1 = arith.constant 0 : i32
    return %c0_i32, %c0_i32_0 : i32, i32
  }
  func.func @transform_5(%arg0: i32) -> (i32, i32) {
    %c0_i32 = arith.constant 0 : i32
    %c0_i32_0 = arith.constant 0 : i32
    %c0_i32_1 = arith.constant 0 : i32
    return %c0_i32, %c0_i32_0 : i32, i32
  }
  func.func @transform_6(%arg0: i32) -> (i32, i32) {
    %c0_i32 = arith.constant 0 : i32
    %c0_i32_0 = arith.constant 0 : i32
    %c0_i32_1 = arith.constant 0 : i32
    return %c0_i32, %c0_i32_0 : i32, i32
  }
  func.func @transform_7(%arg0: i32) -> (i32, i32) {
    %c0_i32 = arith.constant 0 : i32
    %c0_i32_0 = arith.constant 0 : i32
    %c0_i32_1 = arith.constant 0 : i32
    return %c0_i32, %c0_i32_0 : i32, i32
  }
  func.func @transform_8(%arg0: i32) -> (i32, i32) {
    %c0_i32 = arith.constant 0 : i32
    %c0_i32_0 = arith.constant 0 : i32
    %c0_i32_1 = arith.constant 0 : i32
    return %c0_i32, %c0_i32_0 : i32, i32
  }
  func.func @transform_9(%arg0: i32) -> (i32, i32) {
    %c0_i32 = arith.constant 0 : i32
    %c0_i32_0 = arith.constant 0 : i32
    %c0_i32_1 = arith.constant 0 : i32
    return %c0_i32, %c0_i32_0 : i32, i32
  }
  func.func @transform_10(%arg0: i32) -> (i32, i32) {
    %c0_i32 = arith.constant 0 : i32
    %c0_i32_0 = arith.constant 0 : i32
    %c0_i32_1 = arith.constant 0 : i32
    return %c0_i32, %c0_i32_0 : i32, i32
  }
  func.func @transform_11(%arg0: i32) -> (i32, i32) {
    %c0_i32 = arith.constant 0 : i32
    %c0_i32_0 = arith.constant 0 : i32
    %c0_i32_1 = arith.constant 0 : i32
    return %c0_i32, %c0_i32_0 : i32, i32
  }
  func.func @transform_12(%arg0: i32) -> (i32, i32) {
    %c0_i32 = arith.constant 0 : i32
    %c0_i32_0 = arith.constant 0 : i32
    return %arg0, %c0_i32 : i32, i32
  }
}

module attributes {stable_mosaic.version = 14 : i64} {
  func.func @_topk_body(%arg0: i32, %arg1: memref<256x8xf32, #tpu.memory_space<vmem>>, %arg2: memref<8x4096xf32, #tpu.memory_space<vmem>>, %arg3: memref<256x16xi32, #tpu.memory_space<vmem>>) attributes {dimension_semantics = [#tpu.dimension_semantics<arbitrary>], iteration_bounds = array<i64: 8>, scalar_prefetch = 0 : i64, scratch_operands = 0 : i64, tpu.core_type = #tpu.core_type<tc>, window_params = [{transform_indices = @transform_0, window_bounds = array<i64: 256, 8>}, {pipeline_mode = #tpu.pipeline_mode<synchronous>, transform_indices = @transform_1, window_bounds = array<i64: 8, 4096>}, {transform_indices = @transform_2, window_bounds = array<i64: 256, 16>}]} {
    %get3A = arith.constant 0 : index
    %get3A_0 = arith.constant 0 : index
    %get3A_1 = vector.load %arg1[%get3A, %get3A_0] : memref<256x8xf32, #tpu.memory_space<vmem>>, vector<256x8xf32>
    %get3A_2 = arith.constant 0 : index
    %get3A_3 = arith.constant 0 : index
    %get3A_4 = vector.load %arg2[%get3A_2, %get3A_3] : memref<8x4096xf32, #tpu.memory_space<vmem>>, vector<8x4096xf32>
    %dot_general3A = arith.constant dense<0.000000e+00> : vector<256x4096xf32>
    %dot_general3A_5 = tpu.matmul %get3A_1, %get3A_4, %dot_general3A {dimension_numbers = #tpu.dot_dimension_numbers<[1], [0], [0], [1], [0, 0, 1, 1], [], []>, transpose_lhs_hint = false} : vector<256x8xf32>, vector<8x4096xf32>, vector<256x4096xf32> -> vector<256x4096xf32>
    %mul3A = arith.mulf %get3A_1, %get3A_1 : vector<256x8xf32>
    %reduce_sum3A = arith.constant dense<0.000000e+00> : vector<256xf32>
    %reduce_sum3A_6 = vector.multi_reduction <add>, %mul3A, %reduce_sum3A [1] : vector<256x8xf32> to vector<256xf32>
    %broadcast_in_dim3A = vector.shape_cast %reduce_sum3A_6 : vector<256xf32> to vector<256x1xf32>
    %mul3A_7 = arith.mulf %get3A_4, %get3A_4 : vector<8x4096xf32>
    %reduce_sum3A_8 = arith.constant dense<0.000000e+00> : vector<4096xf32>
    %reduce_sum3A_9 = vector.multi_reduction <add>, %mul3A_7, %reduce_sum3A_8 [0] : vector<8x4096xf32> to vector<4096xf32>
    %broadcast_in_dim3A_10 = vector.shape_cast %reduce_sum3A_9 : vector<4096xf32> to vector<1x4096xf32>
    %add3A = vector.broadcast %broadcast_in_dim3A : vector<256x1xf32> to vector<256x4096xf32>
    %add3A_11 = vector.broadcast %broadcast_in_dim3A_10 : vector<1x4096xf32> to vector<256x4096xf32>
    %add3A_12 = arith.addf %add3A, %add3A_11 : vector<256x4096xf32>
    %mul3A_13 = arith.constant 2.000000e+00 : f32
    %mul3A_14 = vector.broadcast %mul3A_13 : f32 to vector<256x4096xf32>
    %mul3A_15 = arith.mulf %mul3A_14, %dot_general3A_5 : vector<256x4096xf32>
    %sub3A = arith.subf %add3A_12, %mul3A_15 : vector<256x4096xf32>
    %max3A = arith.constant 0.000000e+00 : f32
    %max3A_16 = vector.broadcast %max3A : f32 to vector<256x4096xf32>
    %max3A_17 = arith.maximumf %sub3A, %max3A_16 : vector<256x4096xf32>
    %bitcast_convert_type3A = tpu.bitcast %max3A_17 : vector<256x4096xf32> -> vector<256x4096xi32>
    %iota3A = tpu.iota {dimensions = array<i32: 1>} : vector<256x128xi32>
    %broadcast_in_dim3A_18 = arith.constant 2147483647 : i32
    %broadcast_in_dim3A_19 = vector.broadcast %broadcast_in_dim3A_18 : i32 to vector<256x128xi32>
    %broadcast_in_dim3A_20 = arith.constant 2147483647 : i32
    %broadcast_in_dim3A_21 = vector.broadcast %broadcast_in_dim3A_20 : i32 to vector<256x128xi32>
    %broadcast_in_dim3A_22 = arith.constant 2147483647 : i32
    %broadcast_in_dim3A_23 = vector.broadcast %broadcast_in_dim3A_22 : i32 to vector<256x128xi32>
    %broadcast_in_dim3A_24 = arith.constant 2147483647 : i32
    %broadcast_in_dim3A_25 = vector.broadcast %broadcast_in_dim3A_24 : i32 to vector<256x128xi32>
    %broadcast_in_dim3A_26 = arith.constant 0 : i32
    %broadcast_in_dim3A_27 = vector.broadcast %broadcast_in_dim3A_26 : i32 to vector<256x128xi32>
    %broadcast_in_dim3A_28 = arith.constant 0 : i32
    %broadcast_in_dim3A_29 = vector.broadcast %broadcast_in_dim3A_28 : i32 to vector<256x128xi32>
    %broadcast_in_dim3A_30 = arith.constant 0 : i32
    %broadcast_in_dim3A_31 = vector.broadcast %broadcast_in_dim3A_30 : i32 to vector<256x128xi32>
    %broadcast_in_dim3A_32 = arith.constant 0 : i32
    %broadcast_in_dim3A_33 = vector.broadcast %broadcast_in_dim3A_32 : i32 to vector<256x128xi32>
    %broadcast_in_dim3A_34 = arith.constant 2147483647 : i32
    %broadcast_in_dim3A_35 = vector.broadcast %broadcast_in_dim3A_34 : i32 to vector<256x128xi32>
    %slice3A = vector.extract_strided_slice %bitcast_convert_type3A {offsets = [0, 0], sizes = [256, 128], strides = [1, 1]} : vector<256x4096xi32> to vector<256x128xi32>
    %add3A_36 = arith.constant 0 : i32
    %add3A_37 = vector.broadcast %add3A_36 : i32 to vector<256x128xi32>
    %add3A_38 = arith.addi %iota3A, %add3A_37 : vector<256x128xi32>
    %lt3A = arith.cmpi slt, %slice3A, %broadcast_in_dim3A_19 : vector<256x128xi32>
    %select_n3A = arith.select %lt3A, %add3A_38, %broadcast_in_dim3A_27 : vector<256x128xi1>, vector<256x128xi32>
    %select_n3A_39 = arith.select %lt3A, %broadcast_in_dim3A_27, %add3A_38 : vector<256x128xi1>, vector<256x128xi32>
    %select_n3A_40 = arith.select %lt3A, %slice3A, %broadcast_in_dim3A_19 : vector<256x128xi1>, vector<256x128xi32>
    %select_n3A_41 = arith.select %lt3A, %broadcast_in_dim3A_19, %slice3A : vector<256x128xi1>, vector<256x128xi32>
    %lt3A_42 = arith.cmpi slt, %select_n3A_41, %broadcast_in_dim3A_21 : vector<256x128xi32>
    %select_n3A_43 = arith.select %lt3A_42, %select_n3A_39, %broadcast_in_dim3A_29 : vector<256x128xi1>, vector<256x128xi32>
    %select_n3A_44 = arith.select %lt3A_42, %broadcast_in_dim3A_29, %select_n3A_39 : vector<256x128xi1>, vector<256x128xi32>
    %select_n3A_45 = arith.select %lt3A_42, %select_n3A_41, %broadcast_in_dim3A_21 : vector<256x128xi1>, vector<256x128xi32>
    %select_n3A_46 = arith.select %lt3A_42, %broadcast_in_dim3A_21, %select_n3A_41 : vector<256x128xi1>, vector<256x128xi32>
    %lt3A_47 = arith.cmpi slt, %select_n3A_46, %broadcast_in_dim3A_23 : vector<256x128xi32>
    %select_n3A_48 = arith.select %lt3A_47, %select_n3A_44, %broadcast_in_dim3A_31 : vector<256x128xi1>, vector<256x128xi32>
    %select_n3A_49 = arith.select %lt3A_47, %broadcast_in_dim3A_31, %select_n3A_44 : vector<256x128xi1>, vector<256x128xi32>
    %select_n3A_50 = arith.select %lt3A_47, %select_n3A_46, %broadcast_in_dim3A_23 : vector<256x128xi1>, vector<256x128xi32>
    %select_n3A_51 = arith.select %lt3A_47, %broadcast_in_dim3A_23, %select_n3A_46 : vector<256x128xi1>, vector<256x128xi32>
    %lt3A_52 = arith.cmpi slt, %select_n3A_51, %broadcast_in_dim3A_25 : vector<256x128xi32>
    %select_n3A_53 = arith.select %lt3A_52, %select_n3A_49, %broadcast_in_dim3A_33 : vector<256x128xi1>, vector<256x128xi32>
    %select_n3A_54 = arith.select %lt3A_52, %select_n3A_51, %broadcast_in_dim3A_25 : vector<256x128xi1>, vector<256x128xi32>
    %select_n3A_55 = arith.select %lt3A_52, %broadcast_in_dim3A_25, %select_n3A_51 : vector<256x128xi1>, vector<256x128xi32>
    %min3A = arith.minsi %broadcast_in_dim3A_35, %select_n3A_55 : vector<256x128xi32>
    %slice3A_56 = vector.extract_strided_slice %bitcast_convert_type3A {offsets = [0, 128], sizes = [256, 128], strides = [1, 1]} : vector<256x4096xi32> to vector<256x128xi32>
    %add3A_57 = arith.constant 128 : i32
    %add3A_58 = vector.broadcast %add3A_57 : i32 to vector<256x128xi32>
    %add3A_59 = arith.addi %iota3A, %add3A_58 : vector<256x128xi32>
    %lt3A_60 = arith.cmpi slt, %slice3A_56, %select_n3A_40 : vector<256x128xi32>
    %select_n3A_61 = arith.select %lt3A_60, %add3A_59, %select_n3A : vector<256x128xi1>, vector<256x128xi32>
    %select_n3A_62 = arith.select %lt3A_60, %select_n3A, %add3A_59 : vector<256x128xi1>, vector<256x128xi32>
    %select_n3A_63 = arith.select %lt3A_60, %slice3A_56, %select_n3A_40 : vector<256x128xi1>, vector<256x128xi32>
    %select_n3A_64 = arith.select %lt3A_60, %select_n3A_40, %slice3A_56 : vector<256x128xi1>, vector<256x128xi32>
    %lt3A_65 = arith.cmpi slt, %select_n3A_64, %select_n3A_45 : vector<256x128xi32>
    %select_n3A_66 = arith.select %lt3A_65, %select_n3A_62, %select_n3A_43 : vector<256x128xi1>, vector<256x128xi32>
    %select_n3A_67 = arith.select %lt3A_65, %select_n3A_43, %select_n3A_62 : vector<256x128xi1>, vector<256x128xi32>
    %select_n3A_68 = arith.select %lt3A_65, %select_n3A_64, %select_n3A_45 : vector<256x128xi1>, vector<256x128xi32>
    %select_n3A_69 = arith.select %lt3A_65, %select_n3A_45, %select_n3A_64 : vector<256x128xi1>, vector<256x128xi32>
    %lt3A_70 = arith.cmpi slt, %select_n3A_69, %select_n3A_50 : vector<256x128xi32>
    %select_n3A_71 = arith.select %lt3A_70, %select_n3A_67, %select_n3A_48 : vector<256x128xi1>, vector<256x128xi32>
    %select_n3A_72 = arith.select %lt3A_70, %select_n3A_48, %select_n3A_67 : vector<256x128xi1>, vector<256x128xi32>
    %select_n3A_73 = arith.select %lt3A_70, %select_n3A_69, %select_n3A_50 : vector<256x128xi1>, vector<256x128xi32>
    %select_n3A_74 = arith.select %lt3A_70, %select_n3A_50, %select_n3A_69 : vector<256x128xi1>, vector<256x128xi32>
    %lt3A_75 = arith.cmpi slt, %select_n3A_74, %select_n3A_54 : vector<256x128xi32>
    %select_n3A_76 = arith.select %lt3A_75, %select_n3A_72, %select_n3A_53 : vector<256x128xi1>, vector<256x128xi32>
    %select_n3A_77 = arith.select %lt3A_75, %select_n3A_74, %select_n3A_54 : vector<256x128xi1>, vector<256x128xi32>
    %select_n3A_78 = arith.select %lt3A_75, %select_n3A_54, %select_n3A_74 : vector<256x128xi1>, vector<256x128xi32>
    %min3A_79 = arith.minsi %min3A, %select_n3A_78 : vector<256x128xi32>
    %slice3A_80 = vector.extract_strided_slice %bitcast_convert_type3A {offsets = [0, 256], sizes = [256, 128], strides = [1, 1]} : vector<256x4096xi32> to vector<256x128xi32>
    %add3A_81 = arith.constant 256 : i32
    %add3A_82 = vector.broadcast %add3A_81 : i32 to vector<256x128xi32>
    %add3A_83 = arith.addi %iota3A, %add3A_82 : vector<256x128xi32>
    %lt3A_84 = arith.cmpi slt, %slice3A_80, %select_n3A_63 : vector<256x128xi32>
    %select_n3A_85 = arith.select %lt3A_84, %add3A_83, %select_n3A_61 : vector<256x128xi1>, vector<256x128xi32>
    %select_n3A_86 = arith.select %lt3A_84, %select_n3A_61, %add3A_83 : vector<256x128xi1>, vector<256x128xi32>
    %select_n3A_87 = arith.select %lt3A_84, %slice3A_80, %select_n3A_63 : vector<256x128xi1>, vector<256x128xi32>
    %select_n3A_88 = arith.select %lt3A_84, %select_n3A_63, %slice3A_80 : vector<256x128xi1>, vector<256x128xi32>
    %lt3A_89 = arith.cmpi slt, %select_n3A_88, %select_n3A_68 : vector<256x128xi32>
    %select_n3A_90 = arith.select %lt3A_89, %select_n3A_86, %select_n3A_66 : vector<256x128xi1>, vector<256x128xi32>
    %select_n3A_91 = arith.select %lt3A_89, %select_n3A_66, %select_n3A_86 : vector<256x128xi1>, vector<256x128xi32>
    %select_n3A_92 = arith.select %lt3A_89, %select_n3A_88, %select_n3A_68 : vector<256x128xi1>, vector<256x128xi32>
    %select_n3A_93 = arith.select %lt3A_89, %select_n3A_68, %select_n3A_88 : vector<256x128xi1>, vector<256x128xi32>
    %lt3A_94 = arith.cmpi slt, %select_n3A_93, %select_n3A_73 : vector<256x128xi32>
    %select_n3A_95 = arith.select %lt3A_94, %select_n3A_91, %select_n3A_71 : vector<256x128xi1>, vector<256x128xi32>
    %select_n3A_96 = arith.select %lt3A_94, %select_n3A_71, %select_n3A_91 : vector<256x128xi1>, vector<256x128xi32>
    %select_n3A_97 = arith.select %lt3A_94, %select_n3A_93, %select_n3A_73 : vector<256x128xi1>, vector<256x128xi32>
    %select_n3A_98 = arith.select %lt3A_94, %select_n3A_73, %select_n3A_93 : vector<256x128xi1>, vector<256x128xi32>
    %lt3A_99 = arith.cmpi slt, %select_n3A_98, %select_n3A_77 : vector<256x128xi32>
    %select_n3A_100 = arith.select %lt3A_99, %select_n3A_96, %select_n3A_76 : vector<256x128xi1>, vector<256x128xi32>
    %select_n3A_101 = arith.select %lt3A_99, %select_n3A_98, %select_n3A_77 : vector<256x128xi1>, vector<256x128xi32>
    %select_n3A_102 = arith.select %lt3A_99, %select_n3A_77, %select_n3A_98 : vector<256x128xi1>, vector<256x128xi32>
    %min3A_103 = arith.minsi %min3A_79, %select_n3A_102 : vector<256x128xi32>
    %slice3A_104 = vector.extract_strided_slice %bitcast_convert_type3A {offsets = [0, 384], sizes = [256, 128], strides = [1, 1]} : vector<256x4096xi32> to vector<256x128xi32>
    %add3A_105 = arith.constant 384 : i32
    %add3A_106 = vector.broadcast %add3A_105 : i32 to vector<256x128xi32>
    %add3A_107 = arith.addi %iota3A, %add3A_106 : vector<256x128xi32>
    %lt3A_108 = arith.cmpi slt, %slice3A_104, %select_n3A_87 : vector<256x128xi32>
    %select_n3A_109 = arith.select %lt3A_108, %add3A_107, %select_n3A_85 : vector<256x128xi1>, vector<256x128xi32>
    %select_n3A_110 = arith.select %lt3A_108, %select_n3A_85, %add3A_107 : vector<256x128xi1>, vector<256x128xi32>
    %select_n3A_111 = arith.select %lt3A_108, %slice3A_104, %select_n3A_87 : vector<256x128xi1>, vector<256x128xi32>
    %select_n3A_112 = arith.select %lt3A_108, %select_n3A_87, %slice3A_104 : vector<256x128xi1>, vector<256x128xi32>
    %lt3A_113 = arith.cmpi slt, %select_n3A_112, %select_n3A_92 : vector<256x128xi32>
    %select_n3A_114 = arith.select %lt3A_113, %select_n3A_110, %select_n3A_90 : vector<256x128xi1>, vector<256x128xi32>
    %select_n3A_115 = arith.select %lt3A_113, %select_n3A_90, %select_n3A_110 : vector<256x128xi1>, vector<256x128xi32>
    %select_n3A_116 = arith.select %lt3A_113, %select_n3A_112, %select_n3A_92 : vector<256x128xi1>, vector<256x128xi32>
    %select_n3A_117 = arith.select %lt3A_113, %select_n3A_92, %select_n3A_112 : vector<256x128xi1>, vector<256x128xi32>
    %lt3A_118 = arith.cmpi slt, %select_n3A_117, %select_n3A_97 : vector<256x128xi32>
    %select_n3A_119 = arith.select %lt3A_118, %select_n3A_115, %select_n3A_95 : vector<256x128xi1>, vector<256x128xi32>
    %select_n3A_120 = arith.select %lt3A_118, %select_n3A_95, %select_n3A_115 : vector<256x128xi1>, vector<256x128xi32>
    %select_n3A_121 = arith.select %lt3A_118, %select_n3A_117, %select_n3A_97 : vector<256x128xi1>, vector<256x128xi32>
    %select_n3A_122 = arith.select %lt3A_118, %select_n3A_97, %select_n3A_117 : vector<256x128xi1>, vector<256x128xi32>
    %lt3A_123 = arith.cmpi slt, %select_n3A_122, %select_n3A_101 : vector<256x128xi32>
    %select_n3A_124 = arith.select %lt3A_123, %select_n3A_120, %select_n3A_100 : vector<256x128xi1>, vector<256x128xi32>
    %select_n3A_125 = arith.select %lt3A_123, %select_n3A_122, %select_n3A_101 : vector<256x128xi1>, vector<256x128xi32>
    %select_n3A_126 = arith.select %lt3A_123, %select_n3A_101, %select_n3A_122 : vector<256x128xi1>, vector<256x128xi32>
    %min3A_127 = arith.minsi %min3A_103, %select_n3A_126 : vector<256x128xi32>
    %slice3A_128 = vector.extract_strided_slice %bitcast_convert_type3A {offsets = [0, 512], sizes = [256, 128], strides = [1, 1]} : vector<256x4096xi32> to vector<256x128xi32>
    %add3A_129 = arith.constant 512 : i32
    %add3A_130 = vector.broadcast %add3A_129 : i32 to vector<256x128xi32>
    %add3A_131 = arith.addi %iota3A, %add3A_130 : vector<256x128xi32>
    %lt3A_132 = arith.cmpi slt, %slice3A_128, %select_n3A_111 : vector<256x128xi32>
    %select_n3A_133 = arith.select %lt3A_132, %add3A_131, %select_n3A_109 : vector<256x128xi1>, vector<256x128xi32>
    %select_n3A_134 = arith.select %lt3A_132, %select_n3A_109, %add3A_131 : vector<256x128xi1>, vector<256x128xi32>
    %select_n3A_135 = arith.select %lt3A_132, %slice3A_128, %select_n3A_111 : vector<256x128xi1>, vector<256x128xi32>
    %select_n3A_136 = arith.select %lt3A_132, %select_n3A_111, %slice3A_128 : vector<256x128xi1>, vector<256x128xi32>
    %lt3A_137 = arith.cmpi slt, %select_n3A_136, %select_n3A_116 : vector<256x128xi32>
    %select_n3A_138 = arith.select %lt3A_137, %select_n3A_134, %select_n3A_114 : vector<256x128xi1>, vector<256x128xi32>
    %select_n3A_139 = arith.select %lt3A_137, %select_n3A_114, %select_n3A_134 : vector<256x128xi1>, vector<256x128xi32>
    %select_n3A_140 = arith.select %lt3A_137, %select_n3A_136, %select_n3A_116 : vector<256x128xi1>, vector<256x128xi32>
    %select_n3A_141 = arith.select %lt3A_137, %select_n3A_116, %select_n3A_136 : vector<256x128xi1>, vector<256x128xi32>
    %lt3A_142 = arith.cmpi slt, %select_n3A_141, %select_n3A_121 : vector<256x128xi32>
    %select_n3A_143 = arith.select %lt3A_142, %select_n3A_139, %select_n3A_119 : vector<256x128xi1>, vector<256x128xi32>
    %select_n3A_144 = arith.select %lt3A_142, %select_n3A_119, %select_n3A_139 : vector<256x128xi1>, vector<256x128xi32>
    %select_n3A_145 = arith.select %lt3A_142, %select_n3A_141, %select_n3A_121 : vector<256x128xi1>, vector<256x128xi32>
    %select_n3A_146 = arith.select %lt3A_142, %select_n3A_121, %select_n3A_141 : vector<256x128xi1>, vector<256x128xi32>
    %lt3A_147 = arith.cmpi slt, %select_n3A_146, %select_n3A_125 : vector<256x128xi32>
    %select_n3A_148 = arith.select %lt3A_147, %select_n3A_144, %select_n3A_124 : vector<256x128xi1>, vector<256x128xi32>
    %select_n3A_149 = arith.select %lt3A_147, %select_n3A_146, %select_n3A_125 : vector<256x128xi1>, vector<256x128xi32>
    %select_n3A_150 = arith.select %lt3A_147, %select_n3A_125, %select_n3A_146 : vector<256x128xi1>, vector<256x128xi32>
    %min3A_151 = arith.minsi %min3A_127, %select_n3A_150 : vector<256x128xi32>
    %slice3A_152 = vector.extract_strided_slice %bitcast_convert_type3A {offsets = [0, 640], sizes = [256, 128], strides = [1, 1]} : vector<256x4096xi32> to vector<256x128xi32>
    %add3A_153 = arith.constant 640 : i32
    %add3A_154 = vector.broadcast %add3A_153 : i32 to vector<256x128xi32>
    %add3A_155 = arith.addi %iota3A, %add3A_154 : vector<256x128xi32>
    %lt3A_156 = arith.cmpi slt, %slice3A_152, %select_n3A_135 : vector<256x128xi32>
    %select_n3A_157 = arith.select %lt3A_156, %add3A_155, %select_n3A_133 : vector<256x128xi1>, vector<256x128xi32>
    %select_n3A_158 = arith.select %lt3A_156, %select_n3A_133, %add3A_155 : vector<256x128xi1>, vector<256x128xi32>
    %select_n3A_159 = arith.select %lt3A_156, %slice3A_152, %select_n3A_135 : vector<256x128xi1>, vector<256x128xi32>
    %select_n3A_160 = arith.select %lt3A_156, %select_n3A_135, %slice3A_152 : vector<256x128xi1>, vector<256x128xi32>
    %lt3A_161 = arith.cmpi slt, %select_n3A_160, %select_n3A_140 : vector<256x128xi32>
    %select_n3A_162 = arith.select %lt3A_161, %select_n3A_158, %select_n3A_138 : vector<256x128xi1>, vector<256x128xi32>
    %select_n3A_163 = arith.select %lt3A_161, %select_n3A_138, %select_n3A_158 : vector<256x128xi1>, vector<256x128xi32>
    %select_n3A_164 = arith.select %lt3A_161, %select_n3A_160, %select_n3A_140 : vector<256x128xi1>, vector<256x128xi32>
    %select_n3A_165 = arith.select %lt3A_161, %select_n3A_140, %select_n3A_160 : vector<256x128xi1>, vector<256x128xi32>
    %lt3A_166 = arith.cmpi slt, %select_n3A_165, %select_n3A_145 : vector<256x128xi32>
    %select_n3A_167 = arith.select %lt3A_166, %select_n3A_163, %select_n3A_143 : vector<256x128xi1>, vector<256x128xi32>
    %select_n3A_168 = arith.select %lt3A_166, %select_n3A_143, %select_n3A_163 : vector<256x128xi1>, vector<256x128xi32>
    %select_n3A_169 = arith.select %lt3A_166, %select_n3A_165, %select_n3A_145 : vector<256x128xi1>, vector<256x128xi32>
    %select_n3A_170 = arith.select %lt3A_166, %select_n3A_145, %select_n3A_165 : vector<256x128xi1>, vector<256x128xi32>
    %lt3A_171 = arith.cmpi slt, %select_n3A_170, %select_n3A_149 : vector<256x128xi32>
    %select_n3A_172 = arith.select %lt3A_171, %select_n3A_168, %select_n3A_148 : vector<256x128xi1>, vector<256x128xi32>
    %select_n3A_173 = arith.select %lt3A_171, %select_n3A_170, %select_n3A_149 : vector<256x128xi1>, vector<256x128xi32>
    %select_n3A_174 = arith.select %lt3A_171, %select_n3A_149, %select_n3A_170 : vector<256x128xi1>, vector<256x128xi32>
    %min3A_175 = arith.minsi %min3A_151, %select_n3A_174 : vector<256x128xi32>
    %slice3A_176 = vector.extract_strided_slice %bitcast_convert_type3A {offsets = [0, 768], sizes = [256, 128], strides = [1, 1]} : vector<256x4096xi32> to vector<256x128xi32>
    %add3A_177 = arith.constant 768 : i32
    %add3A_178 = vector.broadcast %add3A_177 : i32 to vector<256x128xi32>
    %add3A_179 = arith.addi %iota3A, %add3A_178 : vector<256x128xi32>
    %lt3A_180 = arith.cmpi slt, %slice3A_176, %select_n3A_159 : vector<256x128xi32>
    %select_n3A_181 = arith.select %lt3A_180, %add3A_179, %select_n3A_157 : vector<256x128xi1>, vector<256x128xi32>
    %select_n3A_182 = arith.select %lt3A_180, %select_n3A_157, %add3A_179 : vector<256x128xi1>, vector<256x128xi32>
    %select_n3A_183 = arith.select %lt3A_180, %slice3A_176, %select_n3A_159 : vector<256x128xi1>, vector<256x128xi32>
    %select_n3A_184 = arith.select %lt3A_180, %select_n3A_159, %slice3A_176 : vector<256x128xi1>, vector<256x128xi32>
    %lt3A_185 = arith.cmpi slt, %select_n3A_184, %select_n3A_164 : vector<256x128xi32>
    %select_n3A_186 = arith.select %lt3A_185, %select_n3A_182, %select_n3A_162 : vector<256x128xi1>, vector<256x128xi32>
    %select_n3A_187 = arith.select %lt3A_185, %select_n3A_162, %select_n3A_182 : vector<256x128xi1>, vector<256x128xi32>
    %select_n3A_188 = arith.select %lt3A_185, %select_n3A_184, %select_n3A_164 : vector<256x128xi1>, vector<256x128xi32>
    %select_n3A_189 = arith.select %lt3A_185, %select_n3A_164, %select_n3A_184 : vector<256x128xi1>, vector<256x128xi32>
    %lt3A_190 = arith.cmpi slt, %select_n3A_189, %select_n3A_169 : vector<256x128xi32>
    %select_n3A_191 = arith.select %lt3A_190, %select_n3A_187, %select_n3A_167 : vector<256x128xi1>, vector<256x128xi32>
    %select_n3A_192 = arith.select %lt3A_190, %select_n3A_167, %select_n3A_187 : vector<256x128xi1>, vector<256x128xi32>
    %select_n3A_193 = arith.select %lt3A_190, %select_n3A_189, %select_n3A_169 : vector<256x128xi1>, vector<256x128xi32>
    %select_n3A_194 = arith.select %lt3A_190, %select_n3A_169, %select_n3A_189 : vector<256x128xi1>, vector<256x128xi32>
    %lt3A_195 = arith.cmpi slt, %select_n3A_194, %select_n3A_173 : vector<256x128xi32>
    %select_n3A_196 = arith.select %lt3A_195, %select_n3A_192, %select_n3A_172 : vector<256x128xi1>, vector<256x128xi32>
    %select_n3A_197 = arith.select %lt3A_195, %select_n3A_194, %select_n3A_173 : vector<256x128xi1>, vector<256x128xi32>
    %select_n3A_198 = arith.select %lt3A_195, %select_n3A_173, %select_n3A_194 : vector<256x128xi1>, vector<256x128xi32>
    %min3A_199 = arith.minsi %min3A_175, %select_n3A_198 : vector<256x128xi32>
    %slice3A_200 = vector.extract_strided_slice %bitcast_convert_type3A {offsets = [0, 896], sizes = [256, 128], strides = [1, 1]} : vector<256x4096xi32> to vector<256x128xi32>
    %add3A_201 = arith.constant 896 : i32
    %add3A_202 = vector.broadcast %add3A_201 : i32 to vector<256x128xi32>
    %add3A_203 = arith.addi %iota3A, %add3A_202 : vector<256x128xi32>
    %lt3A_204 = arith.cmpi slt, %slice3A_200, %select_n3A_183 : vector<256x128xi32>
    %select_n3A_205 = arith.select %lt3A_204, %add3A_203, %select_n3A_181 : vector<256x128xi1>, vector<256x128xi32>
    %select_n3A_206 = arith.select %lt3A_204, %select_n3A_181, %add3A_203 : vector<256x128xi1>, vector<256x128xi32>
    %select_n3A_207 = arith.select %lt3A_204, %slice3A_200, %select_n3A_183 : vector<256x128xi1>, vector<256x128xi32>
    %select_n3A_208 = arith.select %lt3A_204, %select_n3A_183, %slice3A_200 : vector<256x128xi1>, vector<256x128xi32>
    %lt3A_209 = arith.cmpi slt, %select_n3A_208, %select_n3A_188 : vector<256x128xi32>
    %select_n3A_210 = arith.select %lt3A_209, %select_n3A_206, %select_n3A_186 : vector<256x128xi1>, vector<256x128xi32>
    %select_n3A_211 = arith.select %lt3A_209, %select_n3A_186, %select_n3A_206 : vector<256x128xi1>, vector<256x128xi32>
    %select_n3A_212 = arith.select %lt3A_209, %select_n3A_208, %select_n3A_188 : vector<256x128xi1>, vector<256x128xi32>
    %select_n3A_213 = arith.select %lt3A_209, %select_n3A_188, %select_n3A_208 : vector<256x128xi1>, vector<256x128xi32>
    %lt3A_214 = arith.cmpi slt, %select_n3A_213, %select_n3A_193 : vector<256x128xi32>
    %select_n3A_215 = arith.select %lt3A_214, %select_n3A_211, %select_n3A_191 : vector<256x128xi1>, vector<256x128xi32>
    %select_n3A_216 = arith.select %lt3A_214, %select_n3A_191, %select_n3A_211 : vector<256x128xi1>, vector<256x128xi32>
    %select_n3A_217 = arith.select %lt3A_214, %select_n3A_213, %select_n3A_193 : vector<256x128xi1>, vector<256x128xi32>
    %select_n3A_218 = arith.select %lt3A_214, %select_n3A_193, %select_n3A_213 : vector<256x128xi1>, vector<256x128xi32>
    %lt3A_219 = arith.cmpi slt, %select_n3A_218, %select_n3A_197 : vector<256x128xi32>
    %select_n3A_220 = arith.select %lt3A_219, %select_n3A_216, %select_n3A_196 : vector<256x128xi1>, vector<256x128xi32>
    %select_n3A_221 = arith.select %lt3A_219, %select_n3A_218, %select_n3A_197 : vector<256x128xi1>, vector<256x128xi32>
    %select_n3A_222 = arith.select %lt3A_219, %select_n3A_197, %select_n3A_218 : vector<256x128xi1>, vector<256x128xi32>
    %min3A_223 = arith.minsi %min3A_199, %select_n3A_222 : vector<256x128xi32>
    %slice3A_224 = vector.extract_strided_slice %bitcast_convert_type3A {offsets = [0, 1024], sizes = [256, 128], strides = [1, 1]} : vector<256x4096xi32> to vector<256x128xi32>
    %add3A_225 = arith.constant 1024 : i32
    %add3A_226 = vector.broadcast %add3A_225 : i32 to vector<256x128xi32>
    %add3A_227 = arith.addi %iota3A, %add3A_226 : vector<256x128xi32>
    %lt3A_228 = arith.cmpi slt, %slice3A_224, %select_n3A_207 : vector<256x128xi32>
    %select_n3A_229 = arith.select %lt3A_228, %add3A_227, %select_n3A_205 : vector<256x128xi1>, vector<256x128xi32>
    %select_n3A_230 = arith.select %lt3A_228, %select_n3A_205, %add3A_227 : vector<256x128xi1>, vector<256x128xi32>
    %select_n3A_231 = arith.select %lt3A_228, %slice3A_224, %select_n3A_207 : vector<256x128xi1>, vector<256x128xi32>
    %select_n3A_232 = arith.select %lt3A_228, %select_n3A_207, %slice3A_224 : vector<256x128xi1>, vector<256x128xi32>
    %lt3A_233 = arith.cmpi slt, %select_n3A_232, %select_n3A_212 : vector<256x128xi32>
    %select_n3A_234 = arith.select %lt3A_233, %select_n3A_230, %select_n3A_210 : vector<256x128xi1>, vector<256x128xi32>
    %select_n3A_235 = arith.select %lt3A_233, %select_n3A_210, %select_n3A_230 : vector<256x128xi1>, vector<256x128xi32>
    %select_n3A_236 = arith.select %lt3A_233, %select_n3A_232, %select_n3A_212 : vector<256x128xi1>, vector<256x128xi32>
    %select_n3A_237 = arith.select %lt3A_233, %select_n3A_212, %select_n3A_232 : vector<256x128xi1>, vector<256x128xi32>
    %lt3A_238 = arith.cmpi slt, %select_n3A_237, %select_n3A_217 : vector<256x128xi32>
    %select_n3A_239 = arith.select %lt3A_238, %select_n3A_235, %select_n3A_215 : vector<256x128xi1>, vector<256x128xi32>
    %select_n3A_240 = arith.select %lt3A_238, %select_n3A_215, %select_n3A_235 : vector<256x128xi1>, vector<256x128xi32>
    %select_n3A_241 = arith.select %lt3A_238, %select_n3A_237, %select_n3A_217 : vector<256x128xi1>, vector<256x128xi32>
    %select_n3A_242 = arith.select %lt3A_238, %select_n3A_217, %select_n3A_237 : vector<256x128xi1>, vector<256x128xi32>
    %lt3A_243 = arith.cmpi slt, %select_n3A_242, %select_n3A_221 : vector<256x128xi32>
    %select_n3A_244 = arith.select %lt3A_243, %select_n3A_240, %select_n3A_220 : vector<256x128xi1>, vector<256x128xi32>
    %select_n3A_245 = arith.select %lt3A_243, %select_n3A_242, %select_n3A_221 : vector<256x128xi1>, vector<256x128xi32>
    %select_n3A_246 = arith.select %lt3A_243, %select_n3A_221, %select_n3A_242 : vector<256x128xi1>, vector<256x128xi32>
    %min3A_247 = arith.minsi %min3A_223, %select_n3A_246 : vector<256x128xi32>
    %slice3A_248 = vector.extract_strided_slice %bitcast_convert_type3A {offsets = [0, 1152], sizes = [256, 128], strides = [1, 1]} : vector<256x4096xi32> to vector<256x128xi32>
    %add3A_249 = arith.constant 1152 : i32
    %add3A_250 = vector.broadcast %add3A_249 : i32 to vector<256x128xi32>
    %add3A_251 = arith.addi %iota3A, %add3A_250 : vector<256x128xi32>
    %lt3A_252 = arith.cmpi slt, %slice3A_248, %select_n3A_231 : vector<256x128xi32>
    %select_n3A_253 = arith.select %lt3A_252, %add3A_251, %select_n3A_229 : vector<256x128xi1>, vector<256x128xi32>
    %select_n3A_254 = arith.select %lt3A_252, %select_n3A_229, %add3A_251 : vector<256x128xi1>, vector<256x128xi32>
    %select_n3A_255 = arith.select %lt3A_252, %slice3A_248, %select_n3A_231 : vector<256x128xi1>, vector<256x128xi32>
    %select_n3A_256 = arith.select %lt3A_252, %select_n3A_231, %slice3A_248 : vector<256x128xi1>, vector<256x128xi32>
    %lt3A_257 = arith.cmpi slt, %select_n3A_256, %select_n3A_236 : vector<256x128xi32>
    %select_n3A_258 = arith.select %lt3A_257, %select_n3A_254, %select_n3A_234 : vector<256x128xi1>, vector<256x128xi32>
    %select_n3A_259 = arith.select %lt3A_257, %select_n3A_234, %select_n3A_254 : vector<256x128xi1>, vector<256x128xi32>
    %select_n3A_260 = arith.select %lt3A_257, %select_n3A_256, %select_n3A_236 : vector<256x128xi1>, vector<256x128xi32>
    %select_n3A_261 = arith.select %lt3A_257, %select_n3A_236, %select_n3A_256 : vector<256x128xi1>, vector<256x128xi32>
    %lt3A_262 = arith.cmpi slt, %select_n3A_261, %select_n3A_241 : vector<256x128xi32>
    %select_n3A_263 = arith.select %lt3A_262, %select_n3A_259, %select_n3A_239 : vector<256x128xi1>, vector<256x128xi32>
    %select_n3A_264 = arith.select %lt3A_262, %select_n3A_239, %select_n3A_259 : vector<256x128xi1>, vector<256x128xi32>
    %select_n3A_265 = arith.select %lt3A_262, %select_n3A_261, %select_n3A_241 : vector<256x128xi1>, vector<256x128xi32>
    %select_n3A_266 = arith.select %lt3A_262, %select_n3A_241, %select_n3A_261 : vector<256x128xi1>, vector<256x128xi32>
    %lt3A_267 = arith.cmpi slt, %select_n3A_266, %select_n3A_245 : vector<256x128xi32>
    %select_n3A_268 = arith.select %lt3A_267, %select_n3A_264, %select_n3A_244 : vector<256x128xi1>, vector<256x128xi32>
    %select_n3A_269 = arith.select %lt3A_267, %select_n3A_266, %select_n3A_245 : vector<256x128xi1>, vector<256x128xi32>
    %select_n3A_270 = arith.select %lt3A_267, %select_n3A_245, %select_n3A_266 : vector<256x128xi1>, vector<256x128xi32>
    %min3A_271 = arith.minsi %min3A_247, %select_n3A_270 : vector<256x128xi32>
    %slice3A_272 = vector.extract_strided_slice %bitcast_convert_type3A {offsets = [0, 1280], sizes = [256, 128], strides = [1, 1]} : vector<256x4096xi32> to vector<256x128xi32>
    %add3A_273 = arith.constant 1280 : i32
    %add3A_274 = vector.broadcast %add3A_273 : i32 to vector<256x128xi32>
    %add3A_275 = arith.addi %iota3A, %add3A_274 : vector<256x128xi32>
    %lt3A_276 = arith.cmpi slt, %slice3A_272, %select_n3A_255 : vector<256x128xi32>
    %select_n3A_277 = arith.select %lt3A_276, %add3A_275, %select_n3A_253 : vector<256x128xi1>, vector<256x128xi32>
    %select_n3A_278 = arith.select %lt3A_276, %select_n3A_253, %add3A_275 : vector<256x128xi1>, vector<256x128xi32>
    %select_n3A_279 = arith.select %lt3A_276, %slice3A_272, %select_n3A_255 : vector<256x128xi1>, vector<256x128xi32>
    %select_n3A_280 = arith.select %lt3A_276, %select_n3A_255, %slice3A_272 : vector<256x128xi1>, vector<256x128xi32>
    %lt3A_281 = arith.cmpi slt, %select_n3A_280, %select_n3A_260 : vector<256x128xi32>
    %select_n3A_282 = arith.select %lt3A_281, %select_n3A_278, %select_n3A_258 : vector<256x128xi1>, vector<256x128xi32>
    %select_n3A_283 = arith.select %lt3A_281, %select_n3A_258, %select_n3A_278 : vector<256x128xi1>, vector<256x128xi32>
    %select_n3A_284 = arith.select %lt3A_281, %select_n3A_280, %select_n3A_260 : vector<256x128xi1>, vector<256x128xi32>
    %select_n3A_285 = arith.select %lt3A_281, %select_n3A_260, %select_n3A_280 : vector<256x128xi1>, vector<256x128xi32>
    %lt3A_286 = arith.cmpi slt, %select_n3A_285, %select_n3A_265 : vector<256x128xi32>
    %select_n3A_287 = arith.select %lt3A_286, %select_n3A_283, %select_n3A_263 : vector<256x128xi1>, vector<256x128xi32>
    %select_n3A_288 = arith.select %lt3A_286, %select_n3A_263, %select_n3A_283 : vector<256x128xi1>, vector<256x128xi32>
    %select_n3A_289 = arith.select %lt3A_286, %select_n3A_285, %select_n3A_265 : vector<256x128xi1>, vector<256x128xi32>
    %select_n3A_290 = arith.select %lt3A_286, %select_n3A_265, %select_n3A_285 : vector<256x128xi1>, vector<256x128xi32>
    %lt3A_291 = arith.cmpi slt, %select_n3A_290, %select_n3A_269 : vector<256x128xi32>
    %select_n3A_292 = arith.select %lt3A_291, %select_n3A_288, %select_n3A_268 : vector<256x128xi1>, vector<256x128xi32>
    %select_n3A_293 = arith.select %lt3A_291, %select_n3A_290, %select_n3A_269 : vector<256x128xi1>, vector<256x128xi32>
    %select_n3A_294 = arith.select %lt3A_291, %select_n3A_269, %select_n3A_290 : vector<256x128xi1>, vector<256x128xi32>
    %min3A_295 = arith.minsi %min3A_271, %select_n3A_294 : vector<256x128xi32>
    %slice3A_296 = vector.extract_strided_slice %bitcast_convert_type3A {offsets = [0, 1408], sizes = [256, 128], strides = [1, 1]} : vector<256x4096xi32> to vector<256x128xi32>
    %add3A_297 = arith.constant 1408 : i32
    %add3A_298 = vector.broadcast %add3A_297 : i32 to vector<256x128xi32>
    %add3A_299 = arith.addi %iota3A, %add3A_298 : vector<256x128xi32>
    %lt3A_300 = arith.cmpi slt, %slice3A_296, %select_n3A_279 : vector<256x128xi32>
    %select_n3A_301 = arith.select %lt3A_300, %add3A_299, %select_n3A_277 : vector<256x128xi1>, vector<256x128xi32>
    %select_n3A_302 = arith.select %lt3A_300, %select_n3A_277, %add3A_299 : vector<256x128xi1>, vector<256x128xi32>
    %select_n3A_303 = arith.select %lt3A_300, %slice3A_296, %select_n3A_279 : vector<256x128xi1>, vector<256x128xi32>
    %select_n3A_304 = arith.select %lt3A_300, %select_n3A_279, %slice3A_296 : vector<256x128xi1>, vector<256x128xi32>
    %lt3A_305 = arith.cmpi slt, %select_n3A_304, %select_n3A_284 : vector<256x128xi32>
    %select_n3A_306 = arith.select %lt3A_305, %select_n3A_302, %select_n3A_282 : vector<256x128xi1>, vector<256x128xi32>
    %select_n3A_307 = arith.select %lt3A_305, %select_n3A_282, %select_n3A_302 : vector<256x128xi1>, vector<256x128xi32>
    %select_n3A_308 = arith.select %lt3A_305, %select_n3A_304, %select_n3A_284 : vector<256x128xi1>, vector<256x128xi32>
    %select_n3A_309 = arith.select %lt3A_305, %select_n3A_284, %select_n3A_304 : vector<256x128xi1>, vector<256x128xi32>
    %lt3A_310 = arith.cmpi slt, %select_n3A_309, %select_n3A_289 : vector<256x128xi32>
    %select_n3A_311 = arith.select %lt3A_310, %select_n3A_307, %select_n3A_287 : vector<256x128xi1>, vector<256x128xi32>
    %select_n3A_312 = arith.select %lt3A_310, %select_n3A_287, %select_n3A_307 : vector<256x128xi1>, vector<256x128xi32>
    %select_n3A_313 = arith.select %lt3A_310, %select_n3A_309, %select_n3A_289 : vector<256x128xi1>, vector<256x128xi32>
    %select_n3A_314 = arith.select %lt3A_310, %select_n3A_289, %select_n3A_309 : vector<256x128xi1>, vector<256x128xi32>
    %lt3A_315 = arith.cmpi slt, %select_n3A_314, %select_n3A_293 : vector<256x128xi32>
    %select_n3A_316 = arith.select %lt3A_315, %select_n3A_312, %select_n3A_292 : vector<256x128xi1>, vector<256x128xi32>
    %select_n3A_317 = arith.select %lt3A_315, %select_n3A_314, %select_n3A_293 : vector<256x128xi1>, vector<256x128xi32>
    %select_n3A_318 = arith.select %lt3A_315, %select_n3A_293, %select_n3A_314 : vector<256x128xi1>, vector<256x128xi32>
    %min3A_319 = arith.minsi %min3A_295, %select_n3A_318 : vector<256x128xi32>
    %slice3A_320 = vector.extract_strided_slice %bitcast_convert_type3A {offsets = [0, 1536], sizes = [256, 128], strides = [1, 1]} : vector<256x4096xi32> to vector<256x128xi32>
    %add3A_321 = arith.constant 1536 : i32
    %add3A_322 = vector.broadcast %add3A_321 : i32 to vector<256x128xi32>
    %add3A_323 = arith.addi %iota3A, %add3A_322 : vector<256x128xi32>
    %lt3A_324 = arith.cmpi slt, %slice3A_320, %select_n3A_303 : vector<256x128xi32>
    %select_n3A_325 = arith.select %lt3A_324, %add3A_323, %select_n3A_301 : vector<256x128xi1>, vector<256x128xi32>
    %select_n3A_326 = arith.select %lt3A_324, %select_n3A_301, %add3A_323 : vector<256x128xi1>, vector<256x128xi32>
    %select_n3A_327 = arith.select %lt3A_324, %slice3A_320, %select_n3A_303 : vector<256x128xi1>, vector<256x128xi32>
    %select_n3A_328 = arith.select %lt3A_324, %select_n3A_303, %slice3A_320 : vector<256x128xi1>, vector<256x128xi32>
    %lt3A_329 = arith.cmpi slt, %select_n3A_328, %select_n3A_308 : vector<256x128xi32>
    %select_n3A_330 = arith.select %lt3A_329, %select_n3A_326, %select_n3A_306 : vector<256x128xi1>, vector<256x128xi32>
    %select_n3A_331 = arith.select %lt3A_329, %select_n3A_306, %select_n3A_326 : vector<256x128xi1>, vector<256x128xi32>
    %select_n3A_332 = arith.select %lt3A_329, %select_n3A_328, %select_n3A_308 : vector<256x128xi1>, vector<256x128xi32>
    %select_n3A_333 = arith.select %lt3A_329, %select_n3A_308, %select_n3A_328 : vector<256x128xi1>, vector<256x128xi32>
    %lt3A_334 = arith.cmpi slt, %select_n3A_333, %select_n3A_313 : vector<256x128xi32>
    %select_n3A_335 = arith.select %lt3A_334, %select_n3A_331, %select_n3A_311 : vector<256x128xi1>, vector<256x128xi32>
    %select_n3A_336 = arith.select %lt3A_334, %select_n3A_311, %select_n3A_331 : vector<256x128xi1>, vector<256x128xi32>
    %select_n3A_337 = arith.select %lt3A_334, %select_n3A_333, %select_n3A_313 : vector<256x128xi1>, vector<256x128xi32>
    %select_n3A_338 = arith.select %lt3A_334, %select_n3A_313, %select_n3A_333 : vector<256x128xi1>, vector<256x128xi32>
    %lt3A_339 = arith.cmpi slt, %select_n3A_338, %select_n3A_317 : vector<256x128xi32>
    %select_n3A_340 = arith.select %lt3A_339, %select_n3A_336, %select_n3A_316 : vector<256x128xi1>, vector<256x128xi32>
    %select_n3A_341 = arith.select %lt3A_339, %select_n3A_338, %select_n3A_317 : vector<256x128xi1>, vector<256x128xi32>
    %select_n3A_342 = arith.select %lt3A_339, %select_n3A_317, %select_n3A_338 : vector<256x128xi1>, vector<256x128xi32>
    %min3A_343 = arith.minsi %min3A_319, %select_n3A_342 : vector<256x128xi32>
    %slice3A_344 = vector.extract_strided_slice %bitcast_convert_type3A {offsets = [0, 1664], sizes = [256, 128], strides = [1, 1]} : vector<256x4096xi32> to vector<256x128xi32>
    %add3A_345 = arith.constant 1664 : i32
    %add3A_346 = vector.broadcast %add3A_345 : i32 to vector<256x128xi32>
    %add3A_347 = arith.addi %iota3A, %add3A_346 : vector<256x128xi32>
    %lt3A_348 = arith.cmpi slt, %slice3A_344, %select_n3A_327 : vector<256x128xi32>
    %select_n3A_349 = arith.select %lt3A_348, %add3A_347, %select_n3A_325 : vector<256x128xi1>, vector<256x128xi32>
    %select_n3A_350 = arith.select %lt3A_348, %select_n3A_325, %add3A_347 : vector<256x128xi1>, vector<256x128xi32>
    %select_n3A_351 = arith.select %lt3A_348, %slice3A_344, %select_n3A_327 : vector<256x128xi1>, vector<256x128xi32>
    %select_n3A_352 = arith.select %lt3A_348, %select_n3A_327, %slice3A_344 : vector<256x128xi1>, vector<256x128xi32>
    %lt3A_353 = arith.cmpi slt, %select_n3A_352, %select_n3A_332 : vector<256x128xi32>
    %select_n3A_354 = arith.select %lt3A_353, %select_n3A_350, %select_n3A_330 : vector<256x128xi1>, vector<256x128xi32>
    %select_n3A_355 = arith.select %lt3A_353, %select_n3A_330, %select_n3A_350 : vector<256x128xi1>, vector<256x128xi32>
    %select_n3A_356 = arith.select %lt3A_353, %select_n3A_352, %select_n3A_332 : vector<256x128xi1>, vector<256x128xi32>
    %select_n3A_357 = arith.select %lt3A_353, %select_n3A_332, %select_n3A_352 : vector<256x128xi1>, vector<256x128xi32>
    %lt3A_358 = arith.cmpi slt, %select_n3A_357, %select_n3A_337 : vector<256x128xi32>
    %select_n3A_359 = arith.select %lt3A_358, %select_n3A_355, %select_n3A_335 : vector<256x128xi1>, vector<256x128xi32>
    %select_n3A_360 = arith.select %lt3A_358, %select_n3A_335, %select_n3A_355 : vector<256x128xi1>, vector<256x128xi32>
    %select_n3A_361 = arith.select %lt3A_358, %select_n3A_357, %select_n3A_337 : vector<256x128xi1>, vector<256x128xi32>
    %select_n3A_362 = arith.select %lt3A_358, %select_n3A_337, %select_n3A_357 : vector<256x128xi1>, vector<256x128xi32>
    %lt3A_363 = arith.cmpi slt, %select_n3A_362, %select_n3A_341 : vector<256x128xi32>
    %select_n3A_364 = arith.select %lt3A_363, %select_n3A_360, %select_n3A_340 : vector<256x128xi1>, vector<256x128xi32>
    %select_n3A_365 = arith.select %lt3A_363, %select_n3A_362, %select_n3A_341 : vector<256x128xi1>, vector<256x128xi32>
    %select_n3A_366 = arith.select %lt3A_363, %select_n3A_341, %select_n3A_362 : vector<256x128xi1>, vector<256x128xi32>
    %min3A_367 = arith.minsi %min3A_343, %select_n3A_366 : vector<256x128xi32>
    %slice3A_368 = vector.extract_strided_slice %bitcast_convert_type3A {offsets = [0, 1792], sizes = [256, 128], strides = [1, 1]} : vector<256x4096xi32> to vector<256x128xi32>
    %add3A_369 = arith.constant 1792 : i32
    %add3A_370 = vector.broadcast %add3A_369 : i32 to vector<256x128xi32>
    %add3A_371 = arith.addi %iota3A, %add3A_370 : vector<256x128xi32>
    %lt3A_372 = arith.cmpi slt, %slice3A_368, %select_n3A_351 : vector<256x128xi32>
    %select_n3A_373 = arith.select %lt3A_372, %add3A_371, %select_n3A_349 : vector<256x128xi1>, vector<256x128xi32>
    %select_n3A_374 = arith.select %lt3A_372, %select_n3A_349, %add3A_371 : vector<256x128xi1>, vector<256x128xi32>
    %select_n3A_375 = arith.select %lt3A_372, %slice3A_368, %select_n3A_351 : vector<256x128xi1>, vector<256x128xi32>
    %select_n3A_376 = arith.select %lt3A_372, %select_n3A_351, %slice3A_368 : vector<256x128xi1>, vector<256x128xi32>
    %lt3A_377 = arith.cmpi slt, %select_n3A_376, %select_n3A_356 : vector<256x128xi32>
    %select_n3A_378 = arith.select %lt3A_377, %select_n3A_374, %select_n3A_354 : vector<256x128xi1>, vector<256x128xi32>
    %select_n3A_379 = arith.select %lt3A_377, %select_n3A_354, %select_n3A_374 : vector<256x128xi1>, vector<256x128xi32>
    %select_n3A_380 = arith.select %lt3A_377, %select_n3A_376, %select_n3A_356 : vector<256x128xi1>, vector<256x128xi32>
    %select_n3A_381 = arith.select %lt3A_377, %select_n3A_356, %select_n3A_376 : vector<256x128xi1>, vector<256x128xi32>
    %lt3A_382 = arith.cmpi slt, %select_n3A_381, %select_n3A_361 : vector<256x128xi32>
    %select_n3A_383 = arith.select %lt3A_382, %select_n3A_379, %select_n3A_359 : vector<256x128xi1>, vector<256x128xi32>
    %select_n3A_384 = arith.select %lt3A_382, %select_n3A_359, %select_n3A_379 : vector<256x128xi1>, vector<256x128xi32>
    %select_n3A_385 = arith.select %lt3A_382, %select_n3A_381, %select_n3A_361 : vector<256x128xi1>, vector<256x128xi32>
    %select_n3A_386 = arith.select %lt3A_382, %select_n3A_361, %select_n3A_381 : vector<256x128xi1>, vector<256x128xi32>
    %lt3A_387 = arith.cmpi slt, %select_n3A_386, %select_n3A_365 : vector<256x128xi32>
    %select_n3A_388 = arith.select %lt3A_387, %select_n3A_384, %select_n3A_364 : vector<256x128xi1>, vector<256x128xi32>
    %select_n3A_389 = arith.select %lt3A_387, %select_n3A_386, %select_n3A_365 : vector<256x128xi1>, vector<256x128xi32>
    %select_n3A_390 = arith.select %lt3A_387, %select_n3A_365, %select_n3A_386 : vector<256x128xi1>, vector<256x128xi32>
    %min3A_391 = arith.minsi %min3A_367, %select_n3A_390 : vector<256x128xi32>
    %slice3A_392 = vector.extract_strided_slice %bitcast_convert_type3A {offsets = [0, 1920], sizes = [256, 128], strides = [1, 1]} : vector<256x4096xi32> to vector<256x128xi32>
    %add3A_393 = arith.constant 1920 : i32
    %add3A_394 = vector.broadcast %add3A_393 : i32 to vector<256x128xi32>
    %add3A_395 = arith.addi %iota3A, %add3A_394 : vector<256x128xi32>
    %lt3A_396 = arith.cmpi slt, %slice3A_392, %select_n3A_375 : vector<256x128xi32>
    %select_n3A_397 = arith.select %lt3A_396, %add3A_395, %select_n3A_373 : vector<256x128xi1>, vector<256x128xi32>
    %select_n3A_398 = arith.select %lt3A_396, %select_n3A_373, %add3A_395 : vector<256x128xi1>, vector<256x128xi32>
    %select_n3A_399 = arith.select %lt3A_396, %slice3A_392, %select_n3A_375 : vector<256x128xi1>, vector<256x128xi32>
    %select_n3A_400 = arith.select %lt3A_396, %select_n3A_375, %slice3A_392 : vector<256x128xi1>, vector<256x128xi32>
    %lt3A_401 = arith.cmpi slt, %select_n3A_400, %select_n3A_380 : vector<256x128xi32>
    %select_n3A_402 = arith.select %lt3A_401, %select_n3A_398, %select_n3A_378 : vector<256x128xi1>, vector<256x128xi32>
    %select_n3A_403 = arith.select %lt3A_401, %select_n3A_378, %select_n3A_398 : vector<256x128xi1>, vector<256x128xi32>
    %select_n3A_404 = arith.select %lt3A_401, %select_n3A_400, %select_n3A_380 : vector<256x128xi1>, vector<256x128xi32>
    %select_n3A_405 = arith.select %lt3A_401, %select_n3A_380, %select_n3A_400 : vector<256x128xi1>, vector<256x128xi32>
    %lt3A_406 = arith.cmpi slt, %select_n3A_405, %select_n3A_385 : vector<256x128xi32>
    %select_n3A_407 = arith.select %lt3A_406, %select_n3A_403, %select_n3A_383 : vector<256x128xi1>, vector<256x128xi32>
    %select_n3A_408 = arith.select %lt3A_406, %select_n3A_383, %select_n3A_403 : vector<256x128xi1>, vector<256x128xi32>
    %select_n3A_409 = arith.select %lt3A_406, %select_n3A_405, %select_n3A_385 : vector<256x128xi1>, vector<256x128xi32>
    %select_n3A_410 = arith.select %lt3A_406, %select_n3A_385, %select_n3A_405 : vector<256x128xi1>, vector<256x128xi32>
    %lt3A_411 = arith.cmpi slt, %select_n3A_410, %select_n3A_389 : vector<256x128xi32>
    %select_n3A_412 = arith.select %lt3A_411, %select_n3A_408, %select_n3A_388 : vector<256x128xi1>, vector<256x128xi32>
    %select_n3A_413 = arith.select %lt3A_411, %select_n3A_410, %select_n3A_389 : vector<256x128xi1>, vector<256x128xi32>
    %select_n3A_414 = arith.select %lt3A_411, %select_n3A_389, %select_n3A_410 : vector<256x128xi1>, vector<256x128xi32>
    %min3A_415 = arith.minsi %min3A_391, %select_n3A_414 : vector<256x128xi32>
    %slice3A_416 = vector.extract_strided_slice %bitcast_convert_type3A {offsets = [0, 2048], sizes = [256, 128], strides = [1, 1]} : vector<256x4096xi32> to vector<256x128xi32>
    %add3A_417 = arith.constant 2048 : i32
    %add3A_418 = vector.broadcast %add3A_417 : i32 to vector<256x128xi32>
    %add3A_419 = arith.addi %iota3A, %add3A_418 : vector<256x128xi32>
    %lt3A_420 = arith.cmpi slt, %slice3A_416, %select_n3A_399 : vector<256x128xi32>
    %select_n3A_421 = arith.select %lt3A_420, %add3A_419, %select_n3A_397 : vector<256x128xi1>, vector<256x128xi32>
    %select_n3A_422 = arith.select %lt3A_420, %select_n3A_397, %add3A_419 : vector<256x128xi1>, vector<256x128xi32>
    %select_n3A_423 = arith.select %lt3A_420, %slice3A_416, %select_n3A_399 : vector<256x128xi1>, vector<256x128xi32>
    %select_n3A_424 = arith.select %lt3A_420, %select_n3A_399, %slice3A_416 : vector<256x128xi1>, vector<256x128xi32>
    %lt3A_425 = arith.cmpi slt, %select_n3A_424, %select_n3A_404 : vector<256x128xi32>
    %select_n3A_426 = arith.select %lt3A_425, %select_n3A_422, %select_n3A_402 : vector<256x128xi1>, vector<256x128xi32>
    %select_n3A_427 = arith.select %lt3A_425, %select_n3A_402, %select_n3A_422 : vector<256x128xi1>, vector<256x128xi32>
    %select_n3A_428 = arith.select %lt3A_425, %select_n3A_424, %select_n3A_404 : vector<256x128xi1>, vector<256x128xi32>
    %select_n3A_429 = arith.select %lt3A_425, %select_n3A_404, %select_n3A_424 : vector<256x128xi1>, vector<256x128xi32>
    %lt3A_430 = arith.cmpi slt, %select_n3A_429, %select_n3A_409 : vector<256x128xi32>
    %select_n3A_431 = arith.select %lt3A_430, %select_n3A_427, %select_n3A_407 : vector<256x128xi1>, vector<256x128xi32>
    %select_n3A_432 = arith.select %lt3A_430, %select_n3A_407, %select_n3A_427 : vector<256x128xi1>, vector<256x128xi32>
    %select_n3A_433 = arith.select %lt3A_430, %select_n3A_429, %select_n3A_409 : vector<256x128xi1>, vector<256x128xi32>
    %select_n3A_434 = arith.select %lt3A_430, %select_n3A_409, %select_n3A_429 : vector<256x128xi1>, vector<256x128xi32>
    %lt3A_435 = arith.cmpi slt, %select_n3A_434, %select_n3A_413 : vector<256x128xi32>
    %select_n3A_436 = arith.select %lt3A_435, %select_n3A_432, %select_n3A_412 : vector<256x128xi1>, vector<256x128xi32>
    %select_n3A_437 = arith.select %lt3A_435, %select_n3A_434, %select_n3A_413 : vector<256x128xi1>, vector<256x128xi32>
    %select_n3A_438 = arith.select %lt3A_435, %select_n3A_413, %select_n3A_434 : vector<256x128xi1>, vector<256x128xi32>
    %min3A_439 = arith.minsi %min3A_415, %select_n3A_438 : vector<256x128xi32>
    %slice3A_440 = vector.extract_strided_slice %bitcast_convert_type3A {offsets = [0, 2176], sizes = [256, 128], strides = [1, 1]} : vector<256x4096xi32> to vector<256x128xi32>
    %add3A_441 = arith.constant 2176 : i32
    %add3A_442 = vector.broadcast %add3A_441 : i32 to vector<256x128xi32>
    %add3A_443 = arith.addi %iota3A, %add3A_442 : vector<256x128xi32>
    %lt3A_444 = arith.cmpi slt, %slice3A_440, %select_n3A_423 : vector<256x128xi32>
    %select_n3A_445 = arith.select %lt3A_444, %add3A_443, %select_n3A_421 : vector<256x128xi1>, vector<256x128xi32>
    %select_n3A_446 = arith.select %lt3A_444, %select_n3A_421, %add3A_443 : vector<256x128xi1>, vector<256x128xi32>
    %select_n3A_447 = arith.select %lt3A_444, %slice3A_440, %select_n3A_423 : vector<256x128xi1>, vector<256x128xi32>
    %select_n3A_448 = arith.select %lt3A_444, %select_n3A_423, %slice3A_440 : vector<256x128xi1>, vector<256x128xi32>
    %lt3A_449 = arith.cmpi slt, %select_n3A_448, %select_n3A_428 : vector<256x128xi32>
    %select_n3A_450 = arith.select %lt3A_449, %select_n3A_446, %select_n3A_426 : vector<256x128xi1>, vector<256x128xi32>
    %select_n3A_451 = arith.select %lt3A_449, %select_n3A_426, %select_n3A_446 : vector<256x128xi1>, vector<256x128xi32>
    %select_n3A_452 = arith.select %lt3A_449, %select_n3A_448, %select_n3A_428 : vector<256x128xi1>, vector<256x128xi32>
    %select_n3A_453 = arith.select %lt3A_449, %select_n3A_428, %select_n3A_448 : vector<256x128xi1>, vector<256x128xi32>
    %lt3A_454 = arith.cmpi slt, %select_n3A_453, %select_n3A_433 : vector<256x128xi32>
    %select_n3A_455 = arith.select %lt3A_454, %select_n3A_451, %select_n3A_431 : vector<256x128xi1>, vector<256x128xi32>
    %select_n3A_456 = arith.select %lt3A_454, %select_n3A_431, %select_n3A_451 : vector<256x128xi1>, vector<256x128xi32>
    %select_n3A_457 = arith.select %lt3A_454, %select_n3A_453, %select_n3A_433 : vector<256x128xi1>, vector<256x128xi32>
    %select_n3A_458 = arith.select %lt3A_454, %select_n3A_433, %select_n3A_453 : vector<256x128xi1>, vector<256x128xi32>
    %lt3A_459 = arith.cmpi slt, %select_n3A_458, %select_n3A_437 : vector<256x128xi32>
    %select_n3A_460 = arith.select %lt3A_459, %select_n3A_456, %select_n3A_436 : vector<256x128xi1>, vector<256x128xi32>
    %select_n3A_461 = arith.select %lt3A_459, %select_n3A_458, %select_n3A_437 : vector<256x128xi1>, vector<256x128xi32>
    %select_n3A_462 = arith.select %lt3A_459, %select_n3A_437, %select_n3A_458 : vector<256x128xi1>, vector<256x128xi32>
    %min3A_463 = arith.minsi %min3A_439, %select_n3A_462 : vector<256x128xi32>
    %slice3A_464 = vector.extract_strided_slice %bitcast_convert_type3A {offsets = [0, 2304], sizes = [256, 128], strides = [1, 1]} : vector<256x4096xi32> to vector<256x128xi32>
    %add3A_465 = arith.constant 2304 : i32
    %add3A_466 = vector.broadcast %add3A_465 : i32 to vector<256x128xi32>
    %add3A_467 = arith.addi %iota3A, %add3A_466 : vector<256x128xi32>
    %lt3A_468 = arith.cmpi slt, %slice3A_464, %select_n3A_447 : vector<256x128xi32>
    %select_n3A_469 = arith.select %lt3A_468, %add3A_467, %select_n3A_445 : vector<256x128xi1>, vector<256x128xi32>
    %select_n3A_470 = arith.select %lt3A_468, %select_n3A_445, %add3A_467 : vector<256x128xi1>, vector<256x128xi32>
    %select_n3A_471 = arith.select %lt3A_468, %slice3A_464, %select_n3A_447 : vector<256x128xi1>, vector<256x128xi32>
    %select_n3A_472 = arith.select %lt3A_468, %select_n3A_447, %slice3A_464 : vector<256x128xi1>, vector<256x128xi32>
    %lt3A_473 = arith.cmpi slt, %select_n3A_472, %select_n3A_452 : vector<256x128xi32>
    %select_n3A_474 = arith.select %lt3A_473, %select_n3A_470, %select_n3A_450 : vector<256x128xi1>, vector<256x128xi32>
    %select_n3A_475 = arith.select %lt3A_473, %select_n3A_450, %select_n3A_470 : vector<256x128xi1>, vector<256x128xi32>
    %select_n3A_476 = arith.select %lt3A_473, %select_n3A_472, %select_n3A_452 : vector<256x128xi1>, vector<256x128xi32>
    %select_n3A_477 = arith.select %lt3A_473, %select_n3A_452, %select_n3A_472 : vector<256x128xi1>, vector<256x128xi32>
    %lt3A_478 = arith.cmpi slt, %select_n3A_477, %select_n3A_457 : vector<256x128xi32>
    %select_n3A_479 = arith.select %lt3A_478, %select_n3A_475, %select_n3A_455 : vector<256x128xi1>, vector<256x128xi32>
    %select_n3A_480 = arith.select %lt3A_478, %select_n3A_455, %select_n3A_475 : vector<256x128xi1>, vector<256x128xi32>
    %select_n3A_481 = arith.select %lt3A_478, %select_n3A_477, %select_n3A_457 : vector<256x128xi1>, vector<256x128xi32>
    %select_n3A_482 = arith.select %lt3A_478, %select_n3A_457, %select_n3A_477 : vector<256x128xi1>, vector<256x128xi32>
    %lt3A_483 = arith.cmpi slt, %select_n3A_482, %select_n3A_461 : vector<256x128xi32>
    %select_n3A_484 = arith.select %lt3A_483, %select_n3A_480, %select_n3A_460 : vector<256x128xi1>, vector<256x128xi32>
    %select_n3A_485 = arith.select %lt3A_483, %select_n3A_482, %select_n3A_461 : vector<256x128xi1>, vector<256x128xi32>
    %select_n3A_486 = arith.select %lt3A_483, %select_n3A_461, %select_n3A_482 : vector<256x128xi1>, vector<256x128xi32>
    %min3A_487 = arith.minsi %min3A_463, %select_n3A_486 : vector<256x128xi32>
    %slice3A_488 = vector.extract_strided_slice %bitcast_convert_type3A {offsets = [0, 2432], sizes = [256, 128], strides = [1, 1]} : vector<256x4096xi32> to vector<256x128xi32>
    %add3A_489 = arith.constant 2432 : i32
    %add3A_490 = vector.broadcast %add3A_489 : i32 to vector<256x128xi32>
    %add3A_491 = arith.addi %iota3A, %add3A_490 : vector<256x128xi32>
    %lt3A_492 = arith.cmpi slt, %slice3A_488, %select_n3A_471 : vector<256x128xi32>
    %select_n3A_493 = arith.select %lt3A_492, %add3A_491, %select_n3A_469 : vector<256x128xi1>, vector<256x128xi32>
    %select_n3A_494 = arith.select %lt3A_492, %select_n3A_469, %add3A_491 : vector<256x128xi1>, vector<256x128xi32>
    %select_n3A_495 = arith.select %lt3A_492, %slice3A_488, %select_n3A_471 : vector<256x128xi1>, vector<256x128xi32>
    %select_n3A_496 = arith.select %lt3A_492, %select_n3A_471, %slice3A_488 : vector<256x128xi1>, vector<256x128xi32>
    %lt3A_497 = arith.cmpi slt, %select_n3A_496, %select_n3A_476 : vector<256x128xi32>
    %select_n3A_498 = arith.select %lt3A_497, %select_n3A_494, %select_n3A_474 : vector<256x128xi1>, vector<256x128xi32>
    %select_n3A_499 = arith.select %lt3A_497, %select_n3A_474, %select_n3A_494 : vector<256x128xi1>, vector<256x128xi32>
    %select_n3A_500 = arith.select %lt3A_497, %select_n3A_496, %select_n3A_476 : vector<256x128xi1>, vector<256x128xi32>
    %select_n3A_501 = arith.select %lt3A_497, %select_n3A_476, %select_n3A_496 : vector<256x128xi1>, vector<256x128xi32>
    %lt3A_502 = arith.cmpi slt, %select_n3A_501, %select_n3A_481 : vector<256x128xi32>
    %select_n3A_503 = arith.select %lt3A_502, %select_n3A_499, %select_n3A_479 : vector<256x128xi1>, vector<256x128xi32>
    %select_n3A_504 = arith.select %lt3A_502, %select_n3A_479, %select_n3A_499 : vector<256x128xi1>, vector<256x128xi32>
    %select_n3A_505 = arith.select %lt3A_502, %select_n3A_501, %select_n3A_481 : vector<256x128xi1>, vector<256x128xi32>
    %select_n3A_506 = arith.select %lt3A_502, %select_n3A_481, %select_n3A_501 : vector<256x128xi1>, vector<256x128xi32>
    %lt3A_507 = arith.cmpi slt, %select_n3A_506, %select_n3A_485 : vector<256x128xi32>
    %select_n3A_508 = arith.select %lt3A_507, %select_n3A_504, %select_n3A_484 : vector<256x128xi1>, vector<256x128xi32>
    %select_n3A_509 = arith.select %lt3A_507, %select_n3A_506, %select_n3A_485 : vector<256x128xi1>, vector<256x128xi32>
    %select_n3A_510 = arith.select %lt3A_507, %select_n3A_485, %select_n3A_506 : vector<256x128xi1>, vector<256x128xi32>
    %min3A_511 = arith.minsi %min3A_487, %select_n3A_510 : vector<256x128xi32>
    %slice3A_512 = vector.extract_strided_slice %bitcast_convert_type3A {offsets = [0, 2560], sizes = [256, 128], strides = [1, 1]} : vector<256x4096xi32> to vector<256x128xi32>
    %add3A_513 = arith.constant 2560 : i32
    %add3A_514 = vector.broadcast %add3A_513 : i32 to vector<256x128xi32>
    %add3A_515 = arith.addi %iota3A, %add3A_514 : vector<256x128xi32>
    %lt3A_516 = arith.cmpi slt, %slice3A_512, %select_n3A_495 : vector<256x128xi32>
    %select_n3A_517 = arith.select %lt3A_516, %add3A_515, %select_n3A_493 : vector<256x128xi1>, vector<256x128xi32>
    %select_n3A_518 = arith.select %lt3A_516, %select_n3A_493, %add3A_515 : vector<256x128xi1>, vector<256x128xi32>
    %select_n3A_519 = arith.select %lt3A_516, %slice3A_512, %select_n3A_495 : vector<256x128xi1>, vector<256x128xi32>
    %select_n3A_520 = arith.select %lt3A_516, %select_n3A_495, %slice3A_512 : vector<256x128xi1>, vector<256x128xi32>
    %lt3A_521 = arith.cmpi slt, %select_n3A_520, %select_n3A_500 : vector<256x128xi32>
    %select_n3A_522 = arith.select %lt3A_521, %select_n3A_518, %select_n3A_498 : vector<256x128xi1>, vector<256x128xi32>
    %select_n3A_523 = arith.select %lt3A_521, %select_n3A_498, %select_n3A_518 : vector<256x128xi1>, vector<256x128xi32>
    %select_n3A_524 = arith.select %lt3A_521, %select_n3A_520, %select_n3A_500 : vector<256x128xi1>, vector<256x128xi32>
    %select_n3A_525 = arith.select %lt3A_521, %select_n3A_500, %select_n3A_520 : vector<256x128xi1>, vector<256x128xi32>
    %lt3A_526 = arith.cmpi slt, %select_n3A_525, %select_n3A_505 : vector<256x128xi32>
    %select_n3A_527 = arith.select %lt3A_526, %select_n3A_523, %select_n3A_503 : vector<256x128xi1>, vector<256x128xi32>
    %select_n3A_528 = arith.select %lt3A_526, %select_n3A_503, %select_n3A_523 : vector<256x128xi1>, vector<256x128xi32>
    %select_n3A_529 = arith.select %lt3A_526, %select_n3A_525, %select_n3A_505 : vector<256x128xi1>, vector<256x128xi32>
    %select_n3A_530 = arith.select %lt3A_526, %select_n3A_505, %select_n3A_525 : vector<256x128xi1>, vector<256x128xi32>
    %lt3A_531 = arith.cmpi slt, %select_n3A_530, %select_n3A_509 : vector<256x128xi32>
    %select_n3A_532 = arith.select %lt3A_531, %select_n3A_528, %select_n3A_508 : vector<256x128xi1>, vector<256x128xi32>
    %select_n3A_533 = arith.select %lt3A_531, %select_n3A_530, %select_n3A_509 : vector<256x128xi1>, vector<256x128xi32>
    %select_n3A_534 = arith.select %lt3A_531, %select_n3A_509, %select_n3A_530 : vector<256x128xi1>, vector<256x128xi32>
    %min3A_535 = arith.minsi %min3A_511, %select_n3A_534 : vector<256x128xi32>
    %slice3A_536 = vector.extract_strided_slice %bitcast_convert_type3A {offsets = [0, 2688], sizes = [256, 128], strides = [1, 1]} : vector<256x4096xi32> to vector<256x128xi32>
    %add3A_537 = arith.constant 2688 : i32
    %add3A_538 = vector.broadcast %add3A_537 : i32 to vector<256x128xi32>
    %add3A_539 = arith.addi %iota3A, %add3A_538 : vector<256x128xi32>
    %lt3A_540 = arith.cmpi slt, %slice3A_536, %select_n3A_519 : vector<256x128xi32>
    %select_n3A_541 = arith.select %lt3A_540, %add3A_539, %select_n3A_517 : vector<256x128xi1>, vector<256x128xi32>
    %select_n3A_542 = arith.select %lt3A_540, %select_n3A_517, %add3A_539 : vector<256x128xi1>, vector<256x128xi32>
    %select_n3A_543 = arith.select %lt3A_540, %slice3A_536, %select_n3A_519 : vector<256x128xi1>, vector<256x128xi32>
    %select_n3A_544 = arith.select %lt3A_540, %select_n3A_519, %slice3A_536 : vector<256x128xi1>, vector<256x128xi32>
    %lt3A_545 = arith.cmpi slt, %select_n3A_544, %select_n3A_524 : vector<256x128xi32>
    %select_n3A_546 = arith.select %lt3A_545, %select_n3A_542, %select_n3A_522 : vector<256x128xi1>, vector<256x128xi32>
    %select_n3A_547 = arith.select %lt3A_545, %select_n3A_522, %select_n3A_542 : vector<256x128xi1>, vector<256x128xi32>
    %select_n3A_548 = arith.select %lt3A_545, %select_n3A_544, %select_n3A_524 : vector<256x128xi1>, vector<256x128xi32>
    %select_n3A_549 = arith.select %lt3A_545, %select_n3A_524, %select_n3A_544 : vector<256x128xi1>, vector<256x128xi32>
    %lt3A_550 = arith.cmpi slt, %select_n3A_549, %select_n3A_529 : vector<256x128xi32>
    %select_n3A_551 = arith.select %lt3A_550, %select_n3A_547, %select_n3A_527 : vector<256x128xi1>, vector<256x128xi32>
    %select_n3A_552 = arith.select %lt3A_550, %select_n3A_527, %select_n3A_547 : vector<256x128xi1>, vector<256x128xi32>
    %select_n3A_553 = arith.select %lt3A_550, %select_n3A_549, %select_n3A_529 : vector<256x128xi1>, vector<256x128xi32>
    %select_n3A_554 = arith.select %lt3A_550, %select_n3A_529, %select_n3A_549 : vector<256x128xi1>, vector<256x128xi32>
    %lt3A_555 = arith.cmpi slt, %select_n3A_554, %select_n3A_533 : vector<256x128xi32>
    %select_n3A_556 = arith.select %lt3A_555, %select_n3A_552, %select_n3A_532 : vector<256x128xi1>, vector<256x128xi32>
    %select_n3A_557 = arith.select %lt3A_555, %select_n3A_554, %select_n3A_533 : vector<256x128xi1>, vector<256x128xi32>
    %select_n3A_558 = arith.select %lt3A_555, %select_n3A_533, %select_n3A_554 : vector<256x128xi1>, vector<256x128xi32>
    %min3A_559 = arith.minsi %min3A_535, %select_n3A_558 : vector<256x128xi32>
    %slice3A_560 = vector.extract_strided_slice %bitcast_convert_type3A {offsets = [0, 2816], sizes = [256, 128], strides = [1, 1]} : vector<256x4096xi32> to vector<256x128xi32>
    %add3A_561 = arith.constant 2816 : i32
    %add3A_562 = vector.broadcast %add3A_561 : i32 to vector<256x128xi32>
    %add3A_563 = arith.addi %iota3A, %add3A_562 : vector<256x128xi32>
    %lt3A_564 = arith.cmpi slt, %slice3A_560, %select_n3A_543 : vector<256x128xi32>
    %select_n3A_565 = arith.select %lt3A_564, %add3A_563, %select_n3A_541 : vector<256x128xi1>, vector<256x128xi32>
    %select_n3A_566 = arith.select %lt3A_564, %select_n3A_541, %add3A_563 : vector<256x128xi1>, vector<256x128xi32>
    %select_n3A_567 = arith.select %lt3A_564, %slice3A_560, %select_n3A_543 : vector<256x128xi1>, vector<256x128xi32>
    %select_n3A_568 = arith.select %lt3A_564, %select_n3A_543, %slice3A_560 : vector<256x128xi1>, vector<256x128xi32>
    %lt3A_569 = arith.cmpi slt, %select_n3A_568, %select_n3A_548 : vector<256x128xi32>
    %select_n3A_570 = arith.select %lt3A_569, %select_n3A_566, %select_n3A_546 : vector<256x128xi1>, vector<256x128xi32>
    %select_n3A_571 = arith.select %lt3A_569, %select_n3A_546, %select_n3A_566 : vector<256x128xi1>, vector<256x128xi32>
    %select_n3A_572 = arith.select %lt3A_569, %select_n3A_568, %select_n3A_548 : vector<256x128xi1>, vector<256x128xi32>
    %select_n3A_573 = arith.select %lt3A_569, %select_n3A_548, %select_n3A_568 : vector<256x128xi1>, vector<256x128xi32>
    %lt3A_574 = arith.cmpi slt, %select_n3A_573, %select_n3A_553 : vector<256x128xi32>
    %select_n3A_575 = arith.select %lt3A_574, %select_n3A_571, %select_n3A_551 : vector<256x128xi1>, vector<256x128xi32>
    %select_n3A_576 = arith.select %lt3A_574, %select_n3A_551, %select_n3A_571 : vector<256x128xi1>, vector<256x128xi32>
    %select_n3A_577 = arith.select %lt3A_574, %select_n3A_573, %select_n3A_553 : vector<256x128xi1>, vector<256x128xi32>
    %select_n3A_578 = arith.select %lt3A_574, %select_n3A_553, %select_n3A_573 : vector<256x128xi1>, vector<256x128xi32>
    %lt3A_579 = arith.cmpi slt, %select_n3A_578, %select_n3A_557 : vector<256x128xi32>
    %select_n3A_580 = arith.select %lt3A_579, %select_n3A_576, %select_n3A_556 : vector<256x128xi1>, vector<256x128xi32>
    %select_n3A_581 = arith.select %lt3A_579, %select_n3A_578, %select_n3A_557 : vector<256x128xi1>, vector<256x128xi32>
    %select_n3A_582 = arith.select %lt3A_579, %select_n3A_557, %select_n3A_578 : vector<256x128xi1>, vector<256x128xi32>
    %min3A_583 = arith.minsi %min3A_559, %select_n3A_582 : vector<256x128xi32>
    %slice3A_584 = vector.extract_strided_slice %bitcast_convert_type3A {offsets = [0, 2944], sizes = [256, 128], strides = [1, 1]} : vector<256x4096xi32> to vector<256x128xi32>
    %add3A_585 = arith.constant 2944 : i32
    %add3A_586 = vector.broadcast %add3A_585 : i32 to vector<256x128xi32>
    %add3A_587 = arith.addi %iota3A, %add3A_586 : vector<256x128xi32>
    %lt3A_588 = arith.cmpi slt, %slice3A_584, %select_n3A_567 : vector<256x128xi32>
    %select_n3A_589 = arith.select %lt3A_588, %add3A_587, %select_n3A_565 : vector<256x128xi1>, vector<256x128xi32>
    %select_n3A_590 = arith.select %lt3A_588, %select_n3A_565, %add3A_587 : vector<256x128xi1>, vector<256x128xi32>
    %select_n3A_591 = arith.select %lt3A_588, %slice3A_584, %select_n3A_567 : vector<256x128xi1>, vector<256x128xi32>
    %select_n3A_592 = arith.select %lt3A_588, %select_n3A_567, %slice3A_584 : vector<256x128xi1>, vector<256x128xi32>
    %lt3A_593 = arith.cmpi slt, %select_n3A_592, %select_n3A_572 : vector<256x128xi32>
    %select_n3A_594 = arith.select %lt3A_593, %select_n3A_590, %select_n3A_570 : vector<256x128xi1>, vector<256x128xi32>
    %select_n3A_595 = arith.select %lt3A_593, %select_n3A_570, %select_n3A_590 : vector<256x128xi1>, vector<256x128xi32>
    %select_n3A_596 = arith.select %lt3A_593, %select_n3A_592, %select_n3A_572 : vector<256x128xi1>, vector<256x128xi32>
    %select_n3A_597 = arith.select %lt3A_593, %select_n3A_572, %select_n3A_592 : vector<256x128xi1>, vector<256x128xi32>
    %lt3A_598 = arith.cmpi slt, %select_n3A_597, %select_n3A_577 : vector<256x128xi32>
    %select_n3A_599 = arith.select %lt3A_598, %select_n3A_595, %select_n3A_575 : vector<256x128xi1>, vector<256x128xi32>
    %select_n3A_600 = arith.select %lt3A_598, %select_n3A_575, %select_n3A_595 : vector<256x128xi1>, vector<256x128xi32>
    %select_n3A_601 = arith.select %lt3A_598, %select_n3A_597, %select_n3A_577 : vector<256x128xi1>, vector<256x128xi32>
    %select_n3A_602 = arith.select %lt3A_598, %select_n3A_577, %select_n3A_597 : vector<256x128xi1>, vector<256x128xi32>
    %lt3A_603 = arith.cmpi slt, %select_n3A_602, %select_n3A_581 : vector<256x128xi32>
    %select_n3A_604 = arith.select %lt3A_603, %select_n3A_600, %select_n3A_580 : vector<256x128xi1>, vector<256x128xi32>
    %select_n3A_605 = arith.select %lt3A_603, %select_n3A_602, %select_n3A_581 : vector<256x128xi1>, vector<256x128xi32>
    %select_n3A_606 = arith.select %lt3A_603, %select_n3A_581, %select_n3A_602 : vector<256x128xi1>, vector<256x128xi32>
    %min3A_607 = arith.minsi %min3A_583, %select_n3A_606 : vector<256x128xi32>
    %slice3A_608 = vector.extract_strided_slice %bitcast_convert_type3A {offsets = [0, 3072], sizes = [256, 128], strides = [1, 1]} : vector<256x4096xi32> to vector<256x128xi32>
    %add3A_609 = arith.constant 3072 : i32
    %add3A_610 = vector.broadcast %add3A_609 : i32 to vector<256x128xi32>
    %add3A_611 = arith.addi %iota3A, %add3A_610 : vector<256x128xi32>
    %lt3A_612 = arith.cmpi slt, %slice3A_608, %select_n3A_591 : vector<256x128xi32>
    %select_n3A_613 = arith.select %lt3A_612, %add3A_611, %select_n3A_589 : vector<256x128xi1>, vector<256x128xi32>
    %select_n3A_614 = arith.select %lt3A_612, %select_n3A_589, %add3A_611 : vector<256x128xi1>, vector<256x128xi32>
    %select_n3A_615 = arith.select %lt3A_612, %slice3A_608, %select_n3A_591 : vector<256x128xi1>, vector<256x128xi32>
    %select_n3A_616 = arith.select %lt3A_612, %select_n3A_591, %slice3A_608 : vector<256x128xi1>, vector<256x128xi32>
    %lt3A_617 = arith.cmpi slt, %select_n3A_616, %select_n3A_596 : vector<256x128xi32>
    %select_n3A_618 = arith.select %lt3A_617, %select_n3A_614, %select_n3A_594 : vector<256x128xi1>, vector<256x128xi32>
    %select_n3A_619 = arith.select %lt3A_617, %select_n3A_594, %select_n3A_614 : vector<256x128xi1>, vector<256x128xi32>
    %select_n3A_620 = arith.select %lt3A_617, %select_n3A_616, %select_n3A_596 : vector<256x128xi1>, vector<256x128xi32>
    %select_n3A_621 = arith.select %lt3A_617, %select_n3A_596, %select_n3A_616 : vector<256x128xi1>, vector<256x128xi32>
    %lt3A_622 = arith.cmpi slt, %select_n3A_621, %select_n3A_601 : vector<256x128xi32>
    %select_n3A_623 = arith.select %lt3A_622, %select_n3A_619, %select_n3A_599 : vector<256x128xi1>, vector<256x128xi32>
    %select_n3A_624 = arith.select %lt3A_622, %select_n3A_599, %select_n3A_619 : vector<256x128xi1>, vector<256x128xi32>
    %select_n3A_625 = arith.select %lt3A_622, %select_n3A_621, %select_n3A_601 : vector<256x128xi1>, vector<256x128xi32>
    %select_n3A_626 = arith.select %lt3A_622, %select_n3A_601, %select_n3A_621 : vector<256x128xi1>, vector<256x128xi32>
    %lt3A_627 = arith.cmpi slt, %select_n3A_626, %select_n3A_605 : vector<256x128xi32>
    %select_n3A_628 = arith.select %lt3A_627, %select_n3A_624, %select_n3A_604 : vector<256x128xi1>, vector<256x128xi32>
    %select_n3A_629 = arith.select %lt3A_627, %select_n3A_626, %select_n3A_605 : vector<256x128xi1>, vector<256x128xi32>
    %select_n3A_630 = arith.select %lt3A_627, %select_n3A_605, %select_n3A_626 : vector<256x128xi1>, vector<256x128xi32>
    %min3A_631 = arith.minsi %min3A_607, %select_n3A_630 : vector<256x128xi32>
    %slice3A_632 = vector.extract_strided_slice %bitcast_convert_type3A {offsets = [0, 3200], sizes = [256, 128], strides = [1, 1]} : vector<256x4096xi32> to vector<256x128xi32>
    %add3A_633 = arith.constant 3200 : i32
    %add3A_634 = vector.broadcast %add3A_633 : i32 to vector<256x128xi32>
    %add3A_635 = arith.addi %iota3A, %add3A_634 : vector<256x128xi32>
    %lt3A_636 = arith.cmpi slt, %slice3A_632, %select_n3A_615 : vector<256x128xi32>
    %select_n3A_637 = arith.select %lt3A_636, %add3A_635, %select_n3A_613 : vector<256x128xi1>, vector<256x128xi32>
    %select_n3A_638 = arith.select %lt3A_636, %select_n3A_613, %add3A_635 : vector<256x128xi1>, vector<256x128xi32>
    %select_n3A_639 = arith.select %lt3A_636, %slice3A_632, %select_n3A_615 : vector<256x128xi1>, vector<256x128xi32>
    %select_n3A_640 = arith.select %lt3A_636, %select_n3A_615, %slice3A_632 : vector<256x128xi1>, vector<256x128xi32>
    %lt3A_641 = arith.cmpi slt, %select_n3A_640, %select_n3A_620 : vector<256x128xi32>
    %select_n3A_642 = arith.select %lt3A_641, %select_n3A_638, %select_n3A_618 : vector<256x128xi1>, vector<256x128xi32>
    %select_n3A_643 = arith.select %lt3A_641, %select_n3A_618, %select_n3A_638 : vector<256x128xi1>, vector<256x128xi32>
    %select_n3A_644 = arith.select %lt3A_641, %select_n3A_640, %select_n3A_620 : vector<256x128xi1>, vector<256x128xi32>
    %select_n3A_645 = arith.select %lt3A_641, %select_n3A_620, %select_n3A_640 : vector<256x128xi1>, vector<256x128xi32>
    %lt3A_646 = arith.cmpi slt, %select_n3A_645, %select_n3A_625 : vector<256x128xi32>
    %select_n3A_647 = arith.select %lt3A_646, %select_n3A_643, %select_n3A_623 : vector<256x128xi1>, vector<256x128xi32>
    %select_n3A_648 = arith.select %lt3A_646, %select_n3A_623, %select_n3A_643 : vector<256x128xi1>, vector<256x128xi32>
    %select_n3A_649 = arith.select %lt3A_646, %select_n3A_645, %select_n3A_625 : vector<256x128xi1>, vector<256x128xi32>
    %select_n3A_650 = arith.select %lt3A_646, %select_n3A_625, %select_n3A_645 : vector<256x128xi1>, vector<256x128xi32>
    %lt3A_651 = arith.cmpi slt, %select_n3A_650, %select_n3A_629 : vector<256x128xi32>
    %select_n3A_652 = arith.select %lt3A_651, %select_n3A_648, %select_n3A_628 : vector<256x128xi1>, vector<256x128xi32>
    %select_n3A_653 = arith.select %lt3A_651, %select_n3A_650, %select_n3A_629 : vector<256x128xi1>, vector<256x128xi32>
    %select_n3A_654 = arith.select %lt3A_651, %select_n3A_629, %select_n3A_650 : vector<256x128xi1>, vector<256x128xi32>
    %min3A_655 = arith.minsi %min3A_631, %select_n3A_654 : vector<256x128xi32>
    %slice3A_656 = vector.extract_strided_slice %bitcast_convert_type3A {offsets = [0, 3328], sizes = [256, 128], strides = [1, 1]} : vector<256x4096xi32> to vector<256x128xi32>
    %add3A_657 = arith.constant 3328 : i32
    %add3A_658 = vector.broadcast %add3A_657 : i32 to vector<256x128xi32>
    %add3A_659 = arith.addi %iota3A, %add3A_658 : vector<256x128xi32>
    %lt3A_660 = arith.cmpi slt, %slice3A_656, %select_n3A_639 : vector<256x128xi32>
    %select_n3A_661 = arith.select %lt3A_660, %add3A_659, %select_n3A_637 : vector<256x128xi1>, vector<256x128xi32>
    %select_n3A_662 = arith.select %lt3A_660, %select_n3A_637, %add3A_659 : vector<256x128xi1>, vector<256x128xi32>
    %select_n3A_663 = arith.select %lt3A_660, %slice3A_656, %select_n3A_639 : vector<256x128xi1>, vector<256x128xi32>
    %select_n3A_664 = arith.select %lt3A_660, %select_n3A_639, %slice3A_656 : vector<256x128xi1>, vector<256x128xi32>
    %lt3A_665 = arith.cmpi slt, %select_n3A_664, %select_n3A_644 : vector<256x128xi32>
    %select_n3A_666 = arith.select %lt3A_665, %select_n3A_662, %select_n3A_642 : vector<256x128xi1>, vector<256x128xi32>
    %select_n3A_667 = arith.select %lt3A_665, %select_n3A_642, %select_n3A_662 : vector<256x128xi1>, vector<256x128xi32>
    %select_n3A_668 = arith.select %lt3A_665, %select_n3A_664, %select_n3A_644 : vector<256x128xi1>, vector<256x128xi32>
    %select_n3A_669 = arith.select %lt3A_665, %select_n3A_644, %select_n3A_664 : vector<256x128xi1>, vector<256x128xi32>
    %lt3A_670 = arith.cmpi slt, %select_n3A_669, %select_n3A_649 : vector<256x128xi32>
    %select_n3A_671 = arith.select %lt3A_670, %select_n3A_667, %select_n3A_647 : vector<256x128xi1>, vector<256x128xi32>
    %select_n3A_672 = arith.select %lt3A_670, %select_n3A_647, %select_n3A_667 : vector<256x128xi1>, vector<256x128xi32>
    %select_n3A_673 = arith.select %lt3A_670, %select_n3A_669, %select_n3A_649 : vector<256x128xi1>, vector<256x128xi32>
    %select_n3A_674 = arith.select %lt3A_670, %select_n3A_649, %select_n3A_669 : vector<256x128xi1>, vector<256x128xi32>
    %lt3A_675 = arith.cmpi slt, %select_n3A_674, %select_n3A_653 : vector<256x128xi32>
    %select_n3A_676 = arith.select %lt3A_675, %select_n3A_672, %select_n3A_652 : vector<256x128xi1>, vector<256x128xi32>
    %select_n3A_677 = arith.select %lt3A_675, %select_n3A_674, %select_n3A_653 : vector<256x128xi1>, vector<256x128xi32>
    %select_n3A_678 = arith.select %lt3A_675, %select_n3A_653, %select_n3A_674 : vector<256x128xi1>, vector<256x128xi32>
    %min3A_679 = arith.minsi %min3A_655, %select_n3A_678 : vector<256x128xi32>
    %slice3A_680 = vector.extract_strided_slice %bitcast_convert_type3A {offsets = [0, 3456], sizes = [256, 128], strides = [1, 1]} : vector<256x4096xi32> to vector<256x128xi32>
    %add3A_681 = arith.constant 3456 : i32
    %add3A_682 = vector.broadcast %add3A_681 : i32 to vector<256x128xi32>
    %add3A_683 = arith.addi %iota3A, %add3A_682 : vector<256x128xi32>
    %lt3A_684 = arith.cmpi slt, %slice3A_680, %select_n3A_663 : vector<256x128xi32>
    %select_n3A_685 = arith.select %lt3A_684, %add3A_683, %select_n3A_661 : vector<256x128xi1>, vector<256x128xi32>
    %select_n3A_686 = arith.select %lt3A_684, %select_n3A_661, %add3A_683 : vector<256x128xi1>, vector<256x128xi32>
    %select_n3A_687 = arith.select %lt3A_684, %slice3A_680, %select_n3A_663 : vector<256x128xi1>, vector<256x128xi32>
    %select_n3A_688 = arith.select %lt3A_684, %select_n3A_663, %slice3A_680 : vector<256x128xi1>, vector<256x128xi32>
    %lt3A_689 = arith.cmpi slt, %select_n3A_688, %select_n3A_668 : vector<256x128xi32>
    %select_n3A_690 = arith.select %lt3A_689, %select_n3A_686, %select_n3A_666 : vector<256x128xi1>, vector<256x128xi32>
    %select_n3A_691 = arith.select %lt3A_689, %select_n3A_666, %select_n3A_686 : vector<256x128xi1>, vector<256x128xi32>
    %select_n3A_692 = arith.select %lt3A_689, %select_n3A_688, %select_n3A_668 : vector<256x128xi1>, vector<256x128xi32>
    %select_n3A_693 = arith.select %lt3A_689, %select_n3A_668, %select_n3A_688 : vector<256x128xi1>, vector<256x128xi32>
    %lt3A_694 = arith.cmpi slt, %select_n3A_693, %select_n3A_673 : vector<256x128xi32>
    %select_n3A_695 = arith.select %lt3A_694, %select_n3A_691, %select_n3A_671 : vector<256x128xi1>, vector<256x128xi32>
    %select_n3A_696 = arith.select %lt3A_694, %select_n3A_671, %select_n3A_691 : vector<256x128xi1>, vector<256x128xi32>
    %select_n3A_697 = arith.select %lt3A_694, %select_n3A_693, %select_n3A_673 : vector<256x128xi1>, vector<256x128xi32>
    %select_n3A_698 = arith.select %lt3A_694, %select_n3A_673, %select_n3A_693 : vector<256x128xi1>, vector<256x128xi32>
    %lt3A_699 = arith.cmpi slt, %select_n3A_698, %select_n3A_677 : vector<256x128xi32>
    %select_n3A_700 = arith.select %lt3A_699, %select_n3A_696, %select_n3A_676 : vector<256x128xi1>, vector<256x128xi32>
    %select_n3A_701 = arith.select %lt3A_699, %select_n3A_698, %select_n3A_677 : vector<256x128xi1>, vector<256x128xi32>
    %select_n3A_702 = arith.select %lt3A_699, %select_n3A_677, %select_n3A_698 : vector<256x128xi1>, vector<256x128xi32>
    %min3A_703 = arith.minsi %min3A_679, %select_n3A_702 : vector<256x128xi32>
    %slice3A_704 = vector.extract_strided_slice %bitcast_convert_type3A {offsets = [0, 3584], sizes = [256, 128], strides = [1, 1]} : vector<256x4096xi32> to vector<256x128xi32>
    %add3A_705 = arith.constant 3584 : i32
    %add3A_706 = vector.broadcast %add3A_705 : i32 to vector<256x128xi32>
    %add3A_707 = arith.addi %iota3A, %add3A_706 : vector<256x128xi32>
    %lt3A_708 = arith.cmpi slt, %slice3A_704, %select_n3A_687 : vector<256x128xi32>
    %select_n3A_709 = arith.select %lt3A_708, %add3A_707, %select_n3A_685 : vector<256x128xi1>, vector<256x128xi32>
    %select_n3A_710 = arith.select %lt3A_708, %select_n3A_685, %add3A_707 : vector<256x128xi1>, vector<256x128xi32>
    %select_n3A_711 = arith.select %lt3A_708, %slice3A_704, %select_n3A_687 : vector<256x128xi1>, vector<256x128xi32>
    %select_n3A_712 = arith.select %lt3A_708, %select_n3A_687, %slice3A_704 : vector<256x128xi1>, vector<256x128xi32>
    %lt3A_713 = arith.cmpi slt, %select_n3A_712, %select_n3A_692 : vector<256x128xi32>
    %select_n3A_714 = arith.select %lt3A_713, %select_n3A_710, %select_n3A_690 : vector<256x128xi1>, vector<256x128xi32>
    %select_n3A_715 = arith.select %lt3A_713, %select_n3A_690, %select_n3A_710 : vector<256x128xi1>, vector<256x128xi32>
    %select_n3A_716 = arith.select %lt3A_713, %select_n3A_712, %select_n3A_692 : vector<256x128xi1>, vector<256x128xi32>
    %select_n3A_717 = arith.select %lt3A_713, %select_n3A_692, %select_n3A_712 : vector<256x128xi1>, vector<256x128xi32>
    %lt3A_718 = arith.cmpi slt, %select_n3A_717, %select_n3A_697 : vector<256x128xi32>
    %select_n3A_719 = arith.select %lt3A_718, %select_n3A_715, %select_n3A_695 : vector<256x128xi1>, vector<256x128xi32>
    %select_n3A_720 = arith.select %lt3A_718, %select_n3A_695, %select_n3A_715 : vector<256x128xi1>, vector<256x128xi32>
    %select_n3A_721 = arith.select %lt3A_718, %select_n3A_717, %select_n3A_697 : vector<256x128xi1>, vector<256x128xi32>
    %select_n3A_722 = arith.select %lt3A_718, %select_n3A_697, %select_n3A_717 : vector<256x128xi1>, vector<256x128xi32>
    %lt3A_723 = arith.cmpi slt, %select_n3A_722, %select_n3A_701 : vector<256x128xi32>
    %select_n3A_724 = arith.select %lt3A_723, %select_n3A_720, %select_n3A_700 : vector<256x128xi1>, vector<256x128xi32>
    %select_n3A_725 = arith.select %lt3A_723, %select_n3A_722, %select_n3A_701 : vector<256x128xi1>, vector<256x128xi32>
    %select_n3A_726 = arith.select %lt3A_723, %select_n3A_701, %select_n3A_722 : vector<256x128xi1>, vector<256x128xi32>
    %min3A_727 = arith.minsi %min3A_703, %select_n3A_726 : vector<256x128xi32>
    %slice3A_728 = vector.extract_strided_slice %bitcast_convert_type3A {offsets = [0, 3712], sizes = [256, 128], strides = [1, 1]} : vector<256x4096xi32> to vector<256x128xi32>
    %add3A_729 = arith.constant 3712 : i32
    %add3A_730 = vector.broadcast %add3A_729 : i32 to vector<256x128xi32>
    %add3A_731 = arith.addi %iota3A, %add3A_730 : vector<256x128xi32>
    %lt3A_732 = arith.cmpi slt, %slice3A_728, %select_n3A_711 : vector<256x128xi32>
    %select_n3A_733 = arith.select %lt3A_732, %add3A_731, %select_n3A_709 : vector<256x128xi1>, vector<256x128xi32>
    %select_n3A_734 = arith.select %lt3A_732, %select_n3A_709, %add3A_731 : vector<256x128xi1>, vector<256x128xi32>
    %select_n3A_735 = arith.select %lt3A_732, %slice3A_728, %select_n3A_711 : vector<256x128xi1>, vector<256x128xi32>
    %select_n3A_736 = arith.select %lt3A_732, %select_n3A_711, %slice3A_728 : vector<256x128xi1>, vector<256x128xi32>
    %lt3A_737 = arith.cmpi slt, %select_n3A_736, %select_n3A_716 : vector<256x128xi32>
    %select_n3A_738 = arith.select %lt3A_737, %select_n3A_734, %select_n3A_714 : vector<256x128xi1>, vector<256x128xi32>
    %select_n3A_739 = arith.select %lt3A_737, %select_n3A_714, %select_n3A_734 : vector<256x128xi1>, vector<256x128xi32>
    %select_n3A_740 = arith.select %lt3A_737, %select_n3A_736, %select_n3A_716 : vector<256x128xi1>, vector<256x128xi32>
    %select_n3A_741 = arith.select %lt3A_737, %select_n3A_716, %select_n3A_736 : vector<256x128xi1>, vector<256x128xi32>
    %lt3A_742 = arith.cmpi slt, %select_n3A_741, %select_n3A_721 : vector<256x128xi32>
    %select_n3A_743 = arith.select %lt3A_742, %select_n3A_739, %select_n3A_719 : vector<256x128xi1>, vector<256x128xi32>
    %select_n3A_744 = arith.select %lt3A_742, %select_n3A_719, %select_n3A_739 : vector<256x128xi1>, vector<256x128xi32>
    %select_n3A_745 = arith.select %lt3A_742, %select_n3A_741, %select_n3A_721 : vector<256x128xi1>, vector<256x128xi32>
    %select_n3A_746 = arith.select %lt3A_742, %select_n3A_721, %select_n3A_741 : vector<256x128xi1>, vector<256x128xi32>
    %lt3A_747 = arith.cmpi slt, %select_n3A_746, %select_n3A_725 : vector<256x128xi32>
    %select_n3A_748 = arith.select %lt3A_747, %select_n3A_744, %select_n3A_724 : vector<256x128xi1>, vector<256x128xi32>
    %select_n3A_749 = arith.select %lt3A_747, %select_n3A_746, %select_n3A_725 : vector<256x128xi1>, vector<256x128xi32>
    %select_n3A_750 = arith.select %lt3A_747, %select_n3A_725, %select_n3A_746 : vector<256x128xi1>, vector<256x128xi32>
    %min3A_751 = arith.minsi %min3A_727, %select_n3A_750 : vector<256x128xi32>
    %slice3A_752 = vector.extract_strided_slice %bitcast_convert_type3A {offsets = [0, 3840], sizes = [256, 128], strides = [1, 1]} : vector<256x4096xi32> to vector<256x128xi32>
    %add3A_753 = arith.constant 3840 : i32
    %add3A_754 = vector.broadcast %add3A_753 : i32 to vector<256x128xi32>
    %add3A_755 = arith.addi %iota3A, %add3A_754 : vector<256x128xi32>
    %lt3A_756 = arith.cmpi slt, %slice3A_752, %select_n3A_735 : vector<256x128xi32>
    %select_n3A_757 = arith.select %lt3A_756, %add3A_755, %select_n3A_733 : vector<256x128xi1>, vector<256x128xi32>
    %select_n3A_758 = arith.select %lt3A_756, %select_n3A_733, %add3A_755 : vector<256x128xi1>, vector<256x128xi32>
    %select_n3A_759 = arith.select %lt3A_756, %slice3A_752, %select_n3A_735 : vector<256x128xi1>, vector<256x128xi32>
    %select_n3A_760 = arith.select %lt3A_756, %select_n3A_735, %slice3A_752 : vector<256x128xi1>, vector<256x128xi32>
    %lt3A_761 = arith.cmpi slt, %select_n3A_760, %select_n3A_740 : vector<256x128xi32>
    %select_n3A_762 = arith.select %lt3A_761, %select_n3A_758, %select_n3A_738 : vector<256x128xi1>, vector<256x128xi32>
    %select_n3A_763 = arith.select %lt3A_761, %select_n3A_738, %select_n3A_758 : vector<256x128xi1>, vector<256x128xi32>
    %select_n3A_764 = arith.select %lt3A_761, %select_n3A_760, %select_n3A_740 : vector<256x128xi1>, vector<256x128xi32>
    %select_n3A_765 = arith.select %lt3A_761, %select_n3A_740, %select_n3A_760 : vector<256x128xi1>, vector<256x128xi32>
    %lt3A_766 = arith.cmpi slt, %select_n3A_765, %select_n3A_745 : vector<256x128xi32>
    %select_n3A_767 = arith.select %lt3A_766, %select_n3A_763, %select_n3A_743 : vector<256x128xi1>, vector<256x128xi32>
    %select_n3A_768 = arith.select %lt3A_766, %select_n3A_743, %select_n3A_763 : vector<256x128xi1>, vector<256x128xi32>
    %select_n3A_769 = arith.select %lt3A_766, %select_n3A_765, %select_n3A_745 : vector<256x128xi1>, vector<256x128xi32>
    %select_n3A_770 = arith.select %lt3A_766, %select_n3A_745, %select_n3A_765 : vector<256x128xi1>, vector<256x128xi32>
    %lt3A_771 = arith.cmpi slt, %select_n3A_770, %select_n3A_749 : vector<256x128xi32>
    %select_n3A_772 = arith.select %lt3A_771, %select_n3A_768, %select_n3A_748 : vector<256x128xi1>, vector<256x128xi32>
    %select_n3A_773 = arith.select %lt3A_771, %select_n3A_770, %select_n3A_749 : vector<256x128xi1>, vector<256x128xi32>
    %select_n3A_774 = arith.select %lt3A_771, %select_n3A_749, %select_n3A_770 : vector<256x128xi1>, vector<256x128xi32>
    %min3A_775 = arith.minsi %min3A_751, %select_n3A_774 : vector<256x128xi32>
    %slice3A_776 = vector.extract_strided_slice %bitcast_convert_type3A {offsets = [0, 3968], sizes = [256, 128], strides = [1, 1]} : vector<256x4096xi32> to vector<256x128xi32>
    %add3A_777 = arith.constant 3968 : i32
    %add3A_778 = vector.broadcast %add3A_777 : i32 to vector<256x128xi32>
    %add3A_779 = arith.addi %iota3A, %add3A_778 : vector<256x128xi32>
    %lt3A_780 = arith.cmpi slt, %slice3A_776, %select_n3A_759 : vector<256x128xi32>
    %select_n3A_781 = arith.select %lt3A_780, %add3A_779, %select_n3A_757 : vector<256x128xi1>, vector<256x128xi32>
    %select_n3A_782 = arith.select %lt3A_780, %select_n3A_757, %add3A_779 : vector<256x128xi1>, vector<256x128xi32>
    %select_n3A_783 = arith.select %lt3A_780, %slice3A_776, %select_n3A_759 : vector<256x128xi1>, vector<256x128xi32>
    %select_n3A_784 = arith.select %lt3A_780, %select_n3A_759, %slice3A_776 : vector<256x128xi1>, vector<256x128xi32>
    %lt3A_785 = arith.cmpi slt, %select_n3A_784, %select_n3A_764 : vector<256x128xi32>
    %select_n3A_786 = arith.select %lt3A_785, %select_n3A_782, %select_n3A_762 : vector<256x128xi1>, vector<256x128xi32>
    %select_n3A_787 = arith.select %lt3A_785, %select_n3A_762, %select_n3A_782 : vector<256x128xi1>, vector<256x128xi32>
    %select_n3A_788 = arith.select %lt3A_785, %select_n3A_784, %select_n3A_764 : vector<256x128xi1>, vector<256x128xi32>
    %select_n3A_789 = arith.select %lt3A_785, %select_n3A_764, %select_n3A_784 : vector<256x128xi1>, vector<256x128xi32>
    %lt3A_790 = arith.cmpi slt, %select_n3A_789, %select_n3A_769 : vector<256x128xi32>
    %select_n3A_791 = arith.select %lt3A_790, %select_n3A_787, %select_n3A_767 : vector<256x128xi1>, vector<256x128xi32>
    %select_n3A_792 = arith.select %lt3A_790, %select_n3A_767, %select_n3A_787 : vector<256x128xi1>, vector<256x128xi32>
    %select_n3A_793 = arith.select %lt3A_790, %select_n3A_789, %select_n3A_769 : vector<256x128xi1>, vector<256x128xi32>
    %select_n3A_794 = arith.select %lt3A_790, %select_n3A_769, %select_n3A_789 : vector<256x128xi1>, vector<256x128xi32>
    %lt3A_795 = arith.cmpi slt, %select_n3A_794, %select_n3A_773 : vector<256x128xi32>
    %select_n3A_796 = arith.select %lt3A_795, %select_n3A_792, %select_n3A_772 : vector<256x128xi1>, vector<256x128xi32>
    %select_n3A_797 = arith.select %lt3A_795, %select_n3A_794, %select_n3A_773 : vector<256x128xi1>, vector<256x128xi32>
    %select_n3A_798 = arith.select %lt3A_795, %select_n3A_773, %select_n3A_794 : vector<256x128xi1>, vector<256x128xi32>
    %min3A_799 = arith.minsi %min3A_775, %select_n3A_798 : vector<256x128xi32>
    %reduce_min3A = arith.constant dense<2147483647> : vector<256xi32>
    %reduce_min3A_800 = vector.multi_reduction <minsi>, %select_n3A_783, %reduce_min3A [1] : vector<256x128xi32> to vector<256xi32>
    %broadcast_in_dim3A_801 = vector.shape_cast %reduce_min3A_800 : vector<256xi32> to vector<256x1xi32>
    %eq3A = vector.broadcast %broadcast_in_dim3A_801 : vector<256x1xi32> to vector<256x128xi32>
    %eq3A_802 = arith.cmpi eq, %select_n3A_783, %eq3A : vector<256x128xi32>
    %jit3A = arith.constant 4096 : i32
    %broadcast_in_dim3A_803 = vector.broadcast %jit3A : i32 to vector<256x128xi32>
    %select_n3A_804 = arith.select %eq3A_802, %select_n3A_781, %broadcast_in_dim3A_803 : vector<256x128xi1>, vector<256x128xi32>
    %reduce_min3A_805 = arith.constant dense<2147483647> : vector<256xi32>
    %reduce_min3A_806 = vector.multi_reduction <minsi>, %select_n3A_804, %reduce_min3A_805 [1] : vector<256x128xi32> to vector<256xi32>
    %broadcast_in_dim3A_807 = vector.shape_cast %reduce_min3A_806 : vector<256xi32> to vector<256x1xi32>
    %and3A = arith.constant 127 : i32
    %and3A_808 = vector.broadcast %and3A : i32 to vector<256x1xi32>
    %and3A_809 = arith.andi %broadcast_in_dim3A_807, %and3A_808 : vector<256x1xi32>
    %eq3A_810 = vector.broadcast %and3A_809 : vector<256x1xi32> to vector<256x128xi32>
    %eq3A_811 = arith.cmpi eq, %iota3A, %eq3A_810 : vector<256x128xi32>
    %select_n3A_812 = arith.select %eq3A_811, %select_n3A_788, %select_n3A_783 : vector<256x128xi1>, vector<256x128xi32>
    %select_n3A_813 = arith.select %eq3A_811, %select_n3A_786, %select_n3A_781 : vector<256x128xi1>, vector<256x128xi32>
    %select_n3A_814 = arith.select %eq3A_811, %select_n3A_793, %select_n3A_788 : vector<256x128xi1>, vector<256x128xi32>
    %select_n3A_815 = arith.select %eq3A_811, %select_n3A_791, %select_n3A_786 : vector<256x128xi1>, vector<256x128xi32>
    %select_n3A_816 = arith.select %eq3A_811, %select_n3A_797, %select_n3A_793 : vector<256x128xi1>, vector<256x128xi32>
    %select_n3A_817 = arith.select %eq3A_811, %select_n3A_796, %select_n3A_791 : vector<256x128xi1>, vector<256x128xi32>
    %jit3A_818 = arith.constant 2147483647 : i32
    %broadcast_in_dim3A_819 = vector.broadcast %jit3A_818 : i32 to vector<256x128xi32>
    %select_n3A_820 = arith.select %eq3A_811, %broadcast_in_dim3A_819, %select_n3A_797 : vector<256x128xi1>, vector<256x128xi32>
    %reduce_min3A_821 = arith.constant dense<2147483647> : vector<256xi32>
    %reduce_min3A_822 = vector.multi_reduction <minsi>, %select_n3A_812, %reduce_min3A_821 [1] : vector<256x128xi32> to vector<256xi32>
    %broadcast_in_dim3A_823 = vector.shape_cast %reduce_min3A_822 : vector<256xi32> to vector<256x1xi32>
    %eq3A_824 = vector.broadcast %broadcast_in_dim3A_823 : vector<256x1xi32> to vector<256x128xi32>
    %eq3A_825 = arith.cmpi eq, %select_n3A_812, %eq3A_824 : vector<256x128xi32>
    %jit3A_826 = arith.constant 4096 : i32
    %broadcast_in_dim3A_827 = vector.broadcast %jit3A_826 : i32 to vector<256x128xi32>
    %select_n3A_828 = arith.select %eq3A_825, %select_n3A_813, %broadcast_in_dim3A_827 : vector<256x128xi1>, vector<256x128xi32>
    %reduce_min3A_829 = arith.constant dense<2147483647> : vector<256xi32>
    %reduce_min3A_830 = vector.multi_reduction <minsi>, %select_n3A_828, %reduce_min3A_829 [1] : vector<256x128xi32> to vector<256xi32>
    %broadcast_in_dim3A_831 = vector.shape_cast %reduce_min3A_830 : vector<256xi32> to vector<256x1xi32>
    %and3A_832 = arith.constant 127 : i32
    %and3A_833 = vector.broadcast %and3A_832 : i32 to vector<256x1xi32>
    %and3A_834 = arith.andi %broadcast_in_dim3A_831, %and3A_833 : vector<256x1xi32>
    %eq3A_835 = vector.broadcast %and3A_834 : vector<256x1xi32> to vector<256x128xi32>
    %eq3A_836 = arith.cmpi eq, %iota3A, %eq3A_835 : vector<256x128xi32>
    %select_n3A_837 = arith.select %eq3A_836, %select_n3A_814, %select_n3A_812 : vector<256x128xi1>, vector<256x128xi32>
    %select_n3A_838 = arith.select %eq3A_836, %select_n3A_815, %select_n3A_813 : vector<256x128xi1>, vector<256x128xi32>
    %select_n3A_839 = arith.select %eq3A_836, %select_n3A_816, %select_n3A_814 : vector<256x128xi1>, vector<256x128xi32>
    %select_n3A_840 = arith.select %eq3A_836, %select_n3A_817, %select_n3A_815 : vector<256x128xi1>, vector<256x128xi32>
    %select_n3A_841 = arith.select %eq3A_836, %select_n3A_820, %select_n3A_816 : vector<256x128xi1>, vector<256x128xi32>
    %select_n3A_842 = arith.select %eq3A_836, %select_n3A_796, %select_n3A_817 : vector<256x128xi1>, vector<256x128xi32>
    %jit3A_843 = arith.constant 2147483647 : i32
    %broadcast_in_dim3A_844 = vector.broadcast %jit3A_843 : i32 to vector<256x128xi32>
    %select_n3A_845 = arith.select %eq3A_836, %broadcast_in_dim3A_844, %select_n3A_820 : vector<256x128xi1>, vector<256x128xi32>
    %reduce_min3A_846 = arith.constant dense<2147483647> : vector<256xi32>
    %reduce_min3A_847 = vector.multi_reduction <minsi>, %select_n3A_837, %reduce_min3A_846 [1] : vector<256x128xi32> to vector<256xi32>
    %broadcast_in_dim3A_848 = vector.shape_cast %reduce_min3A_847 : vector<256xi32> to vector<256x1xi32>
    %eq3A_849 = vector.broadcast %broadcast_in_dim3A_848 : vector<256x1xi32> to vector<256x128xi32>
    %eq3A_850 = arith.cmpi eq, %select_n3A_837, %eq3A_849 : vector<256x128xi32>
    %jit3A_851 = arith.constant 4096 : i32
    %broadcast_in_dim3A_852 = vector.broadcast %jit3A_851 : i32 to vector<256x128xi32>
    %select_n3A_853 = arith.select %eq3A_850, %select_n3A_838, %broadcast_in_dim3A_852 : vector<256x128xi1>, vector<256x128xi32>
    %reduce_min3A_854 = arith.constant dense<2147483647> : vector<256xi32>
    %reduce_min3A_855 = vector.multi_reduction <minsi>, %select_n3A_853, %reduce_min3A_854 [1] : vector<256x128xi32> to vector<256xi32>
    %broadcast_in_dim3A_856 = vector.shape_cast %reduce_min3A_855 : vector<256xi32> to vector<256x1xi32>
    %and3A_857 = arith.constant 127 : i32
    %and3A_858 = vector.broadcast %and3A_857 : i32 to vector<256x1xi32>
    %and3A_859 = arith.andi %broadcast_in_dim3A_856, %and3A_858 : vector<256x1xi32>
    %eq3A_860 = vector.broadcast %and3A_859 : vector<256x1xi32> to vector<256x128xi32>
    %eq3A_861 = arith.cmpi eq, %iota3A, %eq3A_860 : vector<256x128xi32>
    %select_n3A_862 = arith.select %eq3A_861, %select_n3A_839, %select_n3A_837 : vector<256x128xi1>, vector<256x128xi32>
    %select_n3A_863 = arith.select %eq3A_861, %select_n3A_840, %select_n3A_838 : vector<256x128xi1>, vector<256x128xi32>
    %select_n3A_864 = arith.select %eq3A_861, %select_n3A_841, %select_n3A_839 : vector<256x128xi1>, vector<256x128xi32>
    %select_n3A_865 = arith.select %eq3A_861, %select_n3A_842, %select_n3A_840 : vector<256x128xi1>, vector<256x128xi32>
    %select_n3A_866 = arith.select %eq3A_861, %select_n3A_845, %select_n3A_841 : vector<256x128xi1>, vector<256x128xi32>
    %select_n3A_867 = arith.select %eq3A_861, %select_n3A_796, %select_n3A_842 : vector<256x128xi1>, vector<256x128xi32>
    %jit3A_868 = arith.constant 2147483647 : i32
    %broadcast_in_dim3A_869 = vector.broadcast %jit3A_868 : i32 to vector<256x128xi32>
    %select_n3A_870 = arith.select %eq3A_861, %broadcast_in_dim3A_869, %select_n3A_845 : vector<256x128xi1>, vector<256x128xi32>
    %reduce_min3A_871 = arith.constant dense<2147483647> : vector<256xi32>
    %reduce_min3A_872 = vector.multi_reduction <minsi>, %select_n3A_862, %reduce_min3A_871 [1] : vector<256x128xi32> to vector<256xi32>
    %broadcast_in_dim3A_873 = vector.shape_cast %reduce_min3A_872 : vector<256xi32> to vector<256x1xi32>
    %eq3A_874 = vector.broadcast %broadcast_in_dim3A_873 : vector<256x1xi32> to vector<256x128xi32>
    %eq3A_875 = arith.cmpi eq, %select_n3A_862, %eq3A_874 : vector<256x128xi32>
    %jit3A_876 = arith.constant 4096 : i32
    %broadcast_in_dim3A_877 = vector.broadcast %jit3A_876 : i32 to vector<256x128xi32>
    %select_n3A_878 = arith.select %eq3A_875, %select_n3A_863, %broadcast_in_dim3A_877 : vector<256x128xi1>, vector<256x128xi32>
    %reduce_min3A_879 = arith.constant dense<2147483647> : vector<256xi32>
    %reduce_min3A_880 = vector.multi_reduction <minsi>, %select_n3A_878, %reduce_min3A_879 [1] : vector<256x128xi32> to vector<256xi32>
    %broadcast_in_dim3A_881 = vector.shape_cast %reduce_min3A_880 : vector<256xi32> to vector<256x1xi32>
    %and3A_882 = arith.constant 127 : i32
    %and3A_883 = vector.broadcast %and3A_882 : i32 to vector<256x1xi32>
    %and3A_884 = arith.andi %broadcast_in_dim3A_881, %and3A_883 : vector<256x1xi32>
    %eq3A_885 = vector.broadcast %and3A_884 : vector<256x1xi32> to vector<256x128xi32>
    %eq3A_886 = arith.cmpi eq, %iota3A, %eq3A_885 : vector<256x128xi32>
    %select_n3A_887 = arith.select %eq3A_886, %select_n3A_864, %select_n3A_862 : vector<256x128xi1>, vector<256x128xi32>
    %select_n3A_888 = arith.select %eq3A_886, %select_n3A_865, %select_n3A_863 : vector<256x128xi1>, vector<256x128xi32>
    %select_n3A_889 = arith.select %eq3A_886, %select_n3A_866, %select_n3A_864 : vector<256x128xi1>, vector<256x128xi32>
    %select_n3A_890 = arith.select %eq3A_886, %select_n3A_867, %select_n3A_865 : vector<256x128xi1>, vector<256x128xi32>
    %select_n3A_891 = arith.select %eq3A_886, %select_n3A_870, %select_n3A_866 : vector<256x128xi1>, vector<256x128xi32>
    %select_n3A_892 = arith.select %eq3A_886, %select_n3A_796, %select_n3A_867 : vector<256x128xi1>, vector<256x128xi32>
    %jit3A_893 = arith.constant 2147483647 : i32
    %broadcast_in_dim3A_894 = vector.broadcast %jit3A_893 : i32 to vector<256x128xi32>
    %select_n3A_895 = arith.select %eq3A_886, %broadcast_in_dim3A_894, %select_n3A_870 : vector<256x128xi1>, vector<256x128xi32>
    %reduce_min3A_896 = arith.constant dense<2147483647> : vector<256xi32>
    %reduce_min3A_897 = vector.multi_reduction <minsi>, %select_n3A_887, %reduce_min3A_896 [1] : vector<256x128xi32> to vector<256xi32>
    %broadcast_in_dim3A_898 = vector.shape_cast %reduce_min3A_897 : vector<256xi32> to vector<256x1xi32>
    %eq3A_899 = vector.broadcast %broadcast_in_dim3A_898 : vector<256x1xi32> to vector<256x128xi32>
    %eq3A_900 = arith.cmpi eq, %select_n3A_887, %eq3A_899 : vector<256x128xi32>
    %jit3A_901 = arith.constant 4096 : i32
    %broadcast_in_dim3A_902 = vector.broadcast %jit3A_901 : i32 to vector<256x128xi32>
    %select_n3A_903 = arith.select %eq3A_900, %select_n3A_888, %broadcast_in_dim3A_902 : vector<256x128xi1>, vector<256x128xi32>
    %reduce_min3A_904 = arith.constant dense<2147483647> : vector<256xi32>
    %reduce_min3A_905 = vector.multi_reduction <minsi>, %select_n3A_903, %reduce_min3A_904 [1] : vector<256x128xi32> to vector<256xi32>
    %broadcast_in_dim3A_906 = vector.shape_cast %reduce_min3A_905 : vector<256xi32> to vector<256x1xi32>
    %and3A_907 = arith.constant 127 : i32
    %and3A_908 = vector.broadcast %and3A_907 : i32 to vector<256x1xi32>
    %and3A_909 = arith.andi %broadcast_in_dim3A_906, %and3A_908 : vector<256x1xi32>
    %eq3A_910 = vector.broadcast %and3A_909 : vector<256x1xi32> to vector<256x128xi32>
    %eq3A_911 = arith.cmpi eq, %iota3A, %eq3A_910 : vector<256x128xi32>
    %select_n3A_912 = arith.select %eq3A_911, %select_n3A_889, %select_n3A_887 : vector<256x128xi1>, vector<256x128xi32>
    %select_n3A_913 = arith.select %eq3A_911, %select_n3A_890, %select_n3A_888 : vector<256x128xi1>, vector<256x128xi32>
    %select_n3A_914 = arith.select %eq3A_911, %select_n3A_891, %select_n3A_889 : vector<256x128xi1>, vector<256x128xi32>
    %select_n3A_915 = arith.select %eq3A_911, %select_n3A_892, %select_n3A_890 : vector<256x128xi1>, vector<256x128xi32>
    %select_n3A_916 = arith.select %eq3A_911, %select_n3A_895, %select_n3A_891 : vector<256x128xi1>, vector<256x128xi32>
    %select_n3A_917 = arith.select %eq3A_911, %select_n3A_796, %select_n3A_892 : vector<256x128xi1>, vector<256x128xi32>
    %jit3A_918 = arith.constant 2147483647 : i32
    %broadcast_in_dim3A_919 = vector.broadcast %jit3A_918 : i32 to vector<256x128xi32>
    %select_n3A_920 = arith.select %eq3A_911, %broadcast_in_dim3A_919, %select_n3A_895 : vector<256x128xi1>, vector<256x128xi32>
    %reduce_min3A_921 = arith.constant dense<2147483647> : vector<256xi32>
    %reduce_min3A_922 = vector.multi_reduction <minsi>, %select_n3A_912, %reduce_min3A_921 [1] : vector<256x128xi32> to vector<256xi32>
    %broadcast_in_dim3A_923 = vector.shape_cast %reduce_min3A_922 : vector<256xi32> to vector<256x1xi32>
    %eq3A_924 = vector.broadcast %broadcast_in_dim3A_923 : vector<256x1xi32> to vector<256x128xi32>
    %eq3A_925 = arith.cmpi eq, %select_n3A_912, %eq3A_924 : vector<256x128xi32>
    %jit3A_926 = arith.constant 4096 : i32
    %broadcast_in_dim3A_927 = vector.broadcast %jit3A_926 : i32 to vector<256x128xi32>
    %select_n3A_928 = arith.select %eq3A_925, %select_n3A_913, %broadcast_in_dim3A_927 : vector<256x128xi1>, vector<256x128xi32>
    %reduce_min3A_929 = arith.constant dense<2147483647> : vector<256xi32>
    %reduce_min3A_930 = vector.multi_reduction <minsi>, %select_n3A_928, %reduce_min3A_929 [1] : vector<256x128xi32> to vector<256xi32>
    %broadcast_in_dim3A_931 = vector.shape_cast %reduce_min3A_930 : vector<256xi32> to vector<256x1xi32>
    %and3A_932 = arith.constant 127 : i32
    %and3A_933 = vector.broadcast %and3A_932 : i32 to vector<256x1xi32>
    %and3A_934 = arith.andi %broadcast_in_dim3A_931, %and3A_933 : vector<256x1xi32>
    %eq3A_935 = vector.broadcast %and3A_934 : vector<256x1xi32> to vector<256x128xi32>
    %eq3A_936 = arith.cmpi eq, %iota3A, %eq3A_935 : vector<256x128xi32>
    %select_n3A_937 = arith.select %eq3A_936, %select_n3A_914, %select_n3A_912 : vector<256x128xi1>, vector<256x128xi32>
    %select_n3A_938 = arith.select %eq3A_936, %select_n3A_915, %select_n3A_913 : vector<256x128xi1>, vector<256x128xi32>
    %select_n3A_939 = arith.select %eq3A_936, %select_n3A_916, %select_n3A_914 : vector<256x128xi1>, vector<256x128xi32>
    %select_n3A_940 = arith.select %eq3A_936, %select_n3A_917, %select_n3A_915 : vector<256x128xi1>, vector<256x128xi32>
    %select_n3A_941 = arith.select %eq3A_936, %select_n3A_920, %select_n3A_916 : vector<256x128xi1>, vector<256x128xi32>
    %select_n3A_942 = arith.select %eq3A_936, %select_n3A_796, %select_n3A_917 : vector<256x128xi1>, vector<256x128xi32>
    %jit3A_943 = arith.constant 2147483647 : i32
    %broadcast_in_dim3A_944 = vector.broadcast %jit3A_943 : i32 to vector<256x128xi32>
    %select_n3A_945 = arith.select %eq3A_936, %broadcast_in_dim3A_944, %select_n3A_920 : vector<256x128xi1>, vector<256x128xi32>
    %reduce_min3A_946 = arith.constant dense<2147483647> : vector<256xi32>
    %reduce_min3A_947 = vector.multi_reduction <minsi>, %select_n3A_937, %reduce_min3A_946 [1] : vector<256x128xi32> to vector<256xi32>
    %broadcast_in_dim3A_948 = vector.shape_cast %reduce_min3A_947 : vector<256xi32> to vector<256x1xi32>
    %eq3A_949 = vector.broadcast %broadcast_in_dim3A_948 : vector<256x1xi32> to vector<256x128xi32>
    %eq3A_950 = arith.cmpi eq, %select_n3A_937, %eq3A_949 : vector<256x128xi32>
    %jit3A_951 = arith.constant 4096 : i32
    %broadcast_in_dim3A_952 = vector.broadcast %jit3A_951 : i32 to vector<256x128xi32>
    %select_n3A_953 = arith.select %eq3A_950, %select_n3A_938, %broadcast_in_dim3A_952 : vector<256x128xi1>, vector<256x128xi32>
    %reduce_min3A_954 = arith.constant dense<2147483647> : vector<256xi32>
    %reduce_min3A_955 = vector.multi_reduction <minsi>, %select_n3A_953, %reduce_min3A_954 [1] : vector<256x128xi32> to vector<256xi32>
    %broadcast_in_dim3A_956 = vector.shape_cast %reduce_min3A_955 : vector<256xi32> to vector<256x1xi32>
    %and3A_957 = arith.constant 127 : i32
    %and3A_958 = vector.broadcast %and3A_957 : i32 to vector<256x1xi32>
    %and3A_959 = arith.andi %broadcast_in_dim3A_956, %and3A_958 : vector<256x1xi32>
    %eq3A_960 = vector.broadcast %and3A_959 : vector<256x1xi32> to vector<256x128xi32>
    %eq3A_961 = arith.cmpi eq, %iota3A, %eq3A_960 : vector<256x128xi32>
    %select_n3A_962 = arith.select %eq3A_961, %select_n3A_939, %select_n3A_937 : vector<256x128xi1>, vector<256x128xi32>
    %select_n3A_963 = arith.select %eq3A_961, %select_n3A_940, %select_n3A_938 : vector<256x128xi1>, vector<256x128xi32>
    %select_n3A_964 = arith.select %eq3A_961, %select_n3A_941, %select_n3A_939 : vector<256x128xi1>, vector<256x128xi32>
    %select_n3A_965 = arith.select %eq3A_961, %select_n3A_942, %select_n3A_940 : vector<256x128xi1>, vector<256x128xi32>
    %select_n3A_966 = arith.select %eq3A_961, %select_n3A_945, %select_n3A_941 : vector<256x128xi1>, vector<256x128xi32>
    %select_n3A_967 = arith.select %eq3A_961, %select_n3A_796, %select_n3A_942 : vector<256x128xi1>, vector<256x128xi32>
    %jit3A_968 = arith.constant 2147483647 : i32
    %broadcast_in_dim3A_969 = vector.broadcast %jit3A_968 : i32 to vector<256x128xi32>
    %select_n3A_970 = arith.select %eq3A_961, %broadcast_in_dim3A_969, %select_n3A_945 : vector<256x128xi1>, vector<256x128xi32>
    %reduce_min3A_971 = arith.constant dense<2147483647> : vector<256xi32>
    %reduce_min3A_972 = vector.multi_reduction <minsi>, %select_n3A_962, %reduce_min3A_971 [1] : vector<256x128xi32> to vector<256xi32>
    %broadcast_in_dim3A_973 = vector.shape_cast %reduce_min3A_972 : vector<256xi32> to vector<256x1xi32>
    %eq3A_974 = vector.broadcast %broadcast_in_dim3A_973 : vector<256x1xi32> to vector<256x128xi32>
    %eq3A_975 = arith.cmpi eq, %select_n3A_962, %eq3A_974 : vector<256x128xi32>
    %jit3A_976 = arith.constant 4096 : i32
    %broadcast_in_dim3A_977 = vector.broadcast %jit3A_976 : i32 to vector<256x128xi32>
    %select_n3A_978 = arith.select %eq3A_975, %select_n3A_963, %broadcast_in_dim3A_977 : vector<256x128xi1>, vector<256x128xi32>
    %reduce_min3A_979 = arith.constant dense<2147483647> : vector<256xi32>
    %reduce_min3A_980 = vector.multi_reduction <minsi>, %select_n3A_978, %reduce_min3A_979 [1] : vector<256x128xi32> to vector<256xi32>
    %broadcast_in_dim3A_981 = vector.shape_cast %reduce_min3A_980 : vector<256xi32> to vector<256x1xi32>
    %and3A_982 = arith.constant 127 : i32
    %and3A_983 = vector.broadcast %and3A_982 : i32 to vector<256x1xi32>
    %and3A_984 = arith.andi %broadcast_in_dim3A_981, %and3A_983 : vector<256x1xi32>
    %eq3A_985 = vector.broadcast %and3A_984 : vector<256x1xi32> to vector<256x128xi32>
    %eq3A_986 = arith.cmpi eq, %iota3A, %eq3A_985 : vector<256x128xi32>
    %select_n3A_987 = arith.select %eq3A_986, %select_n3A_964, %select_n3A_962 : vector<256x128xi1>, vector<256x128xi32>
    %select_n3A_988 = arith.select %eq3A_986, %select_n3A_965, %select_n3A_963 : vector<256x128xi1>, vector<256x128xi32>
    %select_n3A_989 = arith.select %eq3A_986, %select_n3A_966, %select_n3A_964 : vector<256x128xi1>, vector<256x128xi32>
    %select_n3A_990 = arith.select %eq3A_986, %select_n3A_967, %select_n3A_965 : vector<256x128xi1>, vector<256x128xi32>
    %select_n3A_991 = arith.select %eq3A_986, %select_n3A_970, %select_n3A_966 : vector<256x128xi1>, vector<256x128xi32>
    %select_n3A_992 = arith.select %eq3A_986, %select_n3A_796, %select_n3A_967 : vector<256x128xi1>, vector<256x128xi32>
    %jit3A_993 = arith.constant 2147483647 : i32
    %broadcast_in_dim3A_994 = vector.broadcast %jit3A_993 : i32 to vector<256x128xi32>
    %select_n3A_995 = arith.select %eq3A_986, %broadcast_in_dim3A_994, %select_n3A_970 : vector<256x128xi1>, vector<256x128xi32>
    %reduce_min3A_996 = arith.constant dense<2147483647> : vector<256xi32>
    %reduce_min3A_997 = vector.multi_reduction <minsi>, %select_n3A_987, %reduce_min3A_996 [1] : vector<256x128xi32> to vector<256xi32>
    %broadcast_in_dim3A_998 = vector.shape_cast %reduce_min3A_997 : vector<256xi32> to vector<256x1xi32>
    %eq3A_999 = vector.broadcast %broadcast_in_dim3A_998 : vector<256x1xi32> to vector<256x128xi32>
    %eq3A_1000 = arith.cmpi eq, %select_n3A_987, %eq3A_999 : vector<256x128xi32>
    %jit3A_1001 = arith.constant 4096 : i32
    %broadcast_in_dim3A_1002 = vector.broadcast %jit3A_1001 : i32 to vector<256x128xi32>
    %select_n3A_1003 = arith.select %eq3A_1000, %select_n3A_988, %broadcast_in_dim3A_1002 : vector<256x128xi1>, vector<256x128xi32>
    %reduce_min3A_1004 = arith.constant dense<2147483647> : vector<256xi32>
    %reduce_min3A_1005 = vector.multi_reduction <minsi>, %select_n3A_1003, %reduce_min3A_1004 [1] : vector<256x128xi32> to vector<256xi32>
    %broadcast_in_dim3A_1006 = vector.shape_cast %reduce_min3A_1005 : vector<256xi32> to vector<256x1xi32>
    %and3A_1007 = arith.constant 127 : i32
    %and3A_1008 = vector.broadcast %and3A_1007 : i32 to vector<256x1xi32>
    %and3A_1009 = arith.andi %broadcast_in_dim3A_1006, %and3A_1008 : vector<256x1xi32>
    %eq3A_1010 = vector.broadcast %and3A_1009 : vector<256x1xi32> to vector<256x128xi32>
    %eq3A_1011 = arith.cmpi eq, %iota3A, %eq3A_1010 : vector<256x128xi32>
    %select_n3A_1012 = arith.select %eq3A_1011, %select_n3A_989, %select_n3A_987 : vector<256x128xi1>, vector<256x128xi32>
    %select_n3A_1013 = arith.select %eq3A_1011, %select_n3A_990, %select_n3A_988 : vector<256x128xi1>, vector<256x128xi32>
    %select_n3A_1014 = arith.select %eq3A_1011, %select_n3A_991, %select_n3A_989 : vector<256x128xi1>, vector<256x128xi32>
    %select_n3A_1015 = arith.select %eq3A_1011, %select_n3A_992, %select_n3A_990 : vector<256x128xi1>, vector<256x128xi32>
    %select_n3A_1016 = arith.select %eq3A_1011, %select_n3A_995, %select_n3A_991 : vector<256x128xi1>, vector<256x128xi32>
    %select_n3A_1017 = arith.select %eq3A_1011, %select_n3A_796, %select_n3A_992 : vector<256x128xi1>, vector<256x128xi32>
    %jit3A_1018 = arith.constant 2147483647 : i32
    %broadcast_in_dim3A_1019 = vector.broadcast %jit3A_1018 : i32 to vector<256x128xi32>
    %select_n3A_1020 = arith.select %eq3A_1011, %broadcast_in_dim3A_1019, %select_n3A_995 : vector<256x128xi1>, vector<256x128xi32>
    %reduce_min3A_1021 = arith.constant dense<2147483647> : vector<256xi32>
    %reduce_min3A_1022 = vector.multi_reduction <minsi>, %select_n3A_1012, %reduce_min3A_1021 [1] : vector<256x128xi32> to vector<256xi32>
    %broadcast_in_dim3A_1023 = vector.shape_cast %reduce_min3A_1022 : vector<256xi32> to vector<256x1xi32>
    %eq3A_1024 = vector.broadcast %broadcast_in_dim3A_1023 : vector<256x1xi32> to vector<256x128xi32>
    %eq3A_1025 = arith.cmpi eq, %select_n3A_1012, %eq3A_1024 : vector<256x128xi32>
    %jit3A_1026 = arith.constant 4096 : i32
    %broadcast_in_dim3A_1027 = vector.broadcast %jit3A_1026 : i32 to vector<256x128xi32>
    %select_n3A_1028 = arith.select %eq3A_1025, %select_n3A_1013, %broadcast_in_dim3A_1027 : vector<256x128xi1>, vector<256x128xi32>
    %reduce_min3A_1029 = arith.constant dense<2147483647> : vector<256xi32>
    %reduce_min3A_1030 = vector.multi_reduction <minsi>, %select_n3A_1028, %reduce_min3A_1029 [1] : vector<256x128xi32> to vector<256xi32>
    %broadcast_in_dim3A_1031 = vector.shape_cast %reduce_min3A_1030 : vector<256xi32> to vector<256x1xi32>
    %and3A_1032 = arith.constant 127 : i32
    %and3A_1033 = vector.broadcast %and3A_1032 : i32 to vector<256x1xi32>
    %and3A_1034 = arith.andi %broadcast_in_dim3A_1031, %and3A_1033 : vector<256x1xi32>
    %eq3A_1035 = vector.broadcast %and3A_1034 : vector<256x1xi32> to vector<256x128xi32>
    %eq3A_1036 = arith.cmpi eq, %iota3A, %eq3A_1035 : vector<256x128xi32>
    %select_n3A_1037 = arith.select %eq3A_1036, %select_n3A_1014, %select_n3A_1012 : vector<256x128xi1>, vector<256x128xi32>
    %select_n3A_1038 = arith.select %eq3A_1036, %select_n3A_1015, %select_n3A_1013 : vector<256x128xi1>, vector<256x128xi32>
    %select_n3A_1039 = arith.select %eq3A_1036, %select_n3A_1016, %select_n3A_1014 : vector<256x128xi1>, vector<256x128xi32>
    %select_n3A_1040 = arith.select %eq3A_1036, %select_n3A_1017, %select_n3A_1015 : vector<256x128xi1>, vector<256x128xi32>
    %select_n3A_1041 = arith.select %eq3A_1036, %select_n3A_1020, %select_n3A_1016 : vector<256x128xi1>, vector<256x128xi32>
    %select_n3A_1042 = arith.select %eq3A_1036, %select_n3A_796, %select_n3A_1017 : vector<256x128xi1>, vector<256x128xi32>
    %jit3A_1043 = arith.constant 2147483647 : i32
    %broadcast_in_dim3A_1044 = vector.broadcast %jit3A_1043 : i32 to vector<256x128xi32>
    %select_n3A_1045 = arith.select %eq3A_1036, %broadcast_in_dim3A_1044, %select_n3A_1020 : vector<256x128xi1>, vector<256x128xi32>
    %reduce_min3A_1046 = arith.constant dense<2147483647> : vector<256xi32>
    %reduce_min3A_1047 = vector.multi_reduction <minsi>, %select_n3A_1037, %reduce_min3A_1046 [1] : vector<256x128xi32> to vector<256xi32>
    %broadcast_in_dim3A_1048 = vector.shape_cast %reduce_min3A_1047 : vector<256xi32> to vector<256x1xi32>
    %eq3A_1049 = vector.broadcast %broadcast_in_dim3A_1048 : vector<256x1xi32> to vector<256x128xi32>
    %eq3A_1050 = arith.cmpi eq, %select_n3A_1037, %eq3A_1049 : vector<256x128xi32>
    %jit3A_1051 = arith.constant 4096 : i32
    %broadcast_in_dim3A_1052 = vector.broadcast %jit3A_1051 : i32 to vector<256x128xi32>
    %select_n3A_1053 = arith.select %eq3A_1050, %select_n3A_1038, %broadcast_in_dim3A_1052 : vector<256x128xi1>, vector<256x128xi32>
    %reduce_min3A_1054 = arith.constant dense<2147483647> : vector<256xi32>
    %reduce_min3A_1055 = vector.multi_reduction <minsi>, %select_n3A_1053, %reduce_min3A_1054 [1] : vector<256x128xi32> to vector<256xi32>
    %broadcast_in_dim3A_1056 = vector.shape_cast %reduce_min3A_1055 : vector<256xi32> to vector<256x1xi32>
    %and3A_1057 = arith.constant 127 : i32
    %and3A_1058 = vector.broadcast %and3A_1057 : i32 to vector<256x1xi32>
    %and3A_1059 = arith.andi %broadcast_in_dim3A_1056, %and3A_1058 : vector<256x1xi32>
    %eq3A_1060 = vector.broadcast %and3A_1059 : vector<256x1xi32> to vector<256x128xi32>
    %eq3A_1061 = arith.cmpi eq, %iota3A, %eq3A_1060 : vector<256x128xi32>
    %select_n3A_1062 = arith.select %eq3A_1061, %select_n3A_1039, %select_n3A_1037 : vector<256x128xi1>, vector<256x128xi32>
    %select_n3A_1063 = arith.select %eq3A_1061, %select_n3A_1040, %select_n3A_1038 : vector<256x128xi1>, vector<256x128xi32>
    %select_n3A_1064 = arith.select %eq3A_1061, %select_n3A_1041, %select_n3A_1039 : vector<256x128xi1>, vector<256x128xi32>
    %select_n3A_1065 = arith.select %eq3A_1061, %select_n3A_1042, %select_n3A_1040 : vector<256x128xi1>, vector<256x128xi32>
    %select_n3A_1066 = arith.select %eq3A_1061, %select_n3A_1045, %select_n3A_1041 : vector<256x128xi1>, vector<256x128xi32>
    %select_n3A_1067 = arith.select %eq3A_1061, %select_n3A_796, %select_n3A_1042 : vector<256x128xi1>, vector<256x128xi32>
    %jit3A_1068 = arith.constant 2147483647 : i32
    %broadcast_in_dim3A_1069 = vector.broadcast %jit3A_1068 : i32 to vector<256x128xi32>
    %select_n3A_1070 = arith.select %eq3A_1061, %broadcast_in_dim3A_1069, %select_n3A_1045 : vector<256x128xi1>, vector<256x128xi32>
    %reduce_min3A_1071 = arith.constant dense<2147483647> : vector<256xi32>
    %reduce_min3A_1072 = vector.multi_reduction <minsi>, %select_n3A_1062, %reduce_min3A_1071 [1] : vector<256x128xi32> to vector<256xi32>
    %broadcast_in_dim3A_1073 = vector.shape_cast %reduce_min3A_1072 : vector<256xi32> to vector<256x1xi32>
    %eq3A_1074 = vector.broadcast %broadcast_in_dim3A_1073 : vector<256x1xi32> to vector<256x128xi32>
    %eq3A_1075 = arith.cmpi eq, %select_n3A_1062, %eq3A_1074 : vector<256x128xi32>
    %jit3A_1076 = arith.constant 4096 : i32
    %broadcast_in_dim3A_1077 = vector.broadcast %jit3A_1076 : i32 to vector<256x128xi32>
    %select_n3A_1078 = arith.select %eq3A_1075, %select_n3A_1063, %broadcast_in_dim3A_1077 : vector<256x128xi1>, vector<256x128xi32>
    %reduce_min3A_1079 = arith.constant dense<2147483647> : vector<256xi32>
    %reduce_min3A_1080 = vector.multi_reduction <minsi>, %select_n3A_1078, %reduce_min3A_1079 [1] : vector<256x128xi32> to vector<256xi32>
    %broadcast_in_dim3A_1081 = vector.shape_cast %reduce_min3A_1080 : vector<256xi32> to vector<256x1xi32>
    %and3A_1082 = arith.constant 127 : i32
    %and3A_1083 = vector.broadcast %and3A_1082 : i32 to vector<256x1xi32>
    %and3A_1084 = arith.andi %broadcast_in_dim3A_1081, %and3A_1083 : vector<256x1xi32>
    %eq3A_1085 = vector.broadcast %and3A_1084 : vector<256x1xi32> to vector<256x128xi32>
    %eq3A_1086 = arith.cmpi eq, %iota3A, %eq3A_1085 : vector<256x128xi32>
    %select_n3A_1087 = arith.select %eq3A_1086, %select_n3A_1064, %select_n3A_1062 : vector<256x128xi1>, vector<256x128xi32>
    %select_n3A_1088 = arith.select %eq3A_1086, %select_n3A_1065, %select_n3A_1063 : vector<256x128xi1>, vector<256x128xi32>
    %select_n3A_1089 = arith.select %eq3A_1086, %select_n3A_1066, %select_n3A_1064 : vector<256x128xi1>, vector<256x128xi32>
    %select_n3A_1090 = arith.select %eq3A_1086, %select_n3A_1067, %select_n3A_1065 : vector<256x128xi1>, vector<256x128xi32>
    %select_n3A_1091 = arith.select %eq3A_1086, %select_n3A_1070, %select_n3A_1066 : vector<256x128xi1>, vector<256x128xi32>
    %select_n3A_1092 = arith.select %eq3A_1086, %select_n3A_796, %select_n3A_1067 : vector<256x128xi1>, vector<256x128xi32>
    %jit3A_1093 = arith.constant 2147483647 : i32
    %broadcast_in_dim3A_1094 = vector.broadcast %jit3A_1093 : i32 to vector<256x128xi32>
    %select_n3A_1095 = arith.select %eq3A_1086, %broadcast_in_dim3A_1094, %select_n3A_1070 : vector<256x128xi1>, vector<256x128xi32>
    %reduce_min3A_1096 = arith.constant dense<2147483647> : vector<256xi32>
    %reduce_min3A_1097 = vector.multi_reduction <minsi>, %select_n3A_1087, %reduce_min3A_1096 [1] : vector<256x128xi32> to vector<256xi32>
    %broadcast_in_dim3A_1098 = vector.shape_cast %reduce_min3A_1097 : vector<256xi32> to vector<256x1xi32>
    %eq3A_1099 = vector.broadcast %broadcast_in_dim3A_1098 : vector<256x1xi32> to vector<256x128xi32>
    %eq3A_1100 = arith.cmpi eq, %select_n3A_1087, %eq3A_1099 : vector<256x128xi32>
    %jit3A_1101 = arith.constant 4096 : i32
    %broadcast_in_dim3A_1102 = vector.broadcast %jit3A_1101 : i32 to vector<256x128xi32>
    %select_n3A_1103 = arith.select %eq3A_1100, %select_n3A_1088, %broadcast_in_dim3A_1102 : vector<256x128xi1>, vector<256x128xi32>
    %reduce_min3A_1104 = arith.constant dense<2147483647> : vector<256xi32>
    %reduce_min3A_1105 = vector.multi_reduction <minsi>, %select_n3A_1103, %reduce_min3A_1104 [1] : vector<256x128xi32> to vector<256xi32>
    %broadcast_in_dim3A_1106 = vector.shape_cast %reduce_min3A_1105 : vector<256xi32> to vector<256x1xi32>
    %and3A_1107 = arith.constant 127 : i32
    %and3A_1108 = vector.broadcast %and3A_1107 : i32 to vector<256x1xi32>
    %and3A_1109 = arith.andi %broadcast_in_dim3A_1106, %and3A_1108 : vector<256x1xi32>
    %eq3A_1110 = vector.broadcast %and3A_1109 : vector<256x1xi32> to vector<256x128xi32>
    %eq3A_1111 = arith.cmpi eq, %iota3A, %eq3A_1110 : vector<256x128xi32>
    %select_n3A_1112 = arith.select %eq3A_1111, %select_n3A_1089, %select_n3A_1087 : vector<256x128xi1>, vector<256x128xi32>
    %select_n3A_1113 = arith.select %eq3A_1111, %select_n3A_1090, %select_n3A_1088 : vector<256x128xi1>, vector<256x128xi32>
    %select_n3A_1114 = arith.select %eq3A_1111, %select_n3A_1091, %select_n3A_1089 : vector<256x128xi1>, vector<256x128xi32>
    %select_n3A_1115 = arith.select %eq3A_1111, %select_n3A_1092, %select_n3A_1090 : vector<256x128xi1>, vector<256x128xi32>
    %select_n3A_1116 = arith.select %eq3A_1111, %select_n3A_1095, %select_n3A_1091 : vector<256x128xi1>, vector<256x128xi32>
    %select_n3A_1117 = arith.select %eq3A_1111, %select_n3A_796, %select_n3A_1092 : vector<256x128xi1>, vector<256x128xi32>
    %jit3A_1118 = arith.constant 2147483647 : i32
    %broadcast_in_dim3A_1119 = vector.broadcast %jit3A_1118 : i32 to vector<256x128xi32>
    %select_n3A_1120 = arith.select %eq3A_1111, %broadcast_in_dim3A_1119, %select_n3A_1095 : vector<256x128xi1>, vector<256x128xi32>
    %reduce_min3A_1121 = arith.constant dense<2147483647> : vector<256xi32>
    %reduce_min3A_1122 = vector.multi_reduction <minsi>, %select_n3A_1112, %reduce_min3A_1121 [1] : vector<256x128xi32> to vector<256xi32>
    %broadcast_in_dim3A_1123 = vector.shape_cast %reduce_min3A_1122 : vector<256xi32> to vector<256x1xi32>
    %eq3A_1124 = vector.broadcast %broadcast_in_dim3A_1123 : vector<256x1xi32> to vector<256x128xi32>
    %eq3A_1125 = arith.cmpi eq, %select_n3A_1112, %eq3A_1124 : vector<256x128xi32>
    %jit3A_1126 = arith.constant 4096 : i32
    %broadcast_in_dim3A_1127 = vector.broadcast %jit3A_1126 : i32 to vector<256x128xi32>
    %select_n3A_1128 = arith.select %eq3A_1125, %select_n3A_1113, %broadcast_in_dim3A_1127 : vector<256x128xi1>, vector<256x128xi32>
    %reduce_min3A_1129 = arith.constant dense<2147483647> : vector<256xi32>
    %reduce_min3A_1130 = vector.multi_reduction <minsi>, %select_n3A_1128, %reduce_min3A_1129 [1] : vector<256x128xi32> to vector<256xi32>
    %broadcast_in_dim3A_1131 = vector.shape_cast %reduce_min3A_1130 : vector<256xi32> to vector<256x1xi32>
    %and3A_1132 = arith.constant 127 : i32
    %and3A_1133 = vector.broadcast %and3A_1132 : i32 to vector<256x1xi32>
    %and3A_1134 = arith.andi %broadcast_in_dim3A_1131, %and3A_1133 : vector<256x1xi32>
    %eq3A_1135 = vector.broadcast %and3A_1134 : vector<256x1xi32> to vector<256x128xi32>
    %eq3A_1136 = arith.cmpi eq, %iota3A, %eq3A_1135 : vector<256x128xi32>
    %select_n3A_1137 = arith.select %eq3A_1136, %select_n3A_1114, %select_n3A_1112 : vector<256x128xi1>, vector<256x128xi32>
    %select_n3A_1138 = arith.select %eq3A_1136, %select_n3A_1115, %select_n3A_1113 : vector<256x128xi1>, vector<256x128xi32>
    %select_n3A_1139 = arith.select %eq3A_1136, %select_n3A_1116, %select_n3A_1114 : vector<256x128xi1>, vector<256x128xi32>
    %select_n3A_1140 = arith.select %eq3A_1136, %select_n3A_1117, %select_n3A_1115 : vector<256x128xi1>, vector<256x128xi32>
    %select_n3A_1141 = arith.select %eq3A_1136, %select_n3A_1120, %select_n3A_1116 : vector<256x128xi1>, vector<256x128xi32>
    %reduce_min3A_1142 = arith.constant dense<2147483647> : vector<256xi32>
    %reduce_min3A_1143 = vector.multi_reduction <minsi>, %select_n3A_1137, %reduce_min3A_1142 [1] : vector<256x128xi32> to vector<256xi32>
    %broadcast_in_dim3A_1144 = vector.shape_cast %reduce_min3A_1143 : vector<256xi32> to vector<256x1xi32>
    %eq3A_1145 = vector.broadcast %broadcast_in_dim3A_1144 : vector<256x1xi32> to vector<256x128xi32>
    %eq3A_1146 = arith.cmpi eq, %select_n3A_1137, %eq3A_1145 : vector<256x128xi32>
    %jit3A_1147 = arith.constant 4096 : i32
    %broadcast_in_dim3A_1148 = vector.broadcast %jit3A_1147 : i32 to vector<256x128xi32>
    %select_n3A_1149 = arith.select %eq3A_1146, %select_n3A_1138, %broadcast_in_dim3A_1148 : vector<256x128xi1>, vector<256x128xi32>
    %reduce_min3A_1150 = arith.constant dense<2147483647> : vector<256xi32>
    %reduce_min3A_1151 = vector.multi_reduction <minsi>, %select_n3A_1149, %reduce_min3A_1150 [1] : vector<256x128xi32> to vector<256xi32>
    %broadcast_in_dim3A_1152 = vector.shape_cast %reduce_min3A_1151 : vector<256xi32> to vector<256x1xi32>
    %and3A_1153 = arith.constant 127 : i32
    %and3A_1154 = vector.broadcast %and3A_1153 : i32 to vector<256x1xi32>
    %and3A_1155 = arith.andi %broadcast_in_dim3A_1152, %and3A_1154 : vector<256x1xi32>
    %eq3A_1156 = vector.broadcast %and3A_1155 : vector<256x1xi32> to vector<256x128xi32>
    %eq3A_1157 = arith.cmpi eq, %iota3A, %eq3A_1156 : vector<256x128xi32>
    %select_n3A_1158 = arith.select %eq3A_1157, %select_n3A_1139, %select_n3A_1137 : vector<256x128xi1>, vector<256x128xi32>
    %select_n3A_1159 = arith.select %eq3A_1157, %select_n3A_1140, %select_n3A_1138 : vector<256x128xi1>, vector<256x128xi32>
    %select_n3A_1160 = arith.select %eq3A_1157, %select_n3A_1141, %select_n3A_1139 : vector<256x128xi1>, vector<256x128xi32>
    %reduce_min3A_1161 = arith.constant dense<2147483647> : vector<256xi32>
    %reduce_min3A_1162 = vector.multi_reduction <minsi>, %select_n3A_1158, %reduce_min3A_1161 [1] : vector<256x128xi32> to vector<256xi32>
    %broadcast_in_dim3A_1163 = vector.shape_cast %reduce_min3A_1162 : vector<256xi32> to vector<256x1xi32>
    %eq3A_1164 = vector.broadcast %broadcast_in_dim3A_1163 : vector<256x1xi32> to vector<256x128xi32>
    %eq3A_1165 = arith.cmpi eq, %select_n3A_1158, %eq3A_1164 : vector<256x128xi32>
    %jit3A_1166 = arith.constant 4096 : i32
    %broadcast_in_dim3A_1167 = vector.broadcast %jit3A_1166 : i32 to vector<256x128xi32>
    %select_n3A_1168 = arith.select %eq3A_1165, %select_n3A_1159, %broadcast_in_dim3A_1167 : vector<256x128xi1>, vector<256x128xi32>
    %reduce_min3A_1169 = arith.constant dense<2147483647> : vector<256xi32>
    %reduce_min3A_1170 = vector.multi_reduction <minsi>, %select_n3A_1168, %reduce_min3A_1169 [1] : vector<256x128xi32> to vector<256xi32>
    %broadcast_in_dim3A_1171 = vector.shape_cast %reduce_min3A_1170 : vector<256xi32> to vector<256x1xi32>
    %and3A_1172 = arith.constant 127 : i32
    %and3A_1173 = vector.broadcast %and3A_1172 : i32 to vector<256x1xi32>
    %and3A_1174 = arith.andi %broadcast_in_dim3A_1171, %and3A_1173 : vector<256x1xi32>
    %eq3A_1175 = vector.broadcast %and3A_1174 : vector<256x1xi32> to vector<256x128xi32>
    %eq3A_1176 = arith.cmpi eq, %iota3A, %eq3A_1175 : vector<256x128xi32>
    %select_n3A_1177 = arith.select %eq3A_1176, %select_n3A_1160, %select_n3A_1158 : vector<256x128xi1>, vector<256x128xi32>
    %concatenate3A = tpu.concatenate %broadcast_in_dim3A_807, %broadcast_in_dim3A_831, %broadcast_in_dim3A_856, %broadcast_in_dim3A_881, %broadcast_in_dim3A_906, %broadcast_in_dim3A_931, %broadcast_in_dim3A_956, %broadcast_in_dim3A_981, %broadcast_in_dim3A_1006, %broadcast_in_dim3A_1031, %broadcast_in_dim3A_1056, %broadcast_in_dim3A_1081, %broadcast_in_dim3A_1106, %broadcast_in_dim3A_1131, %broadcast_in_dim3A_1152, %broadcast_in_dim3A_1171 in 1 : vector<256x1xi32>, vector<256x1xi32>, vector<256x1xi32>, vector<256x1xi32>, vector<256x1xi32>, vector<256x1xi32>, vector<256x1xi32>, vector<256x1xi32>, vector<256x1xi32>, vector<256x1xi32>, vector<256x1xi32>, vector<256x1xi32>, vector<256x1xi32>, vector<256x1xi32>, vector<256x1xi32>, vector<256x1xi32> -> vector<256x16xi32>
    %swap3A = arith.constant 0 : index
    %swap3A_1178 = arith.constant 0 : index
    %swap3A_1179 = vector.load %arg3[%swap3A, %swap3A_1178] : memref<256x16xi32, #tpu.memory_space<vmem>>, vector<256x16xi32>
    tpu.vector_store %arg3[%swap3A, %swap3A_1178], %concatenate3A {strides = array<i32>} : memref<256x16xi32, #tpu.memory_space<vmem>>, vector<256x16xi32>,
    %eq3A_1180 = arith.constant 2147483647 : i32
    %eq3A_1181 = vector.broadcast %eq3A_1180 : i32 to vector<256x128xi32>
    %eq3A_1182 = arith.cmpi eq, %select_n3A_1177, %eq3A_1181 : vector<256x128xi32>
    %le3A = vector.broadcast %broadcast_in_dim3A_1163 : vector<256x1xi32> to vector<256x128xi32>
    %le3A_1183 = arith.cmpi sle, %min3A_799, %le3A : vector<256x128xi32>
    %and3A_1184 = arith.andi %eq3A_1182, %le3A_1183 : vector<256x128xi1>
    %reduce_or3A = arith.constant 1.000000e+00 : f32
    %reduce_or3A_1185 = arith.constant 0.000000e+00 : f32
    %reduce_or3A_1186 = vector.broadcast %reduce_or3A : f32 to vector<256x128xf32>
    %reduce_or3A_1187 = vector.broadcast %reduce_or3A_1185 : f32 to vector<256x128xf32>
    %reduce_or3A_1188 = arith.select %and3A_1184, %reduce_or3A_1186, %reduce_or3A_1187 : vector<256x128xi1>, vector<256x128xf32>
    %reduce_or3A_1189 = vector.shape_cast %reduce_or3A_1188 : vector<256x128xf32> to vector<1x256x128xf32>
    %reduce_or3A_1190 = arith.constant dense<0xFF800000> : vector<1xf32>
    %reduce_or3A_1191 = vector.multi_reduction <maximumf>, %reduce_or3A_1189, %reduce_or3A_1190 [1, 2] : vector<1x256x128xf32> to vector<1xf32>
    %reduce_or3A_1192 = vector.shape_cast %reduce_or3A_1191 : vector<1xf32> to vector<1x1x1xf32>
    %reduce_or3A_1193 = vector.extract %reduce_or3A_1192[0, 0, 0] : f32 from vector<1x1x1xf32>
    %reduce_or3A_1194 = arith.constant 0.000000e+00 : f32
    %reduce_or3A_1195 = arith.cmpf ogt, %reduce_or3A_1193, %reduce_or3A_1194 : f32
    %convert_element_type3A = arith.extui %reduce_or3A_1195 : i1 to i32
    %cond3A = arith.constant 0 : i32
    %cond3A_1196 = arith.cmpi ne, %convert_element_type3A, %cond3A : i32
    scf.if %cond3A_1196 {
      %iota3A_1197 = tpu.iota {dimensions = array<i32: 1>} : vector<256x4096xi32>
      %reduce_min3A_1198 = arith.constant dense<2147483647> : vector<256xi32>
      %reduce_min3A_1199 = vector.multi_reduction <minsi>, %bitcast_convert_type3A, %reduce_min3A_1198 [1] : vector<256x4096xi32> to vector<256xi32>
      %broadcast_in_dim3A_1200 = vector.shape_cast %reduce_min3A_1199 : vector<256xi32> to vector<256x1xi32>
      %eq3A_1201 = vector.broadcast %broadcast_in_dim3A_1200 : vector<256x1xi32> to vector<256x4096xi32>
      %eq3A_1202 = arith.cmpi eq, %bitcast_convert_type3A, %eq3A_1201 : vector<256x4096xi32>
      %jit3A_1203 = arith.constant 4096 : i32
      %broadcast_in_dim3A_1204 = vector.broadcast %jit3A_1203 : i32 to vector<256x4096xi32>
      %select_n3A_1205 = arith.select %eq3A_1202, %iota3A_1197, %broadcast_in_dim3A_1204 : vector<256x4096xi1>, vector<256x4096xi32>
      %reduce_min3A_1206 = arith.constant dense<2147483647> : vector<256xi32>
      %reduce_min3A_1207 = vector.multi_reduction <minsi>, %select_n3A_1205, %reduce_min3A_1206 [1] : vector<256x4096xi32> to vector<256xi32>
      %broadcast_in_dim3A_1208 = vector.shape_cast %reduce_min3A_1207 : vector<256xi32> to vector<256x1xi32>
      %eq3A_1209 = vector.broadcast %broadcast_in_dim3A_1208 : vector<256x1xi32> to vector<256x4096xi32>
      %eq3A_1210 = arith.cmpi eq, %iota3A_1197, %eq3A_1209 : vector<256x4096xi32>
      %jit3A_1211 = arith.constant 2147483647 : i32
      %broadcast_in_dim3A_1212 = vector.broadcast %jit3A_1211 : i32 to vector<256x4096xi32>
      %select_n3A_1213 = arith.select %eq3A_1210, %broadcast_in_dim3A_1212, %bitcast_convert_type3A : vector<256x4096xi1>, vector<256x4096xi32>
      %reduce_min3A_1214 = arith.constant dense<2147483647> : vector<256xi32>
      %reduce_min3A_1215 = vector.multi_reduction <minsi>, %select_n3A_1213, %reduce_min3A_1214 [1] : vector<256x4096xi32> to vector<256xi32>
      %broadcast_in_dim3A_1216 = vector.shape_cast %reduce_min3A_1215 : vector<256xi32> to vector<256x1xi32>
      %eq3A_1217 = vector.broadcast %broadcast_in_dim3A_1216 : vector<256x1xi32> to vector<256x4096xi32>
      %eq3A_1218 = arith.cmpi eq, %select_n3A_1213, %eq3A_1217 : vector<256x4096xi32>
      %jit3A_1219 = arith.constant 4096 : i32
      %broadcast_in_dim3A_1220 = vector.broadcast %jit3A_1219 : i32 to vector<256x4096xi32>
      %select_n3A_1221 = arith.select %eq3A_1218, %iota3A_1197, %broadcast_in_dim3A_1220 : vector<256x4096xi1>, vector<256x4096xi32>
      %reduce_min3A_1222 = arith.constant dense<2147483647> : vector<256xi32>
      %reduce_min3A_1223 = vector.multi_reduction <minsi>, %select_n3A_1221, %reduce_min3A_1222 [1] : vector<256x4096xi32> to vector<256xi32>
      %broadcast_in_dim3A_1224 = vector.shape_cast %reduce_min3A_1223 : vector<256xi32> to vector<256x1xi32>
      %eq3A_1225 = vector.broadcast %broadcast_in_dim3A_1224 : vector<256x1xi32> to vector<256x4096xi32>
      %eq3A_1226 = arith.cmpi eq, %iota3A_1197, %eq3A_1225 : vector<256x4096xi32>
      %jit3A_1227 = arith.constant 2147483647 : i32
      %broadcast_in_dim3A_1228 = vector.broadcast %jit3A_1227 : i32 to vector<256x4096xi32>
      %select_n3A_1229 = arith.select %eq3A_1226, %broadcast_in_dim3A_1228, %select_n3A_1213 : vector<256x4096xi1>, vector<256x4096xi32>
      %reduce_min3A_1230 = arith.constant dense<2147483647> : vector<256xi32>
      %reduce_min3A_1231 = vector.multi_reduction <minsi>, %select_n3A_1229, %reduce_min3A_1230 [1] : vector<256x4096xi32> to vector<256xi32>
      %broadcast_in_dim3A_1232 = vector.shape_cast %reduce_min3A_1231 : vector<256xi32> to vector<256x1xi32>
      %eq3A_1233 = vector.broadcast %broadcast_in_dim3A_1232 : vector<256x1xi32> to vector<256x4096xi32>
      %eq3A_1234 = arith.cmpi eq, %select_n3A_1229, %eq3A_1233 : vector<256x4096xi32>
      %jit3A_1235 = arith.constant 4096 : i32
      %broadcast_in_dim3A_1236 = vector.broadcast %jit3A_1235 : i32 to vector<256x4096xi32>
      %select_n3A_1237 = arith.select %eq3A_1234, %iota3A_1197, %broadcast_in_dim3A_1236 : vector<256x4096xi1>, vector<256x4096xi32>
      %reduce_min3A_1238 = arith.constant dense<2147483647> : vector<256xi32>
      %reduce_min3A_1239 = vector.multi_reduction <minsi>, %select_n3A_1237, %reduce_min3A_1238 [1] : vector<256x4096xi32> to vector<256xi32>
      %broadcast_in_dim3A_1240 = vector.shape_cast %reduce_min3A_1239 : vector<256xi32> to vector<256x1xi32>
      %eq3A_1241 = vector.broadcast %broadcast_in_dim3A_1240 : vector<256x1xi32> to vector<256x4096xi32>
      %eq3A_1242 = arith.cmpi eq, %iota3A_1197, %eq3A_1241 : vector<256x4096xi32>
      %jit3A_1243 = arith.constant 2147483647 : i32
      %broadcast_in_dim3A_1244 = vector.broadcast %jit3A_1243 : i32 to vector<256x4096xi32>
      %select_n3A_1245 = arith.select %eq3A_1242, %broadcast_in_dim3A_1244, %select_n3A_1229 : vector<256x4096xi1>, vector<256x4096xi32>
      %reduce_min3A_1246 = arith.constant dense<2147483647> : vector<256xi32>
      %reduce_min3A_1247 = vector.multi_reduction <minsi>, %select_n3A_1245, %reduce_min3A_1246 [1] : vector<256x4096xi32> to vector<256xi32>
      %broadcast_in_dim3A_1248 = vector.shape_cast %reduce_min3A_1247 : vector<256xi32> to vector<256x1xi32>
      %eq3A_1249 = vector.broadcast %broadcast_in_dim3A_1248 : vector<256x1xi32> to vector<256x4096xi32>
      %eq3A_1250 = arith.cmpi eq, %select_n3A_1245, %eq3A_1249 : vector<256x4096xi32>
      %jit3A_1251 = arith.constant 4096 : i32
      %broadcast_in_dim3A_1252 = vector.broadcast %jit3A_1251 : i32 to vector<256x4096xi32>
      %select_n3A_1253 = arith.select %eq3A_1250, %iota3A_1197, %broadcast_in_dim3A_1252 : vector<256x4096xi1>, vector<256x4096xi32>
      %reduce_min3A_1254 = arith.constant dense<2147483647> : vector<256xi32>
      %reduce_min3A_1255 = vector.multi_reduction <minsi>, %select_n3A_1253, %reduce_min3A_1254 [1] : vector<256x4096xi32> to vector<256xi32>
      %broadcast_in_dim3A_1256 = vector.shape_cast %reduce_min3A_1255 : vector<256xi32> to vector<256x1xi32>
      %eq3A_1257 = vector.broadcast %broadcast_in_dim3A_1256 : vector<256x1xi32> to vector<256x4096xi32>
      %eq3A_1258 = arith.cmpi eq, %iota3A_1197, %eq3A_1257 : vector<256x4096xi32>
      %jit3A_1259 = arith.constant 2147483647 : i32
      %broadcast_in_dim3A_1260 = vector.broadcast %jit3A_1259 : i32 to vector<256x4096xi32>
      %select_n3A_1261 = arith.select %eq3A_1258, %broadcast_in_dim3A_1260, %select_n3A_1245 : vector<256x4096xi1>, vector<256x4096xi32>
      %reduce_min3A_1262 = arith.constant dense<2147483647> : vector<256xi32>
      %reduce_min3A_1263 = vector.multi_reduction <minsi>, %select_n3A_1261, %reduce_min3A_1262 [1] : vector<256x4096xi32> to vector<256xi32>
      %broadcast_in_dim3A_1264 = vector.shape_cast %reduce_min3A_1263 : vector<256xi32> to vector<256x1xi32>
      %eq3A_1265 = vector.broadcast %broadcast_in_dim3A_1264 : vector<256x1xi32> to vector<256x4096xi32>
      %eq3A_1266 = arith.cmpi eq, %select_n3A_1261, %eq3A_1265 : vector<256x4096xi32>
      %jit3A_1267 = arith.constant 4096 : i32
      %broadcast_in_dim3A_1268 = vector.broadcast %jit3A_1267 : i32 to vector<256x4096xi32>
      %select_n3A_1269 = arith.select %eq3A_1266, %iota3A_1197, %broadcast_in_dim3A_1268 : vector<256x4096xi1>, vector<256x4096xi32>
      %reduce_min3A_1270 = arith.constant dense<2147483647> : vector<256xi32>
      %reduce_min3A_1271 = vector.multi_reduction <minsi>, %select_n3A_1269, %reduce_min3A_1270 [1] : vector<256x4096xi32> to vector<256xi32>
      %broadcast_in_dim3A_1272 = vector.shape_cast %reduce_min3A_1271 : vector<256xi32> to vector<256x1xi32>
      %eq3A_1273 = vector.broadcast %broadcast_in_dim3A_1272 : vector<256x1xi32> to vector<256x4096xi32>
      %eq3A_1274 = arith.cmpi eq, %iota3A_1197, %eq3A_1273 : vector<256x4096xi32>
      %jit3A_1275 = arith.constant 2147483647 : i32
      %broadcast_in_dim3A_1276 = vector.broadcast %jit3A_1275 : i32 to vector<256x4096xi32>
      %select_n3A_1277 = arith.select %eq3A_1274, %broadcast_in_dim3A_1276, %select_n3A_1261 : vector<256x4096xi1>, vector<256x4096xi32>
      %reduce_min3A_1278 = arith.constant dense<2147483647> : vector<256xi32>
      %reduce_min3A_1279 = vector.multi_reduction <minsi>, %select_n3A_1277, %reduce_min3A_1278 [1] : vector<256x4096xi32> to vector<256xi32>
      %broadcast_in_dim3A_1280 = vector.shape_cast %reduce_min3A_1279 : vector<256xi32> to vector<256x1xi32>
      %eq3A_1281 = vector.broadcast %broadcast_in_dim3A_1280 : vector<256x1xi32> to vector<256x4096xi32>
      %eq3A_1282 = arith.cmpi eq, %select_n3A_1277, %eq3A_1281 : vector<256x4096xi32>
      %jit3A_1283 = arith.constant 4096 : i32
      %broadcast_in_dim3A_1284 = vector.broadcast %jit3A_1283 : i32 to vector<256x4096xi32>
      %select_n3A_1285 = arith.select %eq3A_1282, %iota3A_1197, %broadcast_in_dim3A_1284 : vector<256x4096xi1>, vector<256x4096xi32>
      %reduce_min3A_1286 = arith.constant dense<2147483647> : vector<256xi32>
      %reduce_min3A_1287 = vector.multi_reduction <minsi>, %select_n3A_1285, %reduce_min3A_1286 [1] : vector<256x4096xi32> to vector<256xi32>
      %broadcast_in_dim3A_1288 = vector.shape_cast %reduce_min3A_1287 : vector<256xi32> to vector<256x1xi32>
      %eq3A_1289 = vector.broadcast %broadcast_in_dim3A_1288 : vector<256x1xi32> to vector<256x4096xi32>
      %eq3A_1290 = arith.cmpi eq, %iota3A_1197, %eq3A_1289 : vector<256x4096xi32>
      %jit3A_1291 = arith.constant 2147483647 : i32
      %broadcast_in_dim3A_1292 = vector.broadcast %jit3A_1291 : i32 to vector<256x4096xi32>
      %select_n3A_1293 = arith.select %eq3A_1290, %broadcast_in_dim3A_1292, %select_n3A_1277 : vector<256x4096xi1>, vector<256x4096xi32>
      %reduce_min3A_1294 = arith.constant dense<2147483647> : vector<256xi32>
      %reduce_min3A_1295 = vector.multi_reduction <minsi>, %select_n3A_1293, %reduce_min3A_1294 [1] : vector<256x4096xi32> to vector<256xi32>
      %broadcast_in_dim3A_1296 = vector.shape_cast %reduce_min3A_1295 : vector<256xi32> to vector<256x1xi32>
      %eq3A_1297 = vector.broadcast %broadcast_in_dim3A_1296 : vector<256x1xi32> to vector<256x4096xi32>
      %eq3A_1298 = arith.cmpi eq, %select_n3A_1293, %eq3A_1297 : vector<256x4096xi32>
      %jit3A_1299 = arith.constant 4096 : i32
      %broadcast_in_dim3A_1300 = vector.broadcast %jit3A_1299 : i32 to vector<256x4096xi32>
      %select_n3A_1301 = arith.select %eq3A_1298, %iota3A_1197, %broadcast_in_dim3A_1300 : vector<256x4096xi1>, vector<256x4096xi32>
      %reduce_min3A_1302 = arith.constant dense<2147483647> : vector<256xi32>
      %reduce_min3A_1303 = vector.multi_reduction <minsi>, %select_n3A_1301, %reduce_min3A_1302 [1] : vector<256x4096xi32> to vector<256xi32>
      %broadcast_in_dim3A_1304 = vector.shape_cast %reduce_min3A_1303 : vector<256xi32> to vector<256x1xi32>
      %eq3A_1305 = vector.broadcast %broadcast_in_dim3A_1304 : vector<256x1xi32> to vector<256x4096xi32>
      %eq3A_1306 = arith.cmpi eq, %iota3A_1197, %eq3A_1305 : vector<256x4096xi32>
      %jit3A_1307 = arith.constant 2147483647 : i32
      %broadcast_in_dim3A_1308 = vector.broadcast %jit3A_1307 : i32 to vector<256x4096xi32>
      %select_n3A_1309 = arith.select %eq3A_1306, %broadcast_in_dim3A_1308, %select_n3A_1293 : vector<256x4096xi1>, vector<256x4096xi32>
      %reduce_min3A_1310 = arith.constant dense<2147483647> : vector<256xi32>
      %reduce_min3A_1311 = vector.multi_reduction <minsi>, %select_n3A_1309, %reduce_min3A_1310 [1] : vector<256x4096xi32> to vector<256xi32>
      %broadcast_in_dim3A_1312 = vector.shape_cast %reduce_min3A_1311 : vector<256xi32> to vector<256x1xi32>
      %eq3A_1313 = vector.broadcast %broadcast_in_dim3A_1312 : vector<256x1xi32> to vector<256x4096xi32>
      %eq3A_1314 = arith.cmpi eq, %select_n3A_1309, %eq3A_1313 : vector<256x4096xi32>
      %jit3A_1315 = arith.constant 4096 : i32
      %broadcast_in_dim3A_1316 = vector.broadcast %jit3A_1315 : i32 to vector<256x4096xi32>
      %select_n3A_1317 = arith.select %eq3A_1314, %iota3A_1197, %broadcast_in_dim3A_1316 : vector<256x4096xi1>, vector<256x4096xi32>
      %reduce_min3A_1318 = arith.constant dense<2147483647> : vector<256xi32>
      %reduce_min3A_1319 = vector.multi_reduction <minsi>, %select_n3A_1317, %reduce_min3A_1318 [1] : vector<256x4096xi32> to vector<256xi32>
      %broadcast_in_dim3A_1320 = vector.shape_cast %reduce_min3A_1319 : vector<256xi32> to vector<256x1xi32>
      %eq3A_1321 = vector.broadcast %broadcast_in_dim3A_1320 : vector<256x1xi32> to vector<256x4096xi32>
      %eq3A_1322 = arith.cmpi eq, %iota3A_1197, %eq3A_1321 : vector<256x4096xi32>
      %jit3A_1323 = arith.constant 2147483647 : i32
      %broadcast_in_dim3A_1324 = vector.broadcast %jit3A_1323 : i32 to vector<256x4096xi32>
      %select_n3A_1325 = arith.select %eq3A_1322, %broadcast_in_dim3A_1324, %select_n3A_1309 : vector<256x4096xi1>, vector<256x4096xi32>
      %reduce_min3A_1326 = arith.constant dense<2147483647> : vector<256xi32>
      %reduce_min3A_1327 = vector.multi_reduction <minsi>, %select_n3A_1325, %reduce_min3A_1326 [1] : vector<256x4096xi32> to vector<256xi32>
      %broadcast_in_dim3A_1328 = vector.shape_cast %reduce_min3A_1327 : vector<256xi32> to vector<256x1xi32>
      %eq3A_1329 = vector.broadcast %broadcast_in_dim3A_1328 : vector<256x1xi32> to vector<256x4096xi32>
      %eq3A_1330 = arith.cmpi eq, %select_n3A_1325, %eq3A_1329 : vector<256x4096xi32>
      %jit3A_1331 = arith.constant 4096 : i32
      %broadcast_in_dim3A_1332 = vector.broadcast %jit3A_1331 : i32 to vector<256x4096xi32>
      %select_n3A_1333 = arith.select %eq3A_1330, %iota3A_1197, %broadcast_in_dim3A_1332 : vector<256x4096xi1>, vector<256x4096xi32>
      %reduce_min3A_1334 = arith.constant dense<2147483647> : vector<256xi32>
      %reduce_min3A_1335 = vector.multi_reduction <minsi>, %select_n3A_1333, %reduce_min3A_1334 [1] : vector<256x4096xi32> to vector<256xi32>
      %broadcast_in_dim3A_1336 = vector.shape_cast %reduce_min3A_1335 : vector<256xi32> to vector<256x1xi32>
      %eq3A_1337 = vector.broadcast %broadcast_in_dim3A_1336 : vector<256x1xi32> to vector<256x4096xi32>
      %eq3A_1338 = arith.cmpi eq, %iota3A_1197, %eq3A_1337 : vector<256x4096xi32>
      %jit3A_1339 = arith.constant 2147483647 : i32
      %broadcast_in_dim3A_1340 = vector.broadcast %jit3A_1339 : i32 to vector<256x4096xi32>
      %select_n3A_1341 = arith.select %eq3A_1338, %broadcast_in_dim3A_1340, %select_n3A_1325 : vector<256x4096xi1>, vector<256x4096xi32>
      %reduce_min3A_1342 = arith.constant dense<2147483647> : vector<256xi32>
      %reduce_min3A_1343 = vector.multi_reduction <minsi>, %select_n3A_1341, %reduce_min3A_1342 [1] : vector<256x4096xi32> to vector<256xi32>
      %broadcast_in_dim3A_1344 = vector.shape_cast %reduce_min3A_1343 : vector<256xi32> to vector<256x1xi32>
      %eq3A_1345 = vector.broadcast %broadcast_in_dim3A_1344 : vector<256x1xi32> to vector<256x4096xi32>
      %eq3A_1346 = arith.cmpi eq, %select_n3A_1341, %eq3A_1345 : vector<256x4096xi32>
      %jit3A_1347 = arith.constant 4096 : i32
      %broadcast_in_dim3A_1348 = vector.broadcast %jit3A_1347 : i32 to vector<256x4096xi32>
      %select_n3A_1349 = arith.select %eq3A_1346, %iota3A_1197, %broadcast_in_dim3A_1348 : vector<256x4096xi1>, vector<256x4096xi32>
      %reduce_min3A_1350 = arith.constant dense<2147483647> : vector<256xi32>
      %reduce_min3A_1351 = vector.multi_reduction <minsi>, %select_n3A_1349, %reduce_min3A_1350 [1] : vector<256x4096xi32> to vector<256xi32>
      %broadcast_in_dim3A_1352 = vector.shape_cast %reduce_min3A_1351 : vector<256xi32> to vector<256x1xi32>
      %eq3A_1353 = vector.broadcast %broadcast_in_dim3A_1352 : vector<256x1xi32> to vector<256x4096xi32>
      %eq3A_1354 = arith.cmpi eq, %iota3A_1197, %eq3A_1353 : vector<256x4096xi32>
      %jit3A_1355 = arith.constant 2147483647 : i32
      %broadcast_in_dim3A_1356 = vector.broadcast %jit3A_1355 : i32 to vector<256x4096xi32>
      %select_n3A_1357 = arith.select %eq3A_1354, %broadcast_in_dim3A_1356, %select_n3A_1341 : vector<256x4096xi1>, vector<256x4096xi32>
      %reduce_min3A_1358 = arith.constant dense<2147483647> : vector<256xi32>
      %reduce_min3A_1359 = vector.multi_reduction <minsi>, %select_n3A_1357, %reduce_min3A_1358 [1] : vector<256x4096xi32> to vector<256xi32>
      %broadcast_in_dim3A_1360 = vector.shape_cast %reduce_min3A_1359 : vector<256xi32> to vector<256x1xi32>
      %eq3A_1361 = vector.broadcast %broadcast_in_dim3A_1360 : vector<256x1xi32> to vector<256x4096xi32>
      %eq3A_1362 = arith.cmpi eq, %select_n3A_1357, %eq3A_1361 : vector<256x4096xi32>
      %jit3A_1363 = arith.constant 4096 : i32
      %broadcast_in_dim3A_1364 = vector.broadcast %jit3A_1363 : i32 to vector<256x4096xi32>
      %select_n3A_1365 = arith.select %eq3A_1362, %iota3A_1197, %broadcast_in_dim3A_1364 : vector<256x4096xi1>, vector<256x4096xi32>
      %reduce_min3A_1366 = arith.constant dense<2147483647> : vector<256xi32>
      %reduce_min3A_1367 = vector.multi_reduction <minsi>, %select_n3A_1365, %reduce_min3A_1366 [1] : vector<256x4096xi32> to vector<256xi32>
      %broadcast_in_dim3A_1368 = vector.shape_cast %reduce_min3A_1367 : vector<256xi32> to vector<256x1xi32>
      %eq3A_1369 = vector.broadcast %broadcast_in_dim3A_1368 : vector<256x1xi32> to vector<256x4096xi32>
      %eq3A_1370 = arith.cmpi eq, %iota3A_1197, %eq3A_1369 : vector<256x4096xi32>
      %jit3A_1371 = arith.constant 2147483647 : i32
      %broadcast_in_dim3A_1372 = vector.broadcast %jit3A_1371 : i32 to vector<256x4096xi32>
      %select_n3A_1373 = arith.select %eq3A_1370, %broadcast_in_dim3A_1372, %select_n3A_1357 : vector<256x4096xi1>, vector<256x4096xi32>
      %reduce_min3A_1374 = arith.constant dense<2147483647> : vector<256xi32>
      %reduce_min3A_1375 = vector.multi_reduction <minsi>, %select_n3A_1373, %reduce_min3A_1374 [1] : vector<256x4096xi32> to vector<256xi32>
      %broadcast_in_dim3A_1376 = vector.shape_cast %reduce_min3A_1375 : vector<256xi32> to vector<256x1xi32>
      %eq3A_1377 = vector.broadcast %broadcast_in_dim3A_1376 : vector<256x1xi32> to vector<256x4096xi32>
      %eq3A_1378 = arith.cmpi eq, %select_n3A_1373, %eq3A_1377 : vector<256x4096xi32>
      %jit3A_1379 = arith.constant 4096 : i32
      %broadcast_in_dim3A_1380 = vector.broadcast %jit3A_1379 : i32 to vector<256x4096xi32>
      %select_n3A_1381 = arith.select %eq3A_1378, %iota3A_1197, %broadcast_in_dim3A_1380 : vector<256x4096xi1>, vector<256x4096xi32>
      %reduce_min3A_1382 = arith.constant dense<2147483647> : vector<256xi32>
      %reduce_min3A_1383 = vector.multi_reduction <minsi>, %select_n3A_1381, %reduce_min3A_1382 [1] : vector<256x4096xi32> to vector<256xi32>
      %broadcast_in_dim3A_1384 = vector.shape_cast %reduce_min3A_1383 : vector<256xi32> to vector<256x1xi32>
      %eq3A_1385 = vector.broadcast %broadcast_in_dim3A_1384 : vector<256x1xi32> to vector<256x4096xi32>
      %eq3A_1386 = arith.cmpi eq, %iota3A_1197, %eq3A_1385 : vector<256x4096xi32>
      %jit3A_1387 = arith.constant 2147483647 : i32
      %broadcast_in_dim3A_1388 = vector.broadcast %jit3A_1387 : i32 to vector<256x4096xi32>
      %select_n3A_1389 = arith.select %eq3A_1386, %broadcast_in_dim3A_1388, %select_n3A_1373 : vector<256x4096xi1>, vector<256x4096xi32>
      %reduce_min3A_1390 = arith.constant dense<2147483647> : vector<256xi32>
      %reduce_min3A_1391 = vector.multi_reduction <minsi>, %select_n3A_1389, %reduce_min3A_1390 [1] : vector<256x4096xi32> to vector<256xi32>
      %broadcast_in_dim3A_1392 = vector.shape_cast %reduce_min3A_1391 : vector<256xi32> to vector<256x1xi32>
      %eq3A_1393 = vector.broadcast %broadcast_in_dim3A_1392 : vector<256x1xi32> to vector<256x4096xi32>
      %eq3A_1394 = arith.cmpi eq, %select_n3A_1389, %eq3A_1393 : vector<256x4096xi32>
      %jit3A_1395 = arith.constant 4096 : i32
      %broadcast_in_dim3A_1396 = vector.broadcast %jit3A_1395 : i32 to vector<256x4096xi32>
      %select_n3A_1397 = arith.select %eq3A_1394, %iota3A_1197, %broadcast_in_dim3A_1396 : vector<256x4096xi1>, vector<256x4096xi32>
      %reduce_min3A_1398 = arith.constant dense<2147483647> : vector<256xi32>
      %reduce_min3A_1399 = vector.multi_reduction <minsi>, %select_n3A_1397, %reduce_min3A_1398 [1] : vector<256x4096xi32> to vector<256xi32>
      %broadcast_in_dim3A_1400 = vector.shape_cast %reduce_min3A_1399 : vector<256xi32> to vector<256x1xi32>
      %eq3A_1401 = vector.broadcast %broadcast_in_dim3A_1400 : vector<256x1xi32> to vector<256x4096xi32>
      %eq3A_1402 = arith.cmpi eq, %iota3A_1197, %eq3A_1401 : vector<256x4096xi32>
      %jit3A_1403 = arith.constant 2147483647 : i32
      %broadcast_in_dim3A_1404 = vector.broadcast %jit3A_1403 : i32 to vector<256x4096xi32>
      %select_n3A_1405 = arith.select %eq3A_1402, %broadcast_in_dim3A_1404, %select_n3A_1389 : vector<256x4096xi1>, vector<256x4096xi32>
      %reduce_min3A_1406 = arith.constant dense<2147483647> : vector<256xi32>
      %reduce_min3A_1407 = vector.multi_reduction <minsi>, %select_n3A_1405, %reduce_min3A_1406 [1] : vector<256x4096xi32> to vector<256xi32>
      %broadcast_in_dim3A_1408 = vector.shape_cast %reduce_min3A_1407 : vector<256xi32> to vector<256x1xi32>
      %eq3A_1409 = vector.broadcast %broadcast_in_dim3A_1408 : vector<256x1xi32> to vector<256x4096xi32>
      %eq3A_1410 = arith.cmpi eq, %select_n3A_1405, %eq3A_1409 : vector<256x4096xi32>
      %jit3A_1411 = arith.constant 4096 : i32
      %broadcast_in_dim3A_1412 = vector.broadcast %jit3A_1411 : i32 to vector<256x4096xi32>
      %select_n3A_1413 = arith.select %eq3A_1410, %iota3A_1197, %broadcast_in_dim3A_1412 : vector<256x4096xi1>, vector<256x4096xi32>
      %reduce_min3A_1414 = arith.constant dense<2147483647> : vector<256xi32>
      %reduce_min3A_1415 = vector.multi_reduction <minsi>, %select_n3A_1413, %reduce_min3A_1414 [1] : vector<256x4096xi32> to vector<256xi32>
      %broadcast_in_dim3A_1416 = vector.shape_cast %reduce_min3A_1415 : vector<256xi32> to vector<256x1xi32>
      %eq3A_1417 = vector.broadcast %broadcast_in_dim3A_1416 : vector<256x1xi32> to vector<256x4096xi32>
      %eq3A_1418 = arith.cmpi eq, %iota3A_1197, %eq3A_1417 : vector<256x4096xi32>
      %jit3A_1419 = arith.constant 2147483647 : i32
      %broadcast_in_dim3A_1420 = vector.broadcast %jit3A_1419 : i32 to vector<256x4096xi32>
      %select_n3A_1421 = arith.select %eq3A_1418, %broadcast_in_dim3A_1420, %select_n3A_1405 : vector<256x4096xi1>, vector<256x4096xi32>
      %reduce_min3A_1422 = arith.constant dense<2147483647> : vector<256xi32>
      %reduce_min3A_1423 = vector.multi_reduction <minsi>, %select_n3A_1421, %reduce_min3A_1422 [1] : vector<256x4096xi32> to vector<256xi32>
      %broadcast_in_dim3A_1424 = vector.shape_cast %reduce_min3A_1423 : vector<256xi32> to vector<256x1xi32>
      %eq3A_1425 = vector.broadcast %broadcast_in_dim3A_1424 : vector<256x1xi32> to vector<256x4096xi32>
      %eq3A_1426 = arith.cmpi eq, %select_n3A_1421, %eq3A_1425 : vector<256x4096xi32>
      %jit3A_1427 = arith.constant 4096 : i32
      %broadcast_in_dim3A_1428 = vector.broadcast %jit3A_1427 : i32 to vector<256x4096xi32>
      %select_n3A_1429 = arith.select %eq3A_1426, %iota3A_1197, %broadcast_in_dim3A_1428 : vector<256x4096xi1>, vector<256x4096xi32>
      %reduce_min3A_1430 = arith.constant dense<2147483647> : vector<256xi32>
      %reduce_min3A_1431 = vector.multi_reduction <minsi>, %select_n3A_1429, %reduce_min3A_1430 [1] : vector<256x4096xi32> to vector<256xi32>
      %broadcast_in_dim3A_1432 = vector.shape_cast %reduce_min3A_1431 : vector<256xi32> to vector<256x1xi32>
      %eq3A_1433 = vector.broadcast %broadcast_in_dim3A_1432 : vector<256x1xi32> to vector<256x4096xi32>
      %eq3A_1434 = arith.cmpi eq, %iota3A_1197, %eq3A_1433 : vector<256x4096xi32>
      %jit3A_1435 = arith.constant 2147483647 : i32
      %broadcast_in_dim3A_1436 = vector.broadcast %jit3A_1435 : i32 to vector<256x4096xi32>
      %select_n3A_1437 = arith.select %eq3A_1434, %broadcast_in_dim3A_1436, %select_n3A_1421 : vector<256x4096xi1>, vector<256x4096xi32>
      %reduce_min3A_1438 = arith.constant dense<2147483647> : vector<256xi32>
      %reduce_min3A_1439 = vector.multi_reduction <minsi>, %select_n3A_1437, %reduce_min3A_1438 [1] : vector<256x4096xi32> to vector<256xi32>
      %broadcast_in_dim3A_1440 = vector.shape_cast %reduce_min3A_1439 : vector<256xi32> to vector<256x1xi32>
      %eq3A_1441 = vector.broadcast %broadcast_in_dim3A_1440 : vector<256x1xi32> to vector<256x4096xi32>
      %eq3A_1442 = arith.cmpi eq, %select_n3A_1437, %eq3A_1441 : vector<256x4096xi32>
      %jit3A_1443 = arith.constant 4096 : i32
      %broadcast_in_dim3A_1444 = vector.broadcast %jit3A_1443 : i32 to vector<256x4096xi32>
      %select_n3A_1445 = arith.select %eq3A_1442, %iota3A_1197, %broadcast_in_dim3A_1444 : vector<256x4096xi1>, vector<256x4096xi32>
      %reduce_min3A_1446 = arith.constant dense<2147483647> : vector<256xi32>
      %reduce_min3A_1447 = vector.multi_reduction <minsi>, %select_n3A_1445, %reduce_min3A_1446 [1] : vector<256x4096xi32> to vector<256xi32>
      %broadcast_in_dim3A_1448 = vector.shape_cast %reduce_min3A_1447 : vector<256xi32> to vector<256x1xi32>
      %concatenate3A_1449 = tpu.concatenate %broadcast_in_dim3A_1208, %broadcast_in_dim3A_1224, %broadcast_in_dim3A_1240, %broadcast_in_dim3A_1256, %broadcast_in_dim3A_1272, %broadcast_in_dim3A_1288, %broadcast_in_dim3A_1304, %broadcast_in_dim3A_1320, %broadcast_in_dim3A_1336, %broadcast_in_dim3A_1352, %broadcast_in_dim3A_1368, %broadcast_in_dim3A_1384, %broadcast_in_dim3A_1400, %broadcast_in_dim3A_1416, %broadcast_in_dim3A_1432, %broadcast_in_dim3A_1448 in 1 : vector<256x1xi32>, vector<256x1xi32>, vector<256x1xi32>, vector<256x1xi32>, vector<256x1xi32>, vector<256x1xi32>, vector<256x1xi32>, vector<256x1xi32>, vector<256x1xi32>, vector<256x1xi32>, vector<256x1xi32>, vector<256x1xi32>, vector<256x1xi32>, vector<256x1xi32>, vector<256x1xi32>, vector<256x1xi32> -> vector<256x16xi32>
      %swap3A_1450 = arith.constant 0 : index
      %swap3A_1451 = arith.constant 0 : index
      %swap3A_1452 = vector.load %arg3[%swap3A_1450, %swap3A_1451] : memref<256x16xi32, #tpu.memory_space<vmem>>, vector<256x16xi32>
      tpu.vector_store %arg3[%swap3A_1450, %swap3A_1451], %concatenate3A_1449 {strides = array<i32>} : memref<256x16xi32, #tpu.memory_space<vmem>>, vector<256x16xi32>,
    } else {
    }
    return
  }
  func.func @transform_0(%arg0: i32) -> (i32, i32) {
    %add3A = arith.constant 0 : i32
    %add3A_0 = arith.addi %arg0, %add3A : i32
    %c0_i32 = arith.constant 0 : i32
    %c0_i32_1 = arith.constant 0 : i32
    return %add3A_0, %c0_i32 : i32, i32
  }
  func.func @transform_1(%arg0: i32) -> (i32, i32) {
    %c0_i32 = arith.constant 0 : i32
    %c0_i32_0 = arith.constant 0 : i32
    %c0_i32_1 = arith.constant 0 : i32
    return %c0_i32, %c0_i32_0 : i32, i32
  }
  func.func @transform_2(%arg0: i32) -> (i32, i32) {
    %c0_i32 = arith.constant 0 : i32
    %c0_i32_0 = arith.constant 0 : i32
    return %arg0, %c0_i32 : i32, i32
  }
}

module attributes {stable_mosaic.version = 14 : i64} {
  func.func @_stage_c_body(%arg0: i32, %arg1: memref<4096x640xf32, #tpu.memory_space<vmem>>, %arg2: memref<256x256xf32, #tpu.memory_space<vmem>>, %arg3: memref<256x8xf32, #tpu.memory_space<vmem>>, %arg4: memref<256x256xf32, #tpu.memory_space<vmem>>, %arg5: memref<8x256xf32, #tpu.memory_space<vmem>>, %arg6: memref<1x256xf32, #tpu.memory_space<vmem>>, %arg7: memref<256x256xf32, #tpu.memory_space<vmem>>, %arg8: memref<1x256xf32, #tpu.memory_space<vmem>>, %arg9: memref<256x256xf32, #tpu.memory_space<vmem>>, %arg10: memref<1x256xf32, #tpu.memory_space<vmem>>, %arg11: memref<256x256xf32, #tpu.memory_space<vmem>>, %arg12: memref<1x256xf32, #tpu.memory_space<vmem>>, %arg13: memref<256x256xf32, #tpu.memory_space<vmem>>) attributes {dimension_semantics = [#tpu.dimension_semantics<arbitrary>], iteration_bounds = array<i64: 8>, scalar_prefetch = 0 : i64, scratch_operands = 0 : i64, tpu.core_type = #tpu.core_type<tc>, window_params = [{transform_indices = @transform_0, window_bounds = array<i64: 4096, 640>}, {transform_indices = @transform_1, window_bounds = array<i64: 256, 256>}, {transform_indices = @transform_2, window_bounds = array<i64: 256, 8>}, {transform_indices = @transform_3, window_bounds = array<i64: 256, 256>}, {pipeline_mode = #tpu.pipeline_mode<synchronous>, transform_indices = @transform_4, window_bounds = array<i64: 8, 256>}, {pipeline_mode = #tpu.pipeline_mode<synchronous>, transform_indices = @transform_5, window_bounds = array<i64: 1, 256>}, {pipeline_mode = #tpu.pipeline_mode<synchronous>, transform_indices = @transform_6, window_bounds = array<i64: 256, 256>}, {pipeline_mode = #tpu.pipeline_mode<synchronous>, transform_indices = @transform_7, window_bounds = array<i64: 1, 256>}, {pipeline_mode = #tpu.pipeline_mode<synchronous>, transform_indices = @transform_8, window_bounds = array<i64: 256, 256>}, {pipeline_mode = #tpu.pipeline_mode<synchronous>, transform_indices = @transform_9, window_bounds = array<i64: 1, 256>}, {pipeline_mode = #tpu.pipeline_mode<synchronous>, transform_indices = @transform_10, window_bounds = array<i64: 256, 256>}, {pipeline_mode = #tpu.pipeline_mode<synchronous>, transform_indices = @transform_11, window_bounds = array<i64: 1, 256>}, {transform_indices = @transform_12, window_bounds = array<i64: 256, 256>}]} {
    %get3A = arith.constant 0 : index
    %get3A_0 = arith.constant 0 : index
    %get3A_1 = vector.load %arg1[%get3A, %get3A_0] : memref<4096x640xf32, #tpu.memory_space<vmem>>, vector<4096x640xf32>
    %slice3A = vector.extract_strided_slice %get3A_1 {offsets = [0, 0], sizes = [4096, 256], strides = [1, 1]} : vector<4096x640xf32> to vector<4096x256xf32>
    %slice3A_2 = vector.extract_strided_slice %get3A_1 {offsets = [0, 256], sizes = [4096, 256], strides = [1, 1]} : vector<4096x640xf32> to vector<4096x256xf32>
    %slice3A_3 = vector.extract_strided_slice %get3A_1 {offsets = [0, 512], sizes = [4096, 8], strides = [1, 1]} : vector<4096x640xf32> to vector<4096x8xf32>
    %get3A_4 = arith.constant 0 : index
    %get3A_5 = arith.constant 0 : index
    %get3A_6 = vector.load %arg3[%get3A_4, %get3A_5] : memref<256x8xf32, #tpu.memory_space<vmem>>, vector<256x8xf32>
    %broadcast_in_dim3A = vector.shape_cast %get3A_6 : vector<256x8xf32> to vector<256x1x8xf32>
    %reshape3A = vector.shape_cast %slice3A_3 : vector<4096x8xf32> to vector<256x16x8xf32>
    %sub3A = vector.broadcast %broadcast_in_dim3A : vector<256x1x8xf32> to vector<256x16x8xf32>
    %sub3A_7 = arith.subf %sub3A, %reshape3A : vector<256x16x8xf32>
    %reshape3A_8 = vector.shape_cast %sub3A_7 : vector<256x16x8xf32> to vector<4096x8xf32>
    %get3A_9 = arith.constant 0 : index
    %get3A_10 = arith.constant 0 : index
    %get3A_11 = vector.load %arg5[%get3A_9, %get3A_10] : memref<8x256xf32, #tpu.memory_space<vmem>>, vector<8x256xf32>
    %dot_general3A = arith.constant dense<0.000000e+00> : vector<4096x256xf32>
    %dot_general3A_12 = tpu.matmul %reshape3A_8, %get3A_11, %dot_general3A {dimension_numbers = #tpu.dot_dimension_numbers<[1], [0], [0], [1], [0, 0, 1, 1], [], []>, transpose_lhs_hint = false} : vector<4096x8xf32>, vector<8x256xf32>, vector<4096x256xf32> -> vector<4096x256xf32>
    %get3A_13 = arith.constant 0 : index
    %get3A_14 = arith.constant 0 : index
    %get3A_15 = vector.load %arg6[%get3A_13, %get3A_14] : memref<1x256xf32, #tpu.memory_space<vmem>>, vector<1x256xf32>
    %add3A = vector.broadcast %get3A_15 : vector<1x256xf32> to vector<4096x256xf32>
    %add3A_16 = arith.addf %dot_general3A_12, %add3A : vector<4096x256xf32>
    %max3A = arith.constant 0.000000e+00 : f32
    %max3A_17 = vector.broadcast %max3A : f32 to vector<4096x256xf32>
    %max3A_18 = arith.maximumf %add3A_16, %max3A_17 : vector<4096x256xf32>
    %get3A_19 = arith.constant 0 : index
    %get3A_20 = arith.constant 0 : index
    %get3A_21 = vector.load %arg7[%get3A_19, %get3A_20] : memref<256x256xf32, #tpu.memory_space<vmem>>, vector<256x256xf32>
    %dot_general3A_22 = arith.constant dense<0.000000e+00> : vector<4096x256xf32>
    %dot_general3A_23 = tpu.matmul %max3A_18, %get3A_21, %dot_general3A_22 {dimension_numbers = #tpu.dot_dimension_numbers<[1], [0], [0], [1], [0, 0, 1, 1], [], []>, transpose_lhs_hint = false} : vector<4096x256xf32>, vector<256x256xf32>, vector<4096x256xf32> -> vector<4096x256xf32>
    %get3A_24 = arith.constant 0 : index
    %get3A_25 = arith.constant 0 : index
    %get3A_26 = vector.load %arg8[%get3A_24, %get3A_25] : memref<1x256xf32, #tpu.memory_space<vmem>>, vector<1x256xf32>
    %add3A_27 = vector.broadcast %get3A_26 : vector<1x256xf32> to vector<4096x256xf32>
    %add3A_28 = arith.addf %dot_general3A_23, %add3A_27 : vector<4096x256xf32>
    %get3A_29 = arith.constant 0 : index
    %get3A_30 = arith.constant 0 : index
    %get3A_31 = vector.load %arg2[%get3A_29, %get3A_30] : memref<256x256xf32, #tpu.memory_space<vmem>>, vector<256x256xf32>
    %broadcast_in_dim3A_32 = vector.shape_cast %get3A_31 : vector<256x256xf32> to vector<256x1x256xf32>
    %reshape3A_33 = vector.shape_cast %slice3A : vector<4096x256xf32> to vector<256x16x256xf32>
    %sub3A_34 = vector.broadcast %broadcast_in_dim3A_32 : vector<256x1x256xf32> to vector<256x16x256xf32>
    %sub3A_35 = arith.subf %sub3A_34, %reshape3A_33 : vector<256x16x256xf32>
    %reshape3A_36 = vector.shape_cast %add3A_28 : vector<4096x256xf32> to vector<256x16x256xf32>
    %add3A_37 = arith.addf %sub3A_35, %reshape3A_36 : vector<256x16x256xf32>
    %reshape3A_38 = vector.shape_cast %add3A_37 : vector<256x16x256xf32> to vector<4096x256xf32>
    %get3A_39 = arith.constant 0 : index
    %get3A_40 = arith.constant 0 : index
    %get3A_41 = vector.load %arg9[%get3A_39, %get3A_40] : memref<256x256xf32, #tpu.memory_space<vmem>>, vector<256x256xf32>
    %dot_general3A_42 = arith.constant dense<0.000000e+00> : vector<4096x256xf32>
    %dot_general3A_43 = tpu.matmul %reshape3A_38, %get3A_41, %dot_general3A_42 {dimension_numbers = #tpu.dot_dimension_numbers<[1], [0], [0], [1], [0, 0, 1, 1], [], []>, transpose_lhs_hint = false} : vector<4096x256xf32>, vector<256x256xf32>, vector<4096x256xf32> -> vector<4096x256xf32>
    %get3A_44 = arith.constant 0 : index
    %get3A_45 = arith.constant 0 : index
    %get3A_46 = vector.load %arg10[%get3A_44, %get3A_45] : memref<1x256xf32, #tpu.memory_space<vmem>>, vector<1x256xf32>
    %add3A_47 = vector.broadcast %get3A_46 : vector<1x256xf32> to vector<4096x256xf32>
    %add3A_48 = arith.addf %dot_general3A_43, %add3A_47 : vector<4096x256xf32>
    %max3A_49 = arith.constant 0.000000e+00 : f32
    %max3A_50 = vector.broadcast %max3A_49 : f32 to vector<4096x256xf32>
    %max3A_51 = arith.maximumf %add3A_48, %max3A_50 : vector<4096x256xf32>
    %get3A_52 = arith.constant 0 : index
    %get3A_53 = arith.constant 0 : index
    %get3A_54 = vector.load %arg11[%get3A_52, %get3A_53] : memref<256x256xf32, #tpu.memory_space<vmem>>, vector<256x256xf32>
    %dot_general3A_55 = arith.constant dense<0.000000e+00> : vector<4096x256xf32>
    %dot_general3A_56 = tpu.matmul %max3A_51, %get3A_54, %dot_general3A_55 {dimension_numbers = #tpu.dot_dimension_numbers<[1], [0], [0], [1], [0, 0, 1, 1], [], []>, transpose_lhs_hint = false} : vector<4096x256xf32>, vector<256x256xf32>, vector<4096x256xf32> -> vector<4096x256xf32>
    %get3A_57 = arith.constant 0 : index
    %get3A_58 = arith.constant 0 : index
    %get3A_59 = vector.load %arg12[%get3A_57, %get3A_58] : memref<1x256xf32, #tpu.memory_space<vmem>>, vector<1x256xf32>
    %add3A_60 = vector.broadcast %get3A_59 : vector<1x256xf32> to vector<4096x256xf32>
    %add3A_61 = arith.addf %dot_general3A_56, %add3A_60 : vector<4096x256xf32>
    %reshape3A_62 = vector.shape_cast %add3A_61 : vector<4096x256xf32> to vector<256x16x256xf32>
    %reduce_max3A = arith.constant dense<0xFF800000> : vector<256x256xf32>
    %reduce_max3A_63 = vector.multi_reduction <maximumf>, %reshape3A_62, %reduce_max3A [1] : vector<256x16x256xf32> to vector<256x256xf32>
    %broadcast_in_dim3A_64 = vector.shape_cast %reduce_max3A_63 : vector<256x256xf32> to vector<256x1x256xf32>
    %sub3A_65 = vector.broadcast %broadcast_in_dim3A_64 : vector<256x1x256xf32> to vector<256x16x256xf32>
    %sub3A_66 = arith.subf %reshape3A_62, %sub3A_65 : vector<256x16x256xf32>
    %exp3A = math.exp %sub3A_66 : vector<256x16x256xf32>
    %reduce_sum3A = arith.constant dense<0.000000e+00> : vector<256x256xf32>
    %reduce_sum3A_67 = vector.multi_reduction <add>, %exp3A, %reduce_sum3A [1] : vector<256x16x256xf32> to vector<256x256xf32>
    %broadcast_in_dim3A_68 = vector.shape_cast %reduce_sum3A_67 : vector<256x256xf32> to vector<256x1x256xf32>
    %div3A = vector.broadcast %broadcast_in_dim3A_68 : vector<256x1x256xf32> to vector<256x16x256xf32>
    %div3A_69 = arith.divf %exp3A, %div3A : vector<256x16x256xf32>
    %reshape3A_70 = vector.shape_cast %slice3A_2 : vector<4096x256xf32> to vector<256x16x256xf32>
    %reshape3A_71 = vector.shape_cast %add3A_28 : vector<4096x256xf32> to vector<256x16x256xf32>
    %add3A_72 = arith.addf %reshape3A_70, %reshape3A_71 : vector<256x16x256xf32>
    %get3A_73 = arith.constant 0 : index
    %get3A_74 = arith.constant 0 : index
    %get3A_75 = vector.load %arg4[%get3A_73, %get3A_74] : memref<256x256xf32, #tpu.memory_space<vmem>>, vector<256x256xf32>
    %mul3A = arith.mulf %div3A_69, %add3A_72 : vector<256x16x256xf32>
    %reduce_sum3A_76 = arith.constant dense<0.000000e+00> : vector<256x256xf32>
    %reduce_sum3A_77 = vector.multi_reduction <add>, %mul3A, %reduce_sum3A_76 [1] : vector<256x16x256xf32> to vector<256x256xf32>
    %add3A_78 = arith.addf %get3A_75, %reduce_sum3A_77 : vector<256x256xf32>
    %swap3A = arith.constant 0 : index
    %swap3A_79 = arith.constant 0 : index
    %swap3A_80 = vector.load %arg13[%swap3A, %swap3A_79] : memref<256x256xf32, #tpu.memory_space<vmem>>, vector<256x256xf32>
    tpu.vector_store %arg13[%swap3A, %swap3A_79], %add3A_78 {strides = array<i32>} : memref<256x256xf32, #tpu.memory_space<vmem>>, vector<256x256xf32>,
    return
  }
  func.func @transform_0(%arg0: i32) -> (i32, i32) {
    %c0_i32 = arith.constant 0 : i32
    %c0_i32_0 = arith.constant 0 : i32
    return %arg0, %c0_i32 : i32, i32
  }
  func.func @transform_1(%arg0: i32) -> (i32, i32) {
    %add3A = arith.constant 0 : i32
    %add3A_0 = arith.addi %arg0, %add3A : i32
    %c0_i32 = arith.constant 0 : i32
    %c0_i32_1 = arith.constant 0 : i32
    return %add3A_0, %c0_i32 : i32, i32
  }
  func.func @transform_2(%arg0: i32) -> (i32, i32) {
    %add3A = arith.constant 0 : i32
    %add3A_0 = arith.addi %arg0, %add3A : i32
    %c0_i32 = arith.constant 0 : i32
    %c0_i32_1 = arith.constant 0 : i32
    return %add3A_0, %c0_i32 : i32, i32
  }
  func.func @transform_3(%arg0: i32) -> (i32, i32) {
    %add3A = arith.constant 0 : i32
    %add3A_0 = arith.addi %arg0, %add3A : i32
    %c0_i32 = arith.constant 0 : i32
    %c0_i32_1 = arith.constant 0 : i32
    return %add3A_0, %c0_i32 : i32, i32
  }
  func.func @transform_4(%arg0: i32) -> (i32, i32) {
    %c0_i32 = arith.constant 0 : i32
    %c0_i32_0 = arith.constant 0 : i32
    %c0_i32_1 = arith.constant 0 : i32
    return %c0_i32, %c0_i32_0 : i32, i32
  }
  func.func @transform_5(%arg0: i32) -> (i32, i32) {
    %c0_i32 = arith.constant 0 : i32
    %c0_i32_0 = arith.constant 0 : i32
    %c0_i32_1 = arith.constant 0 : i32
    return %c0_i32, %c0_i32_0 : i32, i32
  }
  func.func @transform_6(%arg0: i32) -> (i32, i32) {
    %c0_i32 = arith.constant 0 : i32
    %c0_i32_0 = arith.constant 0 : i32
    %c0_i32_1 = arith.constant 0 : i32
    return %c0_i32, %c0_i32_0 : i32, i32
  }
  func.func @transform_7(%arg0: i32) -> (i32, i32) {
    %c0_i32 = arith.constant 0 : i32
    %c0_i32_0 = arith.constant 0 : i32
    %c0_i32_1 = arith.constant 0 : i32
    return %c0_i32, %c0_i32_0 : i32, i32
  }
  func.func @transform_8(%arg0: i32) -> (i32, i32) {
    %c0_i32 = arith.constant 0 : i32
    %c0_i32_0 = arith.constant 0 : i32
    %c0_i32_1 = arith.constant 0 : i32
    return %c0_i32, %c0_i32_0 : i32, i32
  }
  func.func @transform_9(%arg0: i32) -> (i32, i32) {
    %c0_i32 = arith.constant 0 : i32
    %c0_i32_0 = arith.constant 0 : i32
    %c0_i32_1 = arith.constant 0 : i32
    return %c0_i32, %c0_i32_0 : i32, i32
  }
  func.func @transform_10(%arg0: i32) -> (i32, i32) {
    %c0_i32 = arith.constant 0 : i32
    %c0_i32_0 = arith.constant 0 : i32
    %c0_i32_1 = arith.constant 0 : i32
    return %c0_i32, %c0_i32_0 : i32, i32
  }
  func.func @transform_11(%arg0: i32) -> (i32, i32) {
    %c0_i32 = arith.constant 0 : i32
    %c0_i32_0 = arith.constant 0 : i32
    %c0_i32_1 = arith.constant 0 : i32
    return %c0_i32, %c0_i32_0 : i32, i32
  }
  func.func @transform_12(%arg0: i32) -> (i32, i32) {
    %c0_i32 = arith.constant 0 : i32
    %c0_i32_0 = arith.constant 0 : i32
    return %arg0, %c0_i32 : i32, i32
  }
}

</mosaic_0001>

<sc_bundles>
// kernel: kernel.12.cloned.1.call-start
scs
__scs_entry_jumppad:
0x0: {  	(pc) =	sbr.rel $0x88, $3  }
0x1: {  	(tag) =	ssettag $0x0;
	lr =	simm.s32 $0x1  }
0x2: {  	[smem:$0x3F94] =	sst lr;
	_ =	strace $0xD0000000  }
0x3: {  	_ = 	snop  }
0x4: {  	_ = 	snop  }
0x5: {  	_ = 	snop  }
0x6: {  	_ = 	snop  }
0x7: {  	_ = 	snop  }
__scs_overlays_trampoline_lowered:
0x8: {  	[smem:$0x3FA3] =	sst s0  }
0x9: {  	[smem:$0x3FA4] =	sst s1  }
0xa: {  	[smem:$0x3FA5] =	sst s2  }
0xb: {  	[smem:$0x3FA6] =	sst s3  }
0xc: {  	[smem:$0x3FA7] =	sst s4  }
0xd: {  	[smem:$0x3FA8] =	sst s5  }
0xe: {  	[smem:$0x3FA9] =	sst s6  }
0xf: {  	[smem:$0x3FAA] =	sst s7  }
0x10: {  	[smem:$0x3FAB] =	sst s8  }
0x11: {  	[smem:$0x3FAC] =	sst s9;
	s0 =	simm.s32 @!p0 $0x0  }
0x12: {  	s1 =	sld [smem:$0x3F92];
	s0 =	simm.s32 @p0 $0x1  }
0x13: {  	[smem:$0x3FAD] =	sst s0;
	s0 =	simm.s32 @!p1 $0x0  }
0x14: {  	s2 =	sld [smem:$0x3F91];
	s0 =	simm.s32 @p1 $0x1  }
0x15: {  	[smem:$0x3FAE] =	sst s0;
	s0 =	simm.s32 @!p2 $0x0  }
0x16: {  	s3 =	sld [smem:$0x3FDB];
	s0 =	simm.s32 @p2 $0x1  }
0x17: {  	s4 =	simm.s32 $0x1BF5;
	[smem:$0x3FB0] =	sst s0  }
0x18: {  	s0 =	sld [smem:$0x3F93];
	_ =	swait.ge [sflag:s4], $0x0  }
0x19: {  	s7 =	sld [smem:$0x3F94]  }
0x1a: {  	s8 =	sadd.s32 $0xFFFFE003, lr  }
0x1b: {  	s9 =	sadd.s32 $0xFFFFFEF7, lr;
	s5 =	simm.s32 $0xFFFFFFFF;
	p2 =	slt.u32 s8, $0xFFFFF086  }
0x1c: {  	p1 =	slt.u32 s9, $0xF7A;
	s5 =	simm.s32 @!p2 $0x0  }
0x1d: {  	s5 =	simm.s32 @p1 $0x1;
	p0 =	seq.s32 s7, s2  }
0x1e: {  	s7 =	smul.u32 @!p0 $0xF7A, s2;
	p2 =	seq.s32 @!p0 s5, $0x0  }
0x1f: {  	s9 =	smul.u32 $0xF7A, s1;
	s8 =	simm.s32 @!p0 $0x1BF5;
	p2 =	por !p2, p0  }
0x20: {  	[sflag:s8] =	ssyncset.s32 @!p0 $0xFFFFF086;
	s6 =	sadd.s32 @!p0 s3, s7;
	s7 =	simm.s32 @!p0 $0x108  }
0x21: {  	s3 =	sadd.s32 s3, s9;
	s6 =	sadd.s32 @!p0 $0x88, s6;
	s7 =	simm.s32 @p2 $0x1082  }
0x22: {  	[simem:s7], [sflag:s8] =	dma.local @!p0 [hbm:s6], $0xF7A  }
0x23: {  	s9 =	sor.u32 $0xD0000000, s2;
	s6 =	simm.s32 $0x108;
	_ =	swait.ge @!p0 [sflag:s8], $0x0  }
0x24: {  	s3 =	sadd.s32 $0x88, s3;
	s6 =	simm.s32 @!p1 $0x1082;
	[sflag:s4] =	ssyncset.s32 $0xFFFFF086  }
0x25: {  	[simem:s6], [sflag:s4] =	dma.local [hbm:s3], $0xF7A  }
0x26: {  	[smem:$0x3F94] =	sst s1;
	(tag) =	ssettag s2;
	_ =	strace s9  }
0x27: {  	s1 =	sld [smem:$0x3FA4]  }
0x28: {  	s2 =	sld [smem:$0x3FA5]  }
0x29: {  	s4 =	sld [smem:$0x3FA7]  }
0x2a: {  	p0 =	seq.s32 s5, $0x0;
	s5 =	sld [smem:$0x3FA8]  }
0x2b: {  	s6 =	sld [smem:$0x3FA9]  }
0x2c: {  	s7 =	sld [smem:$0x3FAA]  }
0x2d: {  	s3 =	simm.s32 $0x108;
	s8 =	sld [smem:$0x3FAB]  }
0x2e: {  	s3 =	simm.s32 @!p0 $0x1082;
	s9 =	sld [smem:$0x3FAC]  }
0x2f: {  	lr =	sadd.s32 s0, s3;
	s0 =	sld [smem:$0x3FA3]  }
0x30: {  	s3 =	sld [smem:$0x3FA6]  }
0x31: {  	[smem:$0x3FAF] =	sst s10  }
0x32: {  	s10 =	sld [smem:$0x3FAD];
	_ =	sdelay $0x3  }
0x33: {  	p0 =	seq.s32 s10, $0x1;
	s10 =	sld [smem:$0x3FAF];
	_ =	sdelay $0x3  }
0x34: {  	[smem:$0x3FAF] =	sst s10  }
0x35: {  	s10 =	sld [smem:$0x3FAE];
	_ =	sdelay $0x3  }
0x36: {  	p1 =	seq.s32 s10, $0x1;
	s10 =	sld [smem:$0x3FAF];
	_ =	sdelay $0x3  }
0x37: {  	[smem:$0x3FAF] =	sst s10  }
0x38: {  	s10 =	sld [smem:$0x3FB0]  }
0x39: {  	_ = 	snop;
	(pc) =	sbr.ind lr, $3  }
0x3a: {  	_ = 	snop  }
0x3b: {  	_ = 	snop  }
0x3c: {  	p2 =	seq.s32 s10, $0x1;
	s10 =	sld [smem:$0x3FAF]  }
0x3d: {  	_ =	shalt  }
0x3e: {  	_ =	shalt  }
0x3f: {  	_ =	shalt  }
0x40: {  	_ =	shalt  }
0x41: {  	_ =	shalt  }
0x42: {  	_ =	shalt  }
0x43: {  	_ =	shalt  }
0x44: {  	_ =	shalt  }
0x45: {  	_ =	shalt  }
0x46: {  	_ =	shalt  }
0x47: {  	_ =	shalt  }
0x48: {  	_ =	shalt  }
0x49: {  	_ =	shalt  }
0x4a: {  	_ =	shalt  }
0x4b: {  	_ =	shalt  }
0x4c: {  	_ =	shalt  }
0x4d: {  	_ =	shalt  }
0x4e: {  	_ =	shalt  }
0x4f: {  	_ =	shalt  }
0x50: {  	_ =	shalt  }
0x51: {  	_ =	shalt  }
0x52: {  	_ =	shalt  }
0x53: {  	_ =	shalt  }
0x54: {  	_ =	shalt  }
0x55: {  	_ =	shalt  }
0x56: {  	_ =	shalt  }
0x57: {  	_ =	shalt  }
0x58: {  	_ =	shalt  }
0x59: {  	_ =	shalt  }
0x5a: {  	_ =	shalt  }
0x5b: {  	_ =	shalt  }
0x5c: {  	_ =	shalt  }
0x5d: {  	_ =	shalt  }
0x5e: {  	_ =	shalt  }
0x5f: {  	_ =	shalt  }
0x60: {  	_ =	shalt  }
0x61: {  	_ =	shalt  }
0x62: {  	_ =	shalt  }
0x63: {  	_ =	shalt  }
0x64: {  	_ =	shalt  }
0x65: {  	_ =	shalt  }
0x66: {  	_ =	shalt  }
0x67: {  	_ =	shalt  }
0x68: {  	_ =	shalt  }
0x69: {  	_ =	shalt  }
0x6a: {  	_ =	shalt  }
0x6b: {  	_ =	shalt  }
0x6c: {  	_ =	shalt  }
0x6d: {  	_ =	shalt  }
0x6e: {  	_ =	shalt  }
0x6f: {  	_ =	shalt  }
0x70: {  	_ =	shalt  }
0x71: {  	_ =	shalt  }
0x72: {  	_ =	shalt  }
0x73: {  	_ =	shalt  }
0x74: {  	_ =	shalt  }
0x75: {  	_ =	shalt  }
0x76: {  	_ =	shalt  }
0x77: {  	_ =	shalt  }
0x78: {  	_ =	shalt  }
0x79: {  	_ =	shalt  }
0x7a: {  	_ =	shalt  }
0x7b: {  	_ =	shalt  }
0x7c: {  	_ =	shalt  }
0x7d: {  	_ =	shalt  }
0x7e: {  	_ =	shalt  }
0x7f: {  	_ =	shalt  }
0x80: {  	_ =	shalt  }
0x81: {  	_ =	shalt  }
0x82: {  	_ =	shalt  }
0x83: {  	_ =	shalt  }
0x84: {  	_ =	shalt  }
0x85: {  	_ =	shalt  }
0x86: {  	_ =	shalt  }
0x87: {  	_ =	shalt  }
.Lfunc_end0:
.L_simem_size_0:
called_computation.1_lowered:
.L_overlay_start_0:
0x88: {  	s2 =	sld [smem:$0x3FD9]  }
0x89: {  	s3 =	sld [smem:$0x3FFE];
	_ =	sdelay $0x1  }
0x8a: {  	s1 =	srdreg.scid  }
0x8b: {  	s0 =	sand.u32 $0x1, s1  }
0x8c: {  	s16 =	sshll.u32 s0, $0xA;
	s2 =	sadd.s32 s3, s2  }
0x8d: {  	s2 =	sadd.s32 s2, s16  }
0x8e: {  	[smem:$0x3FBB] =	sst s2  }
0x8f: {  	_ = 	snop  }
0x90: {  	(tm) =	ssettm $0x1  }
0x91: {  	s17 =	sld [smem:$0x3FFB];
	_ =	sdelay $0x3  }
0x92: {  	_ =	strace s17  }
0x93: {  	s2 =	sld [smem:$0x3FFC];
	_ =	sdelay $0x3  }
0x94: {  	_ =	strace s2  }
0x95: {  	s2 =	sld [smem:$0x3FFD];
	_ =	sdelay $0x3  }
0x96: {  	_ =	strace s2  }
0x97: {  	_ =	strace $0x8FFFFFFF  }
0x98: {  	s18 =	sld [smem:$0x3FDB];
	_ =	sdelay $0x1  }
0x99: {  	s19 =	simm.s32 $_scs_section_size  }
0x9a: {  	s4 =	simm.s32 $_size__tile_overlayer_lowered;
	s5 =	simm.s32 $_tile_overlayer_lowered  }
0x9b: {  	s22 =	simm.s32 $0x1BFF;
	s21 =	sshll.u32 s5, $0x1;
	s2 =	sadd.s32 s19, s18  }
0x9c: {  	s6 =	simm.s32 $0x0;
	s20 =	sshll.u32 s4, $0x1;
	s4 =	sadd.s32 s21, s2  }
0x9d: {  	[timem:s6], [sflag:s22] =	dma.local [hbm:s4], s20  }
0x9e: {  	_ =	swait.ge [sflag:s22], s20  }
0x9f: {  	s3 =	ssub.s32 $0x0, s20;
	[sflag:s22] =	ssyncset.done $0x0  }
0xa0: {  	[sflag:s22] =	ssyncadd.s32 s3;
	_ =	sdelay $0x1  }
0xa1: {  	s23 =	simm.s32 $0x1B8B  }
0xa2: {  	_ =	swait.ge [sflag:s23], $0x1  }
0xa3: {  	[sflag:s23] =	ssyncset.done $0x0  }
0xa4: {  	s25 =	simm.s32 $0x1B8E;
	s24 =	sld [smem:$0x3FFE];
	[sflag:s23] =	ssyncadd.s32 $0xFFFFFFFF  }
0xa5: {  	s26 =	simm.s32 $execute0_lowered;
	[smem:$0x3FD2] =	sst s25  }
0xa6: {  	s4 =	sshll.u32 s26, $0x1;
	_ =	strace $0x80000046;
	[dreg:$0x1] =	wrdreg $0xFFFFFFFF  }
0xa7: {  	s28 =	simm.s32 $_size_execute0_lowered;
	s2 =	sadd.s32 s2, s4;
	[dreg:$0x0] =	wrdreg $0x0  }
0xa8: {  	s4 =	sshll.u32 s28, $0x1;
	[dreg:$0x2] =	wrdreg s2  }
0xa9: {  	[dreg:$0x3] =	wrdreg s4  }
0xaa: {  	[dreg:$0x4] =	wrdreg $0xC0  }
0xab: {  	_ =	task [dreg:s6], $0x5FFFF  }
0xac: {  	[dreg:$0x1] =	wrdreg $0xFFFFFFFF  }
0xad: {  	[dreg:$0x0] =	wrdreg $0x60  }
0xae: {  	[dreg:$0x2] =	wrdreg s24  }
0xaf: {  	[dreg:$0x3] =	wrdreg $0xA  }
0xb0: {  	_ =	task.clear_ibuf [dreg:s6], $0x4FFFF;
	_ =	strace $0x90000046  }
0xb1: {  	s29 =	simm.s32 $0xA;
	_ =	strace $0x80000048  }
0xb2: {  	_ =	swait.ge [sflag:s29], $0x1  }
0xb3: {  	[sflag:s29] =	ssyncadd.s32 $0xFFFFFFFF  }
0xb4: {  	_ =	strace $0x90000048  }
0xb5: {  	_ =	sfence  }
0xb6: {  	s30 =	sld [smem:$0x0];
	_ =	sdelay $0x2  }
0xb7: {  	s31 =	sshll.u32 s1, $0xD;
	s1 =	sshrl.u32 s1, $0x2  }
0xb8: {  	s3 =	sand.u32 $0x4000, s31;
	s1 =	sadd.s32 s1, s30  }
0xb9: {  	s0 =	sor.u32 s3, s0;
	s1 =	sshll.u32 s1, $0x11  }
0xba: {  	s0 =	sor.u32 s1, s0  }
0xbb: {  	s0 =	sadd.s32 $0x8F2B, s0  }
0xbc: {  	[sflag:s0] =	ssyncadd.remote.s32 $0x1  }
0xbd: {  	_ =	sfence.sel $0xFFFF  }
0xbe: {  	[dreg:$0x0] =	wrdreg $0xFFFFFFFF;
	(pc) =	sbr.abs _section_cstart, $3  }
0xbf: {  	[dreg:$0x1] =	wrdreg $0xFFFFFFFF  }
0xc0: {  	_ =	task.clear_ibuf [dreg:s6], $0x2FFFF;
	_ =	strace $0x9FFFFFFF  }
0xc1: {  	(tm) =	ssettm $0x7FFFFFFF  }
tec
execute0_lowered:
.L_overlay_start_1:
0x0: {  	(tag) =	ssettag $0x1  }
0x1: {  	s0 =	srdreg.scid  }
0x2: {  	s1 =	stileid.u32;
	s6 =	rddreg [dreg:$0x0]  }
0x3: {  	s23 =	simm.s32 $0xC00;
	s24 =	simm.s32 $0x1400;
	s25 =	simm.s32 $0x1800  }
0x4: {  	s26 =	simm.s32 $0x2000;
	s8 =	simm.s32 $0x2;
	s9 =	simm.s32 $0x400  }
0x5: {  	s10 =	simm.s32 $0x2800;
	s11 =	simm.s32 $0x2C00;
	s12 =	simm.s32 $0x3400  }
0x6: {  	s13 =	simm.s32 $0x3C00;
	s14 =	simm.s32 $0x4000;
	s15 =	simm.s32 $0x4800  }
0x7: {  	s16 =	simm.s32 $0x5000;
	s17 =	simm.s32 $0x5400;
	s18 =	simm.s32 $0x5C00  }
0x8: {  	s19 =	simm.s32 $0x6400;
	s20 =	simm.s32 $0x6800;
	s21 =	simm.s32 $0x7000  }
0x9: {  	s28 =	simm.s32 $0x9800;
	s29 =	simm.s32 $0xA000;
	s0 =	sand.u32 $0x1, s0  }
0xa: {  	s30 =	simm.s32 $0x1;
	s1 =	sshll.u32 s1, $0xB;
	s2 =	sshll.u32 s0, $0xA  }
0xb: {  	s31 =	simm.s32 $0x0;
	s1 =	sor.u32 s2, s1;
	s2 =	simm.s32 $0x0  }
0xc: {  	s3 =	sadd.s32 $0x3400, s6;
	s0 =	ssub.s32 $0x2, s0;
	[smem:$0x7FF] =	sst s2  }
0xd: {  	s5 =	sshrl.u32 s0, $0x1;
	_ =	strace $0x80000047;
	[dreg:$0x3] =	wrdreg s23  }
0xe: {  	s1 =	sshrl.u32 s1, $0x3;
	s0 =	ssub.s32 s0, s5;
	[dreg:$0x4] =	wrdreg s24  }
0xf: {  	s5 =	sadd.s32 $0x3500, s6;
	s4 =	smul.u32 $0x280, s1;
	[dreg:$0x5] =	wrdreg s25  }
0x10: {  	s1 =	sadd.s32 s1, s6;
	s0 =	smax.u32 s0, $0x1;
	[dreg:$0x6] =	wrdreg s26  }
0x11: {  	s23 =	simm.s32 $0x7C00;
	s24 =	simm.s32 $0x8400;
	s25 =	simm.s32 $0x8C00  }
0x12: {  	v2 =	vlaneseq.u32;
	s1 =	sadd.s32 $0x2400, s1;
	[dreg:$0x8] =	wrdreg s0;
	s4 =	sadd.s32 s4, s6  }
0x13: {  	vm0 =	vmmov $0xffff;
	vm1 =	vmmov $0xff;
	v1 =	vshrl.u32 v2, $0x3;
	s26 =	simm.s32 $0x9000;
	[dreg:$0x7] =	wrdreg s1;
	s22 =	sadd.s32 $0x53400, s4  }
0x14: {  	v0 =	vand.u32 $0x7, v2;
	v2 =	vor.u32 $0x8, v2;
	v1 =	vmul.u32 $0x8, v1;
	s6 =	sadd.s32 $0x3600, s6;
	[dreg:$0x2] =	wrdreg s22;
	s22 =	simm.s32 $0x7800  }
.LBB2_1:
0x15: {  	s0 =	rddreg [dreg:$0x7]  }
0x16: {  	[tilespmem:s2], [sflag:$0x2] =	stream.linear.gather [hbm4b:s0+s2], $0x400, $0x38;
	[tilespmem:$0xA400] =	vst v63  }
0x17: {  	_ =	swait.ge [sflag:s8], $0x400  }
0x18: {  	[sflag:s8] =	ssyncset.done $0x0  }
0x19: {  	s1 =	simm.s32 $0x20;
	s0 =	simm.s32 $0x0;
	[sflag:s8] =	ssyncadd.s32 $0xFFFFFC00  }
.LBB2_2:
0x1a: {  	v3 =	vld [tilespmem:s1+$0xFFFFFFE0];
	_ =	sdelay $0x4  }
0x1b: {  	v4 =	vshrl.u32 v3, $0x3  }
0x1c: {  	v4 =	vmul.u32 $0x28, v4  }
0x1d: {  	v3 =	vand.u32 $0x7, v3  }
0x1e: {  	v3 =	vor.u32 v3, v4  }
0x1f: {  	v4 =	vperm.xlane v3, v0;
	_ =	sdelay $0x1  }
0x20: {  	v4 =	vadd.s32 v1, v4;
	_ =	sdelay $0x3  }
0x21: {  	v3 =	vperm.xlane v3, v2  }
0x22: {  	[tilespmem:s9], [sflag:$0x1] =	stream.indirect_vreg.gather [hbm4b:s3+s2], $0x80, v4, vm0, $0xb8;
	[tilespmem:$0xA400] =	vst v63  }
0x23: {  	s4 =	rddreg [dreg:$0x3];
	v3 =	vadd.s32 v1, v3  }
0x24: {  	[tilespmem:s4], [sflag:$0x1] =	stream.indirect_vreg.gather [hbm4b:s5+s2], $0x80, v4, vm0, $0xb8;
	[tilespmem:$0xA400] =	vst v63  }
0x25: {  	s7 =	rddreg [dreg:$0x4]  }
0x26: {  	[tilespmem:s7], [sflag:$0x1] =	stream.indirect_vreg.gather [hbm4b:s6+s2], $0x80, v4, vm1, $0xb8;
	[tilespmem:$0xA400] =	vst v63  }
0x27: {  	s4 =	rddreg [dreg:$0x5]  }
0x28: {  	[tilespmem:s4], [sflag:$0x1] =	stream.indirect_vreg.gather [hbm4b:s3+s2], $0x80, v3, vm0, $0xb8;
	[tilespmem:$0xA400] =	vst v63  }
0x29: {  	s7 =	rddreg [dreg:$0x6]  }
0x2a: {  	[tilespmem:s7], [sflag:$0x1] =	stream.indirect_vreg.gather [hbm4b:s5+s2], $0x80, v3, vm0, $0xb8;
	[tilespmem:$0xA400] =	vst v63  }
0x2b: {  	_ = 	snop  }
0x2c: {  	[tilespmem:s10], [sflag:$0x1] =	stream.indirect_vreg.gather [hbm4b:s6+s2], $0x80, v3, vm1, $0xb8;
	[tilespmem:$0xA400] =	vst v63  }
0x2d: {  	v3 =	vld [tilespmem:s1+$0xFFFFFFF0];
	_ =	sdelay $0x4  }
0x2e: {  	v61 =	vshrl.u32 v3, $0x3  }
0x2f: {  	v4 =	vmul.u32 $0x28, v61  }
0x30: {  	v3 =	vand.u32 $0x7, v3  }
0x31: {  	v3 =	vor.u32 v3, v4  }
0x32: {  	v4 =	vperm.xlane v3, v0;
	_ =	sdelay $0x1  }
0x33: {  	v4 =	vadd.s32 v1, v4;
	_ =	sdelay $0x3  }
0x34: {  	v3 =	vperm.xlane v3, v2  }
0x35: {  	[tilespmem:s11], [sflag:$0x1] =	stream.indirect_vreg.gather [hbm4b:s3+s2], $0x80, v4, vm0, $0xb8;
	[tilespmem:$0xA400] =	vst v63  }
0x36: {  	v3 =	vadd.s32 v1, v3  }
0x37: {  	[tilespmem:s12], [sflag:$0x1] =	stream.indirect_vreg.gather [hbm4b:s5+s2], $0x80, v4, vm0, $0xb8;
	[tilespmem:$0xA400] =	vst v63  }
0x38: {  	_ = 	snop  }
0x39: {  	[tilespmem:s13], [sflag:$0x1] =	stream.indirect_vreg.gather [hbm4b:s6+s2], $0x80, v4, vm1, $0xb8;
	[tilespmem:$0xA400] =	vst v63  }
0x3a: {  	_ = 	snop  }
0x3b: {  	[tilespmem:s14], [sflag:$0x1] =	stream.indirect_vreg.gather [hbm4b:s3+s2], $0x80, v3, vm0, $0xb8;
	[tilespmem:$0xA400] =	vst v63  }
0x3c: {  	_ = 	snop  }
0x3d: {  	[tilespmem:s15], [sflag:$0x1] =	stream.indirect_vreg.gather [hbm4b:s5+s2], $0x80, v3, vm0, $0xb8;
	[tilespmem:$0xA400] =	vst v63  }
0x3e: {  	_ = 	snop  }
0x3f: {  	[tilespmem:s16], [sflag:$0x1] =	stream.indirect_vreg.gather [hbm4b:s6+s2], $0x80, v3, vm1, $0xb8;
	[tilespmem:$0xA400] =	vst v63  }
0x40: {  	v3 =	vld [tilespmem:s1+$0x0];
	_ =	sdelay $0x4  }
0x41: {  	v62 =	vshrl.u32 v3, $0x3  }
0x42: {  	v4 =	vmul.u32 $0x28, v62  }
0x43: {  	v3 =	vand.u32 $0x7, v3  }
0x44: {  	v3 =	vor.u32 v3, v4  }
0x45: {  	v4 =	vperm.xlane v3, v0;
	_ =	sdelay $0x1  }
0x46: {  	v4 =	vadd.s32 v1, v4;
	_ =	sdelay $0x3  }
0x47: {  	v3 =	vperm.xlane v3, v2  }
0x48: {  	[tilespmem:s17], [sflag:$0x1] =	stream.indirect_vreg.gather [hbm4b:s3+s2], $0x80, v4, vm0, $0xb8;
	[tilespmem:$0xA400] =	vst v63  }
0x49: {  	v3 =	vadd.s32 v1, v3  }
0x4a: {  	[tilespmem:s18], [sflag:$0x1] =	stream.indirect_vreg.gather [hbm4b:s5+s2], $0x80, v4, vm0, $0xb8;
	[tilespmem:$0xA400] =	vst v63  }
0x4b: {  	_ = 	snop  }
0x4c: {  	[tilespmem:s19], [sflag:$0x1] =	stream.indirect_vreg.gather [hbm4b:s6+s2], $0x80, v4, vm1, $0xb8;
	[tilespmem:$0xA400] =	vst v63  }
0x4d: {  	_ = 	snop  }
0x4e: {  	[tilespmem:s20], [sflag:$0x1] =	stream.indirect_vreg.gather [hbm4b:s3+s2], $0x80, v3, vm0, $0xb8;
	[tilespmem:$0xA400] =	vst v63  }
0x4f: {  	_ = 	snop  }
0x50: {  	[tilespmem:s21], [sflag:$0x1] =	stream.indirect_vreg.gather [hbm4b:s5+s2], $0x80, v3, vm0, $0xb8;
	[tilespmem:$0xA400] =	vst v63  }
0x51: {  	_ = 	snop  }
0x52: {  	[tilespmem:s22], [sflag:$0x1] =	stream.indirect_vreg.gather [hbm4b:s6+s2], $0x80, v3, vm1, $0xb8;
	[tilespmem:$0xA400] =	vst v63  }
0x53: {  	v3 =	vld [tilespmem:s1+$0x10];
	_ =	sdelay $0x4  }
0x54: {  	v63 =	vshrl.u32 v3, $0x3  }
0x55: {  	v4 =	vmul.u32 $0x28, v63  }
0x56: {  	v3 =	vand.u32 $0x7, v3  }
0x57: {  	v3 =	vor.u32 v3, v4  }
0x58: {  	v4 =	vperm.xlane v3, v0;
	_ =	sdelay $0x1  }
0x59: {  	v4 =	vadd.s32 v1, v4;
	_ =	sdelay $0x3  }
0x5a: {  	v3 =	vperm.xlane v3, v2  }
0x5b: {  	[tilespmem:s23], [sflag:$0x1] =	stream.indirect_vreg.gather [hbm4b:s3+s2], $0x80, v4, vm0, $0xb8;
	[tilespmem:$0xA400] =	vst v63  }
0x5c: {  	v3 =	vadd.s32 v1, v3  }
0x5d: {  	[tilespmem:s24], [sflag:$0x1] =	stream.indirect_vreg.gather [hbm4b:s5+s2], $0x80, v4, vm0, $0xb8;
	[tilespmem:$0xA400] =	vst v63  }
0x5e: {  	_ = 	snop  }
0x5f: {  	[tilespmem:s25], [sflag:$0x1] =	stream.indirect_vreg.gather [hbm4b:s6+s2], $0x80, v4, vm1, $0xb8;
	[tilespmem:$0xA400] =	vst v63  }
0x60: {  	_ = 	snop  }
0x61: {  	[tilespmem:s26], [sflag:$0x1] =	stream.indirect_vreg.gather [hbm4b:s3+s2], $0x80, v3, vm0, $0xb8;
	[tilespmem:$0xA400] =	vst v63  }
0x62: {  	_ = 	snop  }
0x63: {  	[tilespmem:s28], [sflag:$0x1] =	stream.indirect_vreg.gather [hbm4b:s5+s2], $0x80, v3, vm0, $0xb8;
	[tilespmem:$0xA400] =	vst v63  }
0x64: {  	_ = 	snop  }
0x65: {  	[tilespmem:s29], [sflag:$0x1] =	stream.indirect_vreg.gather [hbm4b:s6+s2], $0x80, v3, vm1, $0xb8;
	[tilespmem:$0xA400] =	vst v63  }
0x66: {  	_ =	swait.ge [sflag:s30], $0xA000  }
0x67: {  	p0 =	sne.s32 s0, $0x12C00;
	s7 =	rddreg [dreg:$0x2];
	[sflag:s30] =	ssyncset.done $0x0  }
.Ltmp0:
0x68: {  	[sflag:s30] =	ssyncadd.s32 $0xFFFF6000;
	s4 =	sadd.s32 s0, s7;
	(pc) =	sbr.rel @p0 .LBB2_2-.Ltmp0, $4  }
0x69: {  	[hbm4b:s4+s2] =	stream.linear.scatter [tilespmem:s9], [sflag:$0x2], $0xA000, $0x38;
	[tilespmem:$0xA400] =	vst v63  }
0x6a: {  	_ =	swait.ge [sflag:s8], $0xA000  }
0x6b: {  	[sflag:s8] =	ssyncset.done $0x0  }
0x6c: {  	s1 =	sadd.s32 $0x40, s1;
	s0 =	sadd.s32 $0x1400, s0;
	[sflag:s8] =	ssyncadd.s32 $0xFFFF6000  }
0x6d: {  	s31 =	sadd.s32 $0x1, s31;
	s0 =	rddreg [dreg:$0x8]  }
0x6e: {  	p0 =	sne.s32 s31, s0  }
.Ltmp1:
0x6f: {  	_ = 	snop;
	(pc) =	sbr.rel @p0 .LBB2_1-.Ltmp1, $1  }
0x70: {  	_ =	sdelay $0x3  }
0x71: {  	_ =	sfence.sel $0x180000  }
0x72: {  	[bflag:$0x0] =	sbarrier.arrive $0xFFFF  }
0x73: {  	_ =	strace $0x90000047  }
0x74: {  	s0 =	stileid.u32;
	[bflag:$0x2] =	sbarrier.arrive $0xFFFF  }
0x75: {  	p0 =	sne.s32 s0, $0x0;
	s0 =	rddreg [dreg:$0x1]  }
0x76: {  	s0 =	sadd.s32 @!p0 $0x100000, s0  }
0x77: {  	[sflag:s0] =	ssyncadd.tile.s32 @!p0 $0x1;
	_ =	shalt  }
.Lfunc_end2:
_tile_overlayer_lowered:
.L_overlay_start_2:
0x78: {  	(tag) =	ssettag $0x2  }
0x79: {  	s0 =	rddreg [dreg:$0x0];
	s2 =	stileid.u32  }
0x7a: {  	s1 =	rddreg [dreg:$0x1];
	p0 =	sne.s32 s2, $0x0  }
0x7b: {  	s3 =	rddreg [dreg:$0x2];
	[bflag:$0x3] =	sbarrier.arrive $0xFFFF;
	s2 =	simm.s32 @!p0 $0x1C02  }
0x7c: {  	[timem:s3], [sflag:s2] =	dma.local @!p0 [hbm:s0], s1  }
0x7d: {  	s0 =	simm.s32 @!p0 $0x2  }
0x7e: {  	_ =	swait.ge @!p0 [sflag:s0], s1  }
0x7f: {  	s1 =	ssub.s32 @!p0 $0x0, s1;
	[sflag:s0] =	ssyncset.done @!p0 $0x0  }
0x80: {  	[sflag:s0] =	ssyncadd.s32 @!p0 s1  }
0x81: {  	[bflag:$0x3] =	sbarrier.arrive $0xFFFF  }
0x82: {  	_ =	shalt  }

// kernel: kernel.9.cloned.1.call-start
scs
__scs_entry_jumppad:
0x0: {  	(pc) =	sbr.rel $0x88, $3  }
0x1: {  	(tag) =	ssettag $0x0;
	lr =	simm.s32 $0x1  }
0x2: {  	[smem:$0x3F94] =	sst lr;
	_ =	strace $0xD0000000  }
0x3: {  	_ = 	snop  }
0x4: {  	_ = 	snop  }
0x5: {  	_ = 	snop  }
0x6: {  	_ = 	snop  }
0x7: {  	_ = 	snop  }
__scs_overlays_trampoline_lowered:
0x8: {  	[smem:$0x3FA3] =	sst s0  }
0x9: {  	[smem:$0x3FA4] =	sst s1  }
0xa: {  	[smem:$0x3FA5] =	sst s2  }
0xb: {  	[smem:$0x3FA6] =	sst s3  }
0xc: {  	[smem:$0x3FA7] =	sst s4  }
0xd: {  	[smem:$0x3FA8] =	sst s5  }
0xe: {  	[smem:$0x3FA9] =	sst s6  }
0xf: {  	[smem:$0x3FAA] =	sst s7  }
0x10: {  	[smem:$0x3FAB] =	sst s8  }
0x11: {  	[smem:$0x3FAC] =	sst s9;
	s0 =	simm.s32 @!p0 $0x0  }
0x12: {  	s1 =	sld [smem:$0x3F92];
	s0 =	simm.s32 @p0 $0x1  }
0x13: {  	[smem:$0x3FAD] =	sst s0;
	s0 =	simm.s32 @!p1 $0x0  }
0x14: {  	s2 =	sld [smem:$0x3F91];
	s0 =	simm.s32 @p1 $0x1  }
0x15: {  	[smem:$0x3FAE] =	sst s0;
	s0 =	simm.s32 @!p2 $0x0  }
0x16: {  	s3 =	sld [smem:$0x3FDB];
	s0 =	simm.s32 @p2 $0x1  }
0x17: {  	s4 =	simm.s32 $0x1BF5;
	[smem:$0x3FB0] =	sst s0  }
0x18: {  	s0 =	sld [smem:$0x3F93];
	_ =	swait.ge [sflag:s4], $0x0  }
0x19: {  	s7 =	sld [smem:$0x3F94]  }
0x1a: {  	s8 =	sadd.s32 $0xFFFFE003, lr  }
0x1b: {  	s9 =	sadd.s32 $0xFFFFFEF7, lr;
	s5 =	simm.s32 $0xFFFFFFFF;
	p2 =	slt.u32 s8, $0xFFFFF086  }
0x1c: {  	p1 =	slt.u32 s9, $0xF7A;
	s5 =	simm.s32 @!p2 $0x0  }
0x1d: {  	s5 =	simm.s32 @p1 $0x1;
	p0 =	seq.s32 s7, s2  }
0x1e: {  	s7 =	smul.u32 @!p0 $0xF7A, s2;
	p2 =	seq.s32 @!p0 s5, $0x0  }
0x1f: {  	s9 =	smul.u32 $0xF7A, s1;
	s8 =	simm.s32 @!p0 $0x1BF5;
	p2 =	por !p2, p0  }
0x20: {  	[sflag:s8] =	ssyncset.s32 @!p0 $0xFFFFF086;
	s6 =	sadd.s32 @!p0 s3, s7;
	s7 =	simm.s32 @!p0 $0x108  }
0x21: {  	s3 =	sadd.s32 s3, s9;
	s6 =	sadd.s32 @!p0 $0x88, s6;
	s7 =	simm.s32 @p2 $0x1082  }
0x22: {  	[simem:s7], [sflag:s8] =	dma.local @!p0 [hbm:s6], $0xF7A  }
0x23: {  	s9 =	sor.u32 $0xD0000000, s2;
	s6 =	simm.s32 $0x108;
	_ =	swait.ge @!p0 [sflag:s8], $0x0  }
0x24: {  	s3 =	sadd.s32 $0x88, s3;
	s6 =	simm.s32 @!p1 $0x1082;
	[sflag:s4] =	ssyncset.s32 $0xFFFFF086  }
0x25: {  	[simem:s6], [sflag:s4] =	dma.local [hbm:s3], $0xF7A  }
0x26: {  	[smem:$0x3F94] =	sst s1;
	(tag) =	ssettag s2;
	_ =	strace s9  }
0x27: {  	s1 =	sld [smem:$0x3FA4]  }
0x28: {  	s2 =	sld [smem:$0x3FA5]  }
0x29: {  	s4 =	sld [smem:$0x3FA7]  }
0x2a: {  	p0 =	seq.s32 s5, $0x0;
	s5 =	sld [smem:$0x3FA8]  }
0x2b: {  	s6 =	sld [smem:$0x3FA9]  }
0x2c: {  	s7 =	sld [smem:$0x3FAA]  }
0x2d: {  	s3 =	simm.s32 $0x108;
	s8 =	sld [smem:$0x3FAB]  }
0x2e: {  	s3 =	simm.s32 @!p0 $0x1082;
	s9 =	sld [smem:$0x3FAC]  }
0x2f: {  	lr =	sadd.s32 s0, s3;
	s0 =	sld [smem:$0x3FA3]  }
0x30: {  	s3 =	sld [smem:$0x3FA6]  }
0x31: {  	[smem:$0x3FAF] =	sst s10  }
0x32: {  	s10 =	sld [smem:$0x3FAD];
	_ =	sdelay $0x3  }
0x33: {  	p0 =	seq.s32 s10, $0x1;
	s10 =	sld [smem:$0x3FAF];
	_ =	sdelay $0x3  }
0x34: {  	[smem:$0x3FAF] =	sst s10  }
0x35: {  	s10 =	sld [smem:$0x3FAE];
	_ =	sdelay $0x3  }
0x36: {  	p1 =	seq.s32 s10, $0x1;
	s10 =	sld [smem:$0x3FAF];
	_ =	sdelay $0x3  }
0x37: {  	[smem:$0x3FAF] =	sst s10  }
0x38: {  	s10 =	sld [smem:$0x3FB0]  }
0x39: {  	_ = 	snop;
	(pc) =	sbr.ind lr, $3  }
0x3a: {  	_ = 	snop  }
0x3b: {  	_ = 	snop  }
0x3c: {  	p2 =	seq.s32 s10, $0x1;
	s10 =	sld [smem:$0x3FAF]  }
0x3d: {  	_ =	shalt  }
0x3e: {  	_ =	shalt  }
0x3f: {  	_ =	shalt  }
0x40: {  	_ =	shalt  }
0x41: {  	_ =	shalt  }
0x42: {  	_ =	shalt  }
0x43: {  	_ =	shalt  }
0x44: {  	_ =	shalt  }
0x45: {  	_ =	shalt  }
0x46: {  	_ =	shalt  }
0x47: {  	_ =	shalt  }
0x48: {  	_ =	shalt  }
0x49: {  	_ =	shalt  }
0x4a: {  	_ =	shalt  }
0x4b: {  	_ =	shalt  }
0x4c: {  	_ =	shalt  }
0x4d: {  	_ =	shalt  }
0x4e: {  	_ =	shalt  }
0x4f: {  	_ =	shalt  }
0x50: {  	_ =	shalt  }
0x51: {  	_ =	shalt  }
0x52: {  	_ =	shalt  }
0x53: {  	_ =	shalt  }
0x54: {  	_ =	shalt  }
0x55: {  	_ =	shalt  }
0x56: {  	_ =	shalt  }
0x57: {  	_ =	shalt  }
0x58: {  	_ =	shalt  }
0x59: {  	_ =	shalt  }
0x5a: {  	_ =	shalt  }
0x5b: {  	_ =	shalt  }
0x5c: {  	_ =	shalt  }
0x5d: {  	_ =	shalt  }
0x5e: {  	_ =	shalt  }
0x5f: {  	_ =	shalt  }
0x60: {  	_ =	shalt  }
0x61: {  	_ =	shalt  }
0x62: {  	_ =	shalt  }
0x63: {  	_ =	shalt  }
0x64: {  	_ =	shalt  }
0x65: {  	_ =	shalt  }
0x66: {  	_ =	shalt  }
0x67: {  	_ =	shalt  }
0x68: {  	_ =	shalt  }
0x69: {  	_ =	shalt  }
0x6a: {  	_ =	shalt  }
0x6b: {  	_ =	shalt  }
0x6c: {  	_ =	shalt  }
0x6d: {  	_ =	shalt  }
0x6e: {  	_ =	shalt  }
0x6f: {  	_ =	shalt  }
0x70: {  	_ =	shalt  }
0x71: {  	_ =	shalt  }
0x72: {  	_ =	shalt  }
0x73: {  	_ =	shalt  }
0x74: {  	_ =	shalt  }
0x75: {  	_ =	shalt  }
0x76: {  	_ =	shalt  }
0x77: {  	_ =	shalt  }
0x78: {  	_ =	shalt  }
0x79: {  	_ =	shalt  }
0x7a: {  	_ =	shalt  }
0x7b: {  	_ =	shalt  }
0x7c: {  	_ =	shalt  }
0x7d: {  	_ =	shalt  }
0x7e: {  	_ =	shalt  }
0x7f: {  	_ =	shalt  }
0x80: {  	_ =	shalt  }
0x81: {  	_ =	shalt  }
0x82: {  	_ =	shalt  }
0x83: {  	_ =	shalt  }
0x84: {  	_ =	shalt  }
0x85: {  	_ =	shalt  }
0x86: {  	_ =	shalt  }
0x87: {  	_ =	shalt  }
.Lfunc_end0:
.L_simem_size_0:
called_computation_lowered:
.L_overlay_start_0:
0x88: {  	s2 =	sld [smem:$0x3FD9]  }
0x89: {  	s3 =	sld [smem:$0x3FFE];
	_ =	sdelay $0x1  }
0x8a: {  	s1 =	srdreg.scid  }
0x8b: {  	s0 =	sand.u32 $0x1, s1  }
0x8c: {  	s17 =	sshll.u32 s0, $0xA;
	s2 =	sadd.s32 s3, s2  }
0x8d: {  	s2 =	sadd.s32 s2, s17  }
0x8e: {  	[smem:$0x3FBB] =	sst s2  }
0x8f: {  	_ = 	snop  }
0x90: {  	(tm) =	ssettm $0x1  }
0x91: {  	s18 =	sld [smem:$0x3FFB];
	_ =	sdelay $0x3  }
0x92: {  	_ =	strace s18  }
0x93: {  	s2 =	sld [smem:$0x3FFC];
	_ =	sdelay $0x3  }
0x94: {  	_ =	strace s2  }
0x95: {  	s2 =	sld [smem:$0x3FFD];
	_ =	sdelay $0x3  }
0x96: {  	_ =	strace s2  }
0x97: {  	_ =	strace $0x8FFFFFFF  }
0x98: {  	s19 =	sld [smem:$0x3FDB];
	_ =	sdelay $0x1  }
0x99: {  	s20 =	simm.s32 $_scs_section_size  }
0x9a: {  	s4 =	simm.s32 $_size__tile_overlayer_lowered;
	s5 =	simm.s32 $_tile_overlayer_lowered  }
0x9b: {  	s6 =	simm.s32 $0x1BFF;
	s21 =	sshll.u32 s5, $0x1;
	s3 =	sadd.s32 s20, s19  }
0x9c: {  	s22 =	simm.s32 $0x0;
	s4 =	sshll.u32 s4, $0x1;
	s5 =	sadd.s32 s21, s3  }
0x9d: {  	[timem:s22], [sflag:s6] =	dma.local [hbm:s5], s4  }
0x9e: {  	_ =	swait.ge [sflag:s6], s4  }
0x9f: {  	s4 =	ssub.s32 $0x0, s4;
	[sflag:s6] =	ssyncset.done $0x0  }
0xa0: {  	[sflag:s6] =	ssyncadd.s32 s4;
	_ =	sdelay $0x1  }
0xa1: {  	s23 =	simm.s32 $0x1B8B  }
0xa2: {  	_ =	swait.ge [sflag:s23], $0x1  }
0xa3: {  	[sflag:s23] =	ssyncset.done $0x0  }
0xa4: {  	[sflag:s23] =	ssyncadd.s32 $0xFFFFFFFF  }
0xa5: {  	s4 =	sld [smem:$0x0]  }
0xa6: {  	s5 =	sand.u32 $0xFFFFFFFE, s1  }
0xa7: {  	p0 =	sne.s32 s1, s5  }
0xa8: {  	s5 =	sshll.u32 @p0 s5, $0xE  }
0xa9: {  	s5 =	sadd.s32 @p0 $0x11B8D, s5;
	s6 =	sshll.u32 @p0 s4, $0x11  }
0xaa: {  	s5 =	sor.u32 @p0 s6, s5  }
0xab: {  	[sflag:s5] =	ssyncadd.remote.s32 @p0 $0x1;
	_ =	sdelay $0x1  }
0xac: {  	s5 =	simm.s32 @p0 $0x1B8D  }
0xad: {  	_ =	swait.eq @p0 [sflag:s5], $0x1  }
0xae: {  	[sflag:s5] =	ssyncadd.s32 @p0 $0xFFFFFFFF  }
0xaf: {  	s6 =	sshll.u32 @!p0 s1, $0xE  }
0xb0: {  	s6 =	sor.u32 @!p0 $0x4000, s6;
	s5 =	simm.s32 @!p0 $0x1B8D  }
0xb1: {  	s4 =	sshll.u32 @!p0 s4, $0x11;
	s6 =	sadd.s32 @!p0 $0x11B8D, s6;
	_ =	swait.eq @!p0 [sflag:s5], $0x1  }
0xb2: {  	s4 =	sor.u32 @!p0 s4, s6;
	[sflag:s5] =	ssyncadd.s32 @!p0 $0xFFFFFFFF  }
0xb3: {  	s25 =	simm.s32 $0x1B8E;
	s24 =	sld [smem:$0x3FFE];
	[sflag:s4] =	ssyncadd.remote.s32 @!p0 $0x1  }
0xb4: {  	s26 =	simm.s32 $execute0_lowered;
	[smem:$0x3FD2] =	sst s25  }
0xb5: {  	s5 =	sshll.u32 s26, $0x1;
	_ =	strace $0x80000049;
	[dreg:$0x1] =	wrdreg $0xFFFFFFFF  }
0xb6: {  	s28 =	simm.s32 $_size_execute0_lowered;
	s3 =	sadd.s32 s3, s5;
	[dreg:$0x0] =	wrdreg $0x0  }
0xb7: {  	s5 =	sshll.u32 s28, $0x1;
	[dreg:$0x2] =	wrdreg s3  }
0xb8: {  	[dreg:$0x3] =	wrdreg s5  }
0xb9: {  	[dreg:$0x4] =	wrdreg $0xC0  }
0xba: {  	_ =	task [dreg:s22], $0x5FFFF  }
0xbb: {  	[dreg:$0x1] =	wrdreg $0xFFFFFFFF  }
0xbc: {  	[dreg:$0x0] =	wrdreg $0x60  }
0xbd: {  	[dreg:$0x2] =	wrdreg s24  }
0xbe: {  	[dreg:$0x3] =	wrdreg $0x9  }
0xbf: {  	_ =	task.clear_ibuf [dreg:s22], $0x4FFFF;
	_ =	strace $0x90000049  }
0xc0: {  	s29 =	simm.s32 $0x9;
	_ =	strace $0x8000004B  }
0xc1: {  	_ =	swait.ge [sflag:s29], $0x1  }
0xc2: {  	[sflag:s29] =	ssyncadd.s32 $0xFFFFFFFF  }
0xc3: {  	_ =	strace $0x9000004B  }
0xc4: {  	_ =	sfence  }
0xc5: {  	s30 =	sld [smem:$0x0];
	_ =	sdelay $0x2  }
0xc6: {  	s31 =	sshll.u32 s1, $0xD;
	s1 =	sshrl.u32 s1, $0x2  }
0xc7: {  	s4 =	sand.u32 $0x4000, s31;
	s1 =	sadd.s32 s1, s30  }
0xc8: {  	s0 =	sor.u32 s4, s0;
	s1 =	sshll.u32 s1, $0x11  }
0xc9: {  	s0 =	sor.u32 s1, s0  }
0xca: {  	s0 =	sadd.s32 $0x8F2B, s0  }
0xcb: {  	[sflag:s0] =	ssyncadd.remote.s32 $0x1  }
0xcc: {  	_ =	sfence.sel $0xFFFF  }
0xcd: {  	[dreg:$0x0] =	wrdreg $0xFFFFFFFF;
	(pc) =	sbr.abs _section_cstart, $3  }
0xce: {  	[dreg:$0x1] =	wrdreg $0xFFFFFFFF  }
0xcf: {  	_ =	task.clear_ibuf [dreg:s22], $0x2FFFF;
	_ =	strace $0x9FFFFFFF  }
0xd0: {  	(tm) =	ssettm $0x7FFFFFFF  }
0xd1: {  	_ =	shalt  }
tec
execute0_lowered:
.L_overlay_start_1:
0x0: {  	(tag) =	ssettag $0x1  }
0x1: {  	s0 =	srdreg.scid  }
0x2: {  	s1 =	stileid.u32;
	s6 =	rddreg [dreg:$0x0]  }
0x3: {  	s23 =	simm.s32 $0xC00;
	s24 =	simm.s32 $0x1400;
	s25 =	simm.s32 $0x1800  }
0x4: {  	s26 =	simm.s32 $0x2000;
	s8 =	simm.s32 $0x2;
	s9 =	simm.s32 $0x400  }
0x5: {  	s10 =	simm.s32 $0x2800;
	s11 =	simm.s32 $0x2C00;
	s12 =	simm.s32 $0x3400  }
0x6: {  	s13 =	simm.s32 $0x3C00;
	s14 =	simm.s32 $0x4000;
	s15 =	simm.s32 $0x4800  }
0x7: {  	s16 =	simm.s32 $0x5000;
	s17 =	simm.s32 $0x5400;
	s18 =	simm.s32 $0x5C00  }
0x8: {  	s19 =	simm.s32 $0x6400;
	s20 =	simm.s32 $0x6800;
	s21 =	simm.s32 $0x7000  }
0x9: {  	s28 =	simm.s32 $0x9800;
	s29 =	simm.s32 $0xA000;
	s0 =	sand.u32 $0x1, s0  }
0xa: {  	s30 =	simm.s32 $0x1;
	s1 =	sshll.u32 s1, $0xB;
	s2 =	sshll.u32 s0, $0xA  }
0xb: {  	s31 =	simm.s32 $0x0;
	s1 =	sor.u32 s2, s1;
	s2 =	simm.s32 $0x0  }
0xc: {  	s3 =	sadd.s32 $0x3400, s6;
	s0 =	ssub.s32 $0x2, s0;
	[smem:$0x7FF] =	sst s2  }
0xd: {  	s5 =	sshrl.u32 s0, $0x1;
	_ =	strace $0x8000004A;
	[dreg:$0x3] =	wrdreg s23  }
0xe: {  	s1 =	sshrl.u32 s1, $0x3;
	s0 =	ssub.s32 s0, s5;
	[dreg:$0x4] =	wrdreg s24  }
0xf: {  	s5 =	sadd.s32 $0x3500, s6;
	s4 =	smul.u32 $0x280, s1;
	[dreg:$0x5] =	wrdreg s25  }
0x10: {  	s1 =	sadd.s32 s1, s6;
	s0 =	smax.u32 s0, $0x1;
	[dreg:$0x6] =	wrdreg s26  }
0x11: {  	s23 =	simm.s32 $0x7C00;
	s24 =	simm.s32 $0x8400;
	s25 =	simm.s32 $0x8C00  }
0x12: {  	v2 =	vlaneseq.u32;
	s1 =	sadd.s32 $0x2D3400, s1;
	[dreg:$0x8] =	wrdreg s0;
	s4 =	sadd.s32 s4, s6  }
0x13: {  	vm0 =	vmmov $0xffff;
	vm1 =	vmmov $0xff;
	v1 =	vshrl.u32 v2, $0x3;
	s26 =	simm.s32 $0x9000;
	[dreg:$0x7] =	wrdreg s1;
	s22 =	sadd.s32 $0x2D4400, s4  }
0x14: {  	v0 =	vand.u32 $0x7, v2;
	v2 =	vor.u32 $0x8, v2;
	v1 =	vmul.u32 $0x8, v1;
	s6 =	sadd.s32 $0x3600, s6;
	[dreg:$0x2] =	wrdreg s22;
	s22 =	simm.s32 $0x7800  }
.LBB2_1:
0x15: {  	s0 =	rddreg [dreg:$0x7]  }
0x16: {  	[tilespmem:s2], [sflag:$0x2] =	stream.linear.gather [hbm4b:s0+s2], $0x400, $0x38;
	[tilespmem:$0xA400] =	vst v63  }
0x17: {  	_ =	swait.ge [sflag:s8], $0x400  }
0x18: {  	[sflag:s8] =	ssyncset.done $0x0  }
0x19: {  	s1 =	simm.s32 $0x20;
	s0 =	simm.s32 $0x0;
	[sflag:s8] =	ssyncadd.s32 $0xFFFFFC00  }
.LBB2_2:
0x1a: {  	v3 =	vld [tilespmem:s1+$0xFFFFFFE0];
	_ =	sdelay $0x4  }
0x1b: {  	v4 =	vshrl.u32 v3, $0x3  }
0x1c: {  	v4 =	vmul.u32 $0x28, v4  }
0x1d: {  	v3 =	vand.u32 $0x7, v3  }
0x1e: {  	v3 =	vor.u32 v3, v4  }
0x1f: {  	v4 =	vperm.xlane v3, v0;
	_ =	sdelay $0x1  }
0x20: {  	v4 =	vadd.s32 v1, v4;
	_ =	sdelay $0x3  }
0x21: {  	v3 =	vperm.xlane v3, v2  }
0x22: {  	[tilespmem:s9], [sflag:$0x1] =	stream.indirect_vreg.gather [hbm4b:s3+s2], $0x80, v4, vm0, $0xb8;
	[tilespmem:$0xA400] =	vst v63  }
0x23: {  	s4 =	rddreg [dreg:$0x3];
	v3 =	vadd.s32 v1, v3  }
0x24: {  	[tilespmem:s4], [sflag:$0x1] =	stream.indirect_vreg.gather [hbm4b:s5+s2], $0x80, v4, vm0, $0xb8;
	[tilespmem:$0xA400] =	vst v63  }
0x25: {  	s7 =	rddreg [dreg:$0x4]  }
0x26: {  	[tilespmem:s7], [sflag:$0x1] =	stream.indirect_vreg.gather [hbm4b:s6+s2], $0x80, v4, vm1, $0xb8;
	[tilespmem:$0xA400] =	vst v63  }
0x27: {  	s4 =	rddreg [dreg:$0x5]  }
0x28: {  	[tilespmem:s4], [sflag:$0x1] =	stream.indirect_vreg.gather [hbm4b:s3+s2], $0x80, v3, vm0, $0xb8;
	[tilespmem:$0xA400] =	vst v63  }
0x29: {  	s7 =	rddreg [dreg:$0x6]  }
0x2a: {  	[tilespmem:s7], [sflag:$0x1] =	stream.indirect_vreg.gather [hbm4b:s5+s2], $0x80, v3, vm0, $0xb8;
	[tilespmem:$0xA400] =	vst v63  }
0x2b: {  	_ = 	snop  }
0x2c: {  	[tilespmem:s10], [sflag:$0x1] =	stream.indirect_vreg.gather [hbm4b:s6+s2], $0x80, v3, vm1, $0xb8;
	[tilespmem:$0xA400] =	vst v63  }
0x2d: {  	v3 =	vld [tilespmem:s1+$0xFFFFFFF0];
	_ =	sdelay $0x4  }
0x2e: {  	v61 =	vshrl.u32 v3, $0x3  }
0x2f: {  	v4 =	vmul.u32 $0x28, v61  }
0x30: {  	v3 =	vand.u32 $0x7, v3  }
0x31: {  	v3 =	vor.u32 v3, v4  }
0x32: {  	v4 =	vperm.xlane v3, v0;
	_ =	sdelay $0x1  }
0x33: {  	v4 =	vadd.s32 v1, v4;
	_ =	sdelay $0x3  }
0x34: {  	v3 =	vperm.xlane v3, v2  }
0x35: {  	[tilespmem:s11], [sflag:$0x1] =	stream.indirect_vreg.gather [hbm4b:s3+s2], $0x80, v4, vm0, $0xb8;
	[tilespmem:$0xA400] =	vst v63  }
0x36: {  	v3 =	vadd.s32 v1, v3  }
0x37: {  	[tilespmem:s12], [sflag:$0x1] =	stream.indirect_vreg.gather [hbm4b:s5+s2], $0x80, v4, vm0, $0xb8;
	[tilespmem:$0xA400] =	vst v63  }
0x38: {  	_ = 	snop  }
0x39: {  	[tilespmem:s13], [sflag:$0x1] =	stream.indirect_vreg.gather [hbm4b:s6+s2], $0x80, v4, vm1, $0xb8;
	[tilespmem:$0xA400] =	vst v63  }
0x3a: {  	_ = 	snop  }
0x3b: {  	[tilespmem:s14], [sflag:$0x1] =	stream.indirect_vreg.gather [hbm4b:s3+s2], $0x80, v3, vm0, $0xb8;
	[tilespmem:$0xA400] =	vst v63  }
0x3c: {  	_ = 	snop  }
0x3d: {  	[tilespmem:s15], [sflag:$0x1] =	stream.indirect_vreg.gather [hbm4b:s5+s2], $0x80, v3, vm0, $0xb8;
	[tilespmem:$0xA400] =	vst v63  }
0x3e: {  	_ = 	snop  }
0x3f: {  	[tilespmem:s16], [sflag:$0x1] =	stream.indirect_vreg.gather [hbm4b:s6+s2], $0x80, v3, vm1, $0xb8;
	[tilespmem:$0xA400] =	vst v63  }
0x40: {  	v3 =	vld [tilespmem:s1+$0x0];
	_ =	sdelay $0x4  }
0x41: {  	v62 =	vshrl.u32 v3, $0x3  }
0x42: {  	v4 =	vmul.u32 $0x28, v62  }
0x43: {  	v3 =	vand.u32 $0x7, v3  }
0x44: {  	v3 =	vor.u32 v3, v4  }
0x45: {  	v4 =	vperm.xlane v3, v0;
	_ =	sdelay $0x1  }
0x46: {  	v4 =	vadd.s32 v1, v4;
	_ =	sdelay $0x3  }
0x47: {  	v3 =	vperm.xlane v3, v2  }
0x48: {  	[tilespmem:s17], [sflag:$0x1] =	stream.indirect_vreg.gather [hbm4b:s3+s2], $0x80, v4, vm0, $0xb8;
	[tilespmem:$0xA400] =	vst v63  }
0x49: {  	v3 =	vadd.s32 v1, v3  }
0x4a: {  	[tilespmem:s18], [sflag:$0x1] =	stream.indirect_vreg.gather [hbm4b:s5+s2], $0x80, v4, vm0, $0xb8;
	[tilespmem:$0xA400] =	vst v63  }
0x4b: {  	_ = 	snop  }
0x4c: {  	[tilespmem:s19], [sflag:$0x1] =	stream.indirect_vreg.gather [hbm4b:s6+s2], $0x80, v4, vm1, $0xb8;
	[tilespmem:$0xA400] =	vst v63  }
0x4d: {  	_ = 	snop  }
0x4e: {  	[tilespmem:s20], [sflag:$0x1] =	stream.indirect_vreg.gather [hbm4b:s3+s2], $0x80, v3, vm0, $0xb8;
	[tilespmem:$0xA400] =	vst v63  }
0x4f: {  	_ = 	snop  }
0x50: {  	[tilespmem:s21], [sflag:$0x1] =	stream.indirect_vreg.gather [hbm4b:s5+s2], $0x80, v3, vm0, $0xb8;
	[tilespmem:$0xA400] =	vst v63  }
0x51: {  	_ = 	snop  }
0x52: {  	[tilespmem:s22], [sflag:$0x1] =	stream.indirect_vreg.gather [hbm4b:s6+s2], $0x80, v3, vm1, $0xb8;
	[tilespmem:$0xA400] =	vst v63  }
0x53: {  	v3 =	vld [tilespmem:s1+$0x10];
	_ =	sdelay $0x4  }
0x54: {  	v63 =	vshrl.u32 v3, $0x3  }
0x55: {  	v4 =	vmul.u32 $0x28, v63  }
0x56: {  	v3 =	vand.u32 $0x7, v3  }
0x57: {  	v3 =	vor.u32 v3, v4  }
0x58: {  	v4 =	vperm.xlane v3, v0;
	_ =	sdelay $0x1  }
0x59: {  	v4 =	vadd.s32 v1, v4;
	_ =	sdelay $0x3  }
0x5a: {  	v3 =	vperm.xlane v3, v2  }
0x5b: {  	[tilespmem:s23], [sflag:$0x1] =	stream.indirect_vreg.gather [hbm4b:s3+s2], $0x80, v4, vm0, $0xb8;
	[tilespmem:$0xA400] =	vst v63  }
0x5c: {  	v3 =	vadd.s32 v1, v3  }
0x5d: {  	[tilespmem:s24], [sflag:$0x1] =	stream.indirect_vreg.gather [hbm4b:s5+s2], $0x80, v4, vm0, $0xb8;
	[tilespmem:$0xA400] =	vst v63  }
0x5e: {  	_ = 	snop  }
0x5f: {  	[tilespmem:s25], [sflag:$0x1] =	stream.indirect_vreg.gather [hbm4b:s6+s2], $0x80, v4, vm1, $0xb8;
	[tilespmem:$0xA400] =	vst v63  }
0x60: {  	_ = 	snop  }
0x61: {  	[tilespmem:s26], [sflag:$0x1] =	stream.indirect_vreg.gather [hbm4b:s3+s2], $0x80, v3, vm0, $0xb8;
	[tilespmem:$0xA400] =	vst v63  }
0x62: {  	_ = 	snop  }
0x63: {  	[tilespmem:s28], [sflag:$0x1] =	stream.indirect_vreg.gather [hbm4b:s5+s2], $0x80, v3, vm0, $0xb8;
	[tilespmem:$0xA400] =	vst v63  }
0x64: {  	_ = 	snop  }
0x65: {  	[tilespmem:s29], [sflag:$0x1] =	stream.indirect_vreg.gather [hbm4b:s6+s2], $0x80, v3, vm1, $0xb8;
	[tilespmem:$0xA400] =	vst v63  }
0x66: {  	_ =	swait.ge [sflag:s30], $0xA000  }
0x67: {  	p0 =	sne.s32 s0, $0x12C00;
	s7 =	rddreg [dreg:$0x2];
	[sflag:s30] =	ssyncset.done $0x0  }
.Ltmp0:
0x68: {  	[sflag:s30] =	ssyncadd.s32 $0xFFFF6000;
	s4 =	sadd.s32 s0, s7;
	(pc) =	sbr.rel @p0 .LBB2_2-.Ltmp0, $4  }
0x69: {  	[hbm4b:s4+s2] =	stream.linear.scatter [tilespmem:s9], [sflag:$0x2], $0xA000, $0x38;
	[tilespmem:$0xA400] =	vst v63  }
0x6a: {  	_ =	swait.ge [sflag:s8], $0xA000  }
0x6b: {  	[sflag:s8] =	ssyncset.done $0x0  }
0x6c: {  	s1 =	sadd.s32 $0x40, s1;
	s0 =	sadd.s32 $0x1400, s0;
	[sflag:s8] =	ssyncadd.s32 $0xFFFF6000  }
0x6d: {  	s31 =	sadd.s32 $0x1, s31;
	s0 =	rddreg [dreg:$0x8]  }
0x6e: {  	p0 =	sne.s32 s31, s0  }
.Ltmp1:
0x6f: {  	_ = 	snop;
	(pc) =	sbr.rel @p0 .LBB2_1-.Ltmp1, $1  }
0x70: {  	_ =	sdelay $0x3  }
0x71: {  	_ =	sfence.sel $0x180000  }
0x72: {  	[bflag:$0x0] =	sbarrier.arrive $0xFFFF  }
0x73: {  	_ =	strace $0x9000004A  }
0x74: {  	s0 =	stileid.u32;
	[bflag:$0x2] =	sbarrier.arrive $0xFFFF  }
0x75: {  	p0 =	sne.s32 s0, $0x0;
	s0 =	rddreg [dreg:$0x1]  }
0x76: {  	s0 =	sadd.s32 @!p0 $0x100000, s0  }
0x77: {  	[sflag:s0] =	ssyncadd.tile.s32 @!p0 $0x1;
	_ =	shalt  }
.Lfunc_end2:
_tile_overlayer_lowered:
.L_overlay_start_2:
0x78: {  	(tag) =	ssettag $0x2  }
0x79: {  	s0 =	rddreg [dreg:$0x0];
	s2 =	stileid.u32  }
0x7a: {  	s1 =	rddreg [dreg:$0x1];
	p0 =	sne.s32 s2, $0x0  }
0x7b: {  	s3 =	rddreg [dreg:$0x2];
	[bflag:$0x3] =	sbarrier.arrive $0xFFFF;
	s2 =	simm.s32 @!p0 $0x1C02  }
0x7c: {  	[timem:s3], [sflag:s2] =	dma.local @!p0 [hbm:s0], s1  }
0x7d: {  	s0 =	simm.s32 @!p0 $0x2  }
0x7e: {  	_ =	swait.ge @!p0 [sflag:s0], s1  }
0x7f: {  	s1 =	ssub.s32 @!p0 $0x0, s1;
	[sflag:s0] =	ssyncset.done @!p0 $0x0  }
0x80: {  	[sflag:s0] =	ssyncadd.s32 @!p0 s1  }
0x81: {  	[bflag:$0x3] =	sbarrier.arrive $0xFFFF  }
0x82: {  	_ =	shalt  }

</sc_bundles>
